<compile_context>
chip_gen: v7x
topology: tpu7x:2x2x1
jax: 0.10.2.dev20260603
libtpu: 0.0.44.dev20260713+nightly
codegen_flags: <defaults>
</compile_context>

<pallas_src>
import jax
import jax.numpy as jnp
from jax import lax
from jax.experimental import pallas as pl
from jax.experimental.pallas import tpu as pltpu
from jax.experimental.pallas import tpu_sc as plsc

_P = 524288
_NW = 32
_B = 128
_NPL = 24
_SPTOT = 1044480
_TOT = _SPTOT + 288000
_PPW = _P // _NW
_NCHUNK = _PPW // _B


def _sc_body(tab, crd, out, cbuf, idxb, wbuf, gbuf, obuf, gsem):
    wid = lax.axis_index("c") * 16 + lax.axis_index("s")
    iota = lax.iota(jnp.int32, 16)

    def blvl(lvl, c2):
            R = lax.shift_left(jnp.int32(64), lvl)
            Rf = R.astype(jnp.float32)
            spb = 4096 * (lax.shift_left(jnp.int32(1), 2 * lvl) - 1)
            tpb = _SPTOT + 19200 * (lax.shift_left(jnp.int32(1), lvl) - 1)
            for tpg in range(6):
                row_pl = lvl * 6 + tpg
                if tpg < 3:
                    cxi, cyi = ((0, 1), (0, 2), (1, 2))[tpg]
                    sx = 0.5 * Rf
                    ox = sx - 0.5
                    wxm = Rf - 1.0
                    sy, oy, wym = sx, ox, wxm
                    Wr = R
                    Hm1 = R - 1
                    base = spb + tpg * R * R
                else:
                    p = tpg - 3
                    cxi, cyi = 3, p
                    sx = jnp.float32(99.0)
                    ox = jnp.float32(0.0)
                    wxm = jnp.float32(99.0)
                    sy = 0.5 * (Rf - 1.0)
                    oy = sy
                    wym = Rf - 1.0
                    Wr = jnp.int32(100)
                    Hm1 = R - 1
                    base = tpb + p * 100 * R
                @plsc.parallel_loop(0, 8, unroll=2)
                def gb(g):
                    cx = cbuf[cxi, pl.ds(g * 16, 16)]
                    cy = cbuf[cyi, pl.ds(g * 16, 16)]
                    ix = jnp.minimum(jnp.maximum(sx * cx + ox, 0.0), wxm)
                    iy = jnp.minimum(jnp.maximum(sy * cy + oy, 0.0), wym)
                    x0 = ix.astype(jnp.int32)
                    y0 = iy.astype(jnp.int32)
                    wx = ix - x0.astype(jnp.float32)
                    wy = iy - y0.astype(jnp.float32)
                    y1 = jnp.minimum(y0 + 1, Hm1)
                    r0 = base + y0 * Wr + x0
                    r1 = base + y1 * Wr + x0
                    ioff = row_pl * 256 + g * 16
                    idxb[pl.ds(ioff, 16)] = r0
                    idxb[pl.ds(ioff + 128, 16)] = r1
                    wbuf[pl.ds(ioff, 16)] = wx
                    wbuf[pl.ds(ioff + 128, 16)] = wy

                pltpu.async_copy(
                    tab.at[idxb.at[pl.ds(row_pl * 256, _B)]],
                    gbuf.at[pl.ds(row_pl * 256, _B)],
                    gsem.at[lvl],
                )
                pltpu.async_copy(
                    tab.at[idxb.at[pl.ds(row_pl * 256 + _B, _B)]],
                    gbuf.at[pl.ds(row_pl * 256 + _B, _B)],
                    gsem.at[lvl],
                )
            return c2

    def clvl(lvl, c2):
            pltpu.make_async_copy(
                tab.at[pl.ds(0, 6 * 2 * _B)],
                gbuf.at[pl.ds(lvl * 6 * 2 * _B, 6 * 2 * _B)],
                gsem.at[lvl],
            ).wait()
            col0 = lvl * 8

            @plsc.parallel_loop(0, 8, unroll=4)
            def gbody(g):
                pv = iota + g * 16

                def tbody(tpg, accs):
                    row_pl = lvl * 6 + tpg
                    woff = row_pl * 256 + g * 16
                    wx = wbuf[pl.ds(woff, 16)]
                    wy = wbuf[pl.ds(woff + 128, 16)]
                    w11 = wx * wy
                    w01 = wx - w11
                    w10 = wy - w11
                    w00 = 1.0 - wx - w10
                    r0 = row_pl * 256 + pv
                    r1 = r0 + 128
                    nacc = []
                    for c in range(8):
                        c0 = jnp.full((16,), c, jnp.int32)
                        c1 = jnp.full((16,), c + 8, jnp.int32)
                        v00 = plsc.load_gather(gbuf, [r0, c0])
                        v01 = plsc.load_gather(gbuf, [r0, c1])
                        v10 = plsc.load_gather(gbuf, [r1, c0])
                        v11 = plsc.load_gather(gbuf, [r1, c1])
                        a = accs[c] + v00 * w00
                        a = a + v01 * w01
                        a = a + v10 * w10
                        nacc.append(a + v11 * w11)
                    return tuple(nacc)

                zero = jnp.zeros((16,), jnp.float32)
                accs = lax.fori_loop(0, 6, tbody, (zero,) * 8)
                for c in range(8):
                    obuf[col0 + c, pl.ds(g * 16, 16)] = accs[c]

            return c2

    pltpu.sync_copy(crd.at[:, pl.ds(wid * _PPW, _B)], cbuf)
    lax.fori_loop(0, 4, blvl, 0)

    def chunk(ci, carry):
        p0 = wid * _PPW + ci * _B
        nxt = jnp.minimum(ci + 1, _NCHUNK - 1)
        pltpu.sync_copy(crd.at[:, pl.ds(wid * _PPW + nxt * _B, _B)], cbuf)

        def lvl_step(lvl, c2):
            clvl(lvl, c2)
            blvl(lvl, c2)
            return c2

        lax.fori_loop(0, 4, lvl_step, 0)
        pltpu.sync_copy(obuf, out.at[:, pl.ds(p0, _B)])
        return carry

    lax.fori_loop(0, _NCHUNK, chunk, 0)

    def drain(lvl, c2):
        pltpu.make_async_copy(
            tab.at[pl.ds(0, 6 * 2 * _B)],
            gbuf.at[pl.ds(lvl * 6 * 2 * _B, 6 * 2 * _B)],
            gsem.at[lvl],
        ).wait()
        return c2

    lax.fori_loop(0, 4, drain, 0)


def _pack_table(sp, tp):
    parts = []
    for grid in (*sp, *tp):
        a = jnp.transpose(grid, (0, 2, 3, 1))
        a1 = jnp.concatenate([a[:, :, 1:, :], a[:, :, -1:, :]], axis=2)
        parts.append(jnp.concatenate([a, a1], axis=-1).reshape(-1, 16))
    return jnp.concatenate(parts, axis=0)


def kernel(xyz, t, sp0, sp1, sp2, sp3, tp0, tp1, tp2, tp3):
    bash = xyz.shape
    xyz = xyz.reshape(-1, xyz.shape[-1])
    t = t.reshape(-1, t.shape[-1])
    table = _pack_table((sp0, sp1, sp2, sp3), (tp0, tp1, tp2, tp3))
    coords = jnp.concatenate([xyz, t], axis=1).T

    mesh = plsc.VectorSubcoreMesh(core_axis_name="c", subcore_axis_name="s")
    f = pl.kernel(
        _sc_body,
        out_type=jax.ShapeDtypeStruct((32, _P), jnp.float32),
        mesh=mesh,
        compiler_params=pltpu.CompilerParams(
            needs_layout_passes=False, use_tc_tiling_on_sc=False),
        scratch_types=[
            pltpu.VMEM((4, _B), jnp.float32),
            pltpu.VMEM((_NPL * 2 * _B,), jnp.int32),
            pltpu.VMEM((_NPL * 2 * _B,), jnp.float32),
            pltpu.VMEM((_NPL * 2 * _B, 16), jnp.float32),
            pltpu.VMEM((32, _B), jnp.float32),
            pltpu.SemaphoreType.DMA((4,)),
        ],
    )
    val = f(table, coords).T
    return val.reshape(*bash[:-1], val.shape[-1])

# --- scband reference (transcript-rebuilt; emitter-appended) ---
"""Pipeline reference for scband-kplanes-embedder-35373350650662 (READ-ONLY COPY).

The authoritative reference and input builder live on the scoring server;
editing this copy changes nothing except your own understanding.
"""

import jax, jax.numpy as jnp
import numpy as np

P = 524288
N_LEVELS = 4
NFPL = 8
BASE = 64
DIM_TIME = 100
STD = 0.1


def grid_sample_bilinear(data, x, y, align_corners):
    # data: [B, C, H, W]; x, y: [B, P] grid coords in [-1, 1]; x indexes W, y indexes H
    B, C, H, W = data.shape
    if align_corners:
        ix = (x + 1.0) * 0.5 * (W - 1)
        iy = (y + 1.0) * 0.5 * (H - 1)
    else:
        ix = ((x + 1.0) * W - 1.0) * 0.5
        iy = ((y + 1.0) * H - 1.0) * 0.5
    # padding_mode='border': clamp coordinates to valid range
    ix = jnp.clip(ix, 0.0, W - 1)
    iy = jnp.clip(iy, 0.0, H - 1)
    ix0 = jnp.floor(ix)
    iy0 = jnp.floor(iy)
    wx = ix - ix0
    wy = iy - iy0
    ix0i = jnp.clip(ix0.astype(jnp.int32), 0, W - 1)
    iy0i = jnp.clip(iy0.astype(jnp.int32), 0, H - 1)
    ix1i = jnp.clip(ix0.astype(jnp.int32) + 1, 0, W - 1)
    iy1i = jnp.clip(iy0.astype(jnp.int32) + 1, 0, H - 1)

    def per_batch(d, x0, x1, y0, y1, wx_, wy_):
        v00 = d[:, y0, x0]
        v01 = d[:, y0, x1]
        v10 = d[:, y1, x0]
        v11 = d[:, y1, x1]
        return (v00 * (1.0 - wx_) * (1.0 - wy_) + v01 * wx_ * (1.0 - wy_)
                + v10 * (1.0 - wx_) * wy_ + v11 * wx_ * wy_)

    return jax.vmap(per_batch)(data, ix0i, ix1i, iy0i, iy1i, wx, wy)  # [B, C, P]


def setup_inputs(seed: int = 0):
    key = jax.random.key(seed)
    ks = jax.random.split(key, 2 + 2 * N_LEVELS)
    xyz = jax.random.uniform(ks[0], (P, 3), dtype=jnp.float32)
    t = jax.random.uniform(ks[1], (P, 1), dtype=jnp.float32)
    inp = {"xyz": xyz, "t": t}
    for i in range(N_LEVELS):
        R = int(BASE * (2.0 ** i))
        inp[f"sp{i}"] = jax.random.uniform(ks[2 + i], (3, NFPL, R, R), minval=-STD, maxval=STD, dtype=jnp.float32)
        inp[f"tp{i}"] = jax.random.uniform(ks[2 + N_LEVELS + i], (3, NFPL, R, DIM_TIME), minval=-STD, maxval=STD, dtype=jnp.float32)
    return inp


def reference(xyz, t, sp0, sp1, sp2, sp3, tp0, tp1, tp2, tp3):
    bounds = jnp.array([[-1.0, -1.0, -1.0], [1.0, 1.0, 1.0]], dtype=jnp.float32)
    bash = xyz.shape
    xyz = xyz.reshape(-1, xyz.shape[-1])
    t = t.reshape(-1, t.shape[-1])
    xyzn = (xyz - bounds[0]) / (bounds[1] - bounds[0])
    spatial_coords = jnp.stack([xyzn[:, jnp.array([0, 1])], xyzn[:, jnp.array([0, 2])], xyzn[:, jnp.array([1, 2])]], axis=0) * 2.0 - 1.0  # [3, P, 2]
    temporal_coords = jnp.stack([
        jnp.concatenate([t, xyzn[:, 0:1]], axis=-1),
        jnp.concatenate([t, xyzn[:, 1:2]], axis=-1),
        jnp.concatenate([t, xyzn[:, 2:3]], axis=-1)], axis=0) * 2.0 - 1.0  # [3, P, 2]
    spatial_feats = []
    for data in (sp0, sp1, sp2, sp3):
        f = grid_sample_bilinear(data, spatial_coords[..., 0], spatial_coords[..., 1], align_corners=False)
        spatial_feats.append(jnp.transpose(f, (0, 2, 1)))
    temporal_feats = []
    for data in (tp0, tp1, tp2, tp3):
        f = grid_sample_bilinear(data, temporal_coords[..., 0], temporal_coords[..., 1], align_corners=True)
        temporal_feats.append(jnp.transpose(f, (0, 2, 1)))
    spatial_feat = jnp.concatenate(spatial_feats, axis=-1)   # [3, P, 32]
    temporal_feat = jnp.concatenate(temporal_feats, axis=-1)  # [3, P, 32]
    feat = jnp.concatenate([spatial_feat, temporal_feat], axis=0)  # [6, P, 32]
    val = jnp.sum(feat, axis=0)  # agg_method='sum'
    return val.reshape(*bash[:-1], val.shape[-1])

if __name__ == "__main__":
    import jax
    _d = setup_inputs()
    print(jax.jit(kernel)(*tuple(_d.values())))

</pallas_src>

<mosaic_0001>
#map = affine_map<(d0, d1) -> (0, 0)>
module attributes {stable_mosaic.version = 14 : i64} {
  func.func @_sc_body(%arg0: i32, %arg1: i32, %arg2: memref<1332480x16xf32, #tpu.memory_space<hbm>>, %arg3: memref<4x524288xf32, #tpu.memory_space<hbm>>, %arg4: memref<32x524288xf32, #tpu.memory_space<hbm>>, %arg5: memref<4x128xf32, #tpu.memory_space<vmem>>, %arg6: memref<6144xi32, #tpu.memory_space<vmem>>, %arg7: memref<6144xf32, #tpu.memory_space<vmem>>, %arg8: memref<6144x16xf32, #tpu.memory_space<vmem>>, %arg9: memref<32x128xf32, #tpu.memory_space<vmem>>, %arg10: memref<4x!tpu.dma_semaphore, #tpu.memory_space<semaphore_mem>>) attributes {dimension_semantics = [#tpu.dimension_semantics<core_parallel>, #tpu.dimension_semantics<subcore_parallel>], iteration_bounds = array<i64: 2, 16>, scalar_prefetch = 0 : i64, scratch_operands = 6 : i64, tpu.core_type = #tpu.core_type<sc_vector_subcore>, window_params = [{transform_indices = #map}, {transform_indices = #map}, {transform_indices = #map}]} {
    %mul3A = arith.constant 16 : i32
    %mul3A_0 = arith.muli %arg0, %mul3A : i32
    %add3A = arith.addi %mul3A_0, %arg1 : i32
    %iota3A = tpu.iota {dimensions = array<i32: 0>} : vector<16xi32>
    %mul3A_1 = arith.constant 16384 : i32
    %mul3A_2 = arith.muli %add3A, %mul3A_1 : i32
    "tpu.region"() ({
      %run_scoped3A = tpu.sem_alloc : memref<!tpu.dma_semaphore, #tpu.memory_space<semaphore_mem>>
      %dma_start3A = arith.constant 0 : i32
      %dma_start3A_20 = tpu.memref_slice %arg3[%dma_start3A, %mul3A_2] : memref<4x524288xf32, #tpu.memory_space<hbm>> -> memref<4x128xf32, #tpu.memory_space<hbm>>
      %dma_start3A_21 = arith.constant 0 : i32
      %dma_start3A_22 = tpu.memref_slice %arg3[%dma_start3A_21, %mul3A_2] : memref<4x524288xf32, #tpu.memory_space<hbm>> -> memref<4x128xf32, #tpu.memory_space<hbm>>
      tpu.enqueue_dma source(%dma_start3A_22 : memref<4x128xf32, #tpu.memory_space<hbm>>) target(%arg5 : memref<4x128xf32, #tpu.memory_space<vmem>>) target_semaphore(%run_scoped3A : memref<!tpu.dma_semaphore, #tpu.memory_space<semaphore_mem>>)
      %dma_wait3A = arith.constant 0 : i32
      %dma_wait3A_23 = tpu.memref_slice %arg3[%dma_wait3A, %mul3A_2] : memref<4x524288xf32, #tpu.memory_space<hbm>> -> memref<4x128xf32, #tpu.memory_space<hbm>>
      %dma_wait3A_24 = arith.constant 0 : i32
      %dma_wait3A_25 = tpu.memref_slice %arg3[%dma_wait3A_24, %mul3A_2] : memref<4x524288xf32, #tpu.memory_space<hbm>> -> memref<4x128xf32, #tpu.memory_space<hbm>>
      tpu.wait_dma2 semaphore(%run_scoped3A : memref<!tpu.dma_semaphore, #tpu.memory_space<semaphore_mem>>) src(%dma_wait3A_25 : memref<4x128xf32, #tpu.memory_space<hbm>>) dst(%arg5 : memref<4x128xf32, #tpu.memory_space<vmem>>)
      tpu.yield
    }) : () -> ()
    %scan3A = arith.constant 0 : i32
    %scan3A_3 = arith.constant 0 : i32
    %scan3A_4 = arith.constant 4 : i32
    %scan3A_5 = arith.addi %scan3A_3, %scan3A_4 : i32
    %scan3A_6 = arith.constant 1 : i32
    scf.for %scan3A_20 = %scan3A_3 to %scan3A_5 step %scan3A_6  : i32 {
      %shift_left3A = arith.constant 64 : i32
      %shift_left3A_21 = arith.shli %shift_left3A, %scan3A_20 : i32
      %convert_element_type3A = arith.sitofp %shift_left3A_21 : i32 to f32
      %mul3A_22 = arith.constant 2 : i32
      %mul3A_23 = arith.muli %mul3A_22, %scan3A_20 : i32
      %shift_left3A_24 = arith.constant 1 : i32
      %shift_left3A_25 = arith.shli %shift_left3A_24, %mul3A_23 : i32
      %sub3A = arith.constant 1 : i32
      %sub3A_26 = arith.subi %shift_left3A_25, %sub3A : i32
      %mul3A_27 = arith.constant 4096 : i32
      %mul3A_28 = arith.muli %mul3A_27, %sub3A_26 : i32
      %shift_left3A_29 = arith.constant 1 : i32
      %shift_left3A_30 = arith.shli %shift_left3A_29, %scan3A_20 : i32
      %sub3A_31 = arith.constant 1 : i32
      %sub3A_32 = arith.subi %shift_left3A_30, %sub3A_31 : i32
      %mul3A_33 = arith.constant 19200 : i32
      %mul3A_34 = arith.muli %mul3A_33, %sub3A_32 : i32
      %add3A_35 = arith.constant 1044480 : i32
      %add3A_36 = arith.addi %add3A_35, %mul3A_34 : i32
      %mul3A_37 = arith.constant 6 : i32
      %mul3A_38 = arith.muli %scan3A_20, %mul3A_37 : i32
      %add3A_39 = arith.constant 0 : i32
      %add3A_40 = arith.addi %mul3A_38, %add3A_39 : i32
      %mul3A_41 = arith.constant 5.000000e-01 : f32
      %mul3A_42 = arith.mulf %mul3A_41, %convert_element_type3A : f32
      %sub3A_43 = arith.constant 5.000000e-01 : f32
      %sub3A_44 = arith.subf %mul3A_42, %sub3A_43 : f32
      %sub3A_45 = arith.constant 1.000000e+00 : f32
      %sub3A_46 = arith.subf %convert_element_type3A, %sub3A_45 : f32
      %sub3A_47 = arith.constant 1 : i32
      %sub3A_48 = arith.subi %shift_left3A_21, %sub3A_47 : i32
      %mul3A_49 = arith.constant 0 : i32
      %mul3A_50 = arith.muli %mul3A_49, %shift_left3A_21 : i32
      %mul3A_51 = arith.muli %mul3A_50, %shift_left3A_21 : i32
      %add3A_52 = arith.addi %mul3A_28, %mul3A_51 : i32
      %parallel_loop3A = arith.constant 0 : i32
      %parallel_loop3A_53 = arith.constant 8 : i32
      %parallel_loop3A_54 = arith.constant 1 : i32
      scf.for %parallel_loop3A_326 = %parallel_loop3A to %parallel_loop3A_53 step %parallel_loop3A_54  : i32 {
        %parallel_loop3A_327 = arith.constant 16 : i32
        %parallel_loop3A_328 = arith.muli %parallel_loop3A_326, %parallel_loop3A_327 : i32
        %parallel_loop3A_329 = arith.constant 0 : i32
        %parallel_loop3A_330 = arith.index_cast %parallel_loop3A_329 : i32 to index
        %parallel_loop3A_331 = arith.index_cast %parallel_loop3A_328 : i32 to index
        %parallel_loop3A_332 = tpu.vector_load %arg5[%parallel_loop3A_330, %parallel_loop3A_331] {strides = array<i32>} : memref<4x128xf32, #tpu.memory_space<vmem>>, vector<16xf32>,
        %parallel_loop3A_333 = arith.constant 16 : i32
        %parallel_loop3A_334 = arith.muli %parallel_loop3A_326, %parallel_loop3A_333 : i32
        %parallel_loop3A_335 = arith.constant 1 : i32
        %parallel_loop3A_336 = arith.index_cast %parallel_loop3A_335 : i32 to index
        %parallel_loop3A_337 = arith.index_cast %parallel_loop3A_334 : i32 to index
        %parallel_loop3A_338 = tpu.vector_load %arg5[%parallel_loop3A_336, %parallel_loop3A_337] {strides = array<i32>} : memref<4x128xf32, #tpu.memory_space<vmem>>, vector<16xf32>,
        %parallel_loop3A_339 = vector.broadcast %mul3A_42 : f32 to vector<16xf32>
        %parallel_loop3A_340 = arith.mulf %parallel_loop3A_339, %parallel_loop3A_332 : vector<16xf32>
        %parallel_loop3A_341 = vector.broadcast %sub3A_44 : f32 to vector<16xf32>
        %parallel_loop3A_342 = arith.addf %parallel_loop3A_340, %parallel_loop3A_341 : vector<16xf32>
        %parallel_loop3A_343 = arith.constant 0.000000e+00 : f32
        %parallel_loop3A_344 = vector.broadcast %parallel_loop3A_343 : f32 to vector<16xf32>
        %parallel_loop3A_345 = arith.maximumf %parallel_loop3A_342, %parallel_loop3A_344 : vector<16xf32>
        %parallel_loop3A_346 = vector.broadcast %sub3A_46 : f32 to vector<16xf32>
        %parallel_loop3A_347 = arith.minimumf %parallel_loop3A_345, %parallel_loop3A_346 : vector<16xf32>
        %parallel_loop3A_348 = vector.broadcast %mul3A_42 : f32 to vector<16xf32>
        %parallel_loop3A_349 = arith.mulf %parallel_loop3A_348, %parallel_loop3A_338 : vector<16xf32>
        %parallel_loop3A_350 = vector.broadcast %sub3A_44 : f32 to vector<16xf32>
        %parallel_loop3A_351 = arith.addf %parallel_loop3A_349, %parallel_loop3A_350 : vector<16xf32>
        %parallel_loop3A_352 = arith.constant 0.000000e+00 : f32
        %parallel_loop3A_353 = vector.broadcast %parallel_loop3A_352 : f32 to vector<16xf32>
        %parallel_loop3A_354 = arith.maximumf %parallel_loop3A_351, %parallel_loop3A_353 : vector<16xf32>
        %parallel_loop3A_355 = vector.broadcast %sub3A_46 : f32 to vector<16xf32>
        %parallel_loop3A_356 = arith.minimumf %parallel_loop3A_354, %parallel_loop3A_355 : vector<16xf32>
        %parallel_loop3A_357 = arith.fptosi %parallel_loop3A_347 : vector<16xf32> to vector<16xi32>
        %parallel_loop3A_358 = arith.fptosi %parallel_loop3A_356 : vector<16xf32> to vector<16xi32>
        %parallel_loop3A_359 = arith.sitofp %parallel_loop3A_357 : vector<16xi32> to vector<16xf32>
        %parallel_loop3A_360 = arith.subf %parallel_loop3A_347, %parallel_loop3A_359 : vector<16xf32>
        %parallel_loop3A_361 = arith.sitofp %parallel_loop3A_358 : vector<16xi32> to vector<16xf32>
        %parallel_loop3A_362 = arith.subf %parallel_loop3A_356, %parallel_loop3A_361 : vector<16xf32>
        %parallel_loop3A_363 = arith.constant 1 : i32
        %parallel_loop3A_364 = vector.broadcast %parallel_loop3A_363 : i32 to vector<16xi32>
        %parallel_loop3A_365 = arith.addi %parallel_loop3A_358, %parallel_loop3A_364 : vector<16xi32>
        %parallel_loop3A_366 = vector.broadcast %sub3A_48 : i32 to vector<16xi32>
        %parallel_loop3A_367 = arith.minsi %parallel_loop3A_365, %parallel_loop3A_366 : vector<16xi32>
        %parallel_loop3A_368 = vector.broadcast %shift_left3A_21 : i32 to vector<16xi32>
        %parallel_loop3A_369 = arith.muli %parallel_loop3A_358, %parallel_loop3A_368 : vector<16xi32>
        %parallel_loop3A_370 = vector.broadcast %add3A_52 : i32 to vector<16xi32>
        %parallel_loop3A_371 = arith.addi %parallel_loop3A_370, %parallel_loop3A_369 : vector<16xi32>
        %parallel_loop3A_372 = arith.addi %parallel_loop3A_371, %parallel_loop3A_357 : vector<16xi32>
        %parallel_loop3A_373 = vector.broadcast %shift_left3A_21 : i32 to vector<16xi32>
        %parallel_loop3A_374 = arith.muli %parallel_loop3A_367, %parallel_loop3A_373 : vector<16xi32>
        %parallel_loop3A_375 = vector.broadcast %add3A_52 : i32 to vector<16xi32>
        %parallel_loop3A_376 = arith.addi %parallel_loop3A_375, %parallel_loop3A_374 : vector<16xi32>
        %parallel_loop3A_377 = arith.addi %parallel_loop3A_376, %parallel_loop3A_357 : vector<16xi32>
        %parallel_loop3A_378 = arith.constant 256 : i32
        %parallel_loop3A_379 = arith.muli %add3A_40, %parallel_loop3A_378 : i32
        %parallel_loop3A_380 = arith.constant 16 : i32
        %parallel_loop3A_381 = arith.muli %parallel_loop3A_326, %parallel_loop3A_380 : i32
        %parallel_loop3A_382 = arith.addi %parallel_loop3A_379, %parallel_loop3A_381 : i32
        %parallel_loop3A_383 = arith.index_cast %parallel_loop3A_382 : i32 to index
        %parallel_loop3A_384 = tpu.vector_load %arg6[%parallel_loop3A_383] {strides = array<i32>} : memref<6144xi32, #tpu.memory_space<vmem>>, vector<16xi32>,
        tpu.vector_store %arg6[%parallel_loop3A_383], %parallel_loop3A_372 {strides = array<i32>} : memref<6144xi32, #tpu.memory_space<vmem>>, vector<16xi32>,
        %parallel_loop3A_385 = arith.constant 128 : i32
        %parallel_loop3A_386 = arith.addi %parallel_loop3A_382, %parallel_loop3A_385 : i32
        %parallel_loop3A_387 = arith.index_cast %parallel_loop3A_386 : i32 to index
        %parallel_loop3A_388 = tpu.vector_load %arg6[%parallel_loop3A_387] {strides = array<i32>} : memref<6144xi32, #tpu.memory_space<vmem>>, vector<16xi32>,
        tpu.vector_store %arg6[%parallel_loop3A_387], %parallel_loop3A_377 {strides = array<i32>} : memref<6144xi32, #tpu.memory_space<vmem>>, vector<16xi32>,
        %parallel_loop3A_389 = arith.index_cast %parallel_loop3A_382 : i32 to index
        %parallel_loop3A_390 = tpu.vector_load %arg7[%parallel_loop3A_389] {strides = array<i32>} : memref<6144xf32, #tpu.memory_space<vmem>>, vector<16xf32>,
        tpu.vector_store %arg7[%parallel_loop3A_389], %parallel_loop3A_360 {strides = array<i32>} : memref<6144xf32, #tpu.memory_space<vmem>>, vector<16xf32>,
        %parallel_loop3A_391 = arith.constant 128 : i32
        %parallel_loop3A_392 = arith.addi %parallel_loop3A_382, %parallel_loop3A_391 : i32
        %parallel_loop3A_393 = arith.index_cast %parallel_loop3A_392 : i32 to index
        %parallel_loop3A_394 = tpu.vector_load %arg7[%parallel_loop3A_393] {strides = array<i32>} : memref<6144xf32, #tpu.memory_space<vmem>>, vector<16xf32>,
        tpu.vector_store %arg7[%parallel_loop3A_393], %parallel_loop3A_362 {strides = array<i32>} : memref<6144xf32, #tpu.memory_space<vmem>>, vector<16xf32>,
      } {sc.loop_unroll_factor = 2 : i64, sc.parallel_access}
      %mul3A_55 = arith.constant 256 : i32
      %mul3A_56 = arith.muli %add3A_40, %mul3A_55 : i32
      %mul3A_57 = arith.constant 256 : i32
      %mul3A_58 = arith.muli %add3A_40, %mul3A_57 : i32
      %dma_start3A = arith.constant 0 : i32
      %dma_start3A_59 = tpu.memref_slice %arg8[%mul3A_58, %dma_start3A] : memref<6144x16xf32, #tpu.memory_space<vmem>> -> memref<128x16xf32, #tpu.memory_space<vmem>>
      %dma_start3A_60 = tpu.memref_slice %arg6[%mul3A_56] : memref<6144xi32, #tpu.memory_space<vmem>> -> memref<128xi32, #tpu.memory_space<vmem>>
      %dma_start3A_61 = arith.constant 0 : i32
      %dma_start3A_62 = arith.constant 0 : i32
      %dma_start3A_63 = tpu.memref_slice %arg2[%dma_start3A_61, %dma_start3A_62] : memref<1332480x16xf32, #tpu.memory_space<hbm>> -> memref<1332480x16xf32, #tpu.memory_space<hbm>>
      %dma_start3A_64 = tpu.memref_slice %arg10[%scan3A_20] : memref<4x!tpu.dma_semaphore, #tpu.memory_space<semaphore_mem>> -> memref<1x!tpu.dma_semaphore, #tpu.memory_space<semaphore_mem>>
      %dma_start3A_65 = tpu.memref_squeeze %dma_start3A_64 : memref<1x!tpu.dma_semaphore, #tpu.memory_space<semaphore_mem>> -> memref<!tpu.dma_semaphore, #tpu.memory_space<semaphore_mem>>
      tpu.enqueue_indirect_dma source(%dma_start3A_63 : memref<1332480x16xf32, #tpu.memory_space<hbm>>) target(%dma_start3A_59 : memref<128x16xf32, #tpu.memory_space<vmem>>) offsets(%dma_start3A_60 : memref<128xi32, #tpu.memory_space<vmem>>) semaphore(%dma_start3A_65 : memref<!tpu.dma_semaphore, #tpu.memory_space<semaphore_mem>>)
      %mul3A_66 = arith.constant 256 : i32
      %mul3A_67 = arith.muli %add3A_40, %mul3A_66 : i32
      %add3A_68 = arith.constant 128 : i32
      %add3A_69 = arith.addi %mul3A_67, %add3A_68 : i32
      %mul3A_70 = arith.constant 256 : i32
      %mul3A_71 = arith.muli %add3A_40, %mul3A_70 : i32
      %add3A_72 = arith.constant 128 : i32
      %add3A_73 = arith.addi %mul3A_71, %add3A_72 : i32
      %dma_start3A_74 = arith.constant 0 : i32
      %dma_start3A_75 = tpu.memref_slice %arg8[%add3A_73, %dma_start3A_74] : memref<6144x16xf32, #tpu.memory_space<vmem>> -> memref<128x16xf32, #tpu.memory_space<vmem>>
      %dma_start3A_76 = tpu.memref_slice %arg6[%add3A_69] : memref<6144xi32, #tpu.memory_space<vmem>> -> memref<128xi32, #tpu.memory_space<vmem>>
      %dma_start3A_77 = arith.constant 0 : i32
      %dma_start3A_78 = arith.constant 0 : i32
      %dma_start3A_79 = tpu.memref_slice %arg2[%dma_start3A_77, %dma_start3A_78] : memref<1332480x16xf32, #tpu.memory_space<hbm>> -> memref<1332480x16xf32, #tpu.memory_space<hbm>>
      %dma_start3A_80 = tpu.memref_slice %arg10[%scan3A_20] : memref<4x!tpu.dma_semaphore, #tpu.memory_space<semaphore_mem>> -> memref<1x!tpu.dma_semaphore, #tpu.memory_space<semaphore_mem>>
      %dma_start3A_81 = tpu.memref_squeeze %dma_start3A_80 : memref<1x!tpu.dma_semaphore, #tpu.memory_space<semaphore_mem>> -> memref<!tpu.dma_semaphore, #tpu.memory_space<semaphore_mem>>
      tpu.enqueue_indirect_dma source(%dma_start3A_79 : memref<1332480x16xf32, #tpu.memory_space<hbm>>) target(%dma_start3A_75 : memref<128x16xf32, #tpu.memory_space<vmem>>) offsets(%dma_start3A_76 : memref<128xi32, #tpu.memory_space<vmem>>) semaphore(%dma_start3A_81 : memref<!tpu.dma_semaphore, #tpu.memory_space<semaphore_mem>>)
      %mul3A_82 = arith.constant 6 : i32
      %mul3A_83 = arith.muli %scan3A_20, %mul3A_82 : i32
      %add3A_84 = arith.constant 1 : i32
      %add3A_85 = arith.addi %mul3A_83, %add3A_84 : i32
      %mul3A_86 = arith.constant 5.000000e-01 : f32
      %mul3A_87 = arith.mulf %mul3A_86, %convert_element_type3A : f32
      %sub3A_88 = arith.constant 5.000000e-01 : f32
      %sub3A_89 = arith.subf %mul3A_87, %sub3A_88 : f32
      %sub3A_90 = arith.constant 1.000000e+00 : f32
      %sub3A_91 = arith.subf %convert_element_type3A, %sub3A_90 : f32
      %sub3A_92 = arith.constant 1 : i32
      %sub3A_93 = arith.subi %shift_left3A_21, %sub3A_92 : i32
      %mul3A_94 = arith.constant 1 : i32
      %mul3A_95 = arith.muli %mul3A_94, %shift_left3A_21 : i32
      %mul3A_96 = arith.muli %mul3A_95, %shift_left3A_21 : i32
      %add3A_97 = arith.addi %mul3A_28, %mul3A_96 : i32
      %parallel_loop3A_98 = arith.constant 0 : i32
      %parallel_loop3A_99 = arith.constant 8 : i32
      %parallel_loop3A_100 = arith.constant 1 : i32
      scf.for %parallel_loop3A_326 = %parallel_loop3A_98 to %parallel_loop3A_99 step %parallel_loop3A_100  : i32 {
        %parallel_loop3A_327 = arith.constant 16 : i32
        %parallel_loop3A_328 = arith.muli %parallel_loop3A_326, %parallel_loop3A_327 : i32
        %parallel_loop3A_329 = arith.constant 0 : i32
        %parallel_loop3A_330 = arith.index_cast %parallel_loop3A_329 : i32 to index
        %parallel_loop3A_331 = arith.index_cast %parallel_loop3A_328 : i32 to index
        %parallel_loop3A_332 = tpu.vector_load %arg5[%parallel_loop3A_330, %parallel_loop3A_331] {strides = array<i32>} : memref<4x128xf32, #tpu.memory_space<vmem>>, vector<16xf32>,
        %parallel_loop3A_333 = arith.constant 16 : i32
        %parallel_loop3A_334 = arith.muli %parallel_loop3A_326, %parallel_loop3A_333 : i32
        %parallel_loop3A_335 = arith.constant 2 : i32
        %parallel_loop3A_336 = arith.index_cast %parallel_loop3A_335 : i32 to index
        %parallel_loop3A_337 = arith.index_cast %parallel_loop3A_334 : i32 to index
        %parallel_loop3A_338 = tpu.vector_load %arg5[%parallel_loop3A_336, %parallel_loop3A_337] {strides = array<i32>} : memref<4x128xf32, #tpu.memory_space<vmem>>, vector<16xf32>,
        %parallel_loop3A_339 = vector.broadcast %mul3A_87 : f32 to vector<16xf32>
        %parallel_loop3A_340 = arith.mulf %parallel_loop3A_339, %parallel_loop3A_332 : vector<16xf32>
        %parallel_loop3A_341 = vector.broadcast %sub3A_89 : f32 to vector<16xf32>
        %parallel_loop3A_342 = arith.addf %parallel_loop3A_340, %parallel_loop3A_341 : vector<16xf32>
        %parallel_loop3A_343 = arith.constant 0.000000e+00 : f32
        %parallel_loop3A_344 = vector.broadcast %parallel_loop3A_343 : f32 to vector<16xf32>
        %parallel_loop3A_345 = arith.maximumf %parallel_loop3A_342, %parallel_loop3A_344 : vector<16xf32>
        %parallel_loop3A_346 = vector.broadcast %sub3A_91 : f32 to vector<16xf32>
        %parallel_loop3A_347 = arith.minimumf %parallel_loop3A_345, %parallel_loop3A_346 : vector<16xf32>
        %parallel_loop3A_348 = vector.broadcast %mul3A_87 : f32 to vector<16xf32>
        %parallel_loop3A_349 = arith.mulf %parallel_loop3A_348, %parallel_loop3A_338 : vector<16xf32>
        %parallel_loop3A_350 = vector.broadcast %sub3A_89 : f32 to vector<16xf32>
        %parallel_loop3A_351 = arith.addf %parallel_loop3A_349, %parallel_loop3A_350 : vector<16xf32>
        %parallel_loop3A_352 = arith.constant 0.000000e+00 : f32
        %parallel_loop3A_353 = vector.broadcast %parallel_loop3A_352 : f32 to vector<16xf32>
        %parallel_loop3A_354 = arith.maximumf %parallel_loop3A_351, %parallel_loop3A_353 : vector<16xf32>
        %parallel_loop3A_355 = vector.broadcast %sub3A_91 : f32 to vector<16xf32>
        %parallel_loop3A_356 = arith.minimumf %parallel_loop3A_354, %parallel_loop3A_355 : vector<16xf32>
        %parallel_loop3A_357 = arith.fptosi %parallel_loop3A_347 : vector<16xf32> to vector<16xi32>
        %parallel_loop3A_358 = arith.fptosi %parallel_loop3A_356 : vector<16xf32> to vector<16xi32>
        %parallel_loop3A_359 = arith.sitofp %parallel_loop3A_357 : vector<16xi32> to vector<16xf32>
        %parallel_loop3A_360 = arith.subf %parallel_loop3A_347, %parallel_loop3A_359 : vector<16xf32>
        %parallel_loop3A_361 = arith.sitofp %parallel_loop3A_358 : vector<16xi32> to vector<16xf32>
        %parallel_loop3A_362 = arith.subf %parallel_loop3A_356, %parallel_loop3A_361 : vector<16xf32>
        %parallel_loop3A_363 = arith.constant 1 : i32
        %parallel_loop3A_364 = vector.broadcast %parallel_loop3A_363 : i32 to vector<16xi32>
        %parallel_loop3A_365 = arith.addi %parallel_loop3A_358, %parallel_loop3A_364 : vector<16xi32>
        %parallel_loop3A_366 = vector.broadcast %sub3A_93 : i32 to vector<16xi32>
        %parallel_loop3A_367 = arith.minsi %parallel_loop3A_365, %parallel_loop3A_366 : vector<16xi32>
        %parallel_loop3A_368 = vector.broadcast %shift_left3A_21 : i32 to vector<16xi32>
        %parallel_loop3A_369 = arith.muli %parallel_loop3A_358, %parallel_loop3A_368 : vector<16xi32>
        %parallel_loop3A_370 = vector.broadcast %add3A_97 : i32 to vector<16xi32>
        %parallel_loop3A_371 = arith.addi %parallel_loop3A_370, %parallel_loop3A_369 : vector<16xi32>
        %parallel_loop3A_372 = arith.addi %parallel_loop3A_371, %parallel_loop3A_357 : vector<16xi32>
        %parallel_loop3A_373 = vector.broadcast %shift_left3A_21 : i32 to vector<16xi32>
        %parallel_loop3A_374 = arith.muli %parallel_loop3A_367, %parallel_loop3A_373 : vector<16xi32>
        %parallel_loop3A_375 = vector.broadcast %add3A_97 : i32 to vector<16xi32>
        %parallel_loop3A_376 = arith.addi %parallel_loop3A_375, %parallel_loop3A_374 : vector<16xi32>
        %parallel_loop3A_377 = arith.addi %parallel_loop3A_376, %parallel_loop3A_357 : vector<16xi32>
        %parallel_loop3A_378 = arith.constant 256 : i32
        %parallel_loop3A_379 = arith.muli %add3A_85, %parallel_loop3A_378 : i32
        %parallel_loop3A_380 = arith.constant 16 : i32
        %parallel_loop3A_381 = arith.muli %parallel_loop3A_326, %parallel_loop3A_380 : i32
        %parallel_loop3A_382 = arith.addi %parallel_loop3A_379, %parallel_loop3A_381 : i32
        %parallel_loop3A_383 = arith.index_cast %parallel_loop3A_382 : i32 to index
        %parallel_loop3A_384 = tpu.vector_load %arg6[%parallel_loop3A_383] {strides = array<i32>} : memref<6144xi32, #tpu.memory_space<vmem>>, vector<16xi32>,
        tpu.vector_store %arg6[%parallel_loop3A_383], %parallel_loop3A_372 {strides = array<i32>} : memref<6144xi32, #tpu.memory_space<vmem>>, vector<16xi32>,
        %parallel_loop3A_385 = arith.constant 128 : i32
        %parallel_loop3A_386 = arith.addi %parallel_loop3A_382, %parallel_loop3A_385 : i32
        %parallel_loop3A_387 = arith.index_cast %parallel_loop3A_386 : i32 to index
        %parallel_loop3A_388 = tpu.vector_load %arg6[%parallel_loop3A_387] {strides = array<i32>} : memref<6144xi32, #tpu.memory_space<vmem>>, vector<16xi32>,
        tpu.vector_store %arg6[%parallel_loop3A_387], %parallel_loop3A_377 {strides = array<i32>} : memref<6144xi32, #tpu.memory_space<vmem>>, vector<16xi32>,
        %parallel_loop3A_389 = arith.index_cast %parallel_loop3A_382 : i32 to index
        %parallel_loop3A_390 = tpu.vector_load %arg7[%parallel_loop3A_389] {strides = array<i32>} : memref<6144xf32, #tpu.memory_space<vmem>>, vector<16xf32>,
        tpu.vector_store %arg7[%parallel_loop3A_389], %parallel_loop3A_360 {strides = array<i32>} : memref<6144xf32, #tpu.memory_space<vmem>>, vector<16xf32>,
        %parallel_loop3A_391 = arith.constant 128 : i32
        %parallel_loop3A_392 = arith.addi %parallel_loop3A_382, %parallel_loop3A_391 : i32
        %parallel_loop3A_393 = arith.index_cast %parallel_loop3A_392 : i32 to index
        %parallel_loop3A_394 = tpu.vector_load %arg7[%parallel_loop3A_393] {strides = array<i32>} : memref<6144xf32, #tpu.memory_space<vmem>>, vector<16xf32>,
        tpu.vector_store %arg7[%parallel_loop3A_393], %parallel_loop3A_362 {strides = array<i32>} : memref<6144xf32, #tpu.memory_space<vmem>>, vector<16xf32>,
      } {sc.loop_unroll_factor = 2 : i64, sc.parallel_access}
      %mul3A_101 = arith.constant 256 : i32
      %mul3A_102 = arith.muli %add3A_85, %mul3A_101 : i32
      %mul3A_103 = arith.constant 256 : i32
      %mul3A_104 = arith.muli %add3A_85, %mul3A_103 : i32
      %dma_start3A_105 = arith.constant 0 : i32
      %dma_start3A_106 = tpu.memref_slice %arg8[%mul3A_104, %dma_start3A_105] : memref<6144x16xf32, #tpu.memory_space<vmem>> -> memref<128x16xf32, #tpu.memory_space<vmem>>
      %dma_start3A_107 = tpu.memref_slice %arg6[%mul3A_102] : memref<6144xi32, #tpu.memory_space<vmem>> -> memref<128xi32, #tpu.memory_space<vmem>>
      %dma_start3A_108 = arith.constant 0 : i32
      %dma_start3A_109 = arith.constant 0 : i32
      %dma_start3A_110 = tpu.memref_slice %arg2[%dma_start3A_108, %dma_start3A_109] : memref<1332480x16xf32, #tpu.memory_space<hbm>> -> memref<1332480x16xf32, #tpu.memory_space<hbm>>
      %dma_start3A_111 = tpu.memref_slice %arg10[%scan3A_20] : memref<4x!tpu.dma_semaphore, #tpu.memory_space<semaphore_mem>> -> memref<1x!tpu.dma_semaphore, #tpu.memory_space<semaphore_mem>>
      %dma_start3A_112 = tpu.memref_squeeze %dma_start3A_111 : memref<1x!tpu.dma_semaphore, #tpu.memory_space<semaphore_mem>> -> memref<!tpu.dma_semaphore, #tpu.memory_space<semaphore_mem>>
      tpu.enqueue_indirect_dma source(%dma_start3A_110 : memref<1332480x16xf32, #tpu.memory_space<hbm>>) target(%dma_start3A_106 : memref<128x16xf32, #tpu.memory_space<vmem>>) offsets(%dma_start3A_107 : memref<128xi32, #tpu.memory_space<vmem>>) semaphore(%dma_start3A_112 : memref<!tpu.dma_semaphore, #tpu.memory_space<semaphore_mem>>)
      %mul3A_113 = arith.constant 256 : i32
      %mul3A_114 = arith.muli %add3A_85, %mul3A_113 : i32
      %add3A_115 = arith.constant 128 : i32
      %add3A_116 = arith.addi %mul3A_114, %add3A_115 : i32
      %mul3A_117 = arith.constant 256 : i32
      %mul3A_118 = arith.muli %add3A_85, %mul3A_117 : i32
      %add3A_119 = arith.constant 128 : i32
      %add3A_120 = arith.addi %mul3A_118, %add3A_119 : i32
      %dma_start3A_121 = arith.constant 0 : i32
      %dma_start3A_122 = tpu.memref_slice %arg8[%add3A_120, %dma_start3A_121] : memref<6144x16xf32, #tpu.memory_space<vmem>> -> memref<128x16xf32, #tpu.memory_space<vmem>>
      %dma_start3A_123 = tpu.memref_slice %arg6[%add3A_116] : memref<6144xi32, #tpu.memory_space<vmem>> -> memref<128xi32, #tpu.memory_space<vmem>>
      %dma_start3A_124 = arith.constant 0 : i32
      %dma_start3A_125 = arith.constant 0 : i32
      %dma_start3A_126 = tpu.memref_slice %arg2[%dma_start3A_124, %dma_start3A_125] : memref<1332480x16xf32, #tpu.memory_space<hbm>> -> memref<1332480x16xf32, #tpu.memory_space<hbm>>
      %dma_start3A_127 = tpu.memref_slice %arg10[%scan3A_20] : memref<4x!tpu.dma_semaphore, #tpu.memory_space<semaphore_mem>> -> memref<1x!tpu.dma_semaphore, #tpu.memory_space<semaphore_mem>>
      %dma_start3A_128 = tpu.memref_squeeze %dma_start3A_127 : memref<1x!tpu.dma_semaphore, #tpu.memory_space<semaphore_mem>> -> memref<!tpu.dma_semaphore, #tpu.memory_space<semaphore_mem>>
      tpu.enqueue_indirect_dma source(%dma_start3A_126 : memref<1332480x16xf32, #tpu.memory_space<hbm>>) target(%dma_start3A_122 : memref<128x16xf32, #tpu.memory_space<vmem>>) offsets(%dma_start3A_123 : memref<128xi32, #tpu.memory_space<vmem>>) semaphore(%dma_start3A_128 : memref<!tpu.dma_semaphore, #tpu.memory_space<semaphore_mem>>)
      %mul3A_129 = arith.constant 6 : i32
      %mul3A_130 = arith.muli %scan3A_20, %mul3A_129 : i32
      %add3A_131 = arith.constant 2 : i32
      %add3A_132 = arith.addi %mul3A_130, %add3A_131 : i32
      %mul3A_133 = arith.constant 5.000000e-01 : f32
      %mul3A_134 = arith.mulf %mul3A_133, %convert_element_type3A : f32
      %sub3A_135 = arith.constant 5.000000e-01 : f32
      %sub3A_136 = arith.subf %mul3A_134, %sub3A_135 : f32
      %sub3A_137 = arith.constant 1.000000e+00 : f32
      %sub3A_138 = arith.subf %convert_element_type3A, %sub3A_137 : f32
      %sub3A_139 = arith.constant 1 : i32
      %sub3A_140 = arith.subi %shift_left3A_21, %sub3A_139 : i32
      %mul3A_141 = arith.constant 2 : i32
      %mul3A_142 = arith.muli %mul3A_141, %shift_left3A_21 : i32
      %mul3A_143 = arith.muli %mul3A_142, %shift_left3A_21 : i32
      %add3A_144 = arith.addi %mul3A_28, %mul3A_143 : i32
      %parallel_loop3A_145 = arith.constant 0 : i32
      %parallel_loop3A_146 = arith.constant 8 : i32
      %parallel_loop3A_147 = arith.constant 1 : i32
      scf.for %parallel_loop3A_326 = %parallel_loop3A_145 to %parallel_loop3A_146 step %parallel_loop3A_147  : i32 {
        %parallel_loop3A_327 = arith.constant 16 : i32
        %parallel_loop3A_328 = arith.muli %parallel_loop3A_326, %parallel_loop3A_327 : i32
        %parallel_loop3A_329 = arith.constant 1 : i32
        %parallel_loop3A_330 = arith.index_cast %parallel_loop3A_329 : i32 to index
        %parallel_loop3A_331 = arith.index_cast %parallel_loop3A_328 : i32 to index
        %parallel_loop3A_332 = tpu.vector_load %arg5[%parallel_loop3A_330, %parallel_loop3A_331] {strides = array<i32>} : memref<4x128xf32, #tpu.memory_space<vmem>>, vector<16xf32>,
        %parallel_loop3A_333 = arith.constant 16 : i32
        %parallel_loop3A_334 = arith.muli %parallel_loop3A_326, %parallel_loop3A_333 : i32
        %parallel_loop3A_335 = arith.constant 2 : i32
        %parallel_loop3A_336 = arith.index_cast %parallel_loop3A_335 : i32 to index
        %parallel_loop3A_337 = arith.index_cast %parallel_loop3A_334 : i32 to index
        %parallel_loop3A_338 = tpu.vector_load %arg5[%parallel_loop3A_336, %parallel_loop3A_337] {strides = array<i32>} : memref<4x128xf32, #tpu.memory_space<vmem>>, vector<16xf32>,
        %parallel_loop3A_339 = vector.broadcast %mul3A_134 : f32 to vector<16xf32>
        %parallel_loop3A_340 = arith.mulf %parallel_loop3A_339, %parallel_loop3A_332 : vector<16xf32>
        %parallel_loop3A_341 = vector.broadcast %sub3A_136 : f32 to vector<16xf32>
        %parallel_loop3A_342 = arith.addf %parallel_loop3A_340, %parallel_loop3A_341 : vector<16xf32>
        %parallel_loop3A_343 = arith.constant 0.000000e+00 : f32
        %parallel_loop3A_344 = vector.broadcast %parallel_loop3A_343 : f32 to vector<16xf32>
        %parallel_loop3A_345 = arith.maximumf %parallel_loop3A_342, %parallel_loop3A_344 : vector<16xf32>
        %parallel_loop3A_346 = vector.broadcast %sub3A_138 : f32 to vector<16xf32>
        %parallel_loop3A_347 = arith.minimumf %parallel_loop3A_345, %parallel_loop3A_346 : vector<16xf32>
        %parallel_loop3A_348 = vector.broadcast %mul3A_134 : f32 to vector<16xf32>
        %parallel_loop3A_349 = arith.mulf %parallel_loop3A_348, %parallel_loop3A_338 : vector<16xf32>
        %parallel_loop3A_350 = vector.broadcast %sub3A_136 : f32 to vector<16xf32>
        %parallel_loop3A_351 = arith.addf %parallel_loop3A_349, %parallel_loop3A_350 : vector<16xf32>
        %parallel_loop3A_352 = arith.constant 0.000000e+00 : f32
        %parallel_loop3A_353 = vector.broadcast %parallel_loop3A_352 : f32 to vector<16xf32>
        %parallel_loop3A_354 = arith.maximumf %parallel_loop3A_351, %parallel_loop3A_353 : vector<16xf32>
        %parallel_loop3A_355 = vector.broadcast %sub3A_138 : f32 to vector<16xf32>
        %parallel_loop3A_356 = arith.minimumf %parallel_loop3A_354, %parallel_loop3A_355 : vector<16xf32>
        %parallel_loop3A_357 = arith.fptosi %parallel_loop3A_347 : vector<16xf32> to vector<16xi32>
        %parallel_loop3A_358 = arith.fptosi %parallel_loop3A_356 : vector<16xf32> to vector<16xi32>
        %parallel_loop3A_359 = arith.sitofp %parallel_loop3A_357 : vector<16xi32> to vector<16xf32>
        %parallel_loop3A_360 = arith.subf %parallel_loop3A_347, %parallel_loop3A_359 : vector<16xf32>
        %parallel_loop3A_361 = arith.sitofp %parallel_loop3A_358 : vector<16xi32> to vector<16xf32>
        %parallel_loop3A_362 = arith.subf %parallel_loop3A_356, %parallel_loop3A_361 : vector<16xf32>
        %parallel_loop3A_363 = arith.constant 1 : i32
        %parallel_loop3A_364 = vector.broadcast %parallel_loop3A_363 : i32 to vector<16xi32>
        %parallel_loop3A_365 = arith.addi %parallel_loop3A_358, %parallel_loop3A_364 : vector<16xi32>
        %parallel_loop3A_366 = vector.broadcast %sub3A_140 : i32 to vector<16xi32>
        %parallel_loop3A_367 = arith.minsi %parallel_loop3A_365, %parallel_loop3A_366 : vector<16xi32>
        %parallel_loop3A_368 = vector.broadcast %shift_left3A_21 : i32 to vector<16xi32>
        %parallel_loop3A_369 = arith.muli %parallel_loop3A_358, %parallel_loop3A_368 : vector<16xi32>
        %parallel_loop3A_370 = vector.broadcast %add3A_144 : i32 to vector<16xi32>
        %parallel_loop3A_371 = arith.addi %parallel_loop3A_370, %parallel_loop3A_369 : vector<16xi32>
        %parallel_loop3A_372 = arith.addi %parallel_loop3A_371, %parallel_loop3A_357 : vector<16xi32>
        %parallel_loop3A_373 = vector.broadcast %shift_left3A_21 : i32 to vector<16xi32>
        %parallel_loop3A_374 = arith.muli %parallel_loop3A_367, %parallel_loop3A_373 : vector<16xi32>
        %parallel_loop3A_375 = vector.broadcast %add3A_144 : i32 to vector<16xi32>
        %parallel_loop3A_376 = arith.addi %parallel_loop3A_375, %parallel_loop3A_374 : vector<16xi32>
        %parallel_loop3A_377 = arith.addi %parallel_loop3A_376, %parallel_loop3A_357 : vector<16xi32>
        %parallel_loop3A_378 = arith.constant 256 : i32
        %parallel_loop3A_379 = arith.muli %add3A_132, %parallel_loop3A_378 : i32
        %parallel_loop3A_380 = arith.constant 16 : i32
        %parallel_loop3A_381 = arith.muli %parallel_loop3A_326, %parallel_loop3A_380 : i32
        %parallel_loop3A_382 = arith.addi %parallel_loop3A_379, %parallel_loop3A_381 : i32
        %parallel_loop3A_383 = arith.index_cast %parallel_loop3A_382 : i32 to index
        %parallel_loop3A_384 = tpu.vector_load %arg6[%parallel_loop3A_383] {strides = array<i32>} : memref<6144xi32, #tpu.memory_space<vmem>>, vector<16xi32>,
        tpu.vector_store %arg6[%parallel_loop3A_383], %parallel_loop3A_372 {strides = array<i32>} : memref<6144xi32, #tpu.memory_space<vmem>>, vector<16xi32>,
        %parallel_loop3A_385 = arith.constant 128 : i32
        %parallel_loop3A_386 = arith.addi %parallel_loop3A_382, %parallel_loop3A_385 : i32
        %parallel_loop3A_387 = arith.index_cast %parallel_loop3A_386 : i32 to index
        %parallel_loop3A_388 = tpu.vector_load %arg6[%parallel_loop3A_387] {strides = array<i32>} : memref<6144xi32, #tpu.memory_space<vmem>>, vector<16xi32>,
        tpu.vector_store %arg6[%parallel_loop3A_387], %parallel_loop3A_377 {strides = array<i32>} : memref<6144xi32, #tpu.memory_space<vmem>>, vector<16xi32>,
        %parallel_loop3A_389 = arith.index_cast %parallel_loop3A_382 : i32 to index
        %parallel_loop3A_390 = tpu.vector_load %arg7[%parallel_loop3A_389] {strides = array<i32>} : memref<6144xf32, #tpu.memory_space<vmem>>, vector<16xf32>,
        tpu.vector_store %arg7[%parallel_loop3A_389], %parallel_loop3A_360 {strides = array<i32>} : memref<6144xf32, #tpu.memory_space<vmem>>, vector<16xf32>,
        %parallel_loop3A_391 = arith.constant 128 : i32
        %parallel_loop3A_392 = arith.addi %parallel_loop3A_382, %parallel_loop3A_391 : i32
        %parallel_loop3A_393 = arith.index_cast %parallel_loop3A_392 : i32 to index
        %parallel_loop3A_394 = tpu.vector_load %arg7[%parallel_loop3A_393] {strides = array<i32>} : memref<6144xf32, #tpu.memory_space<vmem>>, vector<16xf32>,
        tpu.vector_store %arg7[%parallel_loop3A_393], %parallel_loop3A_362 {strides = array<i32>} : memref<6144xf32, #tpu.memory_space<vmem>>, vector<16xf32>,
      } {sc.loop_unroll_factor = 2 : i64, sc.parallel_access}
      %mul3A_148 = arith.constant 256 : i32
      %mul3A_149 = arith.muli %add3A_132, %mul3A_148 : i32
      %mul3A_150 = arith.constant 256 : i32
      %mul3A_151 = arith.muli %add3A_132, %mul3A_150 : i32
      %dma_start3A_152 = arith.constant 0 : i32
      %dma_start3A_153 = tpu.memref_slice %arg8[%mul3A_151, %dma_start3A_152] : memref<6144x16xf32, #tpu.memory_space<vmem>> -> memref<128x16xf32, #tpu.memory_space<vmem>>
      %dma_start3A_154 = tpu.memref_slice %arg6[%mul3A_149] : memref<6144xi32, #tpu.memory_space<vmem>> -> memref<128xi32, #tpu.memory_space<vmem>>
      %dma_start3A_155 = arith.constant 0 : i32
      %dma_start3A_156 = arith.constant 0 : i32
      %dma_start3A_157 = tpu.memref_slice %arg2[%dma_start3A_155, %dma_start3A_156] : memref<1332480x16xf32, #tpu.memory_space<hbm>> -> memref<1332480x16xf32, #tpu.memory_space<hbm>>
      %dma_start3A_158 = tpu.memref_slice %arg10[%scan3A_20] : memref<4x!tpu.dma_semaphore, #tpu.memory_space<semaphore_mem>> -> memref<1x!tpu.dma_semaphore, #tpu.memory_space<semaphore_mem>>
      %dma_start3A_159 = tpu.memref_squeeze %dma_start3A_158 : memref<1x!tpu.dma_semaphore, #tpu.memory_space<semaphore_mem>> -> memref<!tpu.dma_semaphore, #tpu.memory_space<semaphore_mem>>
      tpu.enqueue_indirect_dma source(%dma_start3A_157 : memref<1332480x16xf32, #tpu.memory_space<hbm>>) target(%dma_start3A_153 : memref<128x16xf32, #tpu.memory_space<vmem>>) offsets(%dma_start3A_154 : memref<128xi32, #tpu.memory_space<vmem>>) semaphore(%dma_start3A_159 : memref<!tpu.dma_semaphore, #tpu.memory_space<semaphore_mem>>)
      %mul3A_160 = arith.constant 256 : i32
      %mul3A_161 = arith.muli %add3A_132, %mul3A_160 : i32
      %add3A_162 = arith.constant 128 : i32
      %add3A_163 = arith.addi %mul3A_161, %add3A_162 : i32
      %mul3A_164 = arith.constant 256 : i32
      %mul3A_165 = arith.muli %add3A_132, %mul3A_164 : i32
      %add3A_166 = arith.constant 128 : i32
      %add3A_167 = arith.addi %mul3A_165, %add3A_166 : i32
      %dma_start3A_168 = arith.constant 0 : i32
      %dma_start3A_169 = tpu.memref_slice %arg8[%add3A_167, %dma_start3A_168] : memref<6144x16xf32, #tpu.memory_space<vmem>> -> memref<128x16xf32, #tpu.memory_space<vmem>>
      %dma_start3A_170 = tpu.memref_slice %arg6[%add3A_163] : memref<6144xi32, #tpu.memory_space<vmem>> -> memref<128xi32, #tpu.memory_space<vmem>>
      %dma_start3A_171 = arith.constant 0 : i32
      %dma_start3A_172 = arith.constant 0 : i32
      %dma_start3A_173 = tpu.memref_slice %arg2[%dma_start3A_171, %dma_start3A_172] : memref<1332480x16xf32, #tpu.memory_space<hbm>> -> memref<1332480x16xf32, #tpu.memory_space<hbm>>
      %dma_start3A_174 = tpu.memref_slice %arg10[%scan3A_20] : memref<4x!tpu.dma_semaphore, #tpu.memory_space<semaphore_mem>> -> memref<1x!tpu.dma_semaphore, #tpu.memory_space<semaphore_mem>>
      %dma_start3A_175 = tpu.memref_squeeze %dma_start3A_174 : memref<1x!tpu.dma_semaphore, #tpu.memory_space<semaphore_mem>> -> memref<!tpu.dma_semaphore, #tpu.memory_space<semaphore_mem>>
      tpu.enqueue_indirect_dma source(%dma_start3A_173 : memref<1332480x16xf32, #tpu.memory_space<hbm>>) target(%dma_start3A_169 : memref<128x16xf32, #tpu.memory_space<vmem>>) offsets(%dma_start3A_170 : memref<128xi32, #tpu.memory_space<vmem>>) semaphore(%dma_start3A_175 : memref<!tpu.dma_semaphore, #tpu.memory_space<semaphore_mem>>)
      %mul3A_176 = arith.constant 6 : i32
      %mul3A_177 = arith.muli %scan3A_20, %mul3A_176 : i32
      %add3A_178 = arith.constant 3 : i32
      %add3A_179 = arith.addi %mul3A_177, %add3A_178 : i32
      %sub3A_180 = arith.constant 1.000000e+00 : f32
      %sub3A_181 = arith.subf %convert_element_type3A, %sub3A_180 : f32
      %mul3A_182 = arith.constant 5.000000e-01 : f32
      %mul3A_183 = arith.mulf %mul3A_182, %sub3A_181 : f32
      %sub3A_184 = arith.constant 1.000000e+00 : f32
      %sub3A_185 = arith.subf %convert_element_type3A, %sub3A_184 : f32
      %sub3A_186 = arith.constant 1 : i32
      %sub3A_187 = arith.subi %shift_left3A_21, %sub3A_186 : i32
      %mul3A_188 = arith.constant 0 : i32
      %mul3A_189 = arith.muli %mul3A_188, %shift_left3A_21 : i32
      %add3A_190 = arith.addi %add3A_36, %mul3A_189 : i32
      %parallel_loop3A_191 = arith.constant 0 : i32
      %parallel_loop3A_192 = arith.constant 8 : i32
      %parallel_loop3A_193 = arith.constant 1 : i32
      %parallel_loop3A_194 = arith.constant 9.900000e+01 : f32
      %parallel_loop3A_195 = arith.constant 0.000000e+00 : f32
      %parallel_loop3A_196 = arith.constant 9.900000e+01 : f32
      %parallel_loop3A_197 = arith.constant 100 : i32
      scf.for %parallel_loop3A_326 = %parallel_loop3A_191 to %parallel_loop3A_192 step %parallel_loop3A_193  : i32 {
        %parallel_loop3A_327 = arith.constant 16 : i32
        %parallel_loop3A_328 = arith.muli %parallel_loop3A_326, %parallel_loop3A_327 : i32
        %parallel_loop3A_329 = arith.constant 3 : i32
        %parallel_loop3A_330 = arith.index_cast %parallel_loop3A_329 : i32 to index
        %parallel_loop3A_331 = arith.index_cast %parallel_loop3A_328 : i32 to index
        %parallel_loop3A_332 = tpu.vector_load %arg5[%parallel_loop3A_330, %parallel_loop3A_331] {strides = array<i32>} : memref<4x128xf32, #tpu.memory_space<vmem>>, vector<16xf32>,
        %parallel_loop3A_333 = arith.constant 16 : i32
        %parallel_loop3A_334 = arith.muli %parallel_loop3A_326, %parallel_loop3A_333 : i32
        %parallel_loop3A_335 = arith.constant 0 : i32
        %parallel_loop3A_336 = arith.index_cast %parallel_loop3A_335 : i32 to index
        %parallel_loop3A_337 = arith.index_cast %parallel_loop3A_334 : i32 to index
        %parallel_loop3A_338 = tpu.vector_load %arg5[%parallel_loop3A_336, %parallel_loop3A_337] {strides = array<i32>} : memref<4x128xf32, #tpu.memory_space<vmem>>, vector<16xf32>,
        %parallel_loop3A_339 = vector.broadcast %parallel_loop3A_194 : f32 to vector<16xf32>
        %parallel_loop3A_340 = arith.mulf %parallel_loop3A_339, %parallel_loop3A_332 : vector<16xf32>
        %parallel_loop3A_341 = vector.broadcast %parallel_loop3A_195 : f32 to vector<16xf32>
        %parallel_loop3A_342 = arith.addf %parallel_loop3A_340, %parallel_loop3A_341 : vector<16xf32>
        %parallel_loop3A_343 = arith.constant 0.000000e+00 : f32
        %parallel_loop3A_344 = vector.broadcast %parallel_loop3A_343 : f32 to vector<16xf32>
        %parallel_loop3A_345 = arith.maximumf %parallel_loop3A_342, %parallel_loop3A_344 : vector<16xf32>
        %parallel_loop3A_346 = vector.broadcast %parallel_loop3A_196 : f32 to vector<16xf32>
        %parallel_loop3A_347 = arith.minimumf %parallel_loop3A_345, %parallel_loop3A_346 : vector<16xf32>
        %parallel_loop3A_348 = vector.broadcast %mul3A_183 : f32 to vector<16xf32>
        %parallel_loop3A_349 = arith.mulf %parallel_loop3A_348, %parallel_loop3A_338 : vector<16xf32>
        %parallel_loop3A_350 = vector.broadcast %mul3A_183 : f32 to vector<16xf32>
        %parallel_loop3A_351 = arith.addf %parallel_loop3A_349, %parallel_loop3A_350 : vector<16xf32>
        %parallel_loop3A_352 = arith.constant 0.000000e+00 : f32
        %parallel_loop3A_353 = vector.broadcast %parallel_loop3A_352 : f32 to vector<16xf32>
        %parallel_loop3A_354 = arith.maximumf %parallel_loop3A_351, %parallel_loop3A_353 : vector<16xf32>
        %parallel_loop3A_355 = vector.broadcast %sub3A_185 : f32 to vector<16xf32>
        %parallel_loop3A_356 = arith.minimumf %parallel_loop3A_354, %parallel_loop3A_355 : vector<16xf32>
        %parallel_loop3A_357 = arith.fptosi %parallel_loop3A_347 : vector<16xf32> to vector<16xi32>
        %parallel_loop3A_358 = arith.fptosi %parallel_loop3A_356 : vector<16xf32> to vector<16xi32>
        %parallel_loop3A_359 = arith.sitofp %parallel_loop3A_357 : vector<16xi32> to vector<16xf32>
        %parallel_loop3A_360 = arith.subf %parallel_loop3A_347, %parallel_loop3A_359 : vector<16xf32>
        %parallel_loop3A_361 = arith.sitofp %parallel_loop3A_358 : vector<16xi32> to vector<16xf32>
        %parallel_loop3A_362 = arith.subf %parallel_loop3A_356, %parallel_loop3A_361 : vector<16xf32>
        %parallel_loop3A_363 = arith.constant 1 : i32
        %parallel_loop3A_364 = vector.broadcast %parallel_loop3A_363 : i32 to vector<16xi32>
        %parallel_loop3A_365 = arith.addi %parallel_loop3A_358, %parallel_loop3A_364 : vector<16xi32>
        %parallel_loop3A_366 = vector.broadcast %sub3A_187 : i32 to vector<16xi32>
        %parallel_loop3A_367 = arith.minsi %parallel_loop3A_365, %parallel_loop3A_366 : vector<16xi32>
        %parallel_loop3A_368 = vector.broadcast %parallel_loop3A_197 : i32 to vector<16xi32>
        %parallel_loop3A_369 = arith.muli %parallel_loop3A_358, %parallel_loop3A_368 : vector<16xi32>
        %parallel_loop3A_370 = vector.broadcast %add3A_190 : i32 to vector<16xi32>
        %parallel_loop3A_371 = arith.addi %parallel_loop3A_370, %parallel_loop3A_369 : vector<16xi32>
        %parallel_loop3A_372 = arith.addi %parallel_loop3A_371, %parallel_loop3A_357 : vector<16xi32>
        %parallel_loop3A_373 = vector.broadcast %parallel_loop3A_197 : i32 to vector<16xi32>
        %parallel_loop3A_374 = arith.muli %parallel_loop3A_367, %parallel_loop3A_373 : vector<16xi32>
        %parallel_loop3A_375 = vector.broadcast %add3A_190 : i32 to vector<16xi32>
        %parallel_loop3A_376 = arith.addi %parallel_loop3A_375, %parallel_loop3A_374 : vector<16xi32>
        %parallel_loop3A_377 = arith.addi %parallel_loop3A_376, %parallel_loop3A_357 : vector<16xi32>
        %parallel_loop3A_378 = arith.constant 256 : i32
        %parallel_loop3A_379 = arith.muli %add3A_179, %parallel_loop3A_378 : i32
        %parallel_loop3A_380 = arith.constant 16 : i32
        %parallel_loop3A_381 = arith.muli %parallel_loop3A_326, %parallel_loop3A_380 : i32
        %parallel_loop3A_382 = arith.addi %parallel_loop3A_379, %parallel_loop3A_381 : i32
        %parallel_loop3A_383 = arith.index_cast %parallel_loop3A_382 : i32 to index
        %parallel_loop3A_384 = tpu.vector_load %arg6[%parallel_loop3A_383] {strides = array<i32>} : memref<6144xi32, #tpu.memory_space<vmem>>, vector<16xi32>,
        tpu.vector_store %arg6[%parallel_loop3A_383], %parallel_loop3A_372 {strides = array<i32>} : memref<6144xi32, #tpu.memory_space<vmem>>, vector<16xi32>,
        %parallel_loop3A_385 = arith.constant 128 : i32
        %parallel_loop3A_386 = arith.addi %parallel_loop3A_382, %parallel_loop3A_385 : i32
        %parallel_loop3A_387 = arith.index_cast %parallel_loop3A_386 : i32 to index
        %parallel_loop3A_388 = tpu.vector_load %arg6[%parallel_loop3A_387] {strides = array<i32>} : memref<6144xi32, #tpu.memory_space<vmem>>, vector<16xi32>,
        tpu.vector_store %arg6[%parallel_loop3A_387], %parallel_loop3A_377 {strides = array<i32>} : memref<6144xi32, #tpu.memory_space<vmem>>, vector<16xi32>,
        %parallel_loop3A_389 = arith.index_cast %parallel_loop3A_382 : i32 to index
        %parallel_loop3A_390 = tpu.vector_load %arg7[%parallel_loop3A_389] {strides = array<i32>} : memref<6144xf32, #tpu.memory_space<vmem>>, vector<16xf32>,
        tpu.vector_store %arg7[%parallel_loop3A_389], %parallel_loop3A_360 {strides = array<i32>} : memref<6144xf32, #tpu.memory_space<vmem>>, vector<16xf32>,
        %parallel_loop3A_391 = arith.constant 128 : i32
        %parallel_loop3A_392 = arith.addi %parallel_loop3A_382, %parallel_loop3A_391 : i32
        %parallel_loop3A_393 = arith.index_cast %parallel_loop3A_392 : i32 to index
        %parallel_loop3A_394 = tpu.vector_load %arg7[%parallel_loop3A_393] {strides = array<i32>} : memref<6144xf32, #tpu.memory_space<vmem>>, vector<16xf32>,
        tpu.vector_store %arg7[%parallel_loop3A_393], %parallel_loop3A_362 {strides = array<i32>} : memref<6144xf32, #tpu.memory_space<vmem>>, vector<16xf32>,
      } {sc.loop_unroll_factor = 2 : i64, sc.parallel_access}
      %mul3A_198 = arith.constant 256 : i32
      %mul3A_199 = arith.muli %add3A_179, %mul3A_198 : i32
      %mul3A_200 = arith.constant 256 : i32
      %mul3A_201 = arith.muli %add3A_179, %mul3A_200 : i32
      %dma_start3A_202 = arith.constant 0 : i32
      %dma_start3A_203 = tpu.memref_slice %arg8[%mul3A_201, %dma_start3A_202] : memref<6144x16xf32, #tpu.memory_space<vmem>> -> memref<128x16xf32, #tpu.memory_space<vmem>>
      %dma_start3A_204 = tpu.memref_slice %arg6[%mul3A_199] : memref<6144xi32, #tpu.memory_space<vmem>> -> memref<128xi32, #tpu.memory_space<vmem>>
      %dma_start3A_205 = arith.constant 0 : i32
      %dma_start3A_206 = arith.constant 0 : i32
      %dma_start3A_207 = tpu.memref_slice %arg2[%dma_start3A_205, %dma_start3A_206] : memref<1332480x16xf32, #tpu.memory_space<hbm>> -> memref<1332480x16xf32, #tpu.memory_space<hbm>>
      %dma_start3A_208 = tpu.memref_slice %arg10[%scan3A_20] : memref<4x!tpu.dma_semaphore, #tpu.memory_space<semaphore_mem>> -> memref<1x!tpu.dma_semaphore, #tpu.memory_space<semaphore_mem>>
      %dma_start3A_209 = tpu.memref_squeeze %dma_start3A_208 : memref<1x!tpu.dma_semaphore, #tpu.memory_space<semaphore_mem>> -> memref<!tpu.dma_semaphore, #tpu.memory_space<semaphore_mem>>
      tpu.enqueue_indirect_dma source(%dma_start3A_207 : memref<1332480x16xf32, #tpu.memory_space<hbm>>) target(%dma_start3A_203 : memref<128x16xf32, #tpu.memory_space<vmem>>) offsets(%dma_start3A_204 : memref<128xi32, #tpu.memory_space<vmem>>) semaphore(%dma_start3A_209 : memref<!tpu.dma_semaphore, #tpu.memory_space<semaphore_mem>>)
      %mul3A_210 = arith.constant 256 : i32
      %mul3A_211 = arith.muli %add3A_179, %mul3A_210 : i32
      %add3A_212 = arith.constant 128 : i32
      %add3A_213 = arith.addi %mul3A_211, %add3A_212 : i32
      %mul3A_214 = arith.constant 256 : i32
      %mul3A_215 = arith.muli %add3A_179, %mul3A_214 : i32
      %add3A_216 = arith.constant 128 : i32
      %add3A_217 = arith.addi %mul3A_215, %add3A_216 : i32
      %dma_start3A_218 = arith.constant 0 : i32
      %dma_start3A_219 = tpu.memref_slice %arg8[%add3A_217, %dma_start3A_218] : memref<6144x16xf32, #tpu.memory_space<vmem>> -> memref<128x16xf32, #tpu.memory_space<vmem>>
      %dma_start3A_220 = tpu.memref_slice %arg6[%add3A_213] : memref<6144xi32, #tpu.memory_space<vmem>> -> memref<128xi32, #tpu.memory_space<vmem>>
      %dma_start3A_221 = arith.constant 0 : i32
      %dma_start3A_222 = arith.constant 0 : i32
      %dma_start3A_223 = tpu.memref_slice %arg2[%dma_start3A_221, %dma_start3A_222] : memref<1332480x16xf32, #tpu.memory_space<hbm>> -> memref<1332480x16xf32, #tpu.memory_space<hbm>>
      %dma_start3A_224 = tpu.memref_slice %arg10[%scan3A_20] : memref<4x!tpu.dma_semaphore, #tpu.memory_space<semaphore_mem>> -> memref<1x!tpu.dma_semaphore, #tpu.memory_space<semaphore_mem>>
      %dma_start3A_225 = tpu.memref_squeeze %dma_start3A_224 : memref<1x!tpu.dma_semaphore, #tpu.memory_space<semaphore_mem>> -> memref<!tpu.dma_semaphore, #tpu.memory_space<semaphore_mem>>
      tpu.enqueue_indirect_dma source(%dma_start3A_223 : memref<1332480x16xf32, #tpu.memory_space<hbm>>) target(%dma_start3A_219 : memref<128x16xf32, #tpu.memory_space<vmem>>) offsets(%dma_start3A_220 : memref<128xi32, #tpu.memory_space<vmem>>) semaphore(%dma_start3A_225 : memref<!tpu.dma_semaphore, #tpu.memory_space<semaphore_mem>>)
      %mul3A_226 = arith.constant 6 : i32
      %mul3A_227 = arith.muli %scan3A_20, %mul3A_226 : i32
      %add3A_228 = arith.constant 4 : i32
      %add3A_229 = arith.addi %mul3A_227, %add3A_228 : i32
      %sub3A_230 = arith.constant 1.000000e+00 : f32
      %sub3A_231 = arith.subf %convert_element_type3A, %sub3A_230 : f32
      %mul3A_232 = arith.constant 5.000000e-01 : f32
      %mul3A_233 = arith.mulf %mul3A_232, %sub3A_231 : f32
      %sub3A_234 = arith.constant 1.000000e+00 : f32
      %sub3A_235 = arith.subf %convert_element_type3A, %sub3A_234 : f32
      %sub3A_236 = arith.constant 1 : i32
      %sub3A_237 = arith.subi %shift_left3A_21, %sub3A_236 : i32
      %mul3A_238 = arith.constant 100 : i32
      %mul3A_239 = arith.muli %mul3A_238, %shift_left3A_21 : i32
      %add3A_240 = arith.addi %add3A_36, %mul3A_239 : i32
      %parallel_loop3A_241 = arith.constant 0 : i32
      %parallel_loop3A_242 = arith.constant 8 : i32
      %parallel_loop3A_243 = arith.constant 1 : i32
      %parallel_loop3A_244 = arith.constant 9.900000e+01 : f32
      %parallel_loop3A_245 = arith.constant 0.000000e+00 : f32
      %parallel_loop3A_246 = arith.constant 9.900000e+01 : f32
      %parallel_loop3A_247 = arith.constant 100 : i32
      scf.for %parallel_loop3A_326 = %parallel_loop3A_241 to %parallel_loop3A_242 step %parallel_loop3A_243  : i32 {
        %parallel_loop3A_327 = arith.constant 16 : i32
        %parallel_loop3A_328 = arith.muli %parallel_loop3A_326, %parallel_loop3A_327 : i32
        %parallel_loop3A_329 = arith.constant 3 : i32
        %parallel_loop3A_330 = arith.index_cast %parallel_loop3A_329 : i32 to index
        %parallel_loop3A_331 = arith.index_cast %parallel_loop3A_328 : i32 to index
        %parallel_loop3A_332 = tpu.vector_load %arg5[%parallel_loop3A_330, %parallel_loop3A_331] {strides = array<i32>} : memref<4x128xf32, #tpu.memory_space<vmem>>, vector<16xf32>,
        %parallel_loop3A_333 = arith.constant 16 : i32
        %parallel_loop3A_334 = arith.muli %parallel_loop3A_326, %parallel_loop3A_333 : i32
        %parallel_loop3A_335 = arith.constant 1 : i32
        %parallel_loop3A_336 = arith.index_cast %parallel_loop3A_335 : i32 to index
        %parallel_loop3A_337 = arith.index_cast %parallel_loop3A_334 : i32 to index
        %parallel_loop3A_338 = tpu.vector_load %arg5[%parallel_loop3A_336, %parallel_loop3A_337] {strides = array<i32>} : memref<4x128xf32, #tpu.memory_space<vmem>>, vector<16xf32>,
        %parallel_loop3A_339 = vector.broadcast %parallel_loop3A_244 : f32 to vector<16xf32>
        %parallel_loop3A_340 = arith.mulf %parallel_loop3A_339, %parallel_loop3A_332 : vector<16xf32>
        %parallel_loop3A_341 = vector.broadcast %parallel_loop3A_245 : f32 to vector<16xf32>
        %parallel_loop3A_342 = arith.addf %parallel_loop3A_340, %parallel_loop3A_341 : vector<16xf32>
        %parallel_loop3A_343 = arith.constant 0.000000e+00 : f32
        %parallel_loop3A_344 = vector.broadcast %parallel_loop3A_343 : f32 to vector<16xf32>
        %parallel_loop3A_345 = arith.maximumf %parallel_loop3A_342, %parallel_loop3A_344 : vector<16xf32>
        %parallel_loop3A_346 = vector.broadcast %parallel_loop3A_246 : f32 to vector<16xf32>
        %parallel_loop3A_347 = arith.minimumf %parallel_loop3A_345, %parallel_loop3A_346 : vector<16xf32>
        %parallel_loop3A_348 = vector.broadcast %mul3A_233 : f32 to vector<16xf32>
        %parallel_loop3A_349 = arith.mulf %parallel_loop3A_348, %parallel_loop3A_338 : vector<16xf32>
        %parallel_loop3A_350 = vector.broadcast %mul3A_233 : f32 to vector<16xf32>
        %parallel_loop3A_351 = arith.addf %parallel_loop3A_349, %parallel_loop3A_350 : vector<16xf32>
        %parallel_loop3A_352 = arith.constant 0.000000e+00 : f32
        %parallel_loop3A_353 = vector.broadcast %parallel_loop3A_352 : f32 to vector<16xf32>
        %parallel_loop3A_354 = arith.maximumf %parallel_loop3A_351, %parallel_loop3A_353 : vector<16xf32>
        %parallel_loop3A_355 = vector.broadcast %sub3A_235 : f32 to vector<16xf32>
        %parallel_loop3A_356 = arith.minimumf %parallel_loop3A_354, %parallel_loop3A_355 : vector<16xf32>
        %parallel_loop3A_357 = arith.fptosi %parallel_loop3A_347 : vector<16xf32> to vector<16xi32>
        %parallel_loop3A_358 = arith.fptosi %parallel_loop3A_356 : vector<16xf32> to vector<16xi32>
        %parallel_loop3A_359 = arith.sitofp %parallel_loop3A_357 : vector<16xi32> to vector<16xf32>
        %parallel_loop3A_360 = arith.subf %parallel_loop3A_347, %parallel_loop3A_359 : vector<16xf32>
        %parallel_loop3A_361 = arith.sitofp %parallel_loop3A_358 : vector<16xi32> to vector<16xf32>
        %parallel_loop3A_362 = arith.subf %parallel_loop3A_356, %parallel_loop3A_361 : vector<16xf32>
        %parallel_loop3A_363 = arith.constant 1 : i32
        %parallel_loop3A_364 = vector.broadcast %parallel_loop3A_363 : i32 to vector<16xi32>
        %parallel_loop3A_365 = arith.addi %parallel_loop3A_358, %parallel_loop3A_364 : vector<16xi32>
        %parallel_loop3A_366 = vector.broadcast %sub3A_237 : i32 to vector<16xi32>
        %parallel_loop3A_367 = arith.minsi %parallel_loop3A_365, %parallel_loop3A_366 : vector<16xi32>
        %parallel_loop3A_368 = vector.broadcast %parallel_loop3A_247 : i32 to vector<16xi32>
        %parallel_loop3A_369 = arith.muli %parallel_loop3A_358, %parallel_loop3A_368 : vector<16xi32>
        %parallel_loop3A_370 = vector.broadcast %add3A_240 : i32 to vector<16xi32>
        %parallel_loop3A_371 = arith.addi %parallel_loop3A_370, %parallel_loop3A_369 : vector<16xi32>
        %parallel_loop3A_372 = arith.addi %parallel_loop3A_371, %parallel_loop3A_357 : vector<16xi32>
        %parallel_loop3A_373 = vector.broadcast %parallel_loop3A_247 : i32 to vector<16xi32>
        %parallel_loop3A_374 = arith.muli %parallel_loop3A_367, %parallel_loop3A_373 : vector<16xi32>
        %parallel_loop3A_375 = vector.broadcast %add3A_240 : i32 to vector<16xi32>
        %parallel_loop3A_376 = arith.addi %parallel_loop3A_375, %parallel_loop3A_374 : vector<16xi32>
        %parallel_loop3A_377 = arith.addi %parallel_loop3A_376, %parallel_loop3A_357 : vector<16xi32>
        %parallel_loop3A_378 = arith.constant 256 : i32
        %parallel_loop3A_379 = arith.muli %add3A_229, %parallel_loop3A_378 : i32
        %parallel_loop3A_380 = arith.constant 16 : i32
        %parallel_loop3A_381 = arith.muli %parallel_loop3A_326, %parallel_loop3A_380 : i32
        %parallel_loop3A_382 = arith.addi %parallel_loop3A_379, %parallel_loop3A_381 : i32
        %parallel_loop3A_383 = arith.index_cast %parallel_loop3A_382 : i32 to index
        %parallel_loop3A_384 = tpu.vector_load %arg6[%parallel_loop3A_383] {strides = array<i32>} : memref<6144xi32, #tpu.memory_space<vmem>>, vector<16xi32>,
        tpu.vector_store %arg6[%parallel_loop3A_383], %parallel_loop3A_372 {strides = array<i32>} : memref<6144xi32, #tpu.memory_space<vmem>>, vector<16xi32>,
        %parallel_loop3A_385 = arith.constant 128 : i32
        %parallel_loop3A_386 = arith.addi %parallel_loop3A_382, %parallel_loop3A_385 : i32
        %parallel_loop3A_387 = arith.index_cast %parallel_loop3A_386 : i32 to index
        %parallel_loop3A_388 = tpu.vector_load %arg6[%parallel_loop3A_387] {strides = array<i32>} : memref<6144xi32, #tpu.memory_space<vmem>>, vector<16xi32>,
        tpu.vector_store %arg6[%parallel_loop3A_387], %parallel_loop3A_377 {strides = array<i32>} : memref<6144xi32, #tpu.memory_space<vmem>>, vector<16xi32>,
        %parallel_loop3A_389 = arith.index_cast %parallel_loop3A_382 : i32 to index
        %parallel_loop3A_390 = tpu.vector_load %arg7[%parallel_loop3A_389] {strides = array<i32>} : memref<6144xf32, #tpu.memory_space<vmem>>, vector<16xf32>,
        tpu.vector_store %arg7[%parallel_loop3A_389], %parallel_loop3A_360 {strides = array<i32>} : memref<6144xf32, #tpu.memory_space<vmem>>, vector<16xf32>,
        %parallel_loop3A_391 = arith.constant 128 : i32
        %parallel_loop3A_392 = arith.addi %parallel_loop3A_382, %parallel_loop3A_391 : i32
        %parallel_loop3A_393 = arith.index_cast %parallel_loop3A_392 : i32 to index
        %parallel_loop3A_394 = tpu.vector_load %arg7[%parallel_loop3A_393] {strides = array<i32>} : memref<6144xf32, #tpu.memory_space<vmem>>, vector<16xf32>,
        tpu.vector_store %arg7[%parallel_loop3A_393], %parallel_loop3A_362 {strides = array<i32>} : memref<6144xf32, #tpu.memory_space<vmem>>, vector<16xf32>,
      } {sc.loop_unroll_factor = 2 : i64, sc.parallel_access}
      %mul3A_248 = arith.constant 256 : i32
      %mul3A_249 = arith.muli %add3A_229, %mul3A_248 : i32
      %mul3A_250 = arith.constant 256 : i32
      %mul3A_251 = arith.muli %add3A_229, %mul3A_250 : i32
      %dma_start3A_252 = arith.constant 0 : i32
      %dma_start3A_253 = tpu.memref_slice %arg8[%mul3A_251, %dma_start3A_252] : memref<6144x16xf32, #tpu.memory_space<vmem>> -> memref<128x16xf32, #tpu.memory_space<vmem>>
      %dma_start3A_254 = tpu.memref_slice %arg6[%mul3A_249] : memref<6144xi32, #tpu.memory_space<vmem>> -> memref<128xi32, #tpu.memory_space<vmem>>
      %dma_start3A_255 = arith.constant 0 : i32
      %dma_start3A_256 = arith.constant 0 : i32
      %dma_start3A_257 = tpu.memref_slice %arg2[%dma_start3A_255, %dma_start3A_256] : memref<1332480x16xf32, #tpu.memory_space<hbm>> -> memref<1332480x16xf32, #tpu.memory_space<hbm>>
      %dma_start3A_258 = tpu.memref_slice %arg10[%scan3A_20] : memref<4x!tpu.dma_semaphore, #tpu.memory_space<semaphore_mem>> -> memref<1x!tpu.dma_semaphore, #tpu.memory_space<semaphore_mem>>
      %dma_start3A_259 = tpu.memref_squeeze %dma_start3A_258 : memref<1x!tpu.dma_semaphore, #tpu.memory_space<semaphore_mem>> -> memref<!tpu.dma_semaphore, #tpu.memory_space<semaphore_mem>>
      tpu.enqueue_indirect_dma source(%dma_start3A_257 : memref<1332480x16xf32, #tpu.memory_space<hbm>>) target(%dma_start3A_253 : memref<128x16xf32, #tpu.memory_space<vmem>>) offsets(%dma_start3A_254 : memref<128xi32, #tpu.memory_space<vmem>>) semaphore(%dma_start3A_259 : memref<!tpu.dma_semaphore, #tpu.memory_space<semaphore_mem>>)
      %mul3A_260 = arith.constant 256 : i32
      %mul3A_261 = arith.muli %add3A_229, %mul3A_260 : i32
      %add3A_262 = arith.constant 128 : i32
      %add3A_263 = arith.addi %mul3A_261, %add3A_262 : i32
      %mul3A_264 = arith.constant 256 : i32
      %mul3A_265 = arith.muli %add3A_229, %mul3A_264 : i32
      %add3A_266 = arith.constant 128 : i32
      %add3A_267 = arith.addi %mul3A_265, %add3A_266 : i32
      %dma_start3A_268 = arith.constant 0 : i32
      %dma_start3A_269 = tpu.memref_slice %arg8[%add3A_267, %dma_start3A_268] : memref<6144x16xf32, #tpu.memory_space<vmem>> -> memref<128x16xf32, #tpu.memory_space<vmem>>
      %dma_start3A_270 = tpu.memref_slice %arg6[%add3A_263] : memref<6144xi32, #tpu.memory_space<vmem>> -> memref<128xi32, #tpu.memory_space<vmem>>
      %dma_start3A_271 = arith.constant 0 : i32
      %dma_start3A_272 = arith.constant 0 : i32
      %dma_start3A_273 = tpu.memref_slice %arg2[%dma_start3A_271, %dma_start3A_272] : memref<1332480x16xf32, #tpu.memory_space<hbm>> -> memref<1332480x16xf32, #tpu.memory_space<hbm>>
      %dma_start3A_274 = tpu.memref_slice %arg10[%scan3A_20] : memref<4x!tpu.dma_semaphore, #tpu.memory_space<semaphore_mem>> -> memref<1x!tpu.dma_semaphore, #tpu.memory_space<semaphore_mem>>
      %dma_start3A_275 = tpu.memref_squeeze %dma_start3A_274 : memref<1x!tpu.dma_semaphore, #tpu.memory_space<semaphore_mem>> -> memref<!tpu.dma_semaphore, #tpu.memory_space<semaphore_mem>>
      tpu.enqueue_indirect_dma source(%dma_start3A_273 : memref<1332480x16xf32, #tpu.memory_space<hbm>>) target(%dma_start3A_269 : memref<128x16xf32, #tpu.memory_space<vmem>>) offsets(%dma_start3A_270 : memref<128xi32, #tpu.memory_space<vmem>>) semaphore(%dma_start3A_275 : memref<!tpu.dma_semaphore, #tpu.memory_space<semaphore_mem>>)
      %mul3A_276 = arith.constant 6 : i32
      %mul3A_277 = arith.muli %scan3A_20, %mul3A_276 : i32
      %add3A_278 = arith.constant 5 : i32
      %add3A_279 = arith.addi %mul3A_277, %add3A_278 : i32
      %sub3A_280 = arith.constant 1.000000e+00 : f32
      %sub3A_281 = arith.subf %convert_element_type3A, %sub3A_280 : f32
      %mul3A_282 = arith.constant 5.000000e-01 : f32
      %mul3A_283 = arith.mulf %mul3A_282, %sub3A_281 : f32
      %sub3A_284 = arith.constant 1.000000e+00 : f32
      %sub3A_285 = arith.subf %convert_element_type3A, %sub3A_284 : f32
      %sub3A_286 = arith.constant 1 : i32
      %sub3A_287 = arith.subi %shift_left3A_21, %sub3A_286 : i32
      %mul3A_288 = arith.constant 200 : i32
      %mul3A_289 = arith.muli %mul3A_288, %shift_left3A_21 : i32
      %add3A_290 = arith.addi %add3A_36, %mul3A_289 : i32
      %parallel_loop3A_291 = arith.constant 0 : i32
      %parallel_loop3A_292 = arith.constant 8 : i32
      %parallel_loop3A_293 = arith.constant 1 : i32
      %parallel_loop3A_294 = arith.constant 9.900000e+01 : f32
      %parallel_loop3A_295 = arith.constant 0.000000e+00 : f32
      %parallel_loop3A_296 = arith.constant 9.900000e+01 : f32
      %parallel_loop3A_297 = arith.constant 100 : i32
      scf.for %parallel_loop3A_326 = %parallel_loop3A_291 to %parallel_loop3A_292 step %parallel_loop3A_293  : i32 {
        %parallel_loop3A_327 = arith.constant 16 : i32
        %parallel_loop3A_328 = arith.muli %parallel_loop3A_326, %parallel_loop3A_327 : i32
        %parallel_loop3A_329 = arith.constant 3 : i32
        %parallel_loop3A_330 = arith.index_cast %parallel_loop3A_329 : i32 to index
        %parallel_loop3A_331 = arith.index_cast %parallel_loop3A_328 : i32 to index
        %parallel_loop3A_332 = tpu.vector_load %arg5[%parallel_loop3A_330, %parallel_loop3A_331] {strides = array<i32>} : memref<4x128xf32, #tpu.memory_space<vmem>>, vector<16xf32>,
        %parallel_loop3A_333 = arith.constant 16 : i32
        %parallel_loop3A_334 = arith.muli %parallel_loop3A_326, %parallel_loop3A_333 : i32
        %parallel_loop3A_335 = arith.constant 2 : i32
        %parallel_loop3A_336 = arith.index_cast %parallel_loop3A_335 : i32 to index
        %parallel_loop3A_337 = arith.index_cast %parallel_loop3A_334 : i32 to index
        %parallel_loop3A_338 = tpu.vector_load %arg5[%parallel_loop3A_336, %parallel_loop3A_337] {strides = array<i32>} : memref<4x128xf32, #tpu.memory_space<vmem>>, vector<16xf32>,
        %parallel_loop3A_339 = vector.broadcast %parallel_loop3A_294 : f32 to vector<16xf32>
        %parallel_loop3A_340 = arith.mulf %parallel_loop3A_339, %parallel_loop3A_332 : vector<16xf32>
        %parallel_loop3A_341 = vector.broadcast %parallel_loop3A_295 : f32 to vector<16xf32>
        %parallel_loop3A_342 = arith.addf %parallel_loop3A_340, %parallel_loop3A_341 : vector<16xf32>
        %parallel_loop3A_343 = arith.constant 0.000000e+00 : f32
        %parallel_loop3A_344 = vector.broadcast %parallel_loop3A_343 : f32 to vector<16xf32>
        %parallel_loop3A_345 = arith.maximumf %parallel_loop3A_342, %parallel_loop3A_344 : vector<16xf32>
        %parallel_loop3A_346 = vector.broadcast %parallel_loop3A_296 : f32 to vector<16xf32>
        %parallel_loop3A_347 = arith.minimumf %parallel_loop3A_345, %parallel_loop3A_346 : vector<16xf32>
        %parallel_loop3A_348 = vector.broadcast %mul3A_283 : f32 to vector<16xf32>
        %parallel_loop3A_349 = arith.mulf %parallel_loop3A_348, %parallel_loop3A_338 : vector<16xf32>
        %parallel_loop3A_350 = vector.broadcast %mul3A_283 : f32 to vector<16xf32>
        %parallel_loop3A_351 = arith.addf %parallel_loop3A_349, %parallel_loop3A_350 : vector<16xf32>
        %parallel_loop3A_352 = arith.constant 0.000000e+00 : f32
        %parallel_loop3A_353 = vector.broadcast %parallel_loop3A_352 : f32 to vector<16xf32>
        %parallel_loop3A_354 = arith.maximumf %parallel_loop3A_351, %parallel_loop3A_353 : vector<16xf32>
        %parallel_loop3A_355 = vector.broadcast %sub3A_285 : f32 to vector<16xf32>
        %parallel_loop3A_356 = arith.minimumf %parallel_loop3A_354, %parallel_loop3A_355 : vector<16xf32>
        %parallel_loop3A_357 = arith.fptosi %parallel_loop3A_347 : vector<16xf32> to vector<16xi32>
        %parallel_loop3A_358 = arith.fptosi %parallel_loop3A_356 : vector<16xf32> to vector<16xi32>
        %parallel_loop3A_359 = arith.sitofp %parallel_loop3A_357 : vector<16xi32> to vector<16xf32>
        %parallel_loop3A_360 = arith.subf %parallel_loop3A_347, %parallel_loop3A_359 : vector<16xf32>
        %parallel_loop3A_361 = arith.sitofp %parallel_loop3A_358 : vector<16xi32> to vector<16xf32>
        %parallel_loop3A_362 = arith.subf %parallel_loop3A_356, %parallel_loop3A_361 : vector<16xf32>
        %parallel_loop3A_363 = arith.constant 1 : i32
        %parallel_loop3A_364 = vector.broadcast %parallel_loop3A_363 : i32 to vector<16xi32>
        %parallel_loop3A_365 = arith.addi %parallel_loop3A_358, %parallel_loop3A_364 : vector<16xi32>
        %parallel_loop3A_366 = vector.broadcast %sub3A_287 : i32 to vector<16xi32>
        %parallel_loop3A_367 = arith.minsi %parallel_loop3A_365, %parallel_loop3A_366 : vector<16xi32>
        %parallel_loop3A_368 = vector.broadcast %parallel_loop3A_297 : i32 to vector<16xi32>
        %parallel_loop3A_369 = arith.muli %parallel_loop3A_358, %parallel_loop3A_368 : vector<16xi32>
        %parallel_loop3A_370 = vector.broadcast %add3A_290 : i32 to vector<16xi32>
        %parallel_loop3A_371 = arith.addi %parallel_loop3A_370, %parallel_loop3A_369 : vector<16xi32>
        %parallel_loop3A_372 = arith.addi %parallel_loop3A_371, %parallel_loop3A_357 : vector<16xi32>
        %parallel_loop3A_373 = vector.broadcast %parallel_loop3A_297 : i32 to vector<16xi32>
        %parallel_loop3A_374 = arith.muli %parallel_loop3A_367, %parallel_loop3A_373 : vector<16xi32>
        %parallel_loop3A_375 = vector.broadcast %add3A_290 : i32 to vector<16xi32>
        %parallel_loop3A_376 = arith.addi %parallel_loop3A_375, %parallel_loop3A_374 : vector<16xi32>
        %parallel_loop3A_377 = arith.addi %parallel_loop3A_376, %parallel_loop3A_357 : vector<16xi32>
        %parallel_loop3A_378 = arith.constant 256 : i32
        %parallel_loop3A_379 = arith.muli %add3A_279, %parallel_loop3A_378 : i32
        %parallel_loop3A_380 = arith.constant 16 : i32
        %parallel_loop3A_381 = arith.muli %parallel_loop3A_326, %parallel_loop3A_380 : i32
        %parallel_loop3A_382 = arith.addi %parallel_loop3A_379, %parallel_loop3A_381 : i32
        %parallel_loop3A_383 = arith.index_cast %parallel_loop3A_382 : i32 to index
        %parallel_loop3A_384 = tpu.vector_load %arg6[%parallel_loop3A_383] {strides = array<i32>} : memref<6144xi32, #tpu.memory_space<vmem>>, vector<16xi32>,
        tpu.vector_store %arg6[%parallel_loop3A_383], %parallel_loop3A_372 {strides = array<i32>} : memref<6144xi32, #tpu.memory_space<vmem>>, vector<16xi32>,
        %parallel_loop3A_385 = arith.constant 128 : i32
        %parallel_loop3A_386 = arith.addi %parallel_loop3A_382, %parallel_loop3A_385 : i32
        %parallel_loop3A_387 = arith.index_cast %parallel_loop3A_386 : i32 to index
        %parallel_loop3A_388 = tpu.vector_load %arg6[%parallel_loop3A_387] {strides = array<i32>} : memref<6144xi32, #tpu.memory_space<vmem>>, vector<16xi32>,
        tpu.vector_store %arg6[%parallel_loop3A_387], %parallel_loop3A_377 {strides = array<i32>} : memref<6144xi32, #tpu.memory_space<vmem>>, vector<16xi32>,
        %parallel_loop3A_389 = arith.index_cast %parallel_loop3A_382 : i32 to index
        %parallel_loop3A_390 = tpu.vector_load %arg7[%parallel_loop3A_389] {strides = array<i32>} : memref<6144xf32, #tpu.memory_space<vmem>>, vector<16xf32>,
        tpu.vector_store %arg7[%parallel_loop3A_389], %parallel_loop3A_360 {strides = array<i32>} : memref<6144xf32, #tpu.memory_space<vmem>>, vector<16xf32>,
        %parallel_loop3A_391 = arith.constant 128 : i32
        %parallel_loop3A_392 = arith.addi %parallel_loop3A_382, %parallel_loop3A_391 : i32
        %parallel_loop3A_393 = arith.index_cast %parallel_loop3A_392 : i32 to index
        %parallel_loop3A_394 = tpu.vector_load %arg7[%parallel_loop3A_393] {strides = array<i32>} : memref<6144xf32, #tpu.memory_space<vmem>>, vector<16xf32>,
        tpu.vector_store %arg7[%parallel_loop3A_393], %parallel_loop3A_362 {strides = array<i32>} : memref<6144xf32, #tpu.memory_space<vmem>>, vector<16xf32>,
      } {sc.loop_unroll_factor = 2 : i64, sc.parallel_access}
      %mul3A_298 = arith.constant 256 : i32
      %mul3A_299 = arith.muli %add3A_279, %mul3A_298 : i32
      %mul3A_300 = arith.constant 256 : i32
      %mul3A_301 = arith.muli %add3A_279, %mul3A_300 : i32
      %dma_start3A_302 = arith.constant 0 : i32
      %dma_start3A_303 = tpu.memref_slice %arg8[%mul3A_301, %dma_start3A_302] : memref<6144x16xf32, #tpu.memory_space<vmem>> -> memref<128x16xf32, #tpu.memory_space<vmem>>
      %dma_start3A_304 = tpu.memref_slice %arg6[%mul3A_299] : memref<6144xi32, #tpu.memory_space<vmem>> -> memref<128xi32, #tpu.memory_space<vmem>>
      %dma_start3A_305 = arith.constant 0 : i32
      %dma_start3A_306 = arith.constant 0 : i32
      %dma_start3A_307 = tpu.memref_slice %arg2[%dma_start3A_305, %dma_start3A_306] : memref<1332480x16xf32, #tpu.memory_space<hbm>> -> memref<1332480x16xf32, #tpu.memory_space<hbm>>
      %dma_start3A_308 = tpu.memref_slice %arg10[%scan3A_20] : memref<4x!tpu.dma_semaphore, #tpu.memory_space<semaphore_mem>> -> memref<1x!tpu.dma_semaphore, #tpu.memory_space<semaphore_mem>>
      %dma_start3A_309 = tpu.memref_squeeze %dma_start3A_308 : memref<1x!tpu.dma_semaphore, #tpu.memory_space<semaphore_mem>> -> memref<!tpu.dma_semaphore, #tpu.memory_space<semaphore_mem>>
      tpu.enqueue_indirect_dma source(%dma_start3A_307 : memref<1332480x16xf32, #tpu.memory_space<hbm>>) target(%dma_start3A_303 : memref<128x16xf32, #tpu.memory_space<vmem>>) offsets(%dma_start3A_304 : memref<128xi32, #tpu.memory_space<vmem>>) semaphore(%dma_start3A_309 : memref<!tpu.dma_semaphore, #tpu.memory_space<semaphore_mem>>)
      %mul3A_310 = arith.constant 256 : i32
      %mul3A_311 = arith.muli %add3A_279, %mul3A_310 : i32
      %add3A_312 = arith.constant 128 : i32
      %add3A_313 = arith.addi %mul3A_311, %add3A_312 : i32
      %mul3A_314 = arith.constant 256 : i32
      %mul3A_315 = arith.muli %add3A_279, %mul3A_314 : i32
      %add3A_316 = arith.constant 128 : i32
      %add3A_317 = arith.addi %mul3A_315, %add3A_316 : i32
      %dma_start3A_318 = arith.constant 0 : i32
      %dma_start3A_319 = tpu.memref_slice %arg8[%add3A_317, %dma_start3A_318] : memref<6144x16xf32, #tpu.memory_space<vmem>> -> memref<128x16xf32, #tpu.memory_space<vmem>>
      %dma_start3A_320 = tpu.memref_slice %arg6[%add3A_313] : memref<6144xi32, #tpu.memory_space<vmem>> -> memref<128xi32, #tpu.memory_space<vmem>>
      %dma_start3A_321 = arith.constant 0 : i32
      %dma_start3A_322 = arith.constant 0 : i32
      %dma_start3A_323 = tpu.memref_slice %arg2[%dma_start3A_321, %dma_start3A_322] : memref<1332480x16xf32, #tpu.memory_space<hbm>> -> memref<1332480x16xf32, #tpu.memory_space<hbm>>
      %dma_start3A_324 = tpu.memref_slice %arg10[%scan3A_20] : memref<4x!tpu.dma_semaphore, #tpu.memory_space<semaphore_mem>> -> memref<1x!tpu.dma_semaphore, #tpu.memory_space<semaphore_mem>>
      %dma_start3A_325 = tpu.memref_squeeze %dma_start3A_324 : memref<1x!tpu.dma_semaphore, #tpu.memory_space<semaphore_mem>> -> memref<!tpu.dma_semaphore, #tpu.memory_space<semaphore_mem>>
      tpu.enqueue_indirect_dma source(%dma_start3A_323 : memref<1332480x16xf32, #tpu.memory_space<hbm>>) target(%dma_start3A_319 : memref<128x16xf32, #tpu.memory_space<vmem>>) offsets(%dma_start3A_320 : memref<128xi32, #tpu.memory_space<vmem>>) semaphore(%dma_start3A_325 : memref<!tpu.dma_semaphore, #tpu.memory_space<semaphore_mem>>)
    }
    %scan3A_7 = arith.constant 4 : i32
    %scan3A_8 = arith.constant 0 : i32
    %scan3A_9 = arith.constant 0 : i32
    %scan3A_10 = arith.constant 128 : i32
    %scan3A_11 = arith.addi %scan3A_9, %scan3A_10 : i32
    %scan3A_12 = arith.constant 1 : i32
    scf.for %scan3A_20 = %scan3A_9 to %scan3A_11 step %scan3A_12  : i32 {
      %mul3A_21 = arith.constant 16384 : i32
      %mul3A_22 = arith.muli %add3A, %mul3A_21 : i32
      %mul3A_23 = arith.constant 128 : i32
      %mul3A_24 = arith.muli %scan3A_20, %mul3A_23 : i32
      %add3A_25 = arith.addi %mul3A_22, %mul3A_24 : i32
      %add3A_26 = arith.constant 1 : i32
      %add3A_27 = arith.addi %scan3A_20, %add3A_26 : i32
      %min3A = arith.constant 127 : i32
      %min3A_28 = arith.minsi %add3A_27, %min3A : i32
      %mul3A_29 = arith.constant 16384 : i32
      %mul3A_30 = arith.muli %add3A, %mul3A_29 : i32
      %mul3A_31 = arith.constant 128 : i32
      %mul3A_32 = arith.muli %min3A_28, %mul3A_31 : i32
      %add3A_33 = arith.addi %mul3A_30, %mul3A_32 : i32
      "tpu.region"() ({
        %run_scoped3A = tpu.sem_alloc : memref<!tpu.dma_semaphore, #tpu.memory_space<semaphore_mem>>
        %dma_start3A = arith.constant 0 : i32
        %dma_start3A_40 = tpu.memref_slice %arg3[%dma_start3A, %add3A_33] : memref<4x524288xf32, #tpu.memory_space<hbm>> -> memref<4x128xf32, #tpu.memory_space<hbm>>
        %dma_start3A_41 = arith.constant 0 : i32
        %dma_start3A_42 = tpu.memref_slice %arg3[%dma_start3A_41, %add3A_33] : memref<4x524288xf32, #tpu.memory_space<hbm>> -> memref<4x128xf32, #tpu.memory_space<hbm>>
        tpu.enqueue_dma source(%dma_start3A_42 : memref<4x128xf32, #tpu.memory_space<hbm>>) target(%arg5 : memref<4x128xf32, #tpu.memory_space<vmem>>) target_semaphore(%run_scoped3A : memref<!tpu.dma_semaphore, #tpu.memory_space<semaphore_mem>>)
        %dma_wait3A = arith.constant 0 : i32
        %dma_wait3A_43 = tpu.memref_slice %arg3[%dma_wait3A, %add3A_33] : memref<4x524288xf32, #tpu.memory_space<hbm>> -> memref<4x128xf32, #tpu.memory_space<hbm>>
        %dma_wait3A_44 = arith.constant 0 : i32
        %dma_wait3A_45 = tpu.memref_slice %arg3[%dma_wait3A_44, %add3A_33] : memref<4x524288xf32, #tpu.memory_space<hbm>> -> memref<4x128xf32, #tpu.memory_space<hbm>>
        tpu.wait_dma2 semaphore(%run_scoped3A : memref<!tpu.dma_semaphore, #tpu.memory_space<semaphore_mem>>) src(%dma_wait3A_45 : memref<4x128xf32, #tpu.memory_space<hbm>>) dst(%arg5 : memref<4x128xf32, #tpu.memory_space<vmem>>)
        tpu.yield
      }) : () -> ()
      %scan3A_34 = arith.constant 0 : i32
      %scan3A_35 = arith.constant 0 : i32
      %scan3A_36 = arith.constant 4 : i32
      %scan3A_37 = arith.addi %scan3A_35, %scan3A_36 : i32
      %scan3A_38 = arith.constant 1 : i32
      scf.for %scan3A_40 = %scan3A_35 to %scan3A_37 step %scan3A_38  : i32 {
        %mul3A_41 = arith.constant 6 : i32
        %mul3A_42 = arith.muli %scan3A_40, %mul3A_41 : i32
        %mul3A_43 = arith.constant 2 : i32
        %mul3A_44 = arith.muli %mul3A_42, %mul3A_43 : i32
        %mul3A_45 = arith.constant 128 : i32
        %mul3A_46 = arith.muli %mul3A_44, %mul3A_45 : i32
        %dma_wait3A = arith.constant 0 : i32
        %dma_wait3A_47 = tpu.memref_slice %arg8[%mul3A_46, %dma_wait3A] : memref<6144x16xf32, #tpu.memory_space<vmem>> -> memref<1536x16xf32, #tpu.memory_space<vmem>>
        %dma_wait3A_48 = arith.constant 0 : i32
        %dma_wait3A_49 = arith.constant 0 : i32
        %dma_wait3A_50 = tpu.memref_slice %arg2[%dma_wait3A_48, %dma_wait3A_49] : memref<1332480x16xf32, #tpu.memory_space<hbm>> -> memref<1536x16xf32, #tpu.memory_space<hbm>>
        %dma_wait3A_51 = tpu.memref_slice %arg10[%scan3A_40] : memref<4x!tpu.dma_semaphore, #tpu.memory_space<semaphore_mem>> -> memref<1x!tpu.dma_semaphore, #tpu.memory_space<semaphore_mem>>
        %dma_wait3A_52 = tpu.memref_squeeze %dma_wait3A_51 : memref<1x!tpu.dma_semaphore, #tpu.memory_space<semaphore_mem>> -> memref<!tpu.dma_semaphore, #tpu.memory_space<semaphore_mem>>
        %dma_wait3A_53 = arith.constant 0 : i32
        %dma_wait3A_54 = tpu.memref_slice %arg8[%mul3A_46, %dma_wait3A_53] : memref<6144x16xf32, #tpu.memory_space<vmem>> -> memref<1536x16xf32, #tpu.memory_space<vmem>>
        %dma_wait3A_55 = arith.constant 0 : i32
        %dma_wait3A_56 = arith.constant 0 : i32
        %dma_wait3A_57 = tpu.memref_slice %arg2[%dma_wait3A_55, %dma_wait3A_56] : memref<1332480x16xf32, #tpu.memory_space<hbm>> -> memref<1536x16xf32, #tpu.memory_space<hbm>>
        tpu.wait_dma2 semaphore(%dma_wait3A_52 : memref<!tpu.dma_semaphore, #tpu.memory_space<semaphore_mem>>) src(%dma_wait3A_57 : memref<1536x16xf32, #tpu.memory_space<hbm>>) dst(%dma_wait3A_54 : memref<1536x16xf32, #tpu.memory_space<vmem>>)
        %mul3A_58 = arith.constant 8 : i32
        %mul3A_59 = arith.muli %scan3A_40, %mul3A_58 : i32
        %parallel_loop3A = arith.constant 0 : i32
        %parallel_loop3A_60 = arith.constant 8 : i32
        %parallel_loop3A_61 = arith.constant 1 : i32
        scf.for %parallel_loop3A_368 = %parallel_loop3A to %parallel_loop3A_60 step %parallel_loop3A_61  : i32 {
          %parallel_loop3A_369 = arith.constant 16 : i32
          %parallel_loop3A_370 = arith.muli %parallel_loop3A_368, %parallel_loop3A_369 : i32
          %parallel_loop3A_371 = vector.broadcast %parallel_loop3A_370 : i32 to vector<16xi32>
          %parallel_loop3A_372 = arith.addi %iota3A, %parallel_loop3A_371 : vector<16xi32>
          %parallel_loop3A_373 = arith.constant 0.000000e+00 : f32
          %parallel_loop3A_374 = vector.broadcast %parallel_loop3A_373 : f32 to vector<16xf32>
          %parallel_loop3A_375 = arith.constant 0 : i32
          %parallel_loop3A_376 = arith.constant 6 : i32
          %parallel_loop3A_377 = arith.addi %parallel_loop3A_375, %parallel_loop3A_376 : i32
          %parallel_loop3A_378 = arith.constant 1 : i32
          %parallel_loop3A_379:8 = scf.for %scan3A_437 = %parallel_loop3A_375 to %parallel_loop3A_377 step %parallel_loop3A_378 iter_args(%scan3A_438 = %parallel_loop3A_374, %scan3A_439 = %parallel_loop3A_374, %scan3A_440 = %parallel_loop3A_374, %scan3A_441 = %parallel_loop3A_374, %scan3A_442 = %parallel_loop3A_374, %scan3A_443 = %parallel_loop3A_374, %scan3A_444 = %parallel_loop3A_374, %scan3A_445 = %parallel_loop3A_374) -> (vector<16xf32>, vector<16xf32>, vector<16xf32>, vector<16xf32>, vector<16xf32>, vector<16xf32>, vector<16xf32>, vector<16xf32>)  : i32 {
            %parallel_loop3A_446 = arith.constant 6 : i32
            %parallel_loop3A_447 = arith.muli %scan3A_40, %parallel_loop3A_446 : i32
            %parallel_loop3A_448 = arith.addi %parallel_loop3A_447, %scan3A_437 : i32
            %parallel_loop3A_449 = arith.constant 256 : i32
            %parallel_loop3A_450 = arith.muli %parallel_loop3A_448, %parallel_loop3A_449 : i32
            %parallel_loop3A_451 = arith.constant 16 : i32
            %parallel_loop3A_452 = arith.muli %parallel_loop3A_368, %parallel_loop3A_451 : i32
            %parallel_loop3A_453 = arith.addi %parallel_loop3A_450, %parallel_loop3A_452 : i32
            %parallel_loop3A_454 = arith.index_cast %parallel_loop3A_453 : i32 to index
            %parallel_loop3A_455 = tpu.vector_load %arg7[%parallel_loop3A_454] {strides = array<i32>} : memref<6144xf32, #tpu.memory_space<vmem>>, vector<16xf32>,
            %parallel_loop3A_456 = arith.constant 128 : i32
            %parallel_loop3A_457 = arith.addi %parallel_loop3A_453, %parallel_loop3A_456 : i32
            %parallel_loop3A_458 = arith.index_cast %parallel_loop3A_457 : i32 to index
            %parallel_loop3A_459 = tpu.vector_load %arg7[%parallel_loop3A_458] {strides = array<i32>} : memref<6144xf32, #tpu.memory_space<vmem>>, vector<16xf32>,
            %parallel_loop3A_460 = arith.mulf %parallel_loop3A_455, %parallel_loop3A_459 : vector<16xf32>
            %parallel_loop3A_461 = arith.subf %parallel_loop3A_455, %parallel_loop3A_460 : vector<16xf32>
            %parallel_loop3A_462 = arith.subf %parallel_loop3A_459, %parallel_loop3A_460 : vector<16xf32>
            %parallel_loop3A_463 = arith.constant 1.000000e+00 : f32
            %parallel_loop3A_464 = vector.broadcast %parallel_loop3A_463 : f32 to vector<16xf32>
            %parallel_loop3A_465 = arith.subf %parallel_loop3A_464, %parallel_loop3A_455 : vector<16xf32>
            %parallel_loop3A_466 = arith.subf %parallel_loop3A_465, %parallel_loop3A_462 : vector<16xf32>
            %parallel_loop3A_467 = arith.constant 256 : i32
            %parallel_loop3A_468 = arith.muli %parallel_loop3A_448, %parallel_loop3A_467 : i32
            %parallel_loop3A_469 = vector.broadcast %parallel_loop3A_468 : i32 to vector<16xi32>
            %parallel_loop3A_470 = arith.addi %parallel_loop3A_469, %parallel_loop3A_372 : vector<16xi32>
            %parallel_loop3A_471 = arith.constant 128 : i32
            %parallel_loop3A_472 = vector.broadcast %parallel_loop3A_471 : i32 to vector<16xi32>
            %parallel_loop3A_473 = arith.addi %parallel_loop3A_470, %parallel_loop3A_472 : vector<16xi32>
            %parallel_loop3A_474 = arith.constant 0 : i32
            %parallel_loop3A_475 = vector.broadcast %parallel_loop3A_474 : i32 to vector<16xi32>
            %parallel_loop3A_476 = arith.constant 8 : i32
            %parallel_loop3A_477 = vector.broadcast %parallel_loop3A_476 : i32 to vector<16xi32>
            %parallel_loop3A_478 = tpu.vector_load_idx %arg8[%parallel_loop3A_470, %parallel_loop3A_475] : memref<6144x16xf32, #tpu.memory_space<vmem>>[vector<16xi32>, vector<16xi32>], vector<16xf32>,
            %parallel_loop3A_479 = tpu.vector_load_idx %arg8[%parallel_loop3A_470, %parallel_loop3A_477] : memref<6144x16xf32, #tpu.memory_space<vmem>>[vector<16xi32>, vector<16xi32>], vector<16xf32>,
            %parallel_loop3A_480 = tpu.vector_load_idx %arg8[%parallel_loop3A_473, %parallel_loop3A_475] : memref<6144x16xf32, #tpu.memory_space<vmem>>[vector<16xi32>, vector<16xi32>], vector<16xf32>,
            %parallel_loop3A_481 = tpu.vector_load_idx %arg8[%parallel_loop3A_473, %parallel_loop3A_477] : memref<6144x16xf32, #tpu.memory_space<vmem>>[vector<16xi32>, vector<16xi32>], vector<16xf32>,
            %parallel_loop3A_482 = arith.mulf %parallel_loop3A_478, %parallel_loop3A_466 : vector<16xf32>
            %parallel_loop3A_483 = arith.addf %scan3A_438, %parallel_loop3A_482 : vector<16xf32>
            %parallel_loop3A_484 = arith.mulf %parallel_loop3A_479, %parallel_loop3A_461 : vector<16xf32>
            %parallel_loop3A_485 = arith.addf %parallel_loop3A_483, %parallel_loop3A_484 : vector<16xf32>
            %parallel_loop3A_486 = arith.mulf %parallel_loop3A_480, %parallel_loop3A_462 : vector<16xf32>
            %parallel_loop3A_487 = arith.addf %parallel_loop3A_485, %parallel_loop3A_486 : vector<16xf32>
            %parallel_loop3A_488 = arith.mulf %parallel_loop3A_481, %parallel_loop3A_460 : vector<16xf32>
            %parallel_loop3A_489 = arith.addf %parallel_loop3A_487, %parallel_loop3A_488 : vector<16xf32>
            %parallel_loop3A_490 = arith.constant 1 : i32
            %parallel_loop3A_491 = vector.broadcast %parallel_loop3A_490 : i32 to vector<16xi32>
            %parallel_loop3A_492 = arith.constant 9 : i32
            %parallel_loop3A_493 = vector.broadcast %parallel_loop3A_492 : i32 to vector<16xi32>
            %parallel_loop3A_494 = tpu.vector_load_idx %arg8[%parallel_loop3A_470, %parallel_loop3A_491] : memref<6144x16xf32, #tpu.memory_space<vmem>>[vector<16xi32>, vector<16xi32>], vector<16xf32>,
            %parallel_loop3A_495 = tpu.vector_load_idx %arg8[%parallel_loop3A_470, %parallel_loop3A_493] : memref<6144x16xf32, #tpu.memory_space<vmem>>[vector<16xi32>, vector<16xi32>], vector<16xf32>,
            %parallel_loop3A_496 = tpu.vector_load_idx %arg8[%parallel_loop3A_473, %parallel_loop3A_491] : memref<6144x16xf32, #tpu.memory_space<vmem>>[vector<16xi32>, vector<16xi32>], vector<16xf32>,
            %parallel_loop3A_497 = tpu.vector_load_idx %arg8[%parallel_loop3A_473, %parallel_loop3A_493] : memref<6144x16xf32, #tpu.memory_space<vmem>>[vector<16xi32>, vector<16xi32>], vector<16xf32>,
            %parallel_loop3A_498 = arith.mulf %parallel_loop3A_494, %parallel_loop3A_466 : vector<16xf32>
            %parallel_loop3A_499 = arith.addf %scan3A_439, %parallel_loop3A_498 : vector<16xf32>
            %parallel_loop3A_500 = arith.mulf %parallel_loop3A_495, %parallel_loop3A_461 : vector<16xf32>
            %parallel_loop3A_501 = arith.addf %parallel_loop3A_499, %parallel_loop3A_500 : vector<16xf32>
            %parallel_loop3A_502 = arith.mulf %parallel_loop3A_496, %parallel_loop3A_462 : vector<16xf32>
            %parallel_loop3A_503 = arith.addf %parallel_loop3A_501, %parallel_loop3A_502 : vector<16xf32>
            %parallel_loop3A_504 = arith.mulf %parallel_loop3A_497, %parallel_loop3A_460 : vector<16xf32>
            %parallel_loop3A_505 = arith.addf %parallel_loop3A_503, %parallel_loop3A_504 : vector<16xf32>
            %parallel_loop3A_506 = arith.constant 2 : i32
            %parallel_loop3A_507 = vector.broadcast %parallel_loop3A_506 : i32 to vector<16xi32>
            %parallel_loop3A_508 = arith.constant 10 : i32
            %parallel_loop3A_509 = vector.broadcast %parallel_loop3A_508 : i32 to vector<16xi32>
            %parallel_loop3A_510 = tpu.vector_load_idx %arg8[%parallel_loop3A_470, %parallel_loop3A_507] : memref<6144x16xf32, #tpu.memory_space<vmem>>[vector<16xi32>, vector<16xi32>], vector<16xf32>,
            %parallel_loop3A_511 = tpu.vector_load_idx %arg8[%parallel_loop3A_470, %parallel_loop3A_509] : memref<6144x16xf32, #tpu.memory_space<vmem>>[vector<16xi32>, vector<16xi32>], vector<16xf32>,
            %parallel_loop3A_512 = tpu.vector_load_idx %arg8[%parallel_loop3A_473, %parallel_loop3A_507] : memref<6144x16xf32, #tpu.memory_space<vmem>>[vector<16xi32>, vector<16xi32>], vector<16xf32>,
            %parallel_loop3A_513 = tpu.vector_load_idx %arg8[%parallel_loop3A_473, %parallel_loop3A_509] : memref<6144x16xf32, #tpu.memory_space<vmem>>[vector<16xi32>, vector<16xi32>], vector<16xf32>,
            %parallel_loop3A_514 = arith.mulf %parallel_loop3A_510, %parallel_loop3A_466 : vector<16xf32>
            %parallel_loop3A_515 = arith.addf %scan3A_440, %parallel_loop3A_514 : vector<16xf32>
            %parallel_loop3A_516 = arith.mulf %parallel_loop3A_511, %parallel_loop3A_461 : vector<16xf32>
            %parallel_loop3A_517 = arith.addf %parallel_loop3A_515, %parallel_loop3A_516 : vector<16xf32>
            %parallel_loop3A_518 = arith.mulf %parallel_loop3A_512, %parallel_loop3A_462 : vector<16xf32>
            %parallel_loop3A_519 = arith.addf %parallel_loop3A_517, %parallel_loop3A_518 : vector<16xf32>
            %parallel_loop3A_520 = arith.mulf %parallel_loop3A_513, %parallel_loop3A_460 : vector<16xf32>
            %parallel_loop3A_521 = arith.addf %parallel_loop3A_519, %parallel_loop3A_520 : vector<16xf32>
            %parallel_loop3A_522 = arith.constant 3 : i32
            %parallel_loop3A_523 = vector.broadcast %parallel_loop3A_522 : i32 to vector<16xi32>
            %parallel_loop3A_524 = arith.constant 11 : i32
            %parallel_loop3A_525 = vector.broadcast %parallel_loop3A_524 : i32 to vector<16xi32>
            %parallel_loop3A_526 = tpu.vector_load_idx %arg8[%parallel_loop3A_470, %parallel_loop3A_523] : memref<6144x16xf32, #tpu.memory_space<vmem>>[vector<16xi32>, vector<16xi32>], vector<16xf32>,
            %parallel_loop3A_527 = tpu.vector_load_idx %arg8[%parallel_loop3A_470, %parallel_loop3A_525] : memref<6144x16xf32, #tpu.memory_space<vmem>>[vector<16xi32>, vector<16xi32>], vector<16xf32>,
            %parallel_loop3A_528 = tpu.vector_load_idx %arg8[%parallel_loop3A_473, %parallel_loop3A_523] : memref<6144x16xf32, #tpu.memory_space<vmem>>[vector<16xi32>, vector<16xi32>], vector<16xf32>,
            %parallel_loop3A_529 = tpu.vector_load_idx %arg8[%parallel_loop3A_473, %parallel_loop3A_525] : memref<6144x16xf32, #tpu.memory_space<vmem>>[vector<16xi32>, vector<16xi32>], vector<16xf32>,
            %parallel_loop3A_530 = arith.mulf %parallel_loop3A_526, %parallel_loop3A_466 : vector<16xf32>
            %parallel_loop3A_531 = arith.addf %scan3A_441, %parallel_loop3A_530 : vector<16xf32>
            %parallel_loop3A_532 = arith.mulf %parallel_loop3A_527, %parallel_loop3A_461 : vector<16xf32>
            %parallel_loop3A_533 = arith.addf %parallel_loop3A_531, %parallel_loop3A_532 : vector<16xf32>
            %parallel_loop3A_534 = arith.mulf %parallel_loop3A_528, %parallel_loop3A_462 : vector<16xf32>
            %parallel_loop3A_535 = arith.addf %parallel_loop3A_533, %parallel_loop3A_534 : vector<16xf32>
            %parallel_loop3A_536 = arith.mulf %parallel_loop3A_529, %parallel_loop3A_460 : vector<16xf32>
            %parallel_loop3A_537 = arith.addf %parallel_loop3A_535, %parallel_loop3A_536 : vector<16xf32>
            %parallel_loop3A_538 = arith.constant 4 : i32
            %parallel_loop3A_539 = vector.broadcast %parallel_loop3A_538 : i32 to vector<16xi32>
            %parallel_loop3A_540 = arith.constant 12 : i32
            %parallel_loop3A_541 = vector.broadcast %parallel_loop3A_540 : i32 to vector<16xi32>
            %parallel_loop3A_542 = tpu.vector_load_idx %arg8[%parallel_loop3A_470, %parallel_loop3A_539] : memref<6144x16xf32, #tpu.memory_space<vmem>>[vector<16xi32>, vector<16xi32>], vector<16xf32>,
            %parallel_loop3A_543 = tpu.vector_load_idx %arg8[%parallel_loop3A_470, %parallel_loop3A_541] : memref<6144x16xf32, #tpu.memory_space<vmem>>[vector<16xi32>, vector<16xi32>], vector<16xf32>,
            %parallel_loop3A_544 = tpu.vector_load_idx %arg8[%parallel_loop3A_473, %parallel_loop3A_539] : memref<6144x16xf32, #tpu.memory_space<vmem>>[vector<16xi32>, vector<16xi32>], vector<16xf32>,
            %parallel_loop3A_545 = tpu.vector_load_idx %arg8[%parallel_loop3A_473, %parallel_loop3A_541] : memref<6144x16xf32, #tpu.memory_space<vmem>>[vector<16xi32>, vector<16xi32>], vector<16xf32>,
            %parallel_loop3A_546 = arith.mulf %parallel_loop3A_542, %parallel_loop3A_466 : vector<16xf32>
            %parallel_loop3A_547 = arith.addf %scan3A_442, %parallel_loop3A_546 : vector<16xf32>
            %parallel_loop3A_548 = arith.mulf %parallel_loop3A_543, %parallel_loop3A_461 : vector<16xf32>
            %parallel_loop3A_549 = arith.addf %parallel_loop3A_547, %parallel_loop3A_548 : vector<16xf32>
            %parallel_loop3A_550 = arith.mulf %parallel_loop3A_544, %parallel_loop3A_462 : vector<16xf32>
            %parallel_loop3A_551 = arith.addf %parallel_loop3A_549, %parallel_loop3A_550 : vector<16xf32>
            %parallel_loop3A_552 = arith.mulf %parallel_loop3A_545, %parallel_loop3A_460 : vector<16xf32>
            %parallel_loop3A_553 = arith.addf %parallel_loop3A_551, %parallel_loop3A_552 : vector<16xf32>
            %parallel_loop3A_554 = arith.constant 5 : i32
            %parallel_loop3A_555 = vector.broadcast %parallel_loop3A_554 : i32 to vector<16xi32>
            %parallel_loop3A_556 = arith.constant 13 : i32
            %parallel_loop3A_557 = vector.broadcast %parallel_loop3A_556 : i32 to vector<16xi32>
            %parallel_loop3A_558 = tpu.vector_load_idx %arg8[%parallel_loop3A_470, %parallel_loop3A_555] : memref<6144x16xf32, #tpu.memory_space<vmem>>[vector<16xi32>, vector<16xi32>], vector<16xf32>,
            %parallel_loop3A_559 = tpu.vector_load_idx %arg8[%parallel_loop3A_470, %parallel_loop3A_557] : memref<6144x16xf32, #tpu.memory_space<vmem>>[vector<16xi32>, vector<16xi32>], vector<16xf32>,
            %parallel_loop3A_560 = tpu.vector_load_idx %arg8[%parallel_loop3A_473, %parallel_loop3A_555] : memref<6144x16xf32, #tpu.memory_space<vmem>>[vector<16xi32>, vector<16xi32>], vector<16xf32>,
            %parallel_loop3A_561 = tpu.vector_load_idx %arg8[%parallel_loop3A_473, %parallel_loop3A_557] : memref<6144x16xf32, #tpu.memory_space<vmem>>[vector<16xi32>, vector<16xi32>], vector<16xf32>,
            %parallel_loop3A_562 = arith.mulf %parallel_loop3A_558, %parallel_loop3A_466 : vector<16xf32>
            %parallel_loop3A_563 = arith.addf %scan3A_443, %parallel_loop3A_562 : vector<16xf32>
            %parallel_loop3A_564 = arith.mulf %parallel_loop3A_559, %parallel_loop3A_461 : vector<16xf32>
            %parallel_loop3A_565 = arith.addf %parallel_loop3A_563, %parallel_loop3A_564 : vector<16xf32>
            %parallel_loop3A_566 = arith.mulf %parallel_loop3A_560, %parallel_loop3A_462 : vector<16xf32>
            %parallel_loop3A_567 = arith.addf %parallel_loop3A_565, %parallel_loop3A_566 : vector<16xf32>
            %parallel_loop3A_568 = arith.mulf %parallel_loop3A_561, %parallel_loop3A_460 : vector<16xf32>
            %parallel_loop3A_569 = arith.addf %parallel_loop3A_567, %parallel_loop3A_568 : vector<16xf32>
            %parallel_loop3A_570 = arith.constant 6 : i32
            %parallel_loop3A_571 = vector.broadcast %parallel_loop3A_570 : i32 to vector<16xi32>
            %parallel_loop3A_572 = arith.constant 14 : i32
            %parallel_loop3A_573 = vector.broadcast %parallel_loop3A_572 : i32 to vector<16xi32>
            %parallel_loop3A_574 = tpu.vector_load_idx %arg8[%parallel_loop3A_470, %parallel_loop3A_571] : memref<6144x16xf32, #tpu.memory_space<vmem>>[vector<16xi32>, vector<16xi32>], vector<16xf32>,
            %parallel_loop3A_575 = tpu.vector_load_idx %arg8[%parallel_loop3A_470, %parallel_loop3A_573] : memref<6144x16xf32, #tpu.memory_space<vmem>>[vector<16xi32>, vector<16xi32>], vector<16xf32>,
            %parallel_loop3A_576 = tpu.vector_load_idx %arg8[%parallel_loop3A_473, %parallel_loop3A_571] : memref<6144x16xf32, #tpu.memory_space<vmem>>[vector<16xi32>, vector<16xi32>], vector<16xf32>,
            %parallel_loop3A_577 = tpu.vector_load_idx %arg8[%parallel_loop3A_473, %parallel_loop3A_573] : memref<6144x16xf32, #tpu.memory_space<vmem>>[vector<16xi32>, vector<16xi32>], vector<16xf32>,
            %parallel_loop3A_578 = arith.mulf %parallel_loop3A_574, %parallel_loop3A_466 : vector<16xf32>
            %parallel_loop3A_579 = arith.addf %scan3A_444, %parallel_loop3A_578 : vector<16xf32>
            %parallel_loop3A_580 = arith.mulf %parallel_loop3A_575, %parallel_loop3A_461 : vector<16xf32>
            %parallel_loop3A_581 = arith.addf %parallel_loop3A_579, %parallel_loop3A_580 : vector<16xf32>
            %parallel_loop3A_582 = arith.mulf %parallel_loop3A_576, %parallel_loop3A_462 : vector<16xf32>
            %parallel_loop3A_583 = arith.addf %parallel_loop3A_581, %parallel_loop3A_582 : vector<16xf32>
            %parallel_loop3A_584 = arith.mulf %parallel_loop3A_577, %parallel_loop3A_460 : vector<16xf32>
            %parallel_loop3A_585 = arith.addf %parallel_loop3A_583, %parallel_loop3A_584 : vector<16xf32>
            %parallel_loop3A_586 = arith.constant 7 : i32
            %parallel_loop3A_587 = vector.broadcast %parallel_loop3A_586 : i32 to vector<16xi32>
            %parallel_loop3A_588 = arith.constant 15 : i32
            %parallel_loop3A_589 = vector.broadcast %parallel_loop3A_588 : i32 to vector<16xi32>
            %parallel_loop3A_590 = tpu.vector_load_idx %arg8[%parallel_loop3A_470, %parallel_loop3A_587] : memref<6144x16xf32, #tpu.memory_space<vmem>>[vector<16xi32>, vector<16xi32>], vector<16xf32>,
            %parallel_loop3A_591 = tpu.vector_load_idx %arg8[%parallel_loop3A_470, %parallel_loop3A_589] : memref<6144x16xf32, #tpu.memory_space<vmem>>[vector<16xi32>, vector<16xi32>], vector<16xf32>,
            %parallel_loop3A_592 = tpu.vector_load_idx %arg8[%parallel_loop3A_473, %parallel_loop3A_587] : memref<6144x16xf32, #tpu.memory_space<vmem>>[vector<16xi32>, vector<16xi32>], vector<16xf32>,
            %parallel_loop3A_593 = tpu.vector_load_idx %arg8[%parallel_loop3A_473, %parallel_loop3A_589] : memref<6144x16xf32, #tpu.memory_space<vmem>>[vector<16xi32>, vector<16xi32>], vector<16xf32>,
            %parallel_loop3A_594 = arith.mulf %parallel_loop3A_590, %parallel_loop3A_466 : vector<16xf32>
            %parallel_loop3A_595 = arith.addf %scan3A_445, %parallel_loop3A_594 : vector<16xf32>
            %parallel_loop3A_596 = arith.mulf %parallel_loop3A_591, %parallel_loop3A_461 : vector<16xf32>
            %parallel_loop3A_597 = arith.addf %parallel_loop3A_595, %parallel_loop3A_596 : vector<16xf32>
            %parallel_loop3A_598 = arith.mulf %parallel_loop3A_592, %parallel_loop3A_462 : vector<16xf32>
            %parallel_loop3A_599 = arith.addf %parallel_loop3A_597, %parallel_loop3A_598 : vector<16xf32>
            %parallel_loop3A_600 = arith.mulf %parallel_loop3A_593, %parallel_loop3A_460 : vector<16xf32>
            %parallel_loop3A_601 = arith.addf %parallel_loop3A_599, %parallel_loop3A_600 : vector<16xf32>
            scf.yield %parallel_loop3A_489, %parallel_loop3A_505, %parallel_loop3A_521, %parallel_loop3A_537, %parallel_loop3A_553, %parallel_loop3A_569, %parallel_loop3A_585, %parallel_loop3A_601 : vector<16xf32>, vector<16xf32>, vector<16xf32>, vector<16xf32>, vector<16xf32>, vector<16xf32>, vector<16xf32>, vector<16xf32>
          }
          %parallel_loop3A_380 = arith.constant 6 : i32
          %parallel_loop3A_381 = arith.constant 0 : i32
          %parallel_loop3A_382 = arith.addi %mul3A_59, %parallel_loop3A_381 : i32
          %parallel_loop3A_383 = arith.constant 16 : i32
          %parallel_loop3A_384 = arith.muli %parallel_loop3A_368, %parallel_loop3A_383 : i32
          %parallel_loop3A_385 = arith.index_cast %parallel_loop3A_382 : i32 to index
          %parallel_loop3A_386 = arith.index_cast %parallel_loop3A_384 : i32 to index
          %parallel_loop3A_387 = tpu.vector_load %arg9[%parallel_loop3A_385, %parallel_loop3A_386] {strides = array<i32>} : memref<32x128xf32, #tpu.memory_space<vmem>>, vector<16xf32>,
          tpu.vector_store %arg9[%parallel_loop3A_385, %parallel_loop3A_386], %parallel_loop3A_379#0 {strides = array<i32>} : memref<32x128xf32, #tpu.memory_space<vmem>>, vector<16xf32>,
          %parallel_loop3A_388 = arith.constant 1 : i32
          %parallel_loop3A_389 = arith.addi %mul3A_59, %parallel_loop3A_388 : i32
          %parallel_loop3A_390 = arith.constant 16 : i32
          %parallel_loop3A_391 = arith.muli %parallel_loop3A_368, %parallel_loop3A_390 : i32
          %parallel_loop3A_392 = arith.index_cast %parallel_loop3A_389 : i32 to index
          %parallel_loop3A_393 = arith.index_cast %parallel_loop3A_391 : i32 to index
          %parallel_loop3A_394 = tpu.vector_load %arg9[%parallel_loop3A_392, %parallel_loop3A_393] {strides = array<i32>} : memref<32x128xf32, #tpu.memory_space<vmem>>, vector<16xf32>,
          tpu.vector_store %arg9[%parallel_loop3A_392, %parallel_loop3A_393], %parallel_loop3A_379#1 {strides = array<i32>} : memref<32x128xf32, #tpu.memory_space<vmem>>, vector<16xf32>,
          %parallel_loop3A_395 = arith.constant 2 : i32
          %parallel_loop3A_396 = arith.addi %mul3A_59, %parallel_loop3A_395 : i32
          %parallel_loop3A_397 = arith.constant 16 : i32
          %parallel_loop3A_398 = arith.muli %parallel_loop3A_368, %parallel_loop3A_397 : i32
          %parallel_loop3A_399 = arith.index_cast %parallel_loop3A_396 : i32 to index
          %parallel_loop3A_400 = arith.index_cast %parallel_loop3A_398 : i32 to index
          %parallel_loop3A_401 = tpu.vector_load %arg9[%parallel_loop3A_399, %parallel_loop3A_400] {strides = array<i32>} : memref<32x128xf32, #tpu.memory_space<vmem>>, vector<16xf32>,
          tpu.vector_store %arg9[%parallel_loop3A_399, %parallel_loop3A_400], %parallel_loop3A_379#2 {strides = array<i32>} : memref<32x128xf32, #tpu.memory_space<vmem>>, vector<16xf32>,
          %parallel_loop3A_402 = arith.constant 3 : i32
          %parallel_loop3A_403 = arith.addi %mul3A_59, %parallel_loop3A_402 : i32
          %parallel_loop3A_404 = arith.constant 16 : i32
          %parallel_loop3A_405 = arith.muli %parallel_loop3A_368, %parallel_loop3A_404 : i32
          %parallel_loop3A_406 = arith.index_cast %parallel_loop3A_403 : i32 to index
          %parallel_loop3A_407 = arith.index_cast %parallel_loop3A_405 : i32 to index
          %parallel_loop3A_408 = tpu.vector_load %arg9[%parallel_loop3A_406, %parallel_loop3A_407] {strides = array<i32>} : memref<32x128xf32, #tpu.memory_space<vmem>>, vector<16xf32>,
          tpu.vector_store %arg9[%parallel_loop3A_406, %parallel_loop3A_407], %parallel_loop3A_379#3 {strides = array<i32>} : memref<32x128xf32, #tpu.memory_space<vmem>>, vector<16xf32>,
          %parallel_loop3A_409 = arith.constant 4 : i32
          %parallel_loop3A_410 = arith.addi %mul3A_59, %parallel_loop3A_409 : i32
          %parallel_loop3A_411 = arith.constant 16 : i32
          %parallel_loop3A_412 = arith.muli %parallel_loop3A_368, %parallel_loop3A_411 : i32
          %parallel_loop3A_413 = arith.index_cast %parallel_loop3A_410 : i32 to index
          %parallel_loop3A_414 = arith.index_cast %parallel_loop3A_412 : i32 to index
          %parallel_loop3A_415 = tpu.vector_load %arg9[%parallel_loop3A_413, %parallel_loop3A_414] {strides = array<i32>} : memref<32x128xf32, #tpu.memory_space<vmem>>, vector<16xf32>,
          tpu.vector_store %arg9[%parallel_loop3A_413, %parallel_loop3A_414], %parallel_loop3A_379#4 {strides = array<i32>} : memref<32x128xf32, #tpu.memory_space<vmem>>, vector<16xf32>,
          %parallel_loop3A_416 = arith.constant 5 : i32
          %parallel_loop3A_417 = arith.addi %mul3A_59, %parallel_loop3A_416 : i32
          %parallel_loop3A_418 = arith.constant 16 : i32
          %parallel_loop3A_419 = arith.muli %parallel_loop3A_368, %parallel_loop3A_418 : i32
          %parallel_loop3A_420 = arith.index_cast %parallel_loop3A_417 : i32 to index
          %parallel_loop3A_421 = arith.index_cast %parallel_loop3A_419 : i32 to index
          %parallel_loop3A_422 = tpu.vector_load %arg9[%parallel_loop3A_420, %parallel_loop3A_421] {strides = array<i32>} : memref<32x128xf32, #tpu.memory_space<vmem>>, vector<16xf32>,
          tpu.vector_store %arg9[%parallel_loop3A_420, %parallel_loop3A_421], %parallel_loop3A_379#5 {strides = array<i32>} : memref<32x128xf32, #tpu.memory_space<vmem>>, vector<16xf32>,
          %parallel_loop3A_423 = arith.constant 6 : i32
          %parallel_loop3A_424 = arith.addi %mul3A_59, %parallel_loop3A_423 : i32
          %parallel_loop3A_425 = arith.constant 16 : i32
          %parallel_loop3A_426 = arith.muli %parallel_loop3A_368, %parallel_loop3A_425 : i32
          %parallel_loop3A_427 = arith.index_cast %parallel_loop3A_424 : i32 to index
          %parallel_loop3A_428 = arith.index_cast %parallel_loop3A_426 : i32 to index
          %parallel_loop3A_429 = tpu.vector_load %arg9[%parallel_loop3A_427, %parallel_loop3A_428] {strides = array<i32>} : memref<32x128xf32, #tpu.memory_space<vmem>>, vector<16xf32>,
          tpu.vector_store %arg9[%parallel_loop3A_427, %parallel_loop3A_428], %parallel_loop3A_379#6 {strides = array<i32>} : memref<32x128xf32, #tpu.memory_space<vmem>>, vector<16xf32>,
          %parallel_loop3A_430 = arith.constant 7 : i32
          %parallel_loop3A_431 = arith.addi %mul3A_59, %parallel_loop3A_430 : i32
          %parallel_loop3A_432 = arith.constant 16 : i32
          %parallel_loop3A_433 = arith.muli %parallel_loop3A_368, %parallel_loop3A_432 : i32
          %parallel_loop3A_434 = arith.index_cast %parallel_loop3A_431 : i32 to index
          %parallel_loop3A_435 = arith.index_cast %parallel_loop3A_433 : i32 to index
          %parallel_loop3A_436 = tpu.vector_load %arg9[%parallel_loop3A_434, %parallel_loop3A_435] {strides = array<i32>} : memref<32x128xf32, #tpu.memory_space<vmem>>, vector<16xf32>,
          tpu.vector_store %arg9[%parallel_loop3A_434, %parallel_loop3A_435], %parallel_loop3A_379#7 {strides = array<i32>} : memref<32x128xf32, #tpu.memory_space<vmem>>, vector<16xf32>,
        } {sc.loop_unroll_factor = 4 : i64, sc.parallel_access}
        %shift_left3A = arith.constant 64 : i32
        %shift_left3A_62 = arith.shli %shift_left3A, %scan3A_40 : i32
        %convert_element_type3A = arith.sitofp %shift_left3A_62 : i32 to f32
        %mul3A_63 = arith.constant 2 : i32
        %mul3A_64 = arith.muli %mul3A_63, %scan3A_40 : i32
        %shift_left3A_65 = arith.constant 1 : i32
        %shift_left3A_66 = arith.shli %shift_left3A_65, %mul3A_64 : i32
        %sub3A = arith.constant 1 : i32
        %sub3A_67 = arith.subi %shift_left3A_66, %sub3A : i32
        %mul3A_68 = arith.constant 4096 : i32
        %mul3A_69 = arith.muli %mul3A_68, %sub3A_67 : i32
        %shift_left3A_70 = arith.constant 1 : i32
        %shift_left3A_71 = arith.shli %shift_left3A_70, %scan3A_40 : i32
        %sub3A_72 = arith.constant 1 : i32
        %sub3A_73 = arith.subi %shift_left3A_71, %sub3A_72 : i32
        %mul3A_74 = arith.constant 19200 : i32
        %mul3A_75 = arith.muli %mul3A_74, %sub3A_73 : i32
        %add3A_76 = arith.constant 1044480 : i32
        %add3A_77 = arith.addi %add3A_76, %mul3A_75 : i32
        %mul3A_78 = arith.constant 6 : i32
        %mul3A_79 = arith.muli %scan3A_40, %mul3A_78 : i32
        %add3A_80 = arith.constant 0 : i32
        %add3A_81 = arith.addi %mul3A_79, %add3A_80 : i32
        %mul3A_82 = arith.constant 5.000000e-01 : f32
        %mul3A_83 = arith.mulf %mul3A_82, %convert_element_type3A : f32
        %sub3A_84 = arith.constant 5.000000e-01 : f32
        %sub3A_85 = arith.subf %mul3A_83, %sub3A_84 : f32
        %sub3A_86 = arith.constant 1.000000e+00 : f32
        %sub3A_87 = arith.subf %convert_element_type3A, %sub3A_86 : f32
        %sub3A_88 = arith.constant 1 : i32
        %sub3A_89 = arith.subi %shift_left3A_62, %sub3A_88 : i32
        %mul3A_90 = arith.constant 0 : i32
        %mul3A_91 = arith.muli %mul3A_90, %shift_left3A_62 : i32
        %mul3A_92 = arith.muli %mul3A_91, %shift_left3A_62 : i32
        %add3A_93 = arith.addi %mul3A_69, %mul3A_92 : i32
        %parallel_loop3A_94 = arith.constant 0 : i32
        %parallel_loop3A_95 = arith.constant 8 : i32
        %parallel_loop3A_96 = arith.constant 1 : i32
        scf.for %parallel_loop3A_368 = %parallel_loop3A_94 to %parallel_loop3A_95 step %parallel_loop3A_96  : i32 {
          %parallel_loop3A_369 = arith.constant 16 : i32
          %parallel_loop3A_370 = arith.muli %parallel_loop3A_368, %parallel_loop3A_369 : i32
          %parallel_loop3A_371 = arith.constant 0 : i32
          %parallel_loop3A_372 = arith.index_cast %parallel_loop3A_371 : i32 to index
          %parallel_loop3A_373 = arith.index_cast %parallel_loop3A_370 : i32 to index
          %parallel_loop3A_374 = tpu.vector_load %arg5[%parallel_loop3A_372, %parallel_loop3A_373] {strides = array<i32>} : memref<4x128xf32, #tpu.memory_space<vmem>>, vector<16xf32>,
          %parallel_loop3A_375 = arith.constant 16 : i32
          %parallel_loop3A_376 = arith.muli %parallel_loop3A_368, %parallel_loop3A_375 : i32
          %parallel_loop3A_377 = arith.constant 1 : i32
          %parallel_loop3A_378 = arith.index_cast %parallel_loop3A_377 : i32 to index
          %parallel_loop3A_379 = arith.index_cast %parallel_loop3A_376 : i32 to index
          %parallel_loop3A_380 = tpu.vector_load %arg5[%parallel_loop3A_378, %parallel_loop3A_379] {strides = array<i32>} : memref<4x128xf32, #tpu.memory_space<vmem>>, vector<16xf32>,
          %parallel_loop3A_381 = vector.broadcast %mul3A_83 : f32 to vector<16xf32>
          %parallel_loop3A_382 = arith.mulf %parallel_loop3A_381, %parallel_loop3A_374 : vector<16xf32>
          %parallel_loop3A_383 = vector.broadcast %sub3A_85 : f32 to vector<16xf32>
          %parallel_loop3A_384 = arith.addf %parallel_loop3A_382, %parallel_loop3A_383 : vector<16xf32>
          %parallel_loop3A_385 = arith.constant 0.000000e+00 : f32
          %parallel_loop3A_386 = vector.broadcast %parallel_loop3A_385 : f32 to vector<16xf32>
          %parallel_loop3A_387 = arith.maximumf %parallel_loop3A_384, %parallel_loop3A_386 : vector<16xf32>
          %parallel_loop3A_388 = vector.broadcast %sub3A_87 : f32 to vector<16xf32>
          %parallel_loop3A_389 = arith.minimumf %parallel_loop3A_387, %parallel_loop3A_388 : vector<16xf32>
          %parallel_loop3A_390 = vector.broadcast %mul3A_83 : f32 to vector<16xf32>
          %parallel_loop3A_391 = arith.mulf %parallel_loop3A_390, %parallel_loop3A_380 : vector<16xf32>
          %parallel_loop3A_392 = vector.broadcast %sub3A_85 : f32 to vector<16xf32>
          %parallel_loop3A_393 = arith.addf %parallel_loop3A_391, %parallel_loop3A_392 : vector<16xf32>
          %parallel_loop3A_394 = arith.constant 0.000000e+00 : f32
          %parallel_loop3A_395 = vector.broadcast %parallel_loop3A_394 : f32 to vector<16xf32>
          %parallel_loop3A_396 = arith.maximumf %parallel_loop3A_393, %parallel_loop3A_395 : vector<16xf32>
          %parallel_loop3A_397 = vector.broadcast %sub3A_87 : f32 to vector<16xf32>
          %parallel_loop3A_398 = arith.minimumf %parallel_loop3A_396, %parallel_loop3A_397 : vector<16xf32>
          %parallel_loop3A_399 = arith.fptosi %parallel_loop3A_389 : vector<16xf32> to vector<16xi32>
          %parallel_loop3A_400 = arith.fptosi %parallel_loop3A_398 : vector<16xf32> to vector<16xi32>
          %parallel_loop3A_401 = arith.sitofp %parallel_loop3A_399 : vector<16xi32> to vector<16xf32>
          %parallel_loop3A_402 = arith.subf %parallel_loop3A_389, %parallel_loop3A_401 : vector<16xf32>
          %parallel_loop3A_403 = arith.sitofp %parallel_loop3A_400 : vector<16xi32> to vector<16xf32>
          %parallel_loop3A_404 = arith.subf %parallel_loop3A_398, %parallel_loop3A_403 : vector<16xf32>
          %parallel_loop3A_405 = arith.constant 1 : i32
          %parallel_loop3A_406 = vector.broadcast %parallel_loop3A_405 : i32 to vector<16xi32>
          %parallel_loop3A_407 = arith.addi %parallel_loop3A_400, %parallel_loop3A_406 : vector<16xi32>
          %parallel_loop3A_408 = vector.broadcast %sub3A_89 : i32 to vector<16xi32>
          %parallel_loop3A_409 = arith.minsi %parallel_loop3A_407, %parallel_loop3A_408 : vector<16xi32>
          %parallel_loop3A_410 = vector.broadcast %shift_left3A_62 : i32 to vector<16xi32>
          %parallel_loop3A_411 = arith.muli %parallel_loop3A_400, %parallel_loop3A_410 : vector<16xi32>
          %parallel_loop3A_412 = vector.broadcast %add3A_93 : i32 to vector<16xi32>
          %parallel_loop3A_413 = arith.addi %parallel_loop3A_412, %parallel_loop3A_411 : vector<16xi32>
          %parallel_loop3A_414 = arith.addi %parallel_loop3A_413, %parallel_loop3A_399 : vector<16xi32>
          %parallel_loop3A_415 = vector.broadcast %shift_left3A_62 : i32 to vector<16xi32>
          %parallel_loop3A_416 = arith.muli %parallel_loop3A_409, %parallel_loop3A_415 : vector<16xi32>
          %parallel_loop3A_417 = vector.broadcast %add3A_93 : i32 to vector<16xi32>
          %parallel_loop3A_418 = arith.addi %parallel_loop3A_417, %parallel_loop3A_416 : vector<16xi32>
          %parallel_loop3A_419 = arith.addi %parallel_loop3A_418, %parallel_loop3A_399 : vector<16xi32>
          %parallel_loop3A_420 = arith.constant 256 : i32
          %parallel_loop3A_421 = arith.muli %add3A_81, %parallel_loop3A_420 : i32
          %parallel_loop3A_422 = arith.constant 16 : i32
          %parallel_loop3A_423 = arith.muli %parallel_loop3A_368, %parallel_loop3A_422 : i32
          %parallel_loop3A_424 = arith.addi %parallel_loop3A_421, %parallel_loop3A_423 : i32
          %parallel_loop3A_425 = arith.index_cast %parallel_loop3A_424 : i32 to index
          %parallel_loop3A_426 = tpu.vector_load %arg6[%parallel_loop3A_425] {strides = array<i32>} : memref<6144xi32, #tpu.memory_space<vmem>>, vector<16xi32>,
          tpu.vector_store %arg6[%parallel_loop3A_425], %parallel_loop3A_414 {strides = array<i32>} : memref<6144xi32, #tpu.memory_space<vmem>>, vector<16xi32>,
          %parallel_loop3A_427 = arith.constant 128 : i32
          %parallel_loop3A_428 = arith.addi %parallel_loop3A_424, %parallel_loop3A_427 : i32
          %parallel_loop3A_429 = arith.index_cast %parallel_loop3A_428 : i32 to index
          %parallel_loop3A_430 = tpu.vector_load %arg6[%parallel_loop3A_429] {strides = array<i32>} : memref<6144xi32, #tpu.memory_space<vmem>>, vector<16xi32>,
          tpu.vector_store %arg6[%parallel_loop3A_429], %parallel_loop3A_419 {strides = array<i32>} : memref<6144xi32, #tpu.memory_space<vmem>>, vector<16xi32>,
          %parallel_loop3A_431 = arith.index_cast %parallel_loop3A_424 : i32 to index
          %parallel_loop3A_432 = tpu.vector_load %arg7[%parallel_loop3A_431] {strides = array<i32>} : memref<6144xf32, #tpu.memory_space<vmem>>, vector<16xf32>,
          tpu.vector_store %arg7[%parallel_loop3A_431], %parallel_loop3A_402 {strides = array<i32>} : memref<6144xf32, #tpu.memory_space<vmem>>, vector<16xf32>,
          %parallel_loop3A_433 = arith.constant 128 : i32
          %parallel_loop3A_434 = arith.addi %parallel_loop3A_424, %parallel_loop3A_433 : i32
          %parallel_loop3A_435 = arith.index_cast %parallel_loop3A_434 : i32 to index
          %parallel_loop3A_436 = tpu.vector_load %arg7[%parallel_loop3A_435] {strides = array<i32>} : memref<6144xf32, #tpu.memory_space<vmem>>, vector<16xf32>,
          tpu.vector_store %arg7[%parallel_loop3A_435], %parallel_loop3A_404 {strides = array<i32>} : memref<6144xf32, #tpu.memory_space<vmem>>, vector<16xf32>,
        } {sc.loop_unroll_factor = 2 : i64, sc.parallel_access}
        %mul3A_97 = arith.constant 256 : i32
        %mul3A_98 = arith.muli %add3A_81, %mul3A_97 : i32
        %mul3A_99 = arith.constant 256 : i32
        %mul3A_100 = arith.muli %add3A_81, %mul3A_99 : i32
        %dma_start3A = arith.constant 0 : i32
        %dma_start3A_101 = tpu.memref_slice %arg8[%mul3A_100, %dma_start3A] : memref<6144x16xf32, #tpu.memory_space<vmem>> -> memref<128x16xf32, #tpu.memory_space<vmem>>
        %dma_start3A_102 = tpu.memref_slice %arg6[%mul3A_98] : memref<6144xi32, #tpu.memory_space<vmem>> -> memref<128xi32, #tpu.memory_space<vmem>>
        %dma_start3A_103 = arith.constant 0 : i32
        %dma_start3A_104 = arith.constant 0 : i32
        %dma_start3A_105 = tpu.memref_slice %arg2[%dma_start3A_103, %dma_start3A_104] : memref<1332480x16xf32, #tpu.memory_space<hbm>> -> memref<1332480x16xf32, #tpu.memory_space<hbm>>
        %dma_start3A_106 = tpu.memref_slice %arg10[%scan3A_40] : memref<4x!tpu.dma_semaphore, #tpu.memory_space<semaphore_mem>> -> memref<1x!tpu.dma_semaphore, #tpu.memory_space<semaphore_mem>>
        %dma_start3A_107 = tpu.memref_squeeze %dma_start3A_106 : memref<1x!tpu.dma_semaphore, #tpu.memory_space<semaphore_mem>> -> memref<!tpu.dma_semaphore, #tpu.memory_space<semaphore_mem>>
        tpu.enqueue_indirect_dma source(%dma_start3A_105 : memref<1332480x16xf32, #tpu.memory_space<hbm>>) target(%dma_start3A_101 : memref<128x16xf32, #tpu.memory_space<vmem>>) offsets(%dma_start3A_102 : memref<128xi32, #tpu.memory_space<vmem>>) semaphore(%dma_start3A_107 : memref<!tpu.dma_semaphore, #tpu.memory_space<semaphore_mem>>)
        %mul3A_108 = arith.constant 256 : i32
        %mul3A_109 = arith.muli %add3A_81, %mul3A_108 : i32
        %add3A_110 = arith.constant 128 : i32
        %add3A_111 = arith.addi %mul3A_109, %add3A_110 : i32
        %mul3A_112 = arith.constant 256 : i32
        %mul3A_113 = arith.muli %add3A_81, %mul3A_112 : i32
        %add3A_114 = arith.constant 128 : i32
        %add3A_115 = arith.addi %mul3A_113, %add3A_114 : i32
        %dma_start3A_116 = arith.constant 0 : i32
        %dma_start3A_117 = tpu.memref_slice %arg8[%add3A_115, %dma_start3A_116] : memref<6144x16xf32, #tpu.memory_space<vmem>> -> memref<128x16xf32, #tpu.memory_space<vmem>>
        %dma_start3A_118 = tpu.memref_slice %arg6[%add3A_111] : memref<6144xi32, #tpu.memory_space<vmem>> -> memref<128xi32, #tpu.memory_space<vmem>>
        %dma_start3A_119 = arith.constant 0 : i32
        %dma_start3A_120 = arith.constant 0 : i32
        %dma_start3A_121 = tpu.memref_slice %arg2[%dma_start3A_119, %dma_start3A_120] : memref<1332480x16xf32, #tpu.memory_space<hbm>> -> memref<1332480x16xf32, #tpu.memory_space<hbm>>
        %dma_start3A_122 = tpu.memref_slice %arg10[%scan3A_40] : memref<4x!tpu.dma_semaphore, #tpu.memory_space<semaphore_mem>> -> memref<1x!tpu.dma_semaphore, #tpu.memory_space<semaphore_mem>>
        %dma_start3A_123 = tpu.memref_squeeze %dma_start3A_122 : memref<1x!tpu.dma_semaphore, #tpu.memory_space<semaphore_mem>> -> memref<!tpu.dma_semaphore, #tpu.memory_space<semaphore_mem>>
        tpu.enqueue_indirect_dma source(%dma_start3A_121 : memref<1332480x16xf32, #tpu.memory_space<hbm>>) target(%dma_start3A_117 : memref<128x16xf32, #tpu.memory_space<vmem>>) offsets(%dma_start3A_118 : memref<128xi32, #tpu.memory_space<vmem>>) semaphore(%dma_start3A_123 : memref<!tpu.dma_semaphore, #tpu.memory_space<semaphore_mem>>)
        %mul3A_124 = arith.constant 6 : i32
        %mul3A_125 = arith.muli %scan3A_40, %mul3A_124 : i32
        %add3A_126 = arith.constant 1 : i32
        %add3A_127 = arith.addi %mul3A_125, %add3A_126 : i32
        %mul3A_128 = arith.constant 5.000000e-01 : f32
        %mul3A_129 = arith.mulf %mul3A_128, %convert_element_type3A : f32
        %sub3A_130 = arith.constant 5.000000e-01 : f32
        %sub3A_131 = arith.subf %mul3A_129, %sub3A_130 : f32
        %sub3A_132 = arith.constant 1.000000e+00 : f32
        %sub3A_133 = arith.subf %convert_element_type3A, %sub3A_132 : f32
        %sub3A_134 = arith.constant 1 : i32
        %sub3A_135 = arith.subi %shift_left3A_62, %sub3A_134 : i32
        %mul3A_136 = arith.constant 1 : i32
        %mul3A_137 = arith.muli %mul3A_136, %shift_left3A_62 : i32
        %mul3A_138 = arith.muli %mul3A_137, %shift_left3A_62 : i32
        %add3A_139 = arith.addi %mul3A_69, %mul3A_138 : i32
        %parallel_loop3A_140 = arith.constant 0 : i32
        %parallel_loop3A_141 = arith.constant 8 : i32
        %parallel_loop3A_142 = arith.constant 1 : i32
        scf.for %parallel_loop3A_368 = %parallel_loop3A_140 to %parallel_loop3A_141 step %parallel_loop3A_142  : i32 {
          %parallel_loop3A_369 = arith.constant 16 : i32
          %parallel_loop3A_370 = arith.muli %parallel_loop3A_368, %parallel_loop3A_369 : i32
          %parallel_loop3A_371 = arith.constant 0 : i32
          %parallel_loop3A_372 = arith.index_cast %parallel_loop3A_371 : i32 to index
          %parallel_loop3A_373 = arith.index_cast %parallel_loop3A_370 : i32 to index
          %parallel_loop3A_374 = tpu.vector_load %arg5[%parallel_loop3A_372, %parallel_loop3A_373] {strides = array<i32>} : memref<4x128xf32, #tpu.memory_space<vmem>>, vector<16xf32>,
          %parallel_loop3A_375 = arith.constant 16 : i32
          %parallel_loop3A_376 = arith.muli %parallel_loop3A_368, %parallel_loop3A_375 : i32
          %parallel_loop3A_377 = arith.constant 2 : i32
          %parallel_loop3A_378 = arith.index_cast %parallel_loop3A_377 : i32 to index
          %parallel_loop3A_379 = arith.index_cast %parallel_loop3A_376 : i32 to index
          %parallel_loop3A_380 = tpu.vector_load %arg5[%parallel_loop3A_378, %parallel_loop3A_379] {strides = array<i32>} : memref<4x128xf32, #tpu.memory_space<vmem>>, vector<16xf32>,
          %parallel_loop3A_381 = vector.broadcast %mul3A_129 : f32 to vector<16xf32>
          %parallel_loop3A_382 = arith.mulf %parallel_loop3A_381, %parallel_loop3A_374 : vector<16xf32>
          %parallel_loop3A_383 = vector.broadcast %sub3A_131 : f32 to vector<16xf32>
          %parallel_loop3A_384 = arith.addf %parallel_loop3A_382, %parallel_loop3A_383 : vector<16xf32>
          %parallel_loop3A_385 = arith.constant 0.000000e+00 : f32
          %parallel_loop3A_386 = vector.broadcast %parallel_loop3A_385 : f32 to vector<16xf32>
          %parallel_loop3A_387 = arith.maximumf %parallel_loop3A_384, %parallel_loop3A_386 : vector<16xf32>
          %parallel_loop3A_388 = vector.broadcast %sub3A_133 : f32 to vector<16xf32>
          %parallel_loop3A_389 = arith.minimumf %parallel_loop3A_387, %parallel_loop3A_388 : vector<16xf32>
          %parallel_loop3A_390 = vector.broadcast %mul3A_129 : f32 to vector<16xf32>
          %parallel_loop3A_391 = arith.mulf %parallel_loop3A_390, %parallel_loop3A_380 : vector<16xf32>
          %parallel_loop3A_392 = vector.broadcast %sub3A_131 : f32 to vector<16xf32>
          %parallel_loop3A_393 = arith.addf %parallel_loop3A_391, %parallel_loop3A_392 : vector<16xf32>
          %parallel_loop3A_394 = arith.constant 0.000000e+00 : f32
          %parallel_loop3A_395 = vector.broadcast %parallel_loop3A_394 : f32 to vector<16xf32>
          %parallel_loop3A_396 = arith.maximumf %parallel_loop3A_393, %parallel_loop3A_395 : vector<16xf32>
          %parallel_loop3A_397 = vector.broadcast %sub3A_133 : f32 to vector<16xf32>
          %parallel_loop3A_398 = arith.minimumf %parallel_loop3A_396, %parallel_loop3A_397 : vector<16xf32>
          %parallel_loop3A_399 = arith.fptosi %parallel_loop3A_389 : vector<16xf32> to vector<16xi32>
          %parallel_loop3A_400 = arith.fptosi %parallel_loop3A_398 : vector<16xf32> to vector<16xi32>
          %parallel_loop3A_401 = arith.sitofp %parallel_loop3A_399 : vector<16xi32> to vector<16xf32>
          %parallel_loop3A_402 = arith.subf %parallel_loop3A_389, %parallel_loop3A_401 : vector<16xf32>
          %parallel_loop3A_403 = arith.sitofp %parallel_loop3A_400 : vector<16xi32> to vector<16xf32>
          %parallel_loop3A_404 = arith.subf %parallel_loop3A_398, %parallel_loop3A_403 : vector<16xf32>
          %parallel_loop3A_405 = arith.constant 1 : i32
          %parallel_loop3A_406 = vector.broadcast %parallel_loop3A_405 : i32 to vector<16xi32>
          %parallel_loop3A_407 = arith.addi %parallel_loop3A_400, %parallel_loop3A_406 : vector<16xi32>
          %parallel_loop3A_408 = vector.broadcast %sub3A_135 : i32 to vector<16xi32>
          %parallel_loop3A_409 = arith.minsi %parallel_loop3A_407, %parallel_loop3A_408 : vector<16xi32>
          %parallel_loop3A_410 = vector.broadcast %shift_left3A_62 : i32 to vector<16xi32>
          %parallel_loop3A_411 = arith.muli %parallel_loop3A_400, %parallel_loop3A_410 : vector<16xi32>
          %parallel_loop3A_412 = vector.broadcast %add3A_139 : i32 to vector<16xi32>
          %parallel_loop3A_413 = arith.addi %parallel_loop3A_412, %parallel_loop3A_411 : vector<16xi32>
          %parallel_loop3A_414 = arith.addi %parallel_loop3A_413, %parallel_loop3A_399 : vector<16xi32>
          %parallel_loop3A_415 = vector.broadcast %shift_left3A_62 : i32 to vector<16xi32>
          %parallel_loop3A_416 = arith.muli %parallel_loop3A_409, %parallel_loop3A_415 : vector<16xi32>
          %parallel_loop3A_417 = vector.broadcast %add3A_139 : i32 to vector<16xi32>
          %parallel_loop3A_418 = arith.addi %parallel_loop3A_417, %parallel_loop3A_416 : vector<16xi32>
          %parallel_loop3A_419 = arith.addi %parallel_loop3A_418, %parallel_loop3A_399 : vector<16xi32>
          %parallel_loop3A_420 = arith.constant 256 : i32
          %parallel_loop3A_421 = arith.muli %add3A_127, %parallel_loop3A_420 : i32
          %parallel_loop3A_422 = arith.constant 16 : i32
          %parallel_loop3A_423 = arith.muli %parallel_loop3A_368, %parallel_loop3A_422 : i32
          %parallel_loop3A_424 = arith.addi %parallel_loop3A_421, %parallel_loop3A_423 : i32
          %parallel_loop3A_425 = arith.index_cast %parallel_loop3A_424 : i32 to index
          %parallel_loop3A_426 = tpu.vector_load %arg6[%parallel_loop3A_425] {strides = array<i32>} : memref<6144xi32, #tpu.memory_space<vmem>>, vector<16xi32>,
          tpu.vector_store %arg6[%parallel_loop3A_425], %parallel_loop3A_414 {strides = array<i32>} : memref<6144xi32, #tpu.memory_space<vmem>>, vector<16xi32>,
          %parallel_loop3A_427 = arith.constant 128 : i32
          %parallel_loop3A_428 = arith.addi %parallel_loop3A_424, %parallel_loop3A_427 : i32
          %parallel_loop3A_429 = arith.index_cast %parallel_loop3A_428 : i32 to index
          %parallel_loop3A_430 = tpu.vector_load %arg6[%parallel_loop3A_429] {strides = array<i32>} : memref<6144xi32, #tpu.memory_space<vmem>>, vector<16xi32>,
          tpu.vector_store %arg6[%parallel_loop3A_429], %parallel_loop3A_419 {strides = array<i32>} : memref<6144xi32, #tpu.memory_space<vmem>>, vector<16xi32>,
          %parallel_loop3A_431 = arith.index_cast %parallel_loop3A_424 : i32 to index
          %parallel_loop3A_432 = tpu.vector_load %arg7[%parallel_loop3A_431] {strides = array<i32>} : memref<6144xf32, #tpu.memory_space<vmem>>, vector<16xf32>,
          tpu.vector_store %arg7[%parallel_loop3A_431], %parallel_loop3A_402 {strides = array<i32>} : memref<6144xf32, #tpu.memory_space<vmem>>, vector<16xf32>,
          %parallel_loop3A_433 = arith.constant 128 : i32
          %parallel_loop3A_434 = arith.addi %parallel_loop3A_424, %parallel_loop3A_433 : i32
          %parallel_loop3A_435 = arith.index_cast %parallel_loop3A_434 : i32 to index
          %parallel_loop3A_436 = tpu.vector_load %arg7[%parallel_loop3A_435] {strides = array<i32>} : memref<6144xf32, #tpu.memory_space<vmem>>, vector<16xf32>,
          tpu.vector_store %arg7[%parallel_loop3A_435], %parallel_loop3A_404 {strides = array<i32>} : memref<6144xf32, #tpu.memory_space<vmem>>, vector<16xf32>,
        } {sc.loop_unroll_factor = 2 : i64, sc.parallel_access}
        %mul3A_143 = arith.constant 256 : i32
        %mul3A_144 = arith.muli %add3A_127, %mul3A_143 : i32
        %mul3A_145 = arith.constant 256 : i32
        %mul3A_146 = arith.muli %add3A_127, %mul3A_145 : i32
        %dma_start3A_147 = arith.constant 0 : i32
        %dma_start3A_148 = tpu.memref_slice %arg8[%mul3A_146, %dma_start3A_147] : memref<6144x16xf32, #tpu.memory_space<vmem>> -> memref<128x16xf32, #tpu.memory_space<vmem>>
        %dma_start3A_149 = tpu.memref_slice %arg6[%mul3A_144] : memref<6144xi32, #tpu.memory_space<vmem>> -> memref<128xi32, #tpu.memory_space<vmem>>
        %dma_start3A_150 = arith.constant 0 : i32
        %dma_start3A_151 = arith.constant 0 : i32
        %dma_start3A_152 = tpu.memref_slice %arg2[%dma_start3A_150, %dma_start3A_151] : memref<1332480x16xf32, #tpu.memory_space<hbm>> -> memref<1332480x16xf32, #tpu.memory_space<hbm>>
        %dma_start3A_153 = tpu.memref_slice %arg10[%scan3A_40] : memref<4x!tpu.dma_semaphore, #tpu.memory_space<semaphore_mem>> -> memref<1x!tpu.dma_semaphore, #tpu.memory_space<semaphore_mem>>
        %dma_start3A_154 = tpu.memref_squeeze %dma_start3A_153 : memref<1x!tpu.dma_semaphore, #tpu.memory_space<semaphore_mem>> -> memref<!tpu.dma_semaphore, #tpu.memory_space<semaphore_mem>>
        tpu.enqueue_indirect_dma source(%dma_start3A_152 : memref<1332480x16xf32, #tpu.memory_space<hbm>>) target(%dma_start3A_148 : memref<128x16xf32, #tpu.memory_space<vmem>>) offsets(%dma_start3A_149 : memref<128xi32, #tpu.memory_space<vmem>>) semaphore(%dma_start3A_154 : memref<!tpu.dma_semaphore, #tpu.memory_space<semaphore_mem>>)
        %mul3A_155 = arith.constant 256 : i32
        %mul3A_156 = arith.muli %add3A_127, %mul3A_155 : i32
        %add3A_157 = arith.constant 128 : i32
        %add3A_158 = arith.addi %mul3A_156, %add3A_157 : i32
        %mul3A_159 = arith.constant 256 : i32
        %mul3A_160 = arith.muli %add3A_127, %mul3A_159 : i32
        %add3A_161 = arith.constant 128 : i32
        %add3A_162 = arith.addi %mul3A_160, %add3A_161 : i32
        %dma_start3A_163 = arith.constant 0 : i32
        %dma_start3A_164 = tpu.memref_slice %arg8[%add3A_162, %dma_start3A_163] : memref<6144x16xf32, #tpu.memory_space<vmem>> -> memref<128x16xf32, #tpu.memory_space<vmem>>
        %dma_start3A_165 = tpu.memref_slice %arg6[%add3A_158] : memref<6144xi32, #tpu.memory_space<vmem>> -> memref<128xi32, #tpu.memory_space<vmem>>
        %dma_start3A_166 = arith.constant 0 : i32
        %dma_start3A_167 = arith.constant 0 : i32
        %dma_start3A_168 = tpu.memref_slice %arg2[%dma_start3A_166, %dma_start3A_167] : memref<1332480x16xf32, #tpu.memory_space<hbm>> -> memref<1332480x16xf32, #tpu.memory_space<hbm>>
        %dma_start3A_169 = tpu.memref_slice %arg10[%scan3A_40] : memref<4x!tpu.dma_semaphore, #tpu.memory_space<semaphore_mem>> -> memref<1x!tpu.dma_semaphore, #tpu.memory_space<semaphore_mem>>
        %dma_start3A_170 = tpu.memref_squeeze %dma_start3A_169 : memref<1x!tpu.dma_semaphore, #tpu.memory_space<semaphore_mem>> -> memref<!tpu.dma_semaphore, #tpu.memory_space<semaphore_mem>>
        tpu.enqueue_indirect_dma source(%dma_start3A_168 : memref<1332480x16xf32, #tpu.memory_space<hbm>>) target(%dma_start3A_164 : memref<128x16xf32, #tpu.memory_space<vmem>>) offsets(%dma_start3A_165 : memref<128xi32, #tpu.memory_space<vmem>>) semaphore(%dma_start3A_170 : memref<!tpu.dma_semaphore, #tpu.memory_space<semaphore_mem>>)
        %mul3A_171 = arith.constant 6 : i32
        %mul3A_172 = arith.muli %scan3A_40, %mul3A_171 : i32
        %add3A_173 = arith.constant 2 : i32
        %add3A_174 = arith.addi %mul3A_172, %add3A_173 : i32
        %mul3A_175 = arith.constant 5.000000e-01 : f32
        %mul3A_176 = arith.mulf %mul3A_175, %convert_element_type3A : f32
        %sub3A_177 = arith.constant 5.000000e-01 : f32
        %sub3A_178 = arith.subf %mul3A_176, %sub3A_177 : f32
        %sub3A_179 = arith.constant 1.000000e+00 : f32
        %sub3A_180 = arith.subf %convert_element_type3A, %sub3A_179 : f32
        %sub3A_181 = arith.constant 1 : i32
        %sub3A_182 = arith.subi %shift_left3A_62, %sub3A_181 : i32
        %mul3A_183 = arith.constant 2 : i32
        %mul3A_184 = arith.muli %mul3A_183, %shift_left3A_62 : i32
        %mul3A_185 = arith.muli %mul3A_184, %shift_left3A_62 : i32
        %add3A_186 = arith.addi %mul3A_69, %mul3A_185 : i32
        %parallel_loop3A_187 = arith.constant 0 : i32
        %parallel_loop3A_188 = arith.constant 8 : i32
        %parallel_loop3A_189 = arith.constant 1 : i32
        scf.for %parallel_loop3A_368 = %parallel_loop3A_187 to %parallel_loop3A_188 step %parallel_loop3A_189  : i32 {
          %parallel_loop3A_369 = arith.constant 16 : i32
          %parallel_loop3A_370 = arith.muli %parallel_loop3A_368, %parallel_loop3A_369 : i32
          %parallel_loop3A_371 = arith.constant 1 : i32
          %parallel_loop3A_372 = arith.index_cast %parallel_loop3A_371 : i32 to index
          %parallel_loop3A_373 = arith.index_cast %parallel_loop3A_370 : i32 to index
          %parallel_loop3A_374 = tpu.vector_load %arg5[%parallel_loop3A_372, %parallel_loop3A_373] {strides = array<i32>} : memref<4x128xf32, #tpu.memory_space<vmem>>, vector<16xf32>,
          %parallel_loop3A_375 = arith.constant 16 : i32
          %parallel_loop3A_376 = arith.muli %parallel_loop3A_368, %parallel_loop3A_375 : i32
          %parallel_loop3A_377 = arith.constant 2 : i32
          %parallel_loop3A_378 = arith.index_cast %parallel_loop3A_377 : i32 to index
          %parallel_loop3A_379 = arith.index_cast %parallel_loop3A_376 : i32 to index
          %parallel_loop3A_380 = tpu.vector_load %arg5[%parallel_loop3A_378, %parallel_loop3A_379] {strides = array<i32>} : memref<4x128xf32, #tpu.memory_space<vmem>>, vector<16xf32>,
          %parallel_loop3A_381 = vector.broadcast %mul3A_176 : f32 to vector<16xf32>
          %parallel_loop3A_382 = arith.mulf %parallel_loop3A_381, %parallel_loop3A_374 : vector<16xf32>
          %parallel_loop3A_383 = vector.broadcast %sub3A_178 : f32 to vector<16xf32>
          %parallel_loop3A_384 = arith.addf %parallel_loop3A_382, %parallel_loop3A_383 : vector<16xf32>
          %parallel_loop3A_385 = arith.constant 0.000000e+00 : f32
          %parallel_loop3A_386 = vector.broadcast %parallel_loop3A_385 : f32 to vector<16xf32>
          %parallel_loop3A_387 = arith.maximumf %parallel_loop3A_384, %parallel_loop3A_386 : vector<16xf32>
          %parallel_loop3A_388 = vector.broadcast %sub3A_180 : f32 to vector<16xf32>
          %parallel_loop3A_389 = arith.minimumf %parallel_loop3A_387, %parallel_loop3A_388 : vector<16xf32>
          %parallel_loop3A_390 = vector.broadcast %mul3A_176 : f32 to vector<16xf32>
          %parallel_loop3A_391 = arith.mulf %parallel_loop3A_390, %parallel_loop3A_380 : vector<16xf32>
          %parallel_loop3A_392 = vector.broadcast %sub3A_178 : f32 to vector<16xf32>
          %parallel_loop3A_393 = arith.addf %parallel_loop3A_391, %parallel_loop3A_392 : vector<16xf32>
          %parallel_loop3A_394 = arith.constant 0.000000e+00 : f32
          %parallel_loop3A_395 = vector.broadcast %parallel_loop3A_394 : f32 to vector<16xf32>
          %parallel_loop3A_396 = arith.maximumf %parallel_loop3A_393, %parallel_loop3A_395 : vector<16xf32>
          %parallel_loop3A_397 = vector.broadcast %sub3A_180 : f32 to vector<16xf32>
          %parallel_loop3A_398 = arith.minimumf %parallel_loop3A_396, %parallel_loop3A_397 : vector<16xf32>
          %parallel_loop3A_399 = arith.fptosi %parallel_loop3A_389 : vector<16xf32> to vector<16xi32>
          %parallel_loop3A_400 = arith.fptosi %parallel_loop3A_398 : vector<16xf32> to vector<16xi32>
          %parallel_loop3A_401 = arith.sitofp %parallel_loop3A_399 : vector<16xi32> to vector<16xf32>
          %parallel_loop3A_402 = arith.subf %parallel_loop3A_389, %parallel_loop3A_401 : vector<16xf32>
          %parallel_loop3A_403 = arith.sitofp %parallel_loop3A_400 : vector<16xi32> to vector<16xf32>
          %parallel_loop3A_404 = arith.subf %parallel_loop3A_398, %parallel_loop3A_403 : vector<16xf32>
          %parallel_loop3A_405 = arith.constant 1 : i32
          %parallel_loop3A_406 = vector.broadcast %parallel_loop3A_405 : i32 to vector<16xi32>
          %parallel_loop3A_407 = arith.addi %parallel_loop3A_400, %parallel_loop3A_406 : vector<16xi32>
          %parallel_loop3A_408 = vector.broadcast %sub3A_182 : i32 to vector<16xi32>
          %parallel_loop3A_409 = arith.minsi %parallel_loop3A_407, %parallel_loop3A_408 : vector<16xi32>
          %parallel_loop3A_410 = vector.broadcast %shift_left3A_62 : i32 to vector<16xi32>
          %parallel_loop3A_411 = arith.muli %parallel_loop3A_400, %parallel_loop3A_410 : vector<16xi32>
          %parallel_loop3A_412 = vector.broadcast %add3A_186 : i32 to vector<16xi32>
          %parallel_loop3A_413 = arith.addi %parallel_loop3A_412, %parallel_loop3A_411 : vector<16xi32>
          %parallel_loop3A_414 = arith.addi %parallel_loop3A_413, %parallel_loop3A_399 : vector<16xi32>
          %parallel_loop3A_415 = vector.broadcast %shift_left3A_62 : i32 to vector<16xi32>
          %parallel_loop3A_416 = arith.muli %parallel_loop3A_409, %parallel_loop3A_415 : vector<16xi32>
          %parallel_loop3A_417 = vector.broadcast %add3A_186 : i32 to vector<16xi32>
          %parallel_loop3A_418 = arith.addi %parallel_loop3A_417, %parallel_loop3A_416 : vector<16xi32>
          %parallel_loop3A_419 = arith.addi %parallel_loop3A_418, %parallel_loop3A_399 : vector<16xi32>
          %parallel_loop3A_420 = arith.constant 256 : i32
          %parallel_loop3A_421 = arith.muli %add3A_174, %parallel_loop3A_420 : i32
          %parallel_loop3A_422 = arith.constant 16 : i32
          %parallel_loop3A_423 = arith.muli %parallel_loop3A_368, %parallel_loop3A_422 : i32
          %parallel_loop3A_424 = arith.addi %parallel_loop3A_421, %parallel_loop3A_423 : i32
          %parallel_loop3A_425 = arith.index_cast %parallel_loop3A_424 : i32 to index
          %parallel_loop3A_426 = tpu.vector_load %arg6[%parallel_loop3A_425] {strides = array<i32>} : memref<6144xi32, #tpu.memory_space<vmem>>, vector<16xi32>,
          tpu.vector_store %arg6[%parallel_loop3A_425], %parallel_loop3A_414 {strides = array<i32>} : memref<6144xi32, #tpu.memory_space<vmem>>, vector<16xi32>,
          %parallel_loop3A_427 = arith.constant 128 : i32
          %parallel_loop3A_428 = arith.addi %parallel_loop3A_424, %parallel_loop3A_427 : i32
          %parallel_loop3A_429 = arith.index_cast %parallel_loop3A_428 : i32 to index
          %parallel_loop3A_430 = tpu.vector_load %arg6[%parallel_loop3A_429] {strides = array<i32>} : memref<6144xi32, #tpu.memory_space<vmem>>, vector<16xi32>,
          tpu.vector_store %arg6[%parallel_loop3A_429], %parallel_loop3A_419 {strides = array<i32>} : memref<6144xi32, #tpu.memory_space<vmem>>, vector<16xi32>,
          %parallel_loop3A_431 = arith.index_cast %parallel_loop3A_424 : i32 to index
          %parallel_loop3A_432 = tpu.vector_load %arg7[%parallel_loop3A_431] {strides = array<i32>} : memref<6144xf32, #tpu.memory_space<vmem>>, vector<16xf32>,
          tpu.vector_store %arg7[%parallel_loop3A_431], %parallel_loop3A_402 {strides = array<i32>} : memref<6144xf32, #tpu.memory_space<vmem>>, vector<16xf32>,
          %parallel_loop3A_433 = arith.constant 128 : i32
          %parallel_loop3A_434 = arith.addi %parallel_loop3A_424, %parallel_loop3A_433 : i32
          %parallel_loop3A_435 = arith.index_cast %parallel_loop3A_434 : i32 to index
          %parallel_loop3A_436 = tpu.vector_load %arg7[%parallel_loop3A_435] {strides = array<i32>} : memref<6144xf32, #tpu.memory_space<vmem>>, vector<16xf32>,
          tpu.vector_store %arg7[%parallel_loop3A_435], %parallel_loop3A_404 {strides = array<i32>} : memref<6144xf32, #tpu.memory_space<vmem>>, vector<16xf32>,
        } {sc.loop_unroll_factor = 2 : i64, sc.parallel_access}
        %mul3A_190 = arith.constant 256 : i32
        %mul3A_191 = arith.muli %add3A_174, %mul3A_190 : i32
        %mul3A_192 = arith.constant 256 : i32
        %mul3A_193 = arith.muli %add3A_174, %mul3A_192 : i32
        %dma_start3A_194 = arith.constant 0 : i32
        %dma_start3A_195 = tpu.memref_slice %arg8[%mul3A_193, %dma_start3A_194] : memref<6144x16xf32, #tpu.memory_space<vmem>> -> memref<128x16xf32, #tpu.memory_space<vmem>>
        %dma_start3A_196 = tpu.memref_slice %arg6[%mul3A_191] : memref<6144xi32, #tpu.memory_space<vmem>> -> memref<128xi32, #tpu.memory_space<vmem>>
        %dma_start3A_197 = arith.constant 0 : i32
        %dma_start3A_198 = arith.constant 0 : i32
        %dma_start3A_199 = tpu.memref_slice %arg2[%dma_start3A_197, %dma_start3A_198] : memref<1332480x16xf32, #tpu.memory_space<hbm>> -> memref<1332480x16xf32, #tpu.memory_space<hbm>>
        %dma_start3A_200 = tpu.memref_slice %arg10[%scan3A_40] : memref<4x!tpu.dma_semaphore, #tpu.memory_space<semaphore_mem>> -> memref<1x!tpu.dma_semaphore, #tpu.memory_space<semaphore_mem>>
        %dma_start3A_201 = tpu.memref_squeeze %dma_start3A_200 : memref<1x!tpu.dma_semaphore, #tpu.memory_space<semaphore_mem>> -> memref<!tpu.dma_semaphore, #tpu.memory_space<semaphore_mem>>
        tpu.enqueue_indirect_dma source(%dma_start3A_199 : memref<1332480x16xf32, #tpu.memory_space<hbm>>) target(%dma_start3A_195 : memref<128x16xf32, #tpu.memory_space<vmem>>) offsets(%dma_start3A_196 : memref<128xi32, #tpu.memory_space<vmem>>) semaphore(%dma_start3A_201 : memref<!tpu.dma_semaphore, #tpu.memory_space<semaphore_mem>>)
        %mul3A_202 = arith.constant 256 : i32
        %mul3A_203 = arith.muli %add3A_174, %mul3A_202 : i32
        %add3A_204 = arith.constant 128 : i32
        %add3A_205 = arith.addi %mul3A_203, %add3A_204 : i32
        %mul3A_206 = arith.constant 256 : i32
        %mul3A_207 = arith.muli %add3A_174, %mul3A_206 : i32
        %add3A_208 = arith.constant 128 : i32
        %add3A_209 = arith.addi %mul3A_207, %add3A_208 : i32
        %dma_start3A_210 = arith.constant 0 : i32
        %dma_start3A_211 = tpu.memref_slice %arg8[%add3A_209, %dma_start3A_210] : memref<6144x16xf32, #tpu.memory_space<vmem>> -> memref<128x16xf32, #tpu.memory_space<vmem>>
        %dma_start3A_212 = tpu.memref_slice %arg6[%add3A_205] : memref<6144xi32, #tpu.memory_space<vmem>> -> memref<128xi32, #tpu.memory_space<vmem>>
        %dma_start3A_213 = arith.constant 0 : i32
        %dma_start3A_214 = arith.constant 0 : i32
        %dma_start3A_215 = tpu.memref_slice %arg2[%dma_start3A_213, %dma_start3A_214] : memref<1332480x16xf32, #tpu.memory_space<hbm>> -> memref<1332480x16xf32, #tpu.memory_space<hbm>>
        %dma_start3A_216 = tpu.memref_slice %arg10[%scan3A_40] : memref<4x!tpu.dma_semaphore, #tpu.memory_space<semaphore_mem>> -> memref<1x!tpu.dma_semaphore, #tpu.memory_space<semaphore_mem>>
        %dma_start3A_217 = tpu.memref_squeeze %dma_start3A_216 : memref<1x!tpu.dma_semaphore, #tpu.memory_space<semaphore_mem>> -> memref<!tpu.dma_semaphore, #tpu.memory_space<semaphore_mem>>
        tpu.enqueue_indirect_dma source(%dma_start3A_215 : memref<1332480x16xf32, #tpu.memory_space<hbm>>) target(%dma_start3A_211 : memref<128x16xf32, #tpu.memory_space<vmem>>) offsets(%dma_start3A_212 : memref<128xi32, #tpu.memory_space<vmem>>) semaphore(%dma_start3A_217 : memref<!tpu.dma_semaphore, #tpu.memory_space<semaphore_mem>>)
        %mul3A_218 = arith.constant 6 : i32
        %mul3A_219 = arith.muli %scan3A_40, %mul3A_218 : i32
        %add3A_220 = arith.constant 3 : i32
        %add3A_221 = arith.addi %mul3A_219, %add3A_220 : i32
        %sub3A_222 = arith.constant 1.000000e+00 : f32
        %sub3A_223 = arith.subf %convert_element_type3A, %sub3A_222 : f32
        %mul3A_224 = arith.constant 5.000000e-01 : f32
        %mul3A_225 = arith.mulf %mul3A_224, %sub3A_223 : f32
        %sub3A_226 = arith.constant 1.000000e+00 : f32
        %sub3A_227 = arith.subf %convert_element_type3A, %sub3A_226 : f32
        %sub3A_228 = arith.constant 1 : i32
        %sub3A_229 = arith.subi %shift_left3A_62, %sub3A_228 : i32
        %mul3A_230 = arith.constant 0 : i32
        %mul3A_231 = arith.muli %mul3A_230, %shift_left3A_62 : i32
        %add3A_232 = arith.addi %add3A_77, %mul3A_231 : i32
        %parallel_loop3A_233 = arith.constant 0 : i32
        %parallel_loop3A_234 = arith.constant 8 : i32
        %parallel_loop3A_235 = arith.constant 1 : i32
        %parallel_loop3A_236 = arith.constant 9.900000e+01 : f32
        %parallel_loop3A_237 = arith.constant 0.000000e+00 : f32
        %parallel_loop3A_238 = arith.constant 9.900000e+01 : f32
        %parallel_loop3A_239 = arith.constant 100 : i32
        scf.for %parallel_loop3A_368 = %parallel_loop3A_233 to %parallel_loop3A_234 step %parallel_loop3A_235  : i32 {
          %parallel_loop3A_369 = arith.constant 16 : i32
          %parallel_loop3A_370 = arith.muli %parallel_loop3A_368, %parallel_loop3A_369 : i32
          %parallel_loop3A_371 = arith.constant 3 : i32
          %parallel_loop3A_372 = arith.index_cast %parallel_loop3A_371 : i32 to index
          %parallel_loop3A_373 = arith.index_cast %parallel_loop3A_370 : i32 to index
          %parallel_loop3A_374 = tpu.vector_load %arg5[%parallel_loop3A_372, %parallel_loop3A_373] {strides = array<i32>} : memref<4x128xf32, #tpu.memory_space<vmem>>, vector<16xf32>,
          %parallel_loop3A_375 = arith.constant 16 : i32
          %parallel_loop3A_376 = arith.muli %parallel_loop3A_368, %parallel_loop3A_375 : i32
          %parallel_loop3A_377 = arith.constant 0 : i32
          %parallel_loop3A_378 = arith.index_cast %parallel_loop3A_377 : i32 to index
          %parallel_loop3A_379 = arith.index_cast %parallel_loop3A_376 : i32 to index
          %parallel_loop3A_380 = tpu.vector_load %arg5[%parallel_loop3A_378, %parallel_loop3A_379] {strides = array<i32>} : memref<4x128xf32, #tpu.memory_space<vmem>>, vector<16xf32>,
          %parallel_loop3A_381 = vector.broadcast %parallel_loop3A_236 : f32 to vector<16xf32>
          %parallel_loop3A_382 = arith.mulf %parallel_loop3A_381, %parallel_loop3A_374 : vector<16xf32>
          %parallel_loop3A_383 = vector.broadcast %parallel_loop3A_237 : f32 to vector<16xf32>
          %parallel_loop3A_384 = arith.addf %parallel_loop3A_382, %parallel_loop3A_383 : vector<16xf32>
          %parallel_loop3A_385 = arith.constant 0.000000e+00 : f32
          %parallel_loop3A_386 = vector.broadcast %parallel_loop3A_385 : f32 to vector<16xf32>
          %parallel_loop3A_387 = arith.maximumf %parallel_loop3A_384, %parallel_loop3A_386 : vector<16xf32>
          %parallel_loop3A_388 = vector.broadcast %parallel_loop3A_238 : f32 to vector<16xf32>
          %parallel_loop3A_389 = arith.minimumf %parallel_loop3A_387, %parallel_loop3A_388 : vector<16xf32>
          %parallel_loop3A_390 = vector.broadcast %mul3A_225 : f32 to vector<16xf32>
          %parallel_loop3A_391 = arith.mulf %parallel_loop3A_390, %parallel_loop3A_380 : vector<16xf32>
          %parallel_loop3A_392 = vector.broadcast %mul3A_225 : f32 to vector<16xf32>
          %parallel_loop3A_393 = arith.addf %parallel_loop3A_391, %parallel_loop3A_392 : vector<16xf32>
          %parallel_loop3A_394 = arith.constant 0.000000e+00 : f32
          %parallel_loop3A_395 = vector.broadcast %parallel_loop3A_394 : f32 to vector<16xf32>
          %parallel_loop3A_396 = arith.maximumf %parallel_loop3A_393, %parallel_loop3A_395 : vector<16xf32>
          %parallel_loop3A_397 = vector.broadcast %sub3A_227 : f32 to vector<16xf32>
          %parallel_loop3A_398 = arith.minimumf %parallel_loop3A_396, %parallel_loop3A_397 : vector<16xf32>
          %parallel_loop3A_399 = arith.fptosi %parallel_loop3A_389 : vector<16xf32> to vector<16xi32>
          %parallel_loop3A_400 = arith.fptosi %parallel_loop3A_398 : vector<16xf32> to vector<16xi32>
          %parallel_loop3A_401 = arith.sitofp %parallel_loop3A_399 : vector<16xi32> to vector<16xf32>
          %parallel_loop3A_402 = arith.subf %parallel_loop3A_389, %parallel_loop3A_401 : vector<16xf32>
          %parallel_loop3A_403 = arith.sitofp %parallel_loop3A_400 : vector<16xi32> to vector<16xf32>
          %parallel_loop3A_404 = arith.subf %parallel_loop3A_398, %parallel_loop3A_403 : vector<16xf32>
          %parallel_loop3A_405 = arith.constant 1 : i32
          %parallel_loop3A_406 = vector.broadcast %parallel_loop3A_405 : i32 to vector<16xi32>
          %parallel_loop3A_407 = arith.addi %parallel_loop3A_400, %parallel_loop3A_406 : vector<16xi32>
          %parallel_loop3A_408 = vector.broadcast %sub3A_229 : i32 to vector<16xi32>
          %parallel_loop3A_409 = arith.minsi %parallel_loop3A_407, %parallel_loop3A_408 : vector<16xi32>
          %parallel_loop3A_410 = vector.broadcast %parallel_loop3A_239 : i32 to vector<16xi32>
          %parallel_loop3A_411 = arith.muli %parallel_loop3A_400, %parallel_loop3A_410 : vector<16xi32>
          %parallel_loop3A_412 = vector.broadcast %add3A_232 : i32 to vector<16xi32>
          %parallel_loop3A_413 = arith.addi %parallel_loop3A_412, %parallel_loop3A_411 : vector<16xi32>
          %parallel_loop3A_414 = arith.addi %parallel_loop3A_413, %parallel_loop3A_399 : vector<16xi32>
          %parallel_loop3A_415 = vector.broadcast %parallel_loop3A_239 : i32 to vector<16xi32>
          %parallel_loop3A_416 = arith.muli %parallel_loop3A_409, %parallel_loop3A_415 : vector<16xi32>
          %parallel_loop3A_417 = vector.broadcast %add3A_232 : i32 to vector<16xi32>
          %parallel_loop3A_418 = arith.addi %parallel_loop3A_417, %parallel_loop3A_416 : vector<16xi32>
          %parallel_loop3A_419 = arith.addi %parallel_loop3A_418, %parallel_loop3A_399 : vector<16xi32>
          %parallel_loop3A_420 = arith.constant 256 : i32
          %parallel_loop3A_421 = arith.muli %add3A_221, %parallel_loop3A_420 : i32
          %parallel_loop3A_422 = arith.constant 16 : i32
          %parallel_loop3A_423 = arith.muli %parallel_loop3A_368, %parallel_loop3A_422 : i32
          %parallel_loop3A_424 = arith.addi %parallel_loop3A_421, %parallel_loop3A_423 : i32
          %parallel_loop3A_425 = arith.index_cast %parallel_loop3A_424 : i32 to index
          %parallel_loop3A_426 = tpu.vector_load %arg6[%parallel_loop3A_425] {strides = array<i32>} : memref<6144xi32, #tpu.memory_space<vmem>>, vector<16xi32>,
          tpu.vector_store %arg6[%parallel_loop3A_425], %parallel_loop3A_414 {strides = array<i32>} : memref<6144xi32, #tpu.memory_space<vmem>>, vector<16xi32>,
          %parallel_loop3A_427 = arith.constant 128 : i32
          %parallel_loop3A_428 = arith.addi %parallel_loop3A_424, %parallel_loop3A_427 : i32
          %parallel_loop3A_429 = arith.index_cast %parallel_loop3A_428 : i32 to index
          %parallel_loop3A_430 = tpu.vector_load %arg6[%parallel_loop3A_429] {strides = array<i32>} : memref<6144xi32, #tpu.memory_space<vmem>>, vector<16xi32>,
          tpu.vector_store %arg6[%parallel_loop3A_429], %parallel_loop3A_419 {strides = array<i32>} : memref<6144xi32, #tpu.memory_space<vmem>>, vector<16xi32>,
          %parallel_loop3A_431 = arith.index_cast %parallel_loop3A_424 : i32 to index
          %parallel_loop3A_432 = tpu.vector_load %arg7[%parallel_loop3A_431] {strides = array<i32>} : memref<6144xf32, #tpu.memory_space<vmem>>, vector<16xf32>,
          tpu.vector_store %arg7[%parallel_loop3A_431], %parallel_loop3A_402 {strides = array<i32>} : memref<6144xf32, #tpu.memory_space<vmem>>, vector<16xf32>,
          %parallel_loop3A_433 = arith.constant 128 : i32
          %parallel_loop3A_434 = arith.addi %parallel_loop3A_424, %parallel_loop3A_433 : i32
          %parallel_loop3A_435 = arith.index_cast %parallel_loop3A_434 : i32 to index
          %parallel_loop3A_436 = tpu.vector_load %arg7[%parallel_loop3A_435] {strides = array<i32>} : memref<6144xf32, #tpu.memory_space<vmem>>, vector<16xf32>,
          tpu.vector_store %arg7[%parallel_loop3A_435], %parallel_loop3A_404 {strides = array<i32>} : memref<6144xf32, #tpu.memory_space<vmem>>, vector<16xf32>,
        } {sc.loop_unroll_factor = 2 : i64, sc.parallel_access}
        %mul3A_240 = arith.constant 256 : i32
        %mul3A_241 = arith.muli %add3A_221, %mul3A_240 : i32
        %mul3A_242 = arith.constant 256 : i32
        %mul3A_243 = arith.muli %add3A_221, %mul3A_242 : i32
        %dma_start3A_244 = arith.constant 0 : i32
        %dma_start3A_245 = tpu.memref_slice %arg8[%mul3A_243, %dma_start3A_244] : memref<6144x16xf32, #tpu.memory_space<vmem>> -> memref<128x16xf32, #tpu.memory_space<vmem>>
        %dma_start3A_246 = tpu.memref_slice %arg6[%mul3A_241] : memref<6144xi32, #tpu.memory_space<vmem>> -> memref<128xi32, #tpu.memory_space<vmem>>
        %dma_start3A_247 = arith.constant 0 : i32
        %dma_start3A_248 = arith.constant 0 : i32
        %dma_start3A_249 = tpu.memref_slice %arg2[%dma_start3A_247, %dma_start3A_248] : memref<1332480x16xf32, #tpu.memory_space<hbm>> -> memref<1332480x16xf32, #tpu.memory_space<hbm>>
        %dma_start3A_250 = tpu.memref_slice %arg10[%scan3A_40] : memref<4x!tpu.dma_semaphore, #tpu.memory_space<semaphore_mem>> -> memref<1x!tpu.dma_semaphore, #tpu.memory_space<semaphore_mem>>
        %dma_start3A_251 = tpu.memref_squeeze %dma_start3A_250 : memref<1x!tpu.dma_semaphore, #tpu.memory_space<semaphore_mem>> -> memref<!tpu.dma_semaphore, #tpu.memory_space<semaphore_mem>>
        tpu.enqueue_indirect_dma source(%dma_start3A_249 : memref<1332480x16xf32, #tpu.memory_space<hbm>>) target(%dma_start3A_245 : memref<128x16xf32, #tpu.memory_space<vmem>>) offsets(%dma_start3A_246 : memref<128xi32, #tpu.memory_space<vmem>>) semaphore(%dma_start3A_251 : memref<!tpu.dma_semaphore, #tpu.memory_space<semaphore_mem>>)
        %mul3A_252 = arith.constant 256 : i32
        %mul3A_253 = arith.muli %add3A_221, %mul3A_252 : i32
        %add3A_254 = arith.constant 128 : i32
        %add3A_255 = arith.addi %mul3A_253, %add3A_254 : i32
        %mul3A_256 = arith.constant 256 : i32
        %mul3A_257 = arith.muli %add3A_221, %mul3A_256 : i32
        %add3A_258 = arith.constant 128 : i32
        %add3A_259 = arith.addi %mul3A_257, %add3A_258 : i32
        %dma_start3A_260 = arith.constant 0 : i32
        %dma_start3A_261 = tpu.memref_slice %arg8[%add3A_259, %dma_start3A_260] : memref<6144x16xf32, #tpu.memory_space<vmem>> -> memref<128x16xf32, #tpu.memory_space<vmem>>
        %dma_start3A_262 = tpu.memref_slice %arg6[%add3A_255] : memref<6144xi32, #tpu.memory_space<vmem>> -> memref<128xi32, #tpu.memory_space<vmem>>
        %dma_start3A_263 = arith.constant 0 : i32
        %dma_start3A_264 = arith.constant 0 : i32
        %dma_start3A_265 = tpu.memref_slice %arg2[%dma_start3A_263, %dma_start3A_264] : memref<1332480x16xf32, #tpu.memory_space<hbm>> -> memref<1332480x16xf32, #tpu.memory_space<hbm>>
        %dma_start3A_266 = tpu.memref_slice %arg10[%scan3A_40] : memref<4x!tpu.dma_semaphore, #tpu.memory_space<semaphore_mem>> -> memref<1x!tpu.dma_semaphore, #tpu.memory_space<semaphore_mem>>
        %dma_start3A_267 = tpu.memref_squeeze %dma_start3A_266 : memref<1x!tpu.dma_semaphore, #tpu.memory_space<semaphore_mem>> -> memref<!tpu.dma_semaphore, #tpu.memory_space<semaphore_mem>>
        tpu.enqueue_indirect_dma source(%dma_start3A_265 : memref<1332480x16xf32, #tpu.memory_space<hbm>>) target(%dma_start3A_261 : memref<128x16xf32, #tpu.memory_space<vmem>>) offsets(%dma_start3A_262 : memref<128xi32, #tpu.memory_space<vmem>>) semaphore(%dma_start3A_267 : memref<!tpu.dma_semaphore, #tpu.memory_space<semaphore_mem>>)
        %mul3A_268 = arith.constant 6 : i32
        %mul3A_269 = arith.muli %scan3A_40, %mul3A_268 : i32
        %add3A_270 = arith.constant 4 : i32
        %add3A_271 = arith.addi %mul3A_269, %add3A_270 : i32
        %sub3A_272 = arith.constant 1.000000e+00 : f32
        %sub3A_273 = arith.subf %convert_element_type3A, %sub3A_272 : f32
        %mul3A_274 = arith.constant 5.000000e-01 : f32
        %mul3A_275 = arith.mulf %mul3A_274, %sub3A_273 : f32
        %sub3A_276 = arith.constant 1.000000e+00 : f32
        %sub3A_277 = arith.subf %convert_element_type3A, %sub3A_276 : f32
        %sub3A_278 = arith.constant 1 : i32
        %sub3A_279 = arith.subi %shift_left3A_62, %sub3A_278 : i32
        %mul3A_280 = arith.constant 100 : i32
        %mul3A_281 = arith.muli %mul3A_280, %shift_left3A_62 : i32
        %add3A_282 = arith.addi %add3A_77, %mul3A_281 : i32
        %parallel_loop3A_283 = arith.constant 0 : i32
        %parallel_loop3A_284 = arith.constant 8 : i32
        %parallel_loop3A_285 = arith.constant 1 : i32
        %parallel_loop3A_286 = arith.constant 9.900000e+01 : f32
        %parallel_loop3A_287 = arith.constant 0.000000e+00 : f32
        %parallel_loop3A_288 = arith.constant 9.900000e+01 : f32
        %parallel_loop3A_289 = arith.constant 100 : i32
        scf.for %parallel_loop3A_368 = %parallel_loop3A_283 to %parallel_loop3A_284 step %parallel_loop3A_285  : i32 {
          %parallel_loop3A_369 = arith.constant 16 : i32
          %parallel_loop3A_370 = arith.muli %parallel_loop3A_368, %parallel_loop3A_369 : i32
          %parallel_loop3A_371 = arith.constant 3 : i32
          %parallel_loop3A_372 = arith.index_cast %parallel_loop3A_371 : i32 to index
          %parallel_loop3A_373 = arith.index_cast %parallel_loop3A_370 : i32 to index
          %parallel_loop3A_374 = tpu.vector_load %arg5[%parallel_loop3A_372, %parallel_loop3A_373] {strides = array<i32>} : memref<4x128xf32, #tpu.memory_space<vmem>>, vector<16xf32>,
          %parallel_loop3A_375 = arith.constant 16 : i32
          %parallel_loop3A_376 = arith.muli %parallel_loop3A_368, %parallel_loop3A_375 : i32
          %parallel_loop3A_377 = arith.constant 1 : i32
          %parallel_loop3A_378 = arith.index_cast %parallel_loop3A_377 : i32 to index
          %parallel_loop3A_379 = arith.index_cast %parallel_loop3A_376 : i32 to index
          %parallel_loop3A_380 = tpu.vector_load %arg5[%parallel_loop3A_378, %parallel_loop3A_379] {strides = array<i32>} : memref<4x128xf32, #tpu.memory_space<vmem>>, vector<16xf32>,
          %parallel_loop3A_381 = vector.broadcast %parallel_loop3A_286 : f32 to vector<16xf32>
          %parallel_loop3A_382 = arith.mulf %parallel_loop3A_381, %parallel_loop3A_374 : vector<16xf32>
          %parallel_loop3A_383 = vector.broadcast %parallel_loop3A_287 : f32 to vector<16xf32>
          %parallel_loop3A_384 = arith.addf %parallel_loop3A_382, %parallel_loop3A_383 : vector<16xf32>
          %parallel_loop3A_385 = arith.constant 0.000000e+00 : f32
          %parallel_loop3A_386 = vector.broadcast %parallel_loop3A_385 : f32 to vector<16xf32>
          %parallel_loop3A_387 = arith.maximumf %parallel_loop3A_384, %parallel_loop3A_386 : vector<16xf32>
          %parallel_loop3A_388 = vector.broadcast %parallel_loop3A_288 : f32 to vector<16xf32>
          %parallel_loop3A_389 = arith.minimumf %parallel_loop3A_387, %parallel_loop3A_388 : vector<16xf32>
          %parallel_loop3A_390 = vector.broadcast %mul3A_275 : f32 to vector<16xf32>
          %parallel_loop3A_391 = arith.mulf %parallel_loop3A_390, %parallel_loop3A_380 : vector<16xf32>
          %parallel_loop3A_392 = vector.broadcast %mul3A_275 : f32 to vector<16xf32>
          %parallel_loop3A_393 = arith.addf %parallel_loop3A_391, %parallel_loop3A_392 : vector<16xf32>
          %parallel_loop3A_394 = arith.constant 0.000000e+00 : f32
          %parallel_loop3A_395 = vector.broadcast %parallel_loop3A_394 : f32 to vector<16xf32>
          %parallel_loop3A_396 = arith.maximumf %parallel_loop3A_393, %parallel_loop3A_395 : vector<16xf32>
          %parallel_loop3A_397 = vector.broadcast %sub3A_277 : f32 to vector<16xf32>
          %parallel_loop3A_398 = arith.minimumf %parallel_loop3A_396, %parallel_loop3A_397 : vector<16xf32>
          %parallel_loop3A_399 = arith.fptosi %parallel_loop3A_389 : vector<16xf32> to vector<16xi32>
          %parallel_loop3A_400 = arith.fptosi %parallel_loop3A_398 : vector<16xf32> to vector<16xi32>
          %parallel_loop3A_401 = arith.sitofp %parallel_loop3A_399 : vector<16xi32> to vector<16xf32>
          %parallel_loop3A_402 = arith.subf %parallel_loop3A_389, %parallel_loop3A_401 : vector<16xf32>
          %parallel_loop3A_403 = arith.sitofp %parallel_loop3A_400 : vector<16xi32> to vector<16xf32>
          %parallel_loop3A_404 = arith.subf %parallel_loop3A_398, %parallel_loop3A_403 : vector<16xf32>
          %parallel_loop3A_405 = arith.constant 1 : i32
          %parallel_loop3A_406 = vector.broadcast %parallel_loop3A_405 : i32 to vector<16xi32>
          %parallel_loop3A_407 = arith.addi %parallel_loop3A_400, %parallel_loop3A_406 : vector<16xi32>
          %parallel_loop3A_408 = vector.broadcast %sub3A_279 : i32 to vector<16xi32>
          %parallel_loop3A_409 = arith.minsi %parallel_loop3A_407, %parallel_loop3A_408 : vector<16xi32>
          %parallel_loop3A_410 = vector.broadcast %parallel_loop3A_289 : i32 to vector<16xi32>
          %parallel_loop3A_411 = arith.muli %parallel_loop3A_400, %parallel_loop3A_410 : vector<16xi32>
          %parallel_loop3A_412 = vector.broadcast %add3A_282 : i32 to vector<16xi32>
          %parallel_loop3A_413 = arith.addi %parallel_loop3A_412, %parallel_loop3A_411 : vector<16xi32>
          %parallel_loop3A_414 = arith.addi %parallel_loop3A_413, %parallel_loop3A_399 : vector<16xi32>
          %parallel_loop3A_415 = vector.broadcast %parallel_loop3A_289 : i32 to vector<16xi32>
          %parallel_loop3A_416 = arith.muli %parallel_loop3A_409, %parallel_loop3A_415 : vector<16xi32>
          %parallel_loop3A_417 = vector.broadcast %add3A_282 : i32 to vector<16xi32>
          %parallel_loop3A_418 = arith.addi %parallel_loop3A_417, %parallel_loop3A_416 : vector<16xi32>
          %parallel_loop3A_419 = arith.addi %parallel_loop3A_418, %parallel_loop3A_399 : vector<16xi32>
          %parallel_loop3A_420 = arith.constant 256 : i32
          %parallel_loop3A_421 = arith.muli %add3A_271, %parallel_loop3A_420 : i32
          %parallel_loop3A_422 = arith.constant 16 : i32
          %parallel_loop3A_423 = arith.muli %parallel_loop3A_368, %parallel_loop3A_422 : i32
          %parallel_loop3A_424 = arith.addi %parallel_loop3A_421, %parallel_loop3A_423 : i32
          %parallel_loop3A_425 = arith.index_cast %parallel_loop3A_424 : i32 to index
          %parallel_loop3A_426 = tpu.vector_load %arg6[%parallel_loop3A_425] {strides = array<i32>} : memref<6144xi32, #tpu.memory_space<vmem>>, vector<16xi32>,
          tpu.vector_store %arg6[%parallel_loop3A_425], %parallel_loop3A_414 {strides = array<i32>} : memref<6144xi32, #tpu.memory_space<vmem>>, vector<16xi32>,
          %parallel_loop3A_427 = arith.constant 128 : i32
          %parallel_loop3A_428 = arith.addi %parallel_loop3A_424, %parallel_loop3A_427 : i32
          %parallel_loop3A_429 = arith.index_cast %parallel_loop3A_428 : i32 to index
          %parallel_loop3A_430 = tpu.vector_load %arg6[%parallel_loop3A_429] {strides = array<i32>} : memref<6144xi32, #tpu.memory_space<vmem>>, vector<16xi32>,
          tpu.vector_store %arg6[%parallel_loop3A_429], %parallel_loop3A_419 {strides = array<i32>} : memref<6144xi32, #tpu.memory_space<vmem>>, vector<16xi32>,
          %parallel_loop3A_431 = arith.index_cast %parallel_loop3A_424 : i32 to index
          %parallel_loop3A_432 = tpu.vector_load %arg7[%parallel_loop3A_431] {strides = array<i32>} : memref<6144xf32, #tpu.memory_space<vmem>>, vector<16xf32>,
          tpu.vector_store %arg7[%parallel_loop3A_431], %parallel_loop3A_402 {strides = array<i32>} : memref<6144xf32, #tpu.memory_space<vmem>>, vector<16xf32>,
          %parallel_loop3A_433 = arith.constant 128 : i32
          %parallel_loop3A_434 = arith.addi %parallel_loop3A_424, %parallel_loop3A_433 : i32
          %parallel_loop3A_435 = arith.index_cast %parallel_loop3A_434 : i32 to index
          %parallel_loop3A_436 = tpu.vector_load %arg7[%parallel_loop3A_435] {strides = array<i32>} : memref<6144xf32, #tpu.memory_space<vmem>>, vector<16xf32>,
          tpu.vector_store %arg7[%parallel_loop3A_435], %parallel_loop3A_404 {strides = array<i32>} : memref<6144xf32, #tpu.memory_space<vmem>>, vector<16xf32>,
        } {sc.loop_unroll_factor = 2 : i64, sc.parallel_access}
        %mul3A_290 = arith.constant 256 : i32
        %mul3A_291 = arith.muli %add3A_271, %mul3A_290 : i32
        %mul3A_292 = arith.constant 256 : i32
        %mul3A_293 = arith.muli %add3A_271, %mul3A_292 : i32
        %dma_start3A_294 = arith.constant 0 : i32
        %dma_start3A_295 = tpu.memref_slice %arg8[%mul3A_293, %dma_start3A_294] : memref<6144x16xf32, #tpu.memory_space<vmem>> -> memref<128x16xf32, #tpu.memory_space<vmem>>
        %dma_start3A_296 = tpu.memref_slice %arg6[%mul3A_291] : memref<6144xi32, #tpu.memory_space<vmem>> -> memref<128xi32, #tpu.memory_space<vmem>>
        %dma_start3A_297 = arith.constant 0 : i32
        %dma_start3A_298 = arith.constant 0 : i32
        %dma_start3A_299 = tpu.memref_slice %arg2[%dma_start3A_297, %dma_start3A_298] : memref<1332480x16xf32, #tpu.memory_space<hbm>> -> memref<1332480x16xf32, #tpu.memory_space<hbm>>
        %dma_start3A_300 = tpu.memref_slice %arg10[%scan3A_40] : memref<4x!tpu.dma_semaphore, #tpu.memory_space<semaphore_mem>> -> memref<1x!tpu.dma_semaphore, #tpu.memory_space<semaphore_mem>>
        %dma_start3A_301 = tpu.memref_squeeze %dma_start3A_300 : memref<1x!tpu.dma_semaphore, #tpu.memory_space<semaphore_mem>> -> memref<!tpu.dma_semaphore, #tpu.memory_space<semaphore_mem>>
        tpu.enqueue_indirect_dma source(%dma_start3A_299 : memref<1332480x16xf32, #tpu.memory_space<hbm>>) target(%dma_start3A_295 : memref<128x16xf32, #tpu.memory_space<vmem>>) offsets(%dma_start3A_296 : memref<128xi32, #tpu.memory_space<vmem>>) semaphore(%dma_start3A_301 : memref<!tpu.dma_semaphore, #tpu.memory_space<semaphore_mem>>)
        %mul3A_302 = arith.constant 256 : i32
        %mul3A_303 = arith.muli %add3A_271, %mul3A_302 : i32
        %add3A_304 = arith.constant 128 : i32
        %add3A_305 = arith.addi %mul3A_303, %add3A_304 : i32
        %mul3A_306 = arith.constant 256 : i32
        %mul3A_307 = arith.muli %add3A_271, %mul3A_306 : i32
        %add3A_308 = arith.constant 128 : i32
        %add3A_309 = arith.addi %mul3A_307, %add3A_308 : i32
        %dma_start3A_310 = arith.constant 0 : i32
        %dma_start3A_311 = tpu.memref_slice %arg8[%add3A_309, %dma_start3A_310] : memref<6144x16xf32, #tpu.memory_space<vmem>> -> memref<128x16xf32, #tpu.memory_space<vmem>>
        %dma_start3A_312 = tpu.memref_slice %arg6[%add3A_305] : memref<6144xi32, #tpu.memory_space<vmem>> -> memref<128xi32, #tpu.memory_space<vmem>>
        %dma_start3A_313 = arith.constant 0 : i32
        %dma_start3A_314 = arith.constant 0 : i32
        %dma_start3A_315 = tpu.memref_slice %arg2[%dma_start3A_313, %dma_start3A_314] : memref<1332480x16xf32, #tpu.memory_space<hbm>> -> memref<1332480x16xf32, #tpu.memory_space<hbm>>
        %dma_start3A_316 = tpu.memref_slice %arg10[%scan3A_40] : memref<4x!tpu.dma_semaphore, #tpu.memory_space<semaphore_mem>> -> memref<1x!tpu.dma_semaphore, #tpu.memory_space<semaphore_mem>>
        %dma_start3A_317 = tpu.memref_squeeze %dma_start3A_316 : memref<1x!tpu.dma_semaphore, #tpu.memory_space<semaphore_mem>> -> memref<!tpu.dma_semaphore, #tpu.memory_space<semaphore_mem>>
        tpu.enqueue_indirect_dma source(%dma_start3A_315 : memref<1332480x16xf32, #tpu.memory_space<hbm>>) target(%dma_start3A_311 : memref<128x16xf32, #tpu.memory_space<vmem>>) offsets(%dma_start3A_312 : memref<128xi32, #tpu.memory_space<vmem>>) semaphore(%dma_start3A_317 : memref<!tpu.dma_semaphore, #tpu.memory_space<semaphore_mem>>)
        %mul3A_318 = arith.constant 6 : i32
        %mul3A_319 = arith.muli %scan3A_40, %mul3A_318 : i32
        %add3A_320 = arith.constant 5 : i32
        %add3A_321 = arith.addi %mul3A_319, %add3A_320 : i32
        %sub3A_322 = arith.constant 1.000000e+00 : f32
        %sub3A_323 = arith.subf %convert_element_type3A, %sub3A_322 : f32
        %mul3A_324 = arith.constant 5.000000e-01 : f32
        %mul3A_325 = arith.mulf %mul3A_324, %sub3A_323 : f32
        %sub3A_326 = arith.constant 1.000000e+00 : f32
        %sub3A_327 = arith.subf %convert_element_type3A, %sub3A_326 : f32
        %sub3A_328 = arith.constant 1 : i32
        %sub3A_329 = arith.subi %shift_left3A_62, %sub3A_328 : i32
        %mul3A_330 = arith.constant 200 : i32
        %mul3A_331 = arith.muli %mul3A_330, %shift_left3A_62 : i32
        %add3A_332 = arith.addi %add3A_77, %mul3A_331 : i32
        %parallel_loop3A_333 = arith.constant 0 : i32
        %parallel_loop3A_334 = arith.constant 8 : i32
        %parallel_loop3A_335 = arith.constant 1 : i32
        %parallel_loop3A_336 = arith.constant 9.900000e+01 : f32
        %parallel_loop3A_337 = arith.constant 0.000000e+00 : f32
        %parallel_loop3A_338 = arith.constant 9.900000e+01 : f32
        %parallel_loop3A_339 = arith.constant 100 : i32
        scf.for %parallel_loop3A_368 = %parallel_loop3A_333 to %parallel_loop3A_334 step %parallel_loop3A_335  : i32 {
          %parallel_loop3A_369 = arith.constant 16 : i32
          %parallel_loop3A_370 = arith.muli %parallel_loop3A_368, %parallel_loop3A_369 : i32
          %parallel_loop3A_371 = arith.constant 3 : i32
          %parallel_loop3A_372 = arith.index_cast %parallel_loop3A_371 : i32 to index
          %parallel_loop3A_373 = arith.index_cast %parallel_loop3A_370 : i32 to index
          %parallel_loop3A_374 = tpu.vector_load %arg5[%parallel_loop3A_372, %parallel_loop3A_373] {strides = array<i32>} : memref<4x128xf32, #tpu.memory_space<vmem>>, vector<16xf32>,
          %parallel_loop3A_375 = arith.constant 16 : i32
          %parallel_loop3A_376 = arith.muli %parallel_loop3A_368, %parallel_loop3A_375 : i32
          %parallel_loop3A_377 = arith.constant 2 : i32
          %parallel_loop3A_378 = arith.index_cast %parallel_loop3A_377 : i32 to index
          %parallel_loop3A_379 = arith.index_cast %parallel_loop3A_376 : i32 to index
          %parallel_loop3A_380 = tpu.vector_load %arg5[%parallel_loop3A_378, %parallel_loop3A_379] {strides = array<i32>} : memref<4x128xf32, #tpu.memory_space<vmem>>, vector<16xf32>,
          %parallel_loop3A_381 = vector.broadcast %parallel_loop3A_336 : f32 to vector<16xf32>
          %parallel_loop3A_382 = arith.mulf %parallel_loop3A_381, %parallel_loop3A_374 : vector<16xf32>
          %parallel_loop3A_383 = vector.broadcast %parallel_loop3A_337 : f32 to vector<16xf32>
          %parallel_loop3A_384 = arith.addf %parallel_loop3A_382, %parallel_loop3A_383 : vector<16xf32>
          %parallel_loop3A_385 = arith.constant 0.000000e+00 : f32
          %parallel_loop3A_386 = vector.broadcast %parallel_loop3A_385 : f32 to vector<16xf32>
          %parallel_loop3A_387 = arith.maximumf %parallel_loop3A_384, %parallel_loop3A_386 : vector<16xf32>
          %parallel_loop3A_388 = vector.broadcast %parallel_loop3A_338 : f32 to vector<16xf32>
          %parallel_loop3A_389 = arith.minimumf %parallel_loop3A_387, %parallel_loop3A_388 : vector<16xf32>
          %parallel_loop3A_390 = vector.broadcast %mul3A_325 : f32 to vector<16xf32>
          %parallel_loop3A_391 = arith.mulf %parallel_loop3A_390, %parallel_loop3A_380 : vector<16xf32>
          %parallel_loop3A_392 = vector.broadcast %mul3A_325 : f32 to vector<16xf32>
          %parallel_loop3A_393 = arith.addf %parallel_loop3A_391, %parallel_loop3A_392 : vector<16xf32>
          %parallel_loop3A_394 = arith.constant 0.000000e+00 : f32
          %parallel_loop3A_395 = vector.broadcast %parallel_loop3A_394 : f32 to vector<16xf32>
          %parallel_loop3A_396 = arith.maximumf %parallel_loop3A_393, %parallel_loop3A_395 : vector<16xf32>
          %parallel_loop3A_397 = vector.broadcast %sub3A_327 : f32 to vector<16xf32>
          %parallel_loop3A_398 = arith.minimumf %parallel_loop3A_396, %parallel_loop3A_397 : vector<16xf32>
          %parallel_loop3A_399 = arith.fptosi %parallel_loop3A_389 : vector<16xf32> to vector<16xi32>
          %parallel_loop3A_400 = arith.fptosi %parallel_loop3A_398 : vector<16xf32> to vector<16xi32>
          %parallel_loop3A_401 = arith.sitofp %parallel_loop3A_399 : vector<16xi32> to vector<16xf32>
          %parallel_loop3A_402 = arith.subf %parallel_loop3A_389, %parallel_loop3A_401 : vector<16xf32>
          %parallel_loop3A_403 = arith.sitofp %parallel_loop3A_400 : vector<16xi32> to vector<16xf32>
          %parallel_loop3A_404 = arith.subf %parallel_loop3A_398, %parallel_loop3A_403 : vector<16xf32>
          %parallel_loop3A_405 = arith.constant 1 : i32
          %parallel_loop3A_406 = vector.broadcast %parallel_loop3A_405 : i32 to vector<16xi32>
          %parallel_loop3A_407 = arith.addi %parallel_loop3A_400, %parallel_loop3A_406 : vector<16xi32>
          %parallel_loop3A_408 = vector.broadcast %sub3A_329 : i32 to vector<16xi32>
          %parallel_loop3A_409 = arith.minsi %parallel_loop3A_407, %parallel_loop3A_408 : vector<16xi32>
          %parallel_loop3A_410 = vector.broadcast %parallel_loop3A_339 : i32 to vector<16xi32>
          %parallel_loop3A_411 = arith.muli %parallel_loop3A_400, %parallel_loop3A_410 : vector<16xi32>
          %parallel_loop3A_412 = vector.broadcast %add3A_332 : i32 to vector<16xi32>
          %parallel_loop3A_413 = arith.addi %parallel_loop3A_412, %parallel_loop3A_411 : vector<16xi32>
          %parallel_loop3A_414 = arith.addi %parallel_loop3A_413, %parallel_loop3A_399 : vector<16xi32>
          %parallel_loop3A_415 = vector.broadcast %parallel_loop3A_339 : i32 to vector<16xi32>
          %parallel_loop3A_416 = arith.muli %parallel_loop3A_409, %parallel_loop3A_415 : vector<16xi32>
          %parallel_loop3A_417 = vector.broadcast %add3A_332 : i32 to vector<16xi32>
          %parallel_loop3A_418 = arith.addi %parallel_loop3A_417, %parallel_loop3A_416 : vector<16xi32>
          %parallel_loop3A_419 = arith.addi %parallel_loop3A_418, %parallel_loop3A_399 : vector<16xi32>
          %parallel_loop3A_420 = arith.constant 256 : i32
          %parallel_loop3A_421 = arith.muli %add3A_321, %parallel_loop3A_420 : i32
          %parallel_loop3A_422 = arith.constant 16 : i32
          %parallel_loop3A_423 = arith.muli %parallel_loop3A_368, %parallel_loop3A_422 : i32
          %parallel_loop3A_424 = arith.addi %parallel_loop3A_421, %parallel_loop3A_423 : i32
          %parallel_loop3A_425 = arith.index_cast %parallel_loop3A_424 : i32 to index
          %parallel_loop3A_426 = tpu.vector_load %arg6[%parallel_loop3A_425] {strides = array<i32>} : memref<6144xi32, #tpu.memory_space<vmem>>, vector<16xi32>,
          tpu.vector_store %arg6[%parallel_loop3A_425], %parallel_loop3A_414 {strides = array<i32>} : memref<6144xi32, #tpu.memory_space<vmem>>, vector<16xi32>,
          %parallel_loop3A_427 = arith.constant 128 : i32
          %parallel_loop3A_428 = arith.addi %parallel_loop3A_424, %parallel_loop3A_427 : i32
          %parallel_loop3A_429 = arith.index_cast %parallel_loop3A_428 : i32 to index
          %parallel_loop3A_430 = tpu.vector_load %arg6[%parallel_loop3A_429] {strides = array<i32>} : memref<6144xi32, #tpu.memory_space<vmem>>, vector<16xi32>,
          tpu.vector_store %arg6[%parallel_loop3A_429], %parallel_loop3A_419 {strides = array<i32>} : memref<6144xi32, #tpu.memory_space<vmem>>, vector<16xi32>,
          %parallel_loop3A_431 = arith.index_cast %parallel_loop3A_424 : i32 to index
          %parallel_loop3A_432 = tpu.vector_load %arg7[%parallel_loop3A_431] {strides = array<i32>} : memref<6144xf32, #tpu.memory_space<vmem>>, vector<16xf32>,
          tpu.vector_store %arg7[%parallel_loop3A_431], %parallel_loop3A_402 {strides = array<i32>} : memref<6144xf32, #tpu.memory_space<vmem>>, vector<16xf32>,
          %parallel_loop3A_433 = arith.constant 128 : i32
          %parallel_loop3A_434 = arith.addi %parallel_loop3A_424, %parallel_loop3A_433 : i32
          %parallel_loop3A_435 = arith.index_cast %parallel_loop3A_434 : i32 to index
          %parallel_loop3A_436 = tpu.vector_load %arg7[%parallel_loop3A_435] {strides = array<i32>} : memref<6144xf32, #tpu.memory_space<vmem>>, vector<16xf32>,
          tpu.vector_store %arg7[%parallel_loop3A_435], %parallel_loop3A_404 {strides = array<i32>} : memref<6144xf32, #tpu.memory_space<vmem>>, vector<16xf32>,
        } {sc.loop_unroll_factor = 2 : i64, sc.parallel_access}
        %mul3A_340 = arith.constant 256 : i32
        %mul3A_341 = arith.muli %add3A_321, %mul3A_340 : i32
        %mul3A_342 = arith.constant 256 : i32
        %mul3A_343 = arith.muli %add3A_321, %mul3A_342 : i32
        %dma_start3A_344 = arith.constant 0 : i32
        %dma_start3A_345 = tpu.memref_slice %arg8[%mul3A_343, %dma_start3A_344] : memref<6144x16xf32, #tpu.memory_space<vmem>> -> memref<128x16xf32, #tpu.memory_space<vmem>>
        %dma_start3A_346 = tpu.memref_slice %arg6[%mul3A_341] : memref<6144xi32, #tpu.memory_space<vmem>> -> memref<128xi32, #tpu.memory_space<vmem>>
        %dma_start3A_347 = arith.constant 0 : i32
        %dma_start3A_348 = arith.constant 0 : i32
        %dma_start3A_349 = tpu.memref_slice %arg2[%dma_start3A_347, %dma_start3A_348] : memref<1332480x16xf32, #tpu.memory_space<hbm>> -> memref<1332480x16xf32, #tpu.memory_space<hbm>>
        %dma_start3A_350 = tpu.memref_slice %arg10[%scan3A_40] : memref<4x!tpu.dma_semaphore, #tpu.memory_space<semaphore_mem>> -> memref<1x!tpu.dma_semaphore, #tpu.memory_space<semaphore_mem>>
        %dma_start3A_351 = tpu.memref_squeeze %dma_start3A_350 : memref<1x!tpu.dma_semaphore, #tpu.memory_space<semaphore_mem>> -> memref<!tpu.dma_semaphore, #tpu.memory_space<semaphore_mem>>
        tpu.enqueue_indirect_dma source(%dma_start3A_349 : memref<1332480x16xf32, #tpu.memory_space<hbm>>) target(%dma_start3A_345 : memref<128x16xf32, #tpu.memory_space<vmem>>) offsets(%dma_start3A_346 : memref<128xi32, #tpu.memory_space<vmem>>) semaphore(%dma_start3A_351 : memref<!tpu.dma_semaphore, #tpu.memory_space<semaphore_mem>>)
        %mul3A_352 = arith.constant 256 : i32
        %mul3A_353 = arith.muli %add3A_321, %mul3A_352 : i32
        %add3A_354 = arith.constant 128 : i32
        %add3A_355 = arith.addi %mul3A_353, %add3A_354 : i32
        %mul3A_356 = arith.constant 256 : i32
        %mul3A_357 = arith.muli %add3A_321, %mul3A_356 : i32
        %add3A_358 = arith.constant 128 : i32
        %add3A_359 = arith.addi %mul3A_357, %add3A_358 : i32
        %dma_start3A_360 = arith.constant 0 : i32
        %dma_start3A_361 = tpu.memref_slice %arg8[%add3A_359, %dma_start3A_360] : memref<6144x16xf32, #tpu.memory_space<vmem>> -> memref<128x16xf32, #tpu.memory_space<vmem>>
        %dma_start3A_362 = tpu.memref_slice %arg6[%add3A_355] : memref<6144xi32, #tpu.memory_space<vmem>> -> memref<128xi32, #tpu.memory_space<vmem>>
        %dma_start3A_363 = arith.constant 0 : i32
        %dma_start3A_364 = arith.constant 0 : i32
        %dma_start3A_365 = tpu.memref_slice %arg2[%dma_start3A_363, %dma_start3A_364] : memref<1332480x16xf32, #tpu.memory_space<hbm>> -> memref<1332480x16xf32, #tpu.memory_space<hbm>>
        %dma_start3A_366 = tpu.memref_slice %arg10[%scan3A_40] : memref<4x!tpu.dma_semaphore, #tpu.memory_space<semaphore_mem>> -> memref<1x!tpu.dma_semaphore, #tpu.memory_space<semaphore_mem>>
        %dma_start3A_367 = tpu.memref_squeeze %dma_start3A_366 : memref<1x!tpu.dma_semaphore, #tpu.memory_space<semaphore_mem>> -> memref<!tpu.dma_semaphore, #tpu.memory_space<semaphore_mem>>
        tpu.enqueue_indirect_dma source(%dma_start3A_365 : memref<1332480x16xf32, #tpu.memory_space<hbm>>) target(%dma_start3A_361 : memref<128x16xf32, #tpu.memory_space<vmem>>) offsets(%dma_start3A_362 : memref<128xi32, #tpu.memory_space<vmem>>) semaphore(%dma_start3A_367 : memref<!tpu.dma_semaphore, #tpu.memory_space<semaphore_mem>>)
      }
      %scan3A_39 = arith.constant 4 : i32
      "tpu.region"() ({
        %run_scoped3A = tpu.sem_alloc : memref<!tpu.dma_semaphore, #tpu.memory_space<semaphore_mem>>
        %dma_start3A = arith.constant 0 : i32
        %dma_start3A_40 = tpu.memref_slice %arg4[%dma_start3A, %add3A_25] : memref<32x524288xf32, #tpu.memory_space<hbm>> -> memref<32x128xf32, #tpu.memory_space<hbm>>
        %dma_start3A_41 = arith.constant 0 : i32
        %dma_start3A_42 = tpu.memref_slice %arg4[%dma_start3A_41, %add3A_25] : memref<32x524288xf32, #tpu.memory_space<hbm>> -> memref<32x128xf32, #tpu.memory_space<hbm>>
        tpu.enqueue_dma source(%arg9 : memref<32x128xf32, #tpu.memory_space<vmem>>) target(%dma_start3A_42 : memref<32x128xf32, #tpu.memory_space<hbm>>) target_semaphore(%run_scoped3A : memref<!tpu.dma_semaphore, #tpu.memory_space<semaphore_mem>>)
        %dma_wait3A = arith.constant 0 : i32
        %dma_wait3A_43 = tpu.memref_slice %arg4[%dma_wait3A, %add3A_25] : memref<32x524288xf32, #tpu.memory_space<hbm>> -> memref<32x128xf32, #tpu.memory_space<hbm>>
        %dma_wait3A_44 = arith.constant 0 : i32
        %dma_wait3A_45 = tpu.memref_slice %arg4[%dma_wait3A_44, %add3A_25] : memref<32x524288xf32, #tpu.memory_space<hbm>> -> memref<32x128xf32, #tpu.memory_space<hbm>>
        tpu.wait_dma2 semaphore(%run_scoped3A : memref<!tpu.dma_semaphore, #tpu.memory_space<semaphore_mem>>) src(%arg9 : memref<32x128xf32, #tpu.memory_space<vmem>>) dst(%dma_wait3A_45 : memref<32x128xf32, #tpu.memory_space<hbm>>)
        tpu.yield
      }) : () -> ()
    }
    %scan3A_13 = arith.constant 128 : i32
    %scan3A_14 = arith.constant 0 : i32
    %scan3A_15 = arith.constant 0 : i32
    %scan3A_16 = arith.constant 4 : i32
    %scan3A_17 = arith.addi %scan3A_15, %scan3A_16 : i32
    %scan3A_18 = arith.constant 1 : i32
    scf.for %scan3A_20 = %scan3A_15 to %scan3A_17 step %scan3A_18  : i32 {
      %mul3A_21 = arith.constant 6 : i32
      %mul3A_22 = arith.muli %scan3A_20, %mul3A_21 : i32
      %mul3A_23 = arith.constant 2 : i32
      %mul3A_24 = arith.muli %mul3A_22, %mul3A_23 : i32
      %mul3A_25 = arith.constant 128 : i32
      %mul3A_26 = arith.muli %mul3A_24, %mul3A_25 : i32
      %dma_wait3A = arith.constant 0 : i32
      %dma_wait3A_27 = tpu.memref_slice %arg8[%mul3A_26, %dma_wait3A] : memref<6144x16xf32, #tpu.memory_space<vmem>> -> memref<1536x16xf32, #tpu.memory_space<vmem>>
      %dma_wait3A_28 = arith.constant 0 : i32
      %dma_wait3A_29 = arith.constant 0 : i32
      %dma_wait3A_30 = tpu.memref_slice %arg2[%dma_wait3A_28, %dma_wait3A_29] : memref<1332480x16xf32, #tpu.memory_space<hbm>> -> memref<1536x16xf32, #tpu.memory_space<hbm>>
      %dma_wait3A_31 = tpu.memref_slice %arg10[%scan3A_20] : memref<4x!tpu.dma_semaphore, #tpu.memory_space<semaphore_mem>> -> memref<1x!tpu.dma_semaphore, #tpu.memory_space<semaphore_mem>>
      %dma_wait3A_32 = tpu.memref_squeeze %dma_wait3A_31 : memref<1x!tpu.dma_semaphore, #tpu.memory_space<semaphore_mem>> -> memref<!tpu.dma_semaphore, #tpu.memory_space<semaphore_mem>>
      %dma_wait3A_33 = arith.constant 0 : i32
      %dma_wait3A_34 = tpu.memref_slice %arg8[%mul3A_26, %dma_wait3A_33] : memref<6144x16xf32, #tpu.memory_space<vmem>> -> memref<1536x16xf32, #tpu.memory_space<vmem>>
      %dma_wait3A_35 = arith.constant 0 : i32
      %dma_wait3A_36 = arith.constant 0 : i32
      %dma_wait3A_37 = tpu.memref_slice %arg2[%dma_wait3A_35, %dma_wait3A_36] : memref<1332480x16xf32, #tpu.memory_space<hbm>> -> memref<1536x16xf32, #tpu.memory_space<hbm>>
      tpu.wait_dma2 semaphore(%dma_wait3A_32 : memref<!tpu.dma_semaphore, #tpu.memory_space<semaphore_mem>>) src(%dma_wait3A_37 : memref<1536x16xf32, #tpu.memory_space<hbm>>) dst(%dma_wait3A_34 : memref<1536x16xf32, #tpu.memory_space<vmem>>)
    }
    %scan3A_19 = arith.constant 4 : i32
    return
  }
}

</mosaic_0001>

<sc_bundles>
// kernel: kernel.3.cloned.1.call-start
scs
__scs_entry_jumppad:
0x0: {  	(pc) =	sbr.rel $0x88, $3  }
0x1: {  	(tag) =	ssettag $0x0;
	lr =	simm.s32 $0x1  }
0x2: {  	[smem:$0x3F97] =	sst lr;
	_ =	strace $0xD0000000  }
0x3: {  	_ = 	snop  }
0x4: {  	_ = 	snop  }
0x5: {  	_ = 	snop  }
0x6: {  	_ = 	snop  }
0x7: {  	_ = 	snop  }
__scs_overlays_trampoline_lowered:
0x8: {  	[smem:$0x3FA6] =	sst s0  }
0x9: {  	[smem:$0x3FA7] =	sst s1  }
0xa: {  	[smem:$0x3FA8] =	sst s2  }
0xb: {  	[smem:$0x3FA9] =	sst s3  }
0xc: {  	[smem:$0x3FAA] =	sst s4  }
0xd: {  	[smem:$0x3FAB] =	sst s5  }
0xe: {  	[smem:$0x3FAC] =	sst s6  }
0xf: {  	[smem:$0x3FAD] =	sst s7  }
0x10: {  	[smem:$0x3FAE] =	sst s8  }
0x11: {  	[smem:$0x3FAF] =	sst s9;
	s0 =	simm.s32 @!p0 $0x0  }
0x12: {  	s1 =	sld [smem:$0x3F95];
	s0 =	simm.s32 @p0 $0x1  }
0x13: {  	[smem:$0x3FB0] =	sst s0;
	s0 =	simm.s32 @!p1 $0x0  }
0x14: {  	s2 =	sld [smem:$0x3F94];
	s0 =	simm.s32 @p1 $0x1  }
0x15: {  	[smem:$0x3FB1] =	sst s0;
	s0 =	simm.s32 @!p2 $0x0  }
0x16: {  	s3 =	sld [smem:$0x3FDB];
	s0 =	simm.s32 @p2 $0x1  }
0x17: {  	s4 =	simm.s32 $0x1BF5;
	[smem:$0x3FB3] =	sst s0  }
0x18: {  	s0 =	sld [smem:$0x3F96];
	_ =	swait.ge [sflag:s4], $0x0  }
0x19: {  	s7 =	sld [smem:$0x3F97]  }
0x1a: {  	s8 =	sadd.s32 $0xFFFFE003, lr  }
0x1b: {  	s9 =	sadd.s32 $0xFFFFFEF7, lr;
	s5 =	simm.s32 $0xFFFFFFFF;
	p2 =	slt.u32 s8, $0xFFFFF086  }
0x1c: {  	p1 =	slt.u32 s9, $0xF7A;
	s5 =	simm.s32 @!p2 $0x0  }
0x1d: {  	s5 =	simm.s32 @p1 $0x1;
	p0 =	seq.s32 s7, s2  }
0x1e: {  	s7 =	smul.u32 @!p0 $0xF7A, s2;
	p2 =	seq.s32 @!p0 s5, $0x0  }
0x1f: {  	s9 =	smul.u32 $0xF7A, s1;
	s8 =	simm.s32 @!p0 $0x1BF5;
	p2 =	por !p2, p0  }
0x20: {  	[sflag:s8] =	ssyncset.s32 @!p0 $0xFFFFF086;
	s6 =	sadd.s32 @!p0 s3, s7;
	s7 =	simm.s32 @!p0 $0x108  }
0x21: {  	s3 =	sadd.s32 s3, s9;
	s6 =	sadd.s32 @!p0 $0x88, s6;
	s7 =	simm.s32 @p2 $0x1082  }
0x22: {  	[simem:s7], [sflag:s8] =	dma.local @!p0 [hbm:s6], $0xF7A  }
0x23: {  	s9 =	sor.u32 $0xD0000000, s2;
	s6 =	simm.s32 $0x108;
	_ =	swait.ge @!p0 [sflag:s8], $0x0  }
0x24: {  	s3 =	sadd.s32 $0x88, s3;
	s6 =	simm.s32 @!p1 $0x1082;
	[sflag:s4] =	ssyncset.s32 $0xFFFFF086  }
0x25: {  	[simem:s6], [sflag:s4] =	dma.local [hbm:s3], $0xF7A  }
0x26: {  	[smem:$0x3F97] =	sst s1;
	(tag) =	ssettag s2;
	_ =	strace s9  }
0x27: {  	s1 =	sld [smem:$0x3FA7]  }
0x28: {  	s2 =	sld [smem:$0x3FA8]  }
0x29: {  	s4 =	sld [smem:$0x3FAA]  }
0x2a: {  	p0 =	seq.s32 s5, $0x0;
	s5 =	sld [smem:$0x3FAB]  }
0x2b: {  	s6 =	sld [smem:$0x3FAC]  }
0x2c: {  	s7 =	sld [smem:$0x3FAD]  }
0x2d: {  	s3 =	simm.s32 $0x108;
	s8 =	sld [smem:$0x3FAE]  }
0x2e: {  	s3 =	simm.s32 @!p0 $0x1082;
	s9 =	sld [smem:$0x3FAF]  }
0x2f: {  	lr =	sadd.s32 s0, s3;
	s0 =	sld [smem:$0x3FA6]  }
0x30: {  	s3 =	sld [smem:$0x3FA9]  }
0x31: {  	[smem:$0x3FB2] =	sst s10  }
0x32: {  	s10 =	sld [smem:$0x3FB0];
	_ =	sdelay $0x3  }
0x33: {  	p0 =	seq.s32 s10, $0x1;
	s10 =	sld [smem:$0x3FB2];
	_ =	sdelay $0x3  }
0x34: {  	[smem:$0x3FB2] =	sst s10  }
0x35: {  	s10 =	sld [smem:$0x3FB1];
	_ =	sdelay $0x3  }
0x36: {  	p1 =	seq.s32 s10, $0x1;
	s10 =	sld [smem:$0x3FB2];
	_ =	sdelay $0x3  }
0x37: {  	[smem:$0x3FB2] =	sst s10  }
0x38: {  	s10 =	sld [smem:$0x3FB3]  }
0x39: {  	_ = 	snop;
	(pc) =	sbr.ind lr, $3  }
0x3a: {  	_ = 	snop  }
0x3b: {  	_ = 	snop  }
0x3c: {  	p2 =	seq.s32 s10, $0x1;
	s10 =	sld [smem:$0x3FB2]  }
0x3d: {  	_ =	shalt  }
0x3e: {  	_ =	shalt  }
0x3f: {  	_ =	shalt  }
0x40: {  	_ =	shalt  }
0x41: {  	_ =	shalt  }
0x42: {  	_ =	shalt  }
0x43: {  	_ =	shalt  }
0x44: {  	_ =	shalt  }
0x45: {  	_ =	shalt  }
0x46: {  	_ =	shalt  }
0x47: {  	_ =	shalt  }
0x48: {  	_ =	shalt  }
0x49: {  	_ =	shalt  }
0x4a: {  	_ =	shalt  }
0x4b: {  	_ =	shalt  }
0x4c: {  	_ =	shalt  }
0x4d: {  	_ =	shalt  }
0x4e: {  	_ =	shalt  }
0x4f: {  	_ =	shalt  }
0x50: {  	_ =	shalt  }
0x51: {  	_ =	shalt  }
0x52: {  	_ =	shalt  }
0x53: {  	_ =	shalt  }
0x54: {  	_ =	shalt  }
0x55: {  	_ =	shalt  }
0x56: {  	_ =	shalt  }
0x57: {  	_ =	shalt  }
0x58: {  	_ =	shalt  }
0x59: {  	_ =	shalt  }
0x5a: {  	_ =	shalt  }
0x5b: {  	_ =	shalt  }
0x5c: {  	_ =	shalt  }
0x5d: {  	_ =	shalt  }
0x5e: {  	_ =	shalt  }
0x5f: {  	_ =	shalt  }
0x60: {  	_ =	shalt  }
0x61: {  	_ =	shalt  }
0x62: {  	_ =	shalt  }
0x63: {  	_ =	shalt  }
0x64: {  	_ =	shalt  }
0x65: {  	_ =	shalt  }
0x66: {  	_ =	shalt  }
0x67: {  	_ =	shalt  }
0x68: {  	_ =	shalt  }
0x69: {  	_ =	shalt  }
0x6a: {  	_ =	shalt  }
0x6b: {  	_ =	shalt  }
0x6c: {  	_ =	shalt  }
0x6d: {  	_ =	shalt  }
0x6e: {  	_ =	shalt  }
0x6f: {  	_ =	shalt  }
0x70: {  	_ =	shalt  }
0x71: {  	_ =	shalt  }
0x72: {  	_ =	shalt  }
0x73: {  	_ =	shalt  }
0x74: {  	_ =	shalt  }
0x75: {  	_ =	shalt  }
0x76: {  	_ =	shalt  }
0x77: {  	_ =	shalt  }
0x78: {  	_ =	shalt  }
0x79: {  	_ =	shalt  }
0x7a: {  	_ =	shalt  }
0x7b: {  	_ =	shalt  }
0x7c: {  	_ =	shalt  }
0x7d: {  	_ =	shalt  }
0x7e: {  	_ =	shalt  }
0x7f: {  	_ =	shalt  }
0x80: {  	_ =	shalt  }
0x81: {  	_ =	shalt  }
0x82: {  	_ =	shalt  }
0x83: {  	_ =	shalt  }
0x84: {  	_ =	shalt  }
0x85: {  	_ =	shalt  }
0x86: {  	_ =	shalt  }
0x87: {  	_ =	shalt  }
.Lfunc_end0:
.L_simem_size_0:
called_computation.3_lowered:
.L_overlay_start_0:
0x88: {  	s2 =	sld [smem:$0x3FD9]  }
0x89: {  	s3 =	sld [smem:$0x3FFE];
	_ =	sdelay $0x1  }
0x8a: {  	s1 =	srdreg.scid  }
0x8b: {  	s0 =	sand.u32 $0x1, s1  }
0x8c: {  	s17 =	sshll.u32 s0, $0xA;
	s2 =	sadd.s32 s3, s2  }
0x8d: {  	s2 =	sadd.s32 s2, s17  }
0x8e: {  	[smem:$0x3FBE] =	sst s2  }
0x8f: {  	_ = 	snop  }
0x90: {  	s2 =	sld [smem:$0x3FD0];
	(tm) =	ssettm $0x1  }
0x91: {  	s18 =	sld [smem:$0x3FFB];
	_ =	sdelay $0x3  }
0x92: {  	_ =	strace s18  }
0x93: {  	s3 =	sld [smem:$0x3FFC];
	_ =	sdelay $0x3  }
0x94: {  	_ =	strace s3  }
0x95: {  	s3 =	sld [smem:$0x3FFD];
	_ =	sdelay $0x3  }
0x96: {  	_ =	strace s3  }
0x97: {  	_ =	strace $0x8FFFFFFF  }
0x98: {  	s19 =	sld [smem:$0x3FDB];
	_ =	sdelay $0x1  }
0x99: {  	s4 =	simm.s32 $_scs_section_size  }
0x9a: {  	s5 =	simm.s32 $_size__tile_overlayer_lowered;
	s6 =	simm.s32 $_tile_overlayer_lowered  }
0x9b: {  	s22 =	simm.s32 $0x1BFF;
	s21 =	sshll.u32 s6, $0x1;
	s3 =	sadd.s32 s4, s19  }
0x9c: {  	s7 =	simm.s32 $0x0;
	s20 =	sshll.u32 s5, $0x1;
	s5 =	sadd.s32 s21, s3  }
0x9d: {  	[timem:s7], [sflag:s22] =	dma.local [hbm:s5], s20  }
0x9e: {  	_ =	swait.ge [sflag:s22], s20  }
0x9f: {  	s4 =	ssub.s32 $0x0, s20;
	[sflag:s22] =	ssyncset.done $0x0  }
0xa0: {  	[sflag:s22] =	ssyncadd.s32 s4;
	_ =	sdelay $0x1  }
0xa1: {  	s23 =	simm.s32 $0x1B8B  }
0xa2: {  	_ =	swait.ge [sflag:s23], $0x1  }
0xa3: {  	[sflag:s23] =	ssyncset.done $0x0  }
0xa4: {  	s25 =	simm.s32 $0x1B8E;
	s24 =	sld [smem:$0x3FFE];
	[sflag:s23] =	ssyncadd.s32 $0xFFFFFFFF  }
0xa5: {  	s26 =	simm.s32 $execute0_lowered;
	[smem:$0x3FD2] =	sst s25  }
0xa6: {  	s5 =	sshll.u32 s26, $0x1;
	_ =	strace $0x8000004F;
	[dreg:$0x1] =	wrdreg $0xFFFFFFFF  }
0xa7: {  	s28 =	simm.s32 $_size_execute0_lowered;
	s3 =	sadd.s32 s3, s5;
	[dreg:$0x0] =	wrdreg $0x0  }
0xa8: {  	s5 =	sshll.u32 s28, $0x1;
	[dreg:$0x2] =	wrdreg s3  }
0xa9: {  	[dreg:$0x3] =	wrdreg s5  }
0xaa: {  	[dreg:$0x4] =	wrdreg $0xC0  }
0xab: {  	_ =	task [dreg:s7], $0x5FFFF  }
0xac: {  	[dreg:$0x1] =	wrdreg $0xFFFFFFFF  }
0xad: {  	[dreg:$0x0] =	wrdreg $0x60  }
0xae: {  	[dreg:$0x2] =	wrdreg s24  }
0xaf: {  	[dreg:$0x3] =	wrdreg s2  }
0xb0: {  	[dreg:$0x4] =	wrdreg $0x9  }
0xb1: {  	_ =	task.clear_ibuf [dreg:s7], $0x5FFFF;
	_ =	strace $0x9000004F  }
0xb2: {  	s29 =	simm.s32 $0x9;
	_ =	strace $0x80000051  }
0xb3: {  	_ =	swait.ge [sflag:s29], $0x1  }
0xb4: {  	[sflag:s29] =	ssyncadd.s32 $0xFFFFFFFF  }
0xb5: {  	_ =	strace $0x90000051  }
0xb6: {  	_ =	sfence  }
0xb7: {  	s30 =	sld [smem:$0x0];
	_ =	sdelay $0x2  }
0xb8: {  	s31 =	sshll.u32 s1, $0xD;
	s1 =	sshrl.u32 s1, $0x2  }
0xb9: {  	s3 =	sand.u32 $0x4000, s31;
	s1 =	sadd.s32 s1, s30  }
0xba: {  	s0 =	sor.u32 s3, s0;
	s1 =	sshll.u32 s1, $0x11  }
0xbb: {  	s0 =	sor.u32 s1, s0  }
0xbc: {  	s0 =	sadd.s32 $0x8F2B, s0  }
0xbd: {  	[sflag:s0] =	ssyncadd.remote.s32 $0x1  }
0xbe: {  	_ =	sfence.sel $0xFFFF  }
0xbf: {  	[dreg:$0x0] =	wrdreg $0xFFFFFFFF;
	(pc) =	sbr.abs _section_cstart, $3  }
0xc0: {  	[dreg:$0x1] =	wrdreg $0xFFFFFFFF  }
0xc1: {  	_ =	task.clear_ibuf [dreg:s7], $0x2FFFF;
	_ =	strace $0x9FFFFFFF  }
0xc2: {  	(tm) =	ssettm $0x7FFFFFFF  }
0xc3: {  	_ =	shalt  }
tec
execute0_lowered:
.L_overlay_start_1:
0x0: {  	(tag) =	ssettag $0x1  }
0x1: {  	s0 =	rddreg [dreg:$0x0]  }
0x2: {  	s4 =	rddreg [dreg:$0x1]  }
0x3: {  	s1 =	srdreg.scid;
	s2 =	simm.s32 $0x0;
	s3 =	stileid.u32  }
0x4: {  	s9 =	simm.s32 $0x80;
	s15 =	simm.s32 $0x1900;
	s16 =	simm.s32 $0x3200  }
0x5: {  	s1 =	sand.u32 $0x1, s1;
	[smem:$0x7FF] =	sst s2;
	s3 =	sshll.u32 s3, $0xE  }
0x6: {  	s5 =	sadd.s32 $0x3000, s0;
	s0 =	sadd.s32 $0x28DA00, s0;
	s28 =	sshll.u32 s1, $0x12  }
0x7: {  	_ =	strace $0x80000050;
	s1 =	ssub.s32 $0x2, s1;
	s14 =	sor.u32 s3, s28  }
0x8: {  	[dreg:$0x4] =	wrdreg s0;
	s29 =	sshrl.u32 s1, $0x1;
	s3 =	sshrl.u32 s14, $0x3  }
0x9: {  	s30 =	ssub.s32 s1, s29;
	[dreg:$0x3] =	wrdreg s14;
	s31 =	sadd.s32 s4, s3  }
0xa: {  	v0 =	vlaneseq.u32;
	s2 =	simm.s32 $0x80000;
	s0 =	smax.u32 s30, $0x1;
	[dreg:$0x5] =	wrdreg s31  }
0xb: {  	v0 =	vmul.u32 $0x10, v0;
	s3 =	simm.s32 $0x5;
	s4 =	simm.s32 $0x0;
	[dreg:$0x6] =	wrdreg s0  }
.LBB2_1:
0xc: {  	[dreg:$0x7] =	wrdreg s4  }
0xd: {  	s0 =	simm.s32 $0x0;
	s1 =	rddreg [dreg:$0x5];
	s7 =	simm.s32 $0x490  }
0xe: {  	s8 =	simm.s32 $0x1C90;
	s17 =	simm.s32 $0x590;
	s18 =	simm.s32 $0x1D90  }
0xf: {  	s19 =	simm.s32 $0x690;
	s20 =	simm.s32 $0x1E90;
	s21 =	simm.s32 $0x790  }
0x10: {  	[tilespmem:s0], [sflag:$0x5] =	stream.strided.gather [hbm4b:s1+s9], $0x200, s2, s9, $0x38;
	[tilespmem:$0x1C200] =	vst v63  }
0x11: {  	s22 =	simm.s32 $0x1F90;
	s24 =	simm.s32 $0x0;
	_ =	swait.ge [sflag:s3], $0x200  }
0x12: {  	s0 =	simm.s32 $0x280;
	s1 =	simm.s32 $0x1A80;
	[sflag:s3] =	ssyncset.done $0x0  }
0x13: {  	s2 =	simm.s32 $0x390;
	[sflag:s3] =	ssyncadd.s32 $0xFFFFFE00;
	s3 =	simm.s32 $0x1B90  }
.LBB2_2:
0x14: {  	s25 =	simm.s32 $0x90  }
0x15: {  	s4 =	simm.s32 $0x40;
	v1 =	vld [tilespmem:s25+$0xFFFFFFF0]  }
0x16: {  	s26 =	sshll.u32 s4, s24;
	v3 =	vld [tilespmem:s25+$0xFFFFFF70]  }
0x17: {  	v6 =	vld [tilespmem:s25+$0x0];
	s6 =	scvt.s32.f32 s26  }
0x18: {  	s31 =	simm.s32 $0xB0;
	v7 =	vld [tilespmem:s25+$0xFFFFFF80]  }
0x19: {  	v17 =	vld [tilespmem:s31+$0xFFFFFFF0];
	s10 =	sadd.s32 $0xFFFFFFFF, s26;
	s6 =	smul.f32 $5.000000000e-01, s6  }
0x1a: {  	v19 =	vld [tilespmem:s31+$0xFFFFFF80];
	s23 =	scvt.s32.f32 s10  }
0x1b: {  	s28 =	sadd.f32 $-5.000000000e-01, s6;
	v4 =	vmov s6  }
0x1c: {  	v2 =	vmov s23;
	v1 =	vmul.f32 v1, v4;
	v8 =	vmul.f32 v3, v4  }
0x1d: {  	s29 =	sshll.u32 s24, $0x1;
	s30 =	simm.s32 $0xFFFFFFFF;
	v6 =	vmul.f32 v6, v4;
	v3 =	vmov s26;
	v5 =	vmov s28  }
0x1e: {  	s4 =	sshll.u32 s30, s29;
	v7 =	vmul.f32 v7, v4;
	v17 =	vmul.f32 v17, v4;
	v9 =	vadd.f32 v1, v5  }
0x1f: {  	s4 =	sxor.u32 $0xFFFFFFFF, s4;
	v19 =	vmul.f32 v19, v4;
	v1 =	vmov s10;
	v8 =	vadd.f32 v8, v5  }
0x20: {  	s10 =	sshll.u32 s4, $0xC;
	v10 =	vadd.f32 v6, v5;
	v11 =	vadd.f32 v7, v5;
	v9 =	vmax.f32 v9, $0.0e+00  }
0x21: {  	v6 =	vmov s10;
	v7 =	vmax.f32 v8, $0.0e+00;
	v12 =	vmin.f32 v9, v2  }
0x22: {  	v9 =	vmax.f32 v10, $0.0e+00;
	v13 =	vmin.f32 v7, v2;
	v8 =	vtrunc.f32 v12  }
0x23: {  	v7 =	vmin.f32 v9, v2;
	v9 =	vtrunc.f32 v13;
	v10 =	vcvt.f32.s32 v8  }
0x24: {  	v8 =	vmax.f32 v11, $0.0e+00;
	v11 =	vtrunc.f32 v7;
	v15 =	vcvt.f32.s32 v9  }
0x25: {  	v16 =	vcvt.f32.s32 v11;
	v8 =	vmin.f32 v8, v2;
	v14 =	vadd.s32 $0x1, v10  }
0x26: {  	v18 =	vmul.u32 v10, v3;
	v11 =	vtrunc.f32 v8;
	v20 =	vcvt.s32.f32 v15  }
0x27: {  	v22 =	vld [tilespmem:s31+$0xFFFFFF70];
	v10 =	vcvt.s32.f32 v10;
	v21 =	vadd.s32 $0x1, v16;
	v9 =	vcvt.s32.f32 v16  }
0x28: {  	v23 =	vld [tilespmem:s31+$0x0];
	vm1 =	vlt.s32 v21, v1;
	v20 =	vsub.f32 v13, v20;
	v13 =	vcvt.f32.s32 v11  }
0x29: {  	v11 =	vsub.f32 v12, v10;
	v10 =	vmul.u32 v16, v3;
	v21 =	vsel vm1, v21, v1  }
0x2a: {  	v16 =	vmul.u32 v3, v21;
	v12 =	vcvt.s32.f32 v13;
	v13 =	vadd.s32 v13, v6  }
0x2b: {  	v15 =	vadd.s32 v15, v6;
	vm0 =	vlt.s32 v14, v1;
	v61 =	vadd.s32 v10, v13  }
0x2c: {  	v10 =	vmul.f32 v22, v4;
	v13 =	vadd.s32 v16, v13;
	v16 =	vadd.f32 v17, v5  }
0x2d: {  	v14 =	vsel vm0, v14, v1;
	v17 =	vadd.f32 v19, v5;
	v19 =	vmul.f32 v23, v4  }
0x2e: {  	v14 =	vmul.u32 v3, v14;
	v22 =	vadd.f32 v10, v5;
	v10 =	vmax.f32 v16, $0.0e+00  }
0x2f: {  	v16 =	vadd.s32 v18, v15;
	v19 =	vadd.f32 v19, v5;
	v10 =	vmin.f32 v10, v2  }
0x30: {  	[tilespmem:s0+$0xFFFFFF90] =	vst v61;
	v17 =	vmax.f32 v17, $0.0e+00;
	v15 =	vadd.s32 v14, v15;
	v18 =	vtrunc.f32 v10  }
0x31: {  	[tilespmem:s0+$0x10] =	vst v13;
	v62 =	vmax.f32 v22, $0.0e+00;
	v13 =	vmax.f32 v19, $0.0e+00;
	v18 =	vcvt.f32.s32 v18  }
0x32: {  	v17 =	vmin.f32 v17, v2;
	[tilespmem:s0+$0xFFFFFF80] =	vst v16;
	v16 =	vmin.f32 v62, v2;
	v13 =	vmin.f32 v13, v2  }
0x33: {  	s12 =	simm.s32 $0x2;
	s13 =	simm.s32 $0xD0;
	s11 =	smov.u32 s1;
	[tilespmem:s0+$0x0] =	vst v15;
	v19 =	vtrunc.f32 v16;
	v63 =	vtrunc.f32 v13;
	v14 =	vadd.s32 $0x1, v18  }
0x34: {  	s25 =	smov.u32 s0;
	s6 =	smov.u32 s1;
	s4 =	smul.u32 $0x600, s24;
	[tilespmem:s1+$0xFFFFFF80] =	vst v20;
	v15 =	vcvt.f32.s32 v19;
	v19 =	vcvt.f32.s32 v63;
	vm0 =	vlt.s32 v14, v1  }
.LBB2_3:
0x35: {  	v20 =	vld [tilespmem:s13+$0xFFFFFFF0];
	s12 =	sadd.s32 $0x2, s12;
	v21 =	vmul.u32 v18, v3;
	v22 =	vtrunc.f32 v17;
	[tilespmem:s11+$0x0] =	vst v11;
	v11 =	vsub.f32 v8, v12;
	s25 =	sadd.s32 $0x20, s25;
	s6 =	sadd.s32 $0x20, s6;
	v8 =	vmovc v17  }
0x36: {  	v18 =	vcvt.s32.f32 v18;
	v17 =	vld [tilespmem:s13+$0xFFFFFF80];
	p0 =	slt.u32 s12, $0x6;
	v12 =	vcvt.s32.f32 v15;
	v23 =	vadd.s32 $0x1, v19  }
0x37: {  	v25 =	vsub.f32 v7, v9;
	v7 =	vmovc v13;
	v9 =	vcvt.s32.f32 v19;
	v24 =	vld [tilespmem:s13+$0xFFFFFF70];
	vm1 =	vlt.s32 v23, v1;
	[tilespmem:s11+$0xFFFFFF90] =	vst v11  }
0x38: {  	v13 =	vld [tilespmem:s13+$0x0];
	v26 =	vsub.f32 v16, v12;
	v16 =	vcvt.f32.s32 v22;
	v12 =	vsel vm1, v23, v1  }
0x39: {  	v11 =	vsub.f32 v10, v18;
	v10 =	vmul.u32 v19, v3;
	v18 =	vmul.u32 v3, v12;
	[tilespmem:s11+$0x10] =	vst v25;
	s11 =	smov.u32 s6  }
0x3a: {  	v19 =	vmul.f32 v20, v4;
	v12 =	vcvt.s32.f32 v16;
	v16 =	vadd.s32 v16, v6  }
0x3b: {  	v17 =	vmul.f32 v17, v4;
	v10 =	vadd.s32 v10, v16;
	v16 =	vadd.s32 v18, v16  }
0x3c: {  	v14 =	vsel vm0, v14, v1;
	v18 =	vmul.f32 v24, v4;
	v19 =	vadd.f32 v19, v5;
	[tilespmem:s25+$0xFFFFFF90] =	vst v10  }
0x3d: {  	v15 =	vadd.s32 v15, v6;
	v17 =	vadd.f32 v17, v5;
	v13 =	vmul.f32 v13, v4;
	[tilespmem:s25+$0x10] =	vst v16  }
0x3e: {  	v16 =	vadd.f32 v18, v5;
	v10 =	vmax.f32 v19, $0.0e+00;
	v18 =	vadd.s32 v21, v15  }
0x3f: {  	v10 =	vmin.f32 v10, v2;
	v17 =	vmax.f32 v17, $0.0e+00;
	v13 =	vadd.f32 v13, v5;
	[tilespmem:s25+$0xFFFFFF80] =	vst v18  }
.Ltmp0:
0x40: {  	v14 =	vmul.u32 v3, v14;
	v16 =	vmax.f32 v16, $0.0e+00;
	v18 =	vtrunc.f32 v10;
	(pc) =	sbr.rel @p0 .LBB2_3-.Ltmp0, $4  }
0x41: {  	v17 =	vmin.f32 v17, v2;
	v18 =	vcvt.f32.s32 v18;
	v13 =	vmax.f32 v13, $0.0e+00  }
0x42: {  	v15 =	vadd.s32 v14, v15;
	v16 =	vmin.f32 v16, v2;
	v13 =	vmin.f32 v13, v2  }
0x43: {  	v19 =	vtrunc.f32 v16;
	v14 =	vadd.s32 $0x1, v18;
	v20 =	vtrunc.f32 v13;
	[tilespmem:s25+$0x0] =	vst v15  }
0x44: {  	s13 =	sadd.s32 $0x20, s13;
	v15 =	vcvt.f32.s32 v19;
	vm0 =	vlt.s32 v14, v1;
	v19 =	vcvt.f32.s32 v20;
	[tilespmem:s6+$0xFFFFFF80] =	vst v26  }
0x45: {  	_ = 	snop  }
0x46: {  	v20 =	vtrunc.f32 v17;
	v21 =	vadd.s32 $0x1, v19  }
0x47: {  	v8 =	vsub.f32 v8, v12;
	v12 =	vcvt.f32.s32 v20;
	vm1 =	vlt.s32 v21, v1  }
0x48: {  	[tilespmem:s11+$0x0] =	vst v11;
	v7 =	vsub.f32 v7, v9;
	v11 =	vmul.u32 v19, v3;
	v9 =	vsel vm1, v21, v1  }
0x49: {  	v20 =	vmul.u32 v18, v3;
	[tilespmem:s11+$0xFFFFFF90] =	vst v8;
	v8 =	vmul.u32 v3, v9;
	v9 =	vadd.s32 v12, v6  }
0x4a: {  	s12 =	sadd.s32 $0x20, s25;
	v59 =	vcvt.s32.f32 v15;
	[tilespmem:s11+$0x10] =	vst v7;
	v7 =	vadd.s32 v11, v9;
	v11 =	vsel vm0, v14, v1  }
0x4b: {  	v6 =	vadd.s32 v15, v6;
	v8 =	vadd.s32 v8, v9;
	[tilespmem:s12+$0xFFFFFF90] =	vst v7;
	v7 =	vmul.u32 v3, v11  }
0x4c: {  	v9 =	vcvt.s32.f32 v18;
	[tilespmem:s12+$0x10] =	vst v8;
	v8 =	vadd.s32 v20, v6  }
0x4d: {  	v12 =	vcvt.s32.f32 v12;
	v11 =	vsub.f32 v16, v59;
	[tilespmem:s12+$0xFFFFFF80] =	vst v8;
	v6 =	vadd.s32 v7, v6  }
0x4e: {  	s6 =	sadd.s32 $0x20, s6;
	v7 =	vcvt.s32.f32 v19;
	v8 =	vsub.f32 v10, v9;
	[tilespmem:s12+$0x0] =	vst v6  }
0x4f: {  	s31 =	smul.u32 $0x18000, s24;
	v6 =	vsub.f32 v17, v12;
	[tilespmem:s6+$0xFFFFFF80] =	vst v11  }
0x50: {  	[tilespmem:s6+$0x0] =	vst v8;
	v7 =	vsub.f32 v13, v7  }
0x51: {  	s13 =	sadd.s32 $0x200, s4;
	s11 =	sshra.s32 s31, $0x2;
	s31 =	sshll.u32 s4, $0x4;
	[tilespmem:s6+$0xFFFFFF90] =	vst v6  }
0x52: {  	s25 =	sadd.s32 $0x1, s24;
	s12 =	sadd.s32 $0x3200, s11;
	[tilespmem:s6+$0x10] =	vst v7;
	s6 =	sor.u32 $0x800, s31  }
0x53: {  	[tilespmem:s12], [sflag:s25] =	stream.indirect.gather [hbm4b:s5+s9], $0x10, s13, s9, $0xb8;
	[tilespmem:$0x1C200] =	vst v63  }
0x54: {  	s6 =	sand.u32 $0x3FFFFFF0, s6  }
0x55: {  	s11 =	sadd.s32 $0x280, s4;
	s12 =	simm.s32 $0x110;
	s6 =	sadd.s32 $0x3200, s6  }
0x56: {  	[tilespmem:s6], [sflag:s25] =	stream.indirect.gather [hbm4b:s5+s9], $0x10, s11, s9, $0xb8;
	[tilespmem:$0x1C200] =	vst v63  }
0x57: {  	v6 =	vld [tilespmem:s12+$0xFFFFFFF0]  }
0x58: {  	v7 =	vld [tilespmem:s12+$0xFFFFFEF0]  }
0x59: {  	v8 =	vld [tilespmem:s12+$0x0]  }
0x5a: {  	s31 =	simm.s32 $0x130;
	v9 =	vld [tilespmem:s12+$0xFFFFFF00]  }
0x5b: {  	v16 =	vld [tilespmem:s31+$0xFFFFFFF0]  }
0x5c: {  	v19 =	vld [tilespmem:s31+$0xFFFFFF00]  }
0x5d: {  	v6 =	vmul.f32 v6, v4  }
0x5e: {  	v7 =	vmul.f32 v7, v4;
	v8 =	vmul.f32 v8, v4  }
0x5f: {  	v9 =	vmul.f32 v9, v4;
	v6 =	vadd.f32 v6, v5  }
0x60: {  	v16 =	vmul.f32 v16, v4;
	v7 =	vadd.f32 v7, v5;
	v8 =	vadd.f32 v8, v5  }
0x61: {  	v19 =	vmul.f32 v19, v4;
	v9 =	vadd.f32 v9, v5;
	v10 =	vmax.f32 v6, $0.0e+00  }
0x62: {  	v7 =	vmax.f32 v7, $0.0e+00;
	v8 =	vmax.f32 v8, $0.0e+00;
	v10 =	vmin.f32 v10, v2  }
0x63: {  	v12 =	vmin.f32 v7, v2;
	v7 =	vmin.f32 v8, v2;
	v11 =	vtrunc.f32 v10  }
0x64: {  	s13 =	sadd.s32 $0x6, s24;
	v8 =	vmax.f32 v9, $0.0e+00;
	v9 =	vtrunc.f32 v12;
	v13 =	vtrunc.f32 v7  }
0x65: {  	s4 =	sshll.u32 s26, s13;
	v8 =	vmin.f32 v8, v2;
	v11 =	vcvt.f32.s32 v11;
	v15 =	vcvt.f32.s32 v9  }
0x66: {  	s4 =	sadd.s32 s4, s10;
	v16 =	vadd.f32 v16, v5;
	v13 =	vcvt.f32.s32 v13;
	v18 =	vtrunc.f32 v8  }
0x67: {  	v6 =	vmov s4;
	v18 =	vcvt.f32.s32 v18;
	v14 =	vadd.s32 $0x1, v11  }
0x68: {  	v22 =	vld [tilespmem:s31+$0xFFFFFEF0];
	v17 =	vmul.u32 v11, v3;
	v20 =	vcvt.s32.f32 v15;
	v60 =	vadd.s32 $0x1, v13  }
0x69: {  	v23 =	vld [tilespmem:s31+$0x0];
	v11 =	vcvt.s32.f32 v11;
	v9 =	vcvt.s32.f32 v13;
	v15 =	vadd.s32 v15, v6  }
0x6a: {  	vm0 =	vlt.s32 v14, v1;
	vm1 =	vlt.s32 v60, v1;
	v20 =	vsub.f32 v12, v20  }
0x6b: {  	v12 =	vsel vm1, v60, v1;
	v11 =	vsub.f32 v10, v11;
	v10 =	vmul.u32 v13, v3  }
0x6c: {  	v13 =	vmul.u32 v3, v12;
	v12 =	vcvt.s32.f32 v18;
	v18 =	vadd.s32 v18, v6  }
0x6d: {  	v14 =	vsel vm0, v14, v1;
	v61 =	vadd.s32 v10, v18;
	v10 =	vmul.f32 v22, v4  }
0x6e: {  	v13 =	vadd.s32 v13, v18;
	v18 =	vadd.f32 v19, v5;
	v19 =	vmul.f32 v23, v4  }
0x6f: {  	v14 =	vmul.u32 v3, v14;
	v22 =	vadd.f32 v10, v5;
	v10 =	vmax.f32 v16, $0.0e+00  }
0x70: {  	v16 =	vadd.s32 v17, v15;
	v10 =	vmin.f32 v10, v2;
	v19 =	vadd.f32 v19, v5  }
0x71: {  	[tilespmem:s2+$0xFFFFFF80] =	vst v61;
	v15 =	vadd.s32 v14, v15;
	v17 =	vmax.f32 v18, $0.0e+00;
	v18 =	vtrunc.f32 v10  }
0x72: {  	s6 =	smul.u32 $0x6, s24;
	[tilespmem:s2+$0x0] =	vst v13;
	v62 =	vmax.f32 v22, $0.0e+00;
	v18 =	vcvt.f32.s32 v18;
	v13 =	vmax.f32 v19, $0.0e+00  }
0x73: {  	s29 =	smov.u32 s3;
	[tilespmem:s2+$0xFFFFFF70] =	vst v16;
	v17 =	vmin.f32 v17, v2;
	v16 =	vmin.f32 v62, v2;
	v13 =	vmin.f32 v13, v2  }
0x74: {  	s30 =	smov.u32 s2;
	s13 =	simm.s32 $0x150;
	s28 =	sor.u32 $0x1, s6;
	[tilespmem:s2+$0xFFFFFFF0] =	vst v15;
	v19 =	vtrunc.f32 v16;
	v14 =	vadd.s32 $0x1, v18;
	v63 =	vtrunc.f32 v13  }
0x75: {  	s11 =	smov.u32 s3;
	s12 =	simm.s32 $0x2;
	s4 =	sshll.u32 s28, $0x8;
	[tilespmem:s3+$0xFFFFFF70] =	vst v20;
	v15 =	vcvt.f32.s32 v19;
	vm0 =	vlt.s32 v14, v1;
	v19 =	vcvt.f32.s32 v63  }
.LBB2_5:
0x76: {  	v20 =	vld [tilespmem:s13+$0xFFFFFFF0];
	s12 =	sadd.s32 $0x2, s12;
	v21 =	vmul.u32 v18, v3;
	v22 =	vtrunc.f32 v17;
	[tilespmem:s29+$0xFFFFFFF0] =	vst v11;
	v11 =	vsub.f32 v8, v12;
	s30 =	sadd.s32 $0x20, s30;
	s11 =	sadd.s32 $0x20, s11;
	v8 =	vmovc v17  }
0x77: {  	v18 =	vcvt.s32.f32 v18;
	v17 =	vld [tilespmem:s13+$0xFFFFFF00];
	p0 =	slt.u32 s12, $0x6;
	v12 =	vcvt.s32.f32 v15;
	v23 =	vadd.s32 $0x1, v19  }
0x78: {  	v25 =	vsub.f32 v7, v9;
	v7 =	vmovc v13;
	v9 =	vcvt.s32.f32 v19;
	v24 =	vld [tilespmem:s13+$0xFFFFFEF0];
	vm1 =	vlt.s32 v23, v1;
	[tilespmem:s29+$0xFFFFFF80] =	vst v11  }
0x79: {  	v13 =	vld [tilespmem:s13+$0x0];
	v26 =	vsub.f32 v16, v12;
	v16 =	vcvt.f32.s32 v22;
	v12 =	vsel vm1, v23, v1  }
0x7a: {  	v11 =	vsub.f32 v10, v18;
	v10 =	vmul.u32 v19, v3;
	v18 =	vmul.u32 v3, v12;
	[tilespmem:s29+$0x0] =	vst v25;
	s29 =	smov.u32 s11  }
0x7b: {  	v19 =	vmul.f32 v20, v4;
	v12 =	vcvt.s32.f32 v16;
	v16 =	vadd.s32 v16, v6  }
0x7c: {  	v17 =	vmul.f32 v17, v4;
	v10 =	vadd.s32 v10, v16;
	v16 =	vadd.s32 v18, v16  }
0x7d: {  	v14 =	vsel vm0, v14, v1;
	v18 =	vmul.f32 v24, v4;
	v19 =	vadd.f32 v19, v5;
	[tilespmem:s30+$0xFFFFFF80] =	vst v10  }
0x7e: {  	v15 =	vadd.s32 v15, v6;
	v17 =	vadd.f32 v17, v5;
	v13 =	vmul.f32 v13, v4;
	[tilespmem:s30+$0x0] =	vst v16  }
0x7f: {  	v16 =	vadd.f32 v18, v5;
	v10 =	vmax.f32 v19, $0.0e+00;
	v18 =	vadd.s32 v21, v15  }
0x80: {  	v10 =	vmin.f32 v10, v2;
	v17 =	vmax.f32 v17, $0.0e+00;
	v13 =	vadd.f32 v13, v5;
	[tilespmem:s30+$0xFFFFFF70] =	vst v18  }
.Ltmp1:
0x81: {  	v14 =	vmul.u32 v3, v14;
	v16 =	vmax.f32 v16, $0.0e+00;
	v18 =	vtrunc.f32 v10;
	(pc) =	sbr.rel @p0 .LBB2_5-.Ltmp1, $4  }
0x82: {  	v17 =	vmin.f32 v17, v2;
	v18 =	vcvt.f32.s32 v18;
	v13 =	vmax.f32 v13, $0.0e+00  }
0x83: {  	v15 =	vadd.s32 v14, v15;
	v16 =	vmin.f32 v16, v2;
	v13 =	vmin.f32 v13, v2  }
0x84: {  	v19 =	vtrunc.f32 v16;
	v14 =	vadd.s32 $0x1, v18;
	v20 =	vtrunc.f32 v13;
	[tilespmem:s30+$0xFFFFFFF0] =	vst v15  }
0x85: {  	s13 =	sadd.s32 $0x20, s13;
	v15 =	vcvt.f32.s32 v19;
	vm0 =	vlt.s32 v14, v1;
	v19 =	vcvt.f32.s32 v20;
	[tilespmem:s11+$0xFFFFFF70] =	vst v26  }
0x86: {  	_ = 	snop  }
0x87: {  	v20 =	vtrunc.f32 v17;
	v21 =	vadd.s32 $0x1, v19  }
0x88: {  	v8 =	vsub.f32 v8, v12;
	v12 =	vcvt.f32.s32 v20;
	vm1 =	vlt.s32 v21, v1  }
0x89: {  	[tilespmem:s29+$0xFFFFFFF0] =	vst v11;
	v7 =	vsub.f32 v7, v9;
	v11 =	vmul.u32 v19, v3;
	v9 =	vsel vm1, v21, v1  }
0x8a: {  	v20 =	vmul.u32 v18, v3;
	[tilespmem:s29+$0xFFFFFF80] =	vst v8;
	v8 =	vmul.u32 v3, v9;
	v9 =	vadd.s32 v12, v6  }
0x8b: {  	s12 =	sadd.s32 $0x20, s30;
	v59 =	vcvt.s32.f32 v15;
	[tilespmem:s29+$0x0] =	vst v7;
	v7 =	vadd.s32 v11, v9;
	v11 =	vsel vm0, v14, v1  }
0x8c: {  	v6 =	vadd.s32 v15, v6;
	v8 =	vadd.s32 v8, v9;
	[tilespmem:s12+$0xFFFFFF80] =	vst v7;
	v7 =	vmul.u32 v3, v11  }
0x8d: {  	v9 =	vcvt.s32.f32 v18;
	[tilespmem:s12+$0x0] =	vst v8;
	v8 =	vadd.s32 v20, v6  }
0x8e: {  	v12 =	vcvt.s32.f32 v12;
	v11 =	vsub.f32 v16, v59;
	[tilespmem:s12+$0xFFFFFF70] =	vst v8;
	v6 =	vadd.s32 v7, v6  }
0x8f: {  	s11 =	sadd.s32 $0x20, s11;
	v7 =	vcvt.s32.f32 v19;
	v8 =	vsub.f32 v10, v9;
	[tilespmem:s12+$0xFFFFFFF0] =	vst v6  }
0x90: {  	s29 =	sshll.u32 s28, $0xC;
	v6 =	vsub.f32 v17, v12;
	[tilespmem:s11+$0xFFFFFF70] =	vst v11  }
0x91: {  	s12 =	sand.u32 $0x3FFFF000, s29;
	[tilespmem:s11+$0xFFFFFFF0] =	vst v8;
	v7 =	vsub.f32 v13, v7  }
0x92: {  	s30 =	sadd.s32 $0x3200, s12;
	s12 =	sshll.u32 s4, $0x4;
	[tilespmem:s11+$0xFFFFFF80] =	vst v6  }
0x93: {  	s31 =	sadd.s32 $0x200, s4;
	[tilespmem:s11+$0x0] =	vst v7;
	s11 =	sor.u32 $0x800, s12  }
0x94: {  	[tilespmem:s30], [sflag:s25] =	stream.indirect.gather [hbm4b:s5+s9], $0x10, s31, s9, $0xb8;
	[tilespmem:$0x1C200] =	vst v63  }
0x95: {  	s11 =	sand.u32 $0x3FFFFFF0, s11  }
0x96: {  	s13 =	sadd.s32 $0x280, s4;
	s29 =	simm.s32 $0x110;
	s11 =	sadd.s32 $0x3200, s11  }
0x97: {  	[tilespmem:s11], [sflag:s25] =	stream.indirect.gather [hbm4b:s5+s9], $0x10, s13, s9, $0xb8;
	[tilespmem:$0x1C200] =	vst v63  }
0x98: {  	v6 =	vld [tilespmem:s29+$0xFFFFFFF0]  }
0x99: {  	v7 =	vld [tilespmem:s29+$0xFFFFFF70]  }
0x9a: {  	v8 =	vld [tilespmem:s29+$0x0]  }
0x9b: {  	s31 =	simm.s32 $0x130;
	v9 =	vld [tilespmem:s29+$0xFFFFFF80]  }
0x9c: {  	v16 =	vld [tilespmem:s31+$0xFFFFFFF0]  }
0x9d: {  	v19 =	vld [tilespmem:s31+$0xFFFFFF80]  }
0x9e: {  	v6 =	vmul.f32 v6, v4  }
0x9f: {  	v7 =	vmul.f32 v7, v4;
	v8 =	vmul.f32 v8, v4  }
0xa0: {  	v9 =	vmul.f32 v9, v4;
	v6 =	vadd.f32 v6, v5  }
0xa1: {  	v16 =	vmul.f32 v16, v4;
	v7 =	vadd.f32 v7, v5;
	v8 =	vadd.f32 v8, v5  }
0xa2: {  	v19 =	vmul.f32 v19, v4;
	v9 =	vadd.f32 v9, v5;
	v10 =	vmax.f32 v6, $0.0e+00  }
0xa3: {  	v7 =	vmax.f32 v7, $0.0e+00;
	v8 =	vmax.f32 v8, $0.0e+00;
	v10 =	vmin.f32 v10, v2  }
0xa4: {  	v12 =	vmin.f32 v7, v2;
	v7 =	vmin.f32 v8, v2;
	v11 =	vtrunc.f32 v10  }
0xa5: {  	s30 =	sadd.s32 $0x7, s24;
	v8 =	vmax.f32 v9, $0.0e+00;
	v9 =	vtrunc.f32 v12;
	v13 =	vtrunc.f32 v7  }
0xa6: {  	s4 =	sshll.u32 s26, s30;
	v8 =	vmin.f32 v8, v2;
	v11 =	vcvt.f32.s32 v11;
	v15 =	vcvt.f32.s32 v9  }
0xa7: {  	s4 =	sadd.s32 s4, s10;
	v16 =	vadd.f32 v16, v5;
	v13 =	vcvt.f32.s32 v13;
	v18 =	vtrunc.f32 v8  }
0xa8: {  	v6 =	vmov s4;
	v18 =	vcvt.f32.s32 v18;
	v14 =	vadd.s32 $0x1, v11  }
0xa9: {  	v22 =	vld [tilespmem:s31+$0xFFFFFF70];
	v17 =	vmul.u32 v11, v3;
	v20 =	vcvt.s32.f32 v15;
	v60 =	vadd.s32 $0x1, v13  }
0xaa: {  	v23 =	vld [tilespmem:s31+$0x0];
	v11 =	vcvt.s32.f32 v11;
	v9 =	vcvt.s32.f32 v13;
	v15 =	vadd.s32 v15, v6  }
0xab: {  	vm0 =	vlt.s32 v14, v1;
	vm1 =	vlt.s32 v60, v1;
	v20 =	vsub.f32 v12, v20  }
0xac: {  	v12 =	vsel vm1, v60, v1;
	v11 =	vsub.f32 v10, v11;
	v10 =	vmul.u32 v13, v3  }
0xad: {  	v13 =	vmul.u32 v3, v12;
	v12 =	vcvt.s32.f32 v18;
	v18 =	vadd.s32 v18, v6  }
0xae: {  	v14 =	vsel vm0, v14, v1;
	v61 =	vadd.s32 v10, v18;
	v10 =	vmul.f32 v22, v4  }
0xaf: {  	v13 =	vadd.s32 v13, v18;
	v18 =	vadd.f32 v19, v5;
	v19 =	vmul.f32 v23, v4  }
0xb0: {  	v14 =	vmul.u32 v3, v14;
	v22 =	vadd.f32 v10, v5;
	v10 =	vmax.f32 v16, $0.0e+00  }
0xb1: {  	v16 =	vadd.s32 v17, v15;
	v10 =	vmin.f32 v10, v2;
	v19 =	vadd.f32 v19, v5  }
0xb2: {  	[tilespmem:s7+$0xFFFFFF80] =	vst v61;
	v15 =	vadd.s32 v14, v15;
	v17 =	vmax.f32 v18, $0.0e+00;
	v18 =	vtrunc.f32 v10  }
0xb3: {  	[tilespmem:s7+$0x0] =	vst v13;
	v62 =	vmax.f32 v22, $0.0e+00;
	v18 =	vcvt.f32.s32 v18;
	v13 =	vmax.f32 v19, $0.0e+00  }
0xb4: {  	s28 =	smov.u32 s7;
	[tilespmem:s7+$0xFFFFFF70] =	vst v16;
	v17 =	vmin.f32 v17, v2;
	v16 =	vmin.f32 v62, v2;
	v13 =	vmin.f32 v13, v2  }
0xb5: {  	s12 =	simm.s32 $0x2;
	s26 =	smov.u32 s8;
	s10 =	sadd.s32 $0x2, s6;
	[tilespmem:s7+$0xFFFFFFF0] =	vst v15;
	v19 =	vtrunc.f32 v16;
	v14 =	vadd.s32 $0x1, v18;
	v63 =	vtrunc.f32 v13  }
0xb6: {  	s13 =	simm.s32 $0x150;
	s11 =	smov.u32 s8;
	s4 =	sshll.u32 s10, $0x8;
	[tilespmem:s8+$0xFFFFFF70] =	vst v20;
	v15 =	vcvt.f32.s32 v19;
	vm0 =	vlt.s32 v14, v1;
	v19 =	vcvt.f32.s32 v63  }
.LBB2_7:
0xb7: {  	v20 =	vld [tilespmem:s13+$0xFFFFFFF0];
	s12 =	sadd.s32 $0x2, s12;
	v21 =	vmul.u32 v18, v3;
	v22 =	vtrunc.f32 v17;
	[tilespmem:s26+$0xFFFFFFF0] =	vst v11;
	v11 =	vsub.f32 v8, v12;
	s28 =	sadd.s32 $0x20, s28;
	s11 =	sadd.s32 $0x20, s11;
	v8 =	vmovc v17  }
0xb8: {  	v18 =	vcvt.s32.f32 v18;
	v17 =	vld [tilespmem:s13+$0xFFFFFF80];
	p0 =	slt.u32 s12, $0x6;
	v12 =	vcvt.s32.f32 v15;
	v23 =	vadd.s32 $0x1, v19  }
0xb9: {  	v25 =	vsub.f32 v7, v9;
	v7 =	vmovc v13;
	v9 =	vcvt.s32.f32 v19;
	v24 =	vld [tilespmem:s13+$0xFFFFFF70];
	vm1 =	vlt.s32 v23, v1;
	[tilespmem:s26+$0xFFFFFF80] =	vst v11  }
0xba: {  	v13 =	vld [tilespmem:s13+$0x0];
	v26 =	vsub.f32 v16, v12;
	v16 =	vcvt.f32.s32 v22;
	v12 =	vsel vm1, v23, v1  }
0xbb: {  	v11 =	vsub.f32 v10, v18;
	v10 =	vmul.u32 v19, v3;
	v18 =	vmul.u32 v3, v12;
	[tilespmem:s26+$0x0] =	vst v25;
	s26 =	smov.u32 s11  }
0xbc: {  	v19 =	vmul.f32 v20, v4;
	v12 =	vcvt.s32.f32 v16;
	v16 =	vadd.s32 v16, v6  }
0xbd: {  	v17 =	vmul.f32 v17, v4;
	v10 =	vadd.s32 v10, v16;
	v16 =	vadd.s32 v18, v16  }
0xbe: {  	v14 =	vsel vm0, v14, v1;
	v18 =	vmul.f32 v24, v4;
	v19 =	vadd.f32 v19, v5;
	[tilespmem:s28+$0xFFFFFF80] =	vst v10  }
0xbf: {  	v15 =	vadd.s32 v15, v6;
	v17 =	vadd.f32 v17, v5;
	v13 =	vmul.f32 v13, v4;
	[tilespmem:s28+$0x0] =	vst v16  }
0xc0: {  	v16 =	vadd.f32 v18, v5;
	v10 =	vmax.f32 v19, $0.0e+00;
	v18 =	vadd.s32 v21, v15  }
0xc1: {  	v10 =	vmin.f32 v10, v2;
	v17 =	vmax.f32 v17, $0.0e+00;
	v13 =	vadd.f32 v13, v5;
	[tilespmem:s28+$0xFFFFFF70] =	vst v18  }
.Ltmp2:
0xc2: {  	v14 =	vmul.u32 v3, v14;
	v16 =	vmax.f32 v16, $0.0e+00;
	v18 =	vtrunc.f32 v10;
	(pc) =	sbr.rel @p0 .LBB2_7-.Ltmp2, $4  }
0xc3: {  	v17 =	vmin.f32 v17, v2;
	v18 =	vcvt.f32.s32 v18;
	v13 =	vmax.f32 v13, $0.0e+00  }
0xc4: {  	v15 =	vadd.s32 v14, v15;
	v16 =	vmin.f32 v16, v2;
	v13 =	vmin.f32 v13, v2  }
0xc5: {  	v19 =	vtrunc.f32 v16;
	v14 =	vadd.s32 $0x1, v18;
	v20 =	vtrunc.f32 v13;
	[tilespmem:s28+$0xFFFFFFF0] =	vst v15  }
0xc6: {  	s13 =	sadd.s32 $0x20, s13;
	v15 =	vcvt.f32.s32 v19;
	vm0 =	vlt.s32 v14, v1;
	v19 =	vcvt.f32.s32 v20;
	[tilespmem:s11+$0xFFFFFF70] =	vst v26  }
0xc7: {  	_ = 	snop  }
0xc8: {  	v4 =	vtrunc.f32 v17;
	v5 =	vadd.s32 $0x1, v19  }
0xc9: {  	v8 =	vsub.f32 v8, v12;
	v4 =	vcvt.f32.s32 v4;
	vm1 =	vlt.s32 v5, v1  }
0xca: {  	[tilespmem:s26+$0xFFFFFFF0] =	vst v11;
	v7 =	vsub.f32 v7, v9;
	v9 =	vmul.u32 v19, v3;
	v5 =	vsel vm1, v5, v1  }
0xcb: {  	v11 =	vmul.u32 v18, v3;
	[tilespmem:s26+$0xFFFFFF80] =	vst v8;
	v8 =	vadd.s32 v4, v6;
	v5 =	vmul.u32 v3, v5  }
0xcc: {  	s12 =	sadd.s32 $0x20, s28;
	v12 =	vcvt.s32.f32 v15;
	[tilespmem:s26+$0x0] =	vst v7;
	v7 =	vadd.s32 v9, v8;
	v9 =	vsel vm0, v14, v1  }
0xcd: {  	v6 =	vadd.s32 v15, v6;
	[tilespmem:s12+$0xFFFFFF80] =	vst v7;
	v3 =	vmul.u32 v3, v9;
	v5 =	vadd.s32 v5, v8  }
0xce: {  	v7 =	vcvt.s32.f32 v18;
	[tilespmem:s12+$0x0] =	vst v5;
	v5 =	vadd.s32 v11, v6  }
0xcf: {  	v4 =	vcvt.s32.f32 v4;
	v8 =	vsub.f32 v16, v12;
	v3 =	vadd.s32 v3, v6;
	[tilespmem:s12+$0xFFFFFF70] =	vst v5  }
0xd0: {  	s11 =	sadd.s32 $0x20, s11;
	v6 =	vsub.f32 v10, v7;
	v5 =	vcvt.s32.f32 v19;
	[tilespmem:s12+$0xFFFFFFF0] =	vst v3  }
0xd1: {  	v3 =	vsub.f32 v17, v4;
	[tilespmem:s11+$0xFFFFFF70] =	vst v8  }
0xd2: {  	s10 =	sshll.u32 s10, $0xC;
	[tilespmem:s11+$0xFFFFFFF0] =	vst v6;
	v4 =	vsub.f32 v13, v5  }
0xd3: {  	s10 =	sand.u32 $0x3FFFF000, s10;
	[tilespmem:s11+$0xFFFFFF80] =	vst v3  }
0xd4: {  	s31 =	sadd.s32 $0x200, s4;
	s10 =	sadd.s32 $0x3200, s10;
	s12 =	sshll.u32 s4, $0x4;
	[tilespmem:s11+$0x0] =	vst v4  }
0xd5: {  	[tilespmem:s10], [sflag:s25] =	stream.indirect.gather [hbm4b:s5+s9], $0x10, s31, s9, $0xb8;
	[tilespmem:$0x1C200] =	vst v63  }
0xd6: {  	s10 =	sor.u32 $0x800, s12  }
0xd7: {  	s10 =	sand.u32 $0x3FFFFFF0, s10  }
0xd8: {  	s13 =	sadd.s32 $0x280, s4;
	s26 =	simm.s32 $0x190;
	s10 =	sadd.s32 $0x3200, s10  }
0xd9: {  	[tilespmem:s10], [sflag:s25] =	stream.indirect.gather [hbm4b:s5+s9], $0x10, s13, s9, $0xb8;
	[tilespmem:$0x1C200] =	vst v63  }
0xda: {  	v4 =	vld [tilespmem:s26+$0xFFFFFE70]  }
0xdb: {  	v5 =	vld [tilespmem:s26+$0xFFFFFFF0]  }
0xdc: {  	v6 =	vld [tilespmem:s26+$0xFFFFFE80]  }
0xdd: {  	s29 =	smul.f32 $5.000000000e-01, s23;
	s31 =	simm.s32 $0x1B0;
	v7 =	vld [tilespmem:s26+$0x0]  }
0xde: {  	v14 =	vld [tilespmem:s31+$0xFFFFFE70]  }
0xdf: {  	v3 =	vmov s29;
	v17 =	vld [tilespmem:s31+$0x0]  }
0xe0: {  	v4 =	vmul.f32 v4, v3  }
0xe1: {  	v5 =	vmul.f32 $9.900000000e+01, v5;
	v6 =	vmul.f32 v6, v3  }
0xe2: {  	v7 =	vmul.f32 $9.900000000e+01, v7;
	v4 =	vadd.f32 v4, v3  }
0xe3: {  	v14 =	vmul.f32 v14, v3;
	v5 =	vadd.f32 $0.0e+00, v5;
	v6 =	vadd.f32 v6, v3  }
0xe4: {  	v17 =	vmul.f32 $9.900000000e+01, v17;
	v7 =	vadd.f32 $0.0e+00, v7;
	v8 =	vmax.f32 v4, $0.0e+00  }
0xe5: {  	v5 =	vmax.f32 v5, $0.0e+00;
	v6 =	vmax.f32 v6, $0.0e+00;
	v8 =	vmin.f32 v8, v2  }
0xe6: {  	v10 =	vmin.f32 v5, $9.900000000e+01;
	v5 =	vmin.f32 v6, v2;
	v9 =	vtrunc.f32 v8  }
0xe7: {  	s30 =	simm.s32 $0x4B00;
	v6 =	vmax.f32 v7, $0.0e+00;
	v7 =	vtrunc.f32 v10;
	v11 =	vtrunc.f32 v5  }
0xe8: {  	s4 =	sshll.u32 s30, s24;
	v6 =	vmin.f32 v6, $9.900000000e+01;
	v9 =	vcvt.f32.s32 v9;
	v13 =	vcvt.f32.s32 v7  }
0xe9: {  	s4 =	sadd.s32 $0xFA500, s4;
	v14 =	vadd.f32 v14, v3;
	v11 =	vcvt.f32.s32 v11;
	v16 =	vtrunc.f32 v6  }
0xea: {  	v4 =	vmov s4;
	v16 =	vcvt.f32.s32 v16;
	v12 =	vadd.s32 $0x1, v9  }
0xeb: {  	v20 =	vld [tilespmem:s31+$0xFFFFFFF0];
	v15 =	vmul.u32 $0x64, v9;
	v18 =	vcvt.s32.f32 v13;
	v19 =	vadd.s32 $0x1, v11  }
0xec: {  	v21 =	vld [tilespmem:s31+$0xFFFFFE80];
	v9 =	vcvt.s32.f32 v9;
	v7 =	vcvt.s32.f32 v11;
	v13 =	vadd.s32 v13, v4  }
0xed: {  	vm0 =	vlt.s32 v12, v1;
	vm1 =	vlt.s32 v19, v1;
	v18 =	vsub.f32 v10, v18  }
0xee: {  	v10 =	vsel vm1, v19, v1;
	v9 =	vsub.f32 v8, v9;
	v8 =	vmul.u32 $0x64, v11  }
0xef: {  	v11 =	vmul.u32 $0x64, v10;
	v10 =	vcvt.s32.f32 v16;
	v16 =	vadd.s32 v16, v4  }
0xf0: {  	v12 =	vsel vm0, v12, v1;
	v19 =	vadd.s32 v8, v16;
	v8 =	vmul.f32 $9.900000000e+01, v20  }
0xf1: {  	v11 =	vadd.s32 v11, v16;
	v16 =	vadd.f32 $0.0e+00, v17;
	v17 =	vmul.f32 v21, v3  }
0xf2: {  	v12 =	vmul.u32 $0x64, v12;
	v20 =	vadd.f32 $0.0e+00, v8;
	v8 =	vmax.f32 v14, $0.0e+00  }
0xf3: {  	v14 =	vadd.s32 v15, v13;
	v8 =	vmin.f32 v8, v2;
	v17 =	vadd.f32 v17, v3  }
0xf4: {  	[tilespmem:s17+$0xFFFFFF80] =	vst v19;
	v13 =	vadd.s32 v12, v13;
	v15 =	vmax.f32 v16, $0.0e+00;
	v16 =	vtrunc.f32 v8  }
0xf5: {  	[tilespmem:s17+$0x0] =	vst v11;
	v19 =	vmax.f32 v20, $0.0e+00;
	v16 =	vcvt.f32.s32 v16;
	v11 =	vmax.f32 v17, $0.0e+00  }
0xf6: {  	s23 =	sadd.s32 $0x3, s6;
	[tilespmem:s17+$0xFFFFFF70] =	vst v14;
	v15 =	vmin.f32 v15, $9.900000000e+01;
	v14 =	vmin.f32 v19, $9.900000000e+01;
	v11 =	vmin.f32 v11, v2  }
0xf7: {  	s28 =	smov.u32 s17;
	s11 =	smov.u32 s18;
	s12 =	simm.s32 $0x2;
	[tilespmem:s17+$0xFFFFFFF0] =	vst v13;
	v17 =	vtrunc.f32 v14;
	v12 =	vadd.s32 $0x1, v16;
	v19 =	vtrunc.f32 v11  }
0xf8: {  	s10 =	sshll.u32 s23, $0x8;
	s13 =	simm.s32 $0x1D0;
	s26 =	smov.u32 s18;
	[tilespmem:s18+$0xFFFFFF70] =	vst v18;
	v13 =	vcvt.f32.s32 v17;
	vm0 =	vlt.s32 v12, v1;
	v17 =	vcvt.f32.s32 v19  }
.LBB2_9:
0xf9: {  	v18 =	vld [tilespmem:s13+$0xFFFFFE70];
	s12 =	sadd.s32 $0x2, s12;
	v19 =	vmul.u32 $0x64, v16;
	v20 =	vtrunc.f32 v15;
	[tilespmem:s26+$0xFFFFFFF0] =	vst v9;
	v9 =	vsub.f32 v6, v10;
	s28 =	sadd.s32 $0x20, s28;
	s11 =	sadd.s32 $0x20, s11;
	v6 =	vmovc v15  }
0xfa: {  	v16 =	vcvt.s32.f32 v16;
	v15 =	vld [tilespmem:s13+$0x0];
	p0 =	slt.u32 s12, $0x6;
	v10 =	vcvt.s32.f32 v13;
	v21 =	vadd.s32 $0x1, v17  }
0xfb: {  	v23 =	vsub.f32 v5, v7;
	v5 =	vmovc v11;
	v7 =	vcvt.s32.f32 v17;
	v22 =	vld [tilespmem:s13+$0xFFFFFFF0];
	vm1 =	vlt.s32 v21, v1;
	[tilespmem:s26+$0xFFFFFF80] =	vst v9  }
0xfc: {  	v11 =	vld [tilespmem:s13+$0xFFFFFE80];
	v24 =	vsub.f32 v14, v10;
	v14 =	vcvt.f32.s32 v20;
	v10 =	vsel vm1, v21, v1  }
0xfd: {  	v9 =	vsub.f32 v8, v16;
	v8 =	vmul.u32 $0x64, v17;
	v16 =	vmul.u32 $0x64, v10;
	[tilespmem:s26+$0x0] =	vst v23;
	s26 =	smov.u32 s11  }
0xfe: {  	v17 =	vmul.f32 v18, v3;
	v10 =	vcvt.s32.f32 v14;
	v14 =	vadd.s32 v14, v4  }
0xff: {  	v15 =	vmul.f32 $9.900000000e+01, v15;
	v8 =	vadd.s32 v8, v14;
	v14 =	vadd.s32 v16, v14  }
0x100: {  	v12 =	vsel vm0, v12, v1;
	v16 =	vmul.f32 $9.900000000e+01, v22;
	v17 =	vadd.f32 v17, v3;
	[tilespmem:s28+$0xFFFFFF80] =	vst v8  }
0x101: {  	v13 =	vadd.s32 v13, v4;
	v15 =	vadd.f32 $0.0e+00, v15;
	v11 =	vmul.f32 v11, v3;
	[tilespmem:s28+$0x0] =	vst v14  }
0x102: {  	v14 =	vadd.f32 $0.0e+00, v16;
	v8 =	vmax.f32 v17, $0.0e+00;
	v16 =	vadd.s32 v19, v13  }
0x103: {  	v8 =	vmin.f32 v8, v2;
	v15 =	vmax.f32 v15, $0.0e+00;
	v11 =	vadd.f32 v11, v3;
	[tilespmem:s28+$0xFFFFFF70] =	vst v16  }
.Ltmp3:
0x104: {  	v12 =	vmul.u32 $0x64, v12;
	v14 =	vmax.f32 v14, $0.0e+00;
	v16 =	vtrunc.f32 v8;
	(pc) =	sbr.rel @p0 .LBB2_9-.Ltmp3, $4  }
0x105: {  	v15 =	vmin.f32 v15, $9.900000000e+01;
	v16 =	vcvt.f32.s32 v16;
	v11 =	vmax.f32 v11, $0.0e+00  }
0x106: {  	v13 =	vadd.s32 v12, v13;
	v14 =	vmin.f32 v14, $9.900000000e+01;
	v11 =	vmin.f32 v11, v2  }
0x107: {  	v17 =	vtrunc.f32 v14;
	v12 =	vadd.s32 $0x1, v16;
	v18 =	vtrunc.f32 v11;
	[tilespmem:s28+$0xFFFFFFF0] =	vst v13  }
0x108: {  	s13 =	sadd.s32 $0x20, s13;
	v13 =	vcvt.f32.s32 v17;
	vm0 =	vlt.s32 v12, v1;
	v17 =	vcvt.f32.s32 v18;
	[tilespmem:s11+$0xFFFFFF70] =	vst v24  }
0x109: {  	_ = 	snop  }
0x10a: {  	v18 =	vtrunc.f32 v15;
	v19 =	vadd.s32 $0x1, v17  }
0x10b: {  	v6 =	vsub.f32 v6, v10;
	v10 =	vcvt.f32.s32 v18;
	vm1 =	vlt.s32 v19, v1  }
0x10c: {  	[tilespmem:s26+$0xFFFFFFF0] =	vst v9;
	v5 =	vsub.f32 v5, v7;
	v9 =	vmul.u32 $0x64, v17;
	v7 =	vsel vm1, v19, v1  }
0x10d: {  	v18 =	vmul.u32 $0x64, v16;
	[tilespmem:s26+$0xFFFFFF80] =	vst v6;
	v6 =	vmul.u32 $0x64, v7;
	v7 =	vadd.s32 v10, v4  }
0x10e: {  	s12 =	sadd.s32 $0x20, s28;
	[tilespmem:s26+$0x0] =	vst v5;
	v19 =	vcvt.s32.f32 v13;
	v5 =	vadd.s32 v9, v7;
	v9 =	vsel vm0, v12, v1  }
0x10f: {  	v4 =	vadd.s32 v13, v4;
	v6 =	vadd.s32 v6, v7;
	[tilespmem:s12+$0xFFFFFF80] =	vst v5;
	v5 =	vmul.u32 $0x64, v9  }
0x110: {  	v7 =	vcvt.s32.f32 v16;
	[tilespmem:s12+$0x0] =	vst v6;
	v6 =	vadd.s32 v18, v4  }
0x111: {  	v10 =	vcvt.s32.f32 v10;
	v9 =	vsub.f32 v14, v19;
	[tilespmem:s12+$0xFFFFFF70] =	vst v6;
	v4 =	vadd.s32 v5, v4  }
0x112: {  	s11 =	sadd.s32 $0x20, s11;
	v5 =	vcvt.s32.f32 v17;
	v6 =	vsub.f32 v8, v7;
	[tilespmem:s12+$0xFFFFFFF0] =	vst v4  }
0x113: {  	v4 =	vsub.f32 v15, v10;
	[tilespmem:s11+$0xFFFFFF70] =	vst v9  }
0x114: {  	s31 =	sshll.u32 s23, $0xC;
	[tilespmem:s11+$0xFFFFFFF0] =	vst v6;
	v5 =	vsub.f32 v11, v5  }
0x115: {  	s23 =	sshll.u32 s10, $0x4;
	s12 =	sand.u32 $0x3FFFF000, s31;
	[tilespmem:s11+$0xFFFFFF80] =	vst v4  }
0x116: {  	s13 =	sadd.s32 $0x200, s10;
	s12 =	sadd.s32 $0x3200, s12;
	[tilespmem:s11+$0x0] =	vst v5;
	s11 =	sor.u32 $0x800, s23  }
0x117: {  	[tilespmem:s12], [sflag:s25] =	stream.indirect.gather [hbm4b:s5+s9], $0x10, s13, s9, $0xb8;
	[tilespmem:$0x1C200] =	vst v63  }
0x118: {  	s11 =	sand.u32 $0x3FFFFFF0, s11  }
0x119: {  	s29 =	simm.s32 $0x190;
	s26 =	sadd.s32 $0x280, s10;
	s11 =	sadd.s32 $0x3200, s11  }
0x11a: {  	[tilespmem:s11], [sflag:s25] =	stream.indirect.gather [hbm4b:s5+s9], $0x10, s26, s9, $0xb8;
	[tilespmem:$0x1C200] =	vst v63  }
0x11b: {  	v4 =	vld [tilespmem:s29+$0xFFFFFEF0]  }
0x11c: {  	v5 =	vld [tilespmem:s29+$0xFFFFFFF0]  }
0x11d: {  	v6 =	vld [tilespmem:s29+$0xFFFFFF00]  }
0x11e: {  	s31 =	simm.s32 $0x1B0;
	v7 =	vld [tilespmem:s29+$0x0]  }
0x11f: {  	v14 =	vld [tilespmem:s31+$0xFFFFFEF0]  }
0x120: {  	v17 =	vld [tilespmem:s31+$0x0]  }
0x121: {  	v4 =	vmul.f32 v4, v3  }
0x122: {  	v5 =	vmul.f32 $9.900000000e+01, v5;
	v6 =	vmul.f32 v6, v3  }
0x123: {  	v7 =	vmul.f32 $9.900000000e+01, v7;
	v4 =	vadd.f32 v4, v3  }
0x124: {  	v14 =	vmul.f32 v14, v3;
	v5 =	vadd.f32 $0.0e+00, v5;
	v6 =	vadd.f32 v6, v3  }
0x125: {  	v17 =	vmul.f32 $9.900000000e+01, v17;
	v7 =	vadd.f32 $0.0e+00, v7;
	v8 =	vmax.f32 v4, $0.0e+00  }
0x126: {  	v5 =	vmax.f32 v5, $0.0e+00;
	v6 =	vmax.f32 v6, $0.0e+00;
	v8 =	vmin.f32 v8, v2  }
0x127: {  	v10 =	vmin.f32 v5, $9.900000000e+01;
	v5 =	vmin.f32 v6, v2;
	v9 =	vtrunc.f32 v8  }
0x128: {  	v6 =	vmax.f32 v7, $0.0e+00;
	v7 =	vtrunc.f32 v10;
	v11 =	vtrunc.f32 v5  }
0x129: {  	s30 =	sshll.u32 s15, s24;
	v6 =	vmin.f32 v6, $9.900000000e+01;
	v9 =	vcvt.f32.s32 v9;
	v13 =	vcvt.f32.s32 v7  }
0x12a: {  	s10 =	sadd.s32 s30, s4;
	v14 =	vadd.f32 v14, v3;
	v11 =	vcvt.f32.s32 v11;
	v16 =	vtrunc.f32 v6  }
0x12b: {  	v4 =	vmov s10;
	v16 =	vcvt.f32.s32 v16;
	v12 =	vadd.s32 $0x1, v9  }
0x12c: {  	v20 =	vld [tilespmem:s31+$0xFFFFFFF0];
	v15 =	vmul.u32 $0x64, v9;
	v18 =	vcvt.s32.f32 v13;
	v19 =	vadd.s32 $0x1, v11  }
0x12d: {  	v21 =	vld [tilespmem:s31+$0xFFFFFF00];
	v9 =	vcvt.s32.f32 v9;
	v7 =	vcvt.s32.f32 v11;
	v13 =	vadd.s32 v13, v4  }
0x12e: {  	vm0 =	vlt.s32 v12, v1;
	vm1 =	vlt.s32 v19, v1;
	v18 =	vsub.f32 v10, v18  }
0x12f: {  	v10 =	vsel vm1, v19, v1;
	v9 =	vsub.f32 v8, v9;
	v8 =	vmul.u32 $0x64, v11  }
0x130: {  	v11 =	vmul.u32 $0x64, v10;
	v10 =	vcvt.s32.f32 v16;
	v16 =	vadd.s32 v16, v4  }
0x131: {  	v12 =	vsel vm0, v12, v1;
	v19 =	vadd.s32 v8, v16;
	v8 =	vmul.f32 $9.900000000e+01, v20  }
0x132: {  	v11 =	vadd.s32 v11, v16;
	v16 =	vadd.f32 $0.0e+00, v17;
	v17 =	vmul.f32 v21, v3  }
0x133: {  	v12 =	vmul.u32 $0x64, v12;
	v20 =	vadd.f32 $0.0e+00, v8;
	v8 =	vmax.f32 v14, $0.0e+00  }
0x134: {  	v14 =	vadd.s32 v15, v13;
	v8 =	vmin.f32 v8, v2;
	v17 =	vadd.f32 v17, v3  }
0x135: {  	[tilespmem:s19+$0xFFFFFF80] =	vst v19;
	v13 =	vadd.s32 v12, v13;
	v15 =	vmax.f32 v16, $0.0e+00;
	v16 =	vtrunc.f32 v8  }
0x136: {  	[tilespmem:s19+$0x0] =	vst v11;
	v19 =	vmax.f32 v20, $0.0e+00;
	v16 =	vcvt.f32.s32 v16;
	v11 =	vmax.f32 v17, $0.0e+00  }
0x137: {  	s28 =	smov.u32 s19;
	[tilespmem:s19+$0xFFFFFF70] =	vst v14;
	v15 =	vmin.f32 v15, $9.900000000e+01;
	v14 =	vmin.f32 v19, $9.900000000e+01;
	v11 =	vmin.f32 v11, v2  }
0x138: {  	s23 =	sadd.s32 $0x4, s6;
	s12 =	simm.s32 $0x2;
	s13 =	simm.s32 $0x1D0;
	[tilespmem:s19+$0xFFFFFFF0] =	vst v13;
	v17 =	vtrunc.f32 v14;
	v12 =	vadd.s32 $0x1, v16;
	v19 =	vtrunc.f32 v11  }
0x139: {  	s26 =	smov.u32 s20;
	s11 =	smov.u32 s20;
	s10 =	sshll.u32 s23, $0x8;
	[tilespmem:s20+$0xFFFFFF70] =	vst v18;
	v13 =	vcvt.f32.s32 v17;
	vm0 =	vlt.s32 v12, v1;
	v17 =	vcvt.f32.s32 v19  }
.LBB2_11:
0x13a: {  	v18 =	vld [tilespmem:s13+$0xFFFFFEF0];
	s12 =	sadd.s32 $0x2, s12;
	v19 =	vmul.u32 $0x64, v16;
	v20 =	vtrunc.f32 v15;
	[tilespmem:s26+$0xFFFFFFF0] =	vst v9;
	v9 =	vsub.f32 v6, v10;
	s28 =	sadd.s32 $0x20, s28;
	s11 =	sadd.s32 $0x20, s11;
	v6 =	vmovc v15  }
0x13b: {  	v16 =	vcvt.s32.f32 v16;
	v15 =	vld [tilespmem:s13+$0x0];
	p0 =	slt.u32 s12, $0x6;
	v10 =	vcvt.s32.f32 v13;
	v21 =	vadd.s32 $0x1, v17  }
0x13c: {  	v23 =	vsub.f32 v5, v7;
	v5 =	vmovc v11;
	v7 =	vcvt.s32.f32 v17;
	v22 =	vld [tilespmem:s13+$0xFFFFFFF0];
	vm1 =	vlt.s32 v21, v1;
	[tilespmem:s26+$0xFFFFFF80] =	vst v9  }
0x13d: {  	v11 =	vld [tilespmem:s13+$0xFFFFFF00];
	v24 =	vsub.f32 v14, v10;
	v14 =	vcvt.f32.s32 v20;
	v10 =	vsel vm1, v21, v1  }
0x13e: {  	v9 =	vsub.f32 v8, v16;
	v8 =	vmul.u32 $0x64, v17;
	v16 =	vmul.u32 $0x64, v10;
	[tilespmem:s26+$0x0] =	vst v23;
	s26 =	smov.u32 s11  }
0x13f: {  	v17 =	vmul.f32 v18, v3;
	v10 =	vcvt.s32.f32 v14;
	v14 =	vadd.s32 v14, v4  }
0x140: {  	v15 =	vmul.f32 $9.900000000e+01, v15;
	v8 =	vadd.s32 v8, v14;
	v14 =	vadd.s32 v16, v14  }
0x141: {  	v12 =	vsel vm0, v12, v1;
	v16 =	vmul.f32 $9.900000000e+01, v22;
	v17 =	vadd.f32 v17, v3;
	[tilespmem:s28+$0xFFFFFF80] =	vst v8  }
0x142: {  	v13 =	vadd.s32 v13, v4;
	v15 =	vadd.f32 $0.0e+00, v15;
	v11 =	vmul.f32 v11, v3;
	[tilespmem:s28+$0x0] =	vst v14  }
0x143: {  	v14 =	vadd.f32 $0.0e+00, v16;
	v8 =	vmax.f32 v17, $0.0e+00;
	v16 =	vadd.s32 v19, v13  }
0x144: {  	v8 =	vmin.f32 v8, v2;
	v15 =	vmax.f32 v15, $0.0e+00;
	v11 =	vadd.f32 v11, v3;
	[tilespmem:s28+$0xFFFFFF70] =	vst v16  }
.Ltmp4:
0x145: {  	v12 =	vmul.u32 $0x64, v12;
	v14 =	vmax.f32 v14, $0.0e+00;
	v16 =	vtrunc.f32 v8;
	(pc) =	sbr.rel @p0 .LBB2_11-.Ltmp4, $4  }
0x146: {  	v15 =	vmin.f32 v15, $9.900000000e+01;
	v16 =	vcvt.f32.s32 v16;
	v11 =	vmax.f32 v11, $0.0e+00  }
0x147: {  	v13 =	vadd.s32 v12, v13;
	v14 =	vmin.f32 v14, $9.900000000e+01;
	v11 =	vmin.f32 v11, v2  }
0x148: {  	v17 =	vtrunc.f32 v14;
	v12 =	vadd.s32 $0x1, v16;
	v18 =	vtrunc.f32 v11;
	[tilespmem:s28+$0xFFFFFFF0] =	vst v13  }
0x149: {  	s13 =	sadd.s32 $0x20, s13;
	v13 =	vcvt.f32.s32 v17;
	vm0 =	vlt.s32 v12, v1;
	v17 =	vcvt.f32.s32 v18;
	[tilespmem:s11+$0xFFFFFF70] =	vst v24  }
0x14a: {  	_ = 	snop  }
0x14b: {  	v18 =	vtrunc.f32 v15;
	v19 =	vadd.s32 $0x1, v17  }
0x14c: {  	v6 =	vsub.f32 v6, v10;
	v10 =	vcvt.f32.s32 v18;
	vm1 =	vlt.s32 v19, v1  }
0x14d: {  	[tilespmem:s26+$0xFFFFFFF0] =	vst v9;
	v5 =	vsub.f32 v5, v7;
	v9 =	vmul.u32 $0x64, v17;
	v7 =	vsel vm1, v19, v1  }
0x14e: {  	v18 =	vmul.u32 $0x64, v16;
	[tilespmem:s26+$0xFFFFFF80] =	vst v6;
	v6 =	vmul.u32 $0x64, v7;
	v7 =	vadd.s32 v10, v4  }
0x14f: {  	s12 =	sadd.s32 $0x20, s28;
	[tilespmem:s26+$0x0] =	vst v5;
	v19 =	vcvt.s32.f32 v13;
	v5 =	vadd.s32 v9, v7;
	v9 =	vsel vm0, v12, v1  }
0x150: {  	v4 =	vadd.s32 v13, v4;
	v6 =	vadd.s32 v6, v7;
	[tilespmem:s12+$0xFFFFFF80] =	vst v5;
	v5 =	vmul.u32 $0x64, v9  }
0x151: {  	v7 =	vcvt.s32.f32 v16;
	[tilespmem:s12+$0x0] =	vst v6;
	v6 =	vadd.s32 v18, v4  }
0x152: {  	v10 =	vcvt.s32.f32 v10;
	v9 =	vsub.f32 v14, v19;
	[tilespmem:s12+$0xFFFFFF70] =	vst v6;
	v4 =	vadd.s32 v5, v4  }
0x153: {  	s11 =	sadd.s32 $0x20, s11;
	v5 =	vcvt.s32.f32 v17;
	v6 =	vsub.f32 v8, v7;
	[tilespmem:s12+$0xFFFFFFF0] =	vst v4  }
0x154: {  	v4 =	vsub.f32 v15, v10;
	[tilespmem:s11+$0xFFFFFF70] =	vst v9  }
0x155: {  	s31 =	sshll.u32 s23, $0xC;
	[tilespmem:s11+$0xFFFFFFF0] =	vst v6;
	v5 =	vsub.f32 v11, v5  }
0x156: {  	s26 =	sshll.u32 s10, $0x4;
	s12 =	sand.u32 $0x3FFFF000, s31;
	[tilespmem:s11+$0xFFFFFF80] =	vst v4  }
0x157: {  	s23 =	sadd.s32 $0x200, s10;
	s13 =	sadd.s32 $0x3200, s12;
	[tilespmem:s11+$0x0] =	vst v5;
	s11 =	sor.u32 $0x800, s26  }
0x158: {  	[tilespmem:s13], [sflag:s25] =	stream.indirect.gather [hbm4b:s5+s9], $0x10, s23, s9, $0xb8;
	[tilespmem:$0x1C200] =	vst v63  }
0x159: {  	s11 =	sand.u32 $0x3FFFFFF0, s11  }
0x15a: {  	s28 =	sadd.s32 $0x280, s10;
	s29 =	simm.s32 $0x190;
	s11 =	sadd.s32 $0x3200, s11  }
0x15b: {  	[tilespmem:s11], [sflag:s25] =	stream.indirect.gather [hbm4b:s5+s9], $0x10, s28, s9, $0xb8;
	[tilespmem:$0x1C200] =	vst v63  }
0x15c: {  	v4 =	vld [tilespmem:s29+$0xFFFFFF70]  }
0x15d: {  	v5 =	vld [tilespmem:s29+$0xFFFFFFF0]  }
0x15e: {  	v6 =	vld [tilespmem:s29+$0xFFFFFF80]  }
0x15f: {  	s31 =	simm.s32 $0x1B0;
	v7 =	vld [tilespmem:s29+$0x0]  }
0x160: {  	v14 =	vld [tilespmem:s31+$0xFFFFFF70]  }
0x161: {  	v17 =	vld [tilespmem:s31+$0x0]  }
0x162: {  	v4 =	vmul.f32 v4, v3  }
0x163: {  	v5 =	vmul.f32 $9.900000000e+01, v5;
	v6 =	vmul.f32 v6, v3  }
0x164: {  	v7 =	vmul.f32 $9.900000000e+01, v7;
	v4 =	vadd.f32 v4, v3  }
0x165: {  	v14 =	vmul.f32 v14, v3;
	v5 =	vadd.f32 $0.0e+00, v5;
	v6 =	vadd.f32 v6, v3  }
0x166: {  	v17 =	vmul.f32 $9.900000000e+01, v17;
	v7 =	vadd.f32 $0.0e+00, v7;
	v8 =	vmax.f32 v4, $0.0e+00  }
0x167: {  	v5 =	vmax.f32 v5, $0.0e+00;
	v6 =	vmax.f32 v6, $0.0e+00;
	v8 =	vmin.f32 v8, v2  }
0x168: {  	v10 =	vmin.f32 v5, $9.900000000e+01;
	v5 =	vmin.f32 v6, v2;
	v9 =	vtrunc.f32 v8  }
0x169: {  	v6 =	vmax.f32 v7, $0.0e+00;
	v7 =	vtrunc.f32 v10;
	v11 =	vtrunc.f32 v5  }
0x16a: {  	s30 =	sshll.u32 s16, s24;
	v6 =	vmin.f32 v6, $9.900000000e+01;
	v9 =	vcvt.f32.s32 v9;
	v13 =	vcvt.f32.s32 v7  }
0x16b: {  	s4 =	sadd.s32 s30, s4;
	v14 =	vadd.f32 v14, v3;
	v11 =	vcvt.f32.s32 v11;
	v16 =	vtrunc.f32 v6  }
0x16c: {  	v4 =	vmov s4;
	v16 =	vcvt.f32.s32 v16;
	v12 =	vadd.s32 $0x1, v9  }
0x16d: {  	v20 =	vld [tilespmem:s31+$0xFFFFFFF0];
	v15 =	vmul.u32 $0x64, v9;
	v18 =	vcvt.s32.f32 v13;
	v19 =	vadd.s32 $0x1, v11  }
0x16e: {  	v21 =	vld [tilespmem:s31+$0xFFFFFF80];
	v9 =	vcvt.s32.f32 v9;
	v7 =	vcvt.s32.f32 v11;
	v13 =	vadd.s32 v13, v4  }
0x16f: {  	vm0 =	vlt.s32 v12, v1;
	vm1 =	vlt.s32 v19, v1;
	v18 =	vsub.f32 v10, v18  }
0x170: {  	v10 =	vsel vm1, v19, v1;
	v9 =	vsub.f32 v8, v9;
	v8 =	vmul.u32 $0x64, v11  }
0x171: {  	v11 =	vmul.u32 $0x64, v10;
	v10 =	vcvt.s32.f32 v16;
	v16 =	vadd.s32 v16, v4  }
0x172: {  	v12 =	vsel vm0, v12, v1;
	v19 =	vadd.s32 v8, v16;
	v8 =	vmul.f32 $9.900000000e+01, v20  }
0x173: {  	v11 =	vadd.s32 v11, v16;
	v16 =	vadd.f32 $0.0e+00, v17;
	v17 =	vmul.f32 v21, v3  }
0x174: {  	v12 =	vmul.u32 $0x64, v12;
	v20 =	vadd.f32 $0.0e+00, v8;
	v8 =	vmax.f32 v14, $0.0e+00  }
0x175: {  	v14 =	vadd.s32 v15, v13;
	v8 =	vmin.f32 v8, v2;
	v17 =	vadd.f32 v17, v3  }
0x176: {  	[tilespmem:s21+$0xFFFFFF80] =	vst v19;
	v13 =	vadd.s32 v12, v13;
	v15 =	vmax.f32 v16, $0.0e+00;
	v16 =	vtrunc.f32 v8  }
0x177: {  	[tilespmem:s21+$0x0] =	vst v11;
	v19 =	vmax.f32 v20, $0.0e+00;
	v16 =	vcvt.f32.s32 v16;
	v11 =	vmax.f32 v17, $0.0e+00  }
0x178: {  	s6 =	sadd.s32 $0x5, s6;
	[tilespmem:s21+$0xFFFFFF70] =	vst v14;
	v15 =	vmin.f32 v15, $9.900000000e+01;
	v14 =	vmin.f32 v19, $9.900000000e+01;
	v11 =	vmin.f32 v11, v2  }
0x179: {  	s10 =	smov.u32 s22;
	s12 =	simm.s32 $0x2;
	s13 =	simm.s32 $0x1D0;
	[tilespmem:s21+$0xFFFFFFF0] =	vst v13;
	v17 =	vtrunc.f32 v14;
	v12 =	vadd.s32 $0x1, v16;
	v19 =	vtrunc.f32 v11  }
0x17a: {  	s23 =	smov.u32 s21;
	s11 =	smov.u32 s22;
	s4 =	sshll.u32 s6, $0x8;
	[tilespmem:s22+$0xFFFFFF70] =	vst v18;
	v13 =	vcvt.f32.s32 v17;
	vm0 =	vlt.s32 v12, v1;
	v17 =	vcvt.f32.s32 v19  }
.LBB2_13:
0x17b: {  	v18 =	vld [tilespmem:s13+$0xFFFFFF70];
	s12 =	sadd.s32 $0x2, s12;
	v19 =	vmul.u32 $0x64, v16;
	v20 =	vtrunc.f32 v15;
	[tilespmem:s11+$0xFFFFFFF0] =	vst v9;
	v9 =	vsub.f32 v6, v10;
	s23 =	sadd.s32 $0x20, s23;
	s10 =	sadd.s32 $0x20, s10;
	v6 =	vmovc v15  }
0x17c: {  	v16 =	vcvt.s32.f32 v16;
	v15 =	vld [tilespmem:s13+$0x0];
	p0 =	slt.u32 s12, $0x6;
	v10 =	vcvt.s32.f32 v13;
	v21 =	vadd.s32 $0x1, v17  }
0x17d: {  	v23 =	vsub.f32 v5, v7;
	v5 =	vmovc v11;
	v7 =	vcvt.s32.f32 v17;
	v22 =	vld [tilespmem:s13+$0xFFFFFFF0];
	vm1 =	vlt.s32 v21, v1;
	[tilespmem:s11+$0xFFFFFF80] =	vst v9  }
0x17e: {  	v11 =	vld [tilespmem:s13+$0xFFFFFF80];
	v24 =	vsub.f32 v14, v10;
	v14 =	vcvt.f32.s32 v20;
	v10 =	vsel vm1, v21, v1  }
0x17f: {  	v9 =	vsub.f32 v8, v16;
	v8 =	vmul.u32 $0x64, v17;
	v16 =	vmul.u32 $0x64, v10;
	[tilespmem:s11+$0x0] =	vst v23;
	s11 =	smov.u32 s10  }
0x180: {  	v17 =	vmul.f32 v18, v3;
	v10 =	vcvt.s32.f32 v14;
	v14 =	vadd.s32 v14, v4  }
0x181: {  	v15 =	vmul.f32 $9.900000000e+01, v15;
	v8 =	vadd.s32 v8, v14;
	v14 =	vadd.s32 v16, v14  }
0x182: {  	v12 =	vsel vm0, v12, v1;
	v16 =	vmul.f32 $9.900000000e+01, v22;
	v17 =	vadd.f32 v17, v3;
	[tilespmem:s23+$0xFFFFFF80] =	vst v8  }
0x183: {  	v13 =	vadd.s32 v13, v4;
	v15 =	vadd.f32 $0.0e+00, v15;
	v11 =	vmul.f32 v11, v3;
	[tilespmem:s23+$0x0] =	vst v14  }
0x184: {  	v14 =	vadd.f32 $0.0e+00, v16;
	v8 =	vmax.f32 v17, $0.0e+00;
	v16 =	vadd.s32 v19, v13  }
0x185: {  	v8 =	vmin.f32 v8, v2;
	v15 =	vmax.f32 v15, $0.0e+00;
	v11 =	vadd.f32 v11, v3;
	[tilespmem:s23+$0xFFFFFF70] =	vst v16  }
.Ltmp5:
0x186: {  	v12 =	vmul.u32 $0x64, v12;
	v14 =	vmax.f32 v14, $0.0e+00;
	v16 =	vtrunc.f32 v8;
	(pc) =	sbr.rel @p0 .LBB2_13-.Ltmp5, $4  }
0x187: {  	v15 =	vmin.f32 v15, $9.900000000e+01;
	v16 =	vcvt.f32.s32 v16;
	v11 =	vmax.f32 v11, $0.0e+00  }
0x188: {  	v13 =	vadd.s32 v12, v13;
	v14 =	vmin.f32 v14, $9.900000000e+01;
	v11 =	vmin.f32 v11, v2  }
0x189: {  	v17 =	vtrunc.f32 v14;
	v12 =	vadd.s32 $0x1, v16;
	v18 =	vtrunc.f32 v11;
	[tilespmem:s23+$0xFFFFFFF0] =	vst v13  }
0x18a: {  	s13 =	sadd.s32 $0x20, s13;
	v13 =	vcvt.f32.s32 v17;
	vm0 =	vlt.s32 v12, v1;
	v17 =	vcvt.f32.s32 v18;
	[tilespmem:s10+$0xFFFFFF70] =	vst v24  }
0x18b: {  	_ = 	snop  }
0x18c: {  	v2 =	vtrunc.f32 v15;
	v3 =	vadd.s32 $0x1, v17  }
0x18d: {  	v6 =	vsub.f32 v6, v10;
	v2 =	vcvt.f32.s32 v2;
	vm1 =	vlt.s32 v3, v1  }
0x18e: {  	[tilespmem:s11+$0xFFFFFFF0] =	vst v9;
	v5 =	vsub.f32 v5, v7;
	v55 =	vmul.u32 $0x64, v17;
	v3 =	vsel vm1, v3, v1  }
0x18f: {  	[tilespmem:s11+$0xFFFFFF80] =	vst v6;
	v57 =	vadd.s32 v2, v4;
	v1 =	vsel vm0, v12, v1;
	v3 =	vmul.u32 $0x64, v3  }
0x190: {  	v56 =	vmul.u32 $0x64, v16;
	s12 =	sadd.s32 $0x20, s23;
	[tilespmem:s11+$0x0] =	vst v5;
	v59 =	vadd.s32 v55, v57;
	v1 =	vmul.u32 $0x64, v1  }
0x191: {  	v58 =	vcvt.s32.f32 v13;
	v60 =	vadd.s32 v13, v4;
	[tilespmem:s12+$0xFFFFFF80] =	vst v59;
	v3 =	vadd.s32 v3, v57  }
0x192: {  	v61 =	vcvt.s32.f32 v16;
	v1 =	vadd.s32 v1, v60;
	[tilespmem:s12+$0x0] =	vst v3  }
0x193: {  	v62 =	vsub.f32 v14, v58;
	v2 =	vcvt.s32.f32 v2;
	v3 =	vadd.s32 v56, v60;
	[tilespmem:s12+$0xFFFFFFF0] =	vst v1  }
0x194: {  	s10 =	sadd.s32 $0x20, s10;
	s6 =	sshll.u32 s6, $0xC;
	v63 =	vsub.f32 v8, v61;
	[tilespmem:s12+$0xFFFFFF70] =	vst v3;
	v3 =	vcvt.s32.f32 v17  }
0x195: {  	s29 =	sadd.s32 $0x200, s4;
	s30 =	sshll.u32 s4, $0x4;
	s31 =	sadd.s32 $0x280, s4;
	v1 =	vsub.f32 v15, v2;
	[tilespmem:s10+$0xFFFFFF70] =	vst v62  }
0x196: {  	s0 =	sadd.s32 $0x600, s0;
	s1 =	sadd.s32 $0x600, s1;
	s2 =	sadd.s32 $0x600, s2;
	[tilespmem:s10+$0xFFFFFFF0] =	vst v63;
	v2 =	vsub.f32 v11, v3  }
0x197: {  	s3 =	sadd.s32 $0x600, s3;
	s7 =	sadd.s32 $0x600, s7;
	s6 =	sand.u32 $0x3FFFF000, s6;
	[tilespmem:s10+$0xFFFFFF80] =	vst v1  }
0x198: {  	s8 =	sadd.s32 $0x600, s8;
	p0 =	sne.s32 s25, $0x4;
	s6 =	sadd.s32 $0x3200, s6;
	[tilespmem:s10+$0x0] =	vst v2  }
0x199: {  	[tilespmem:s6], [sflag:s25] =	stream.indirect.gather [hbm4b:s5+s9], $0x10, s29, s9, $0xb8;
	[tilespmem:$0x1C200] =	vst v63  }
.Ltmp6:
0x19a: {  	s17 =	sadd.s32 $0x600, s17;
	s18 =	sadd.s32 $0x600, s18;
	(pc) =	sbr.rel @p0 .LBB2_2-.Ltmp6, $4  }
0x19b: {  	s19 =	sadd.s32 $0x600, s19;
	s20 =	sadd.s32 $0x600, s20;
	s6 =	sor.u32 $0x800, s30  }
0x19c: {  	s21 =	sadd.s32 $0x600, s21;
	s22 =	sadd.s32 $0x600, s22;
	s6 =	sand.u32 $0x3FFFFFF0, s6  }
0x19d: {  	s4 =	simm.s32 $0x0;
	s24 =	smov.u32 s25;
	s6 =	sadd.s32 $0x3200, s6  }
0x19e: {  	[tilespmem:s6], [sflag:s25] =	stream.indirect.gather [hbm4b:s5+s9], $0x10, s31, s9, $0xb8;
	[tilespmem:$0x1C200] =	vst v63  }
0x19f: {  	s0 =	simm.s32 $0x0;
	s2 =	simm.s32 $0x80000;
	s3 =	simm.s32 $0x5  }
.LBB2_16:
0x1a0: {  	[dreg:$0x9] =	wrdreg s0  }
0x1a1: {  	s31 =	sadd.s32 $0x1, s0;
	s1 =	rddreg [dreg:$0x1]  }
0x1a2: {  	s26 =	simm.s32 $0x1A00;
	s28 =	simm.s32 $0x280;
	s0 =	smin.u32 s31, $0x7F  }
0x1a3: {  	s29 =	simm.s32 $0x1A80;
	s12 =	simm.s32 $0x390;
	s0 =	sshll.u32 s0, $0x7  }
0x1a4: {  	s25 =	simm.s32 $0x1B90;
	s7 =	simm.s32 $0x1D90;
	s0 =	sor.u32 s14, s0  }
0x1a5: {  	s8 =	simm.s32 $0x690;
	s18 =	simm.s32 $0x1E90;
	s0 =	sshrl.u32 s0, $0x3  }
0x1a6: {  	s19 =	simm.s32 $0x790;
	[dreg:$0x8] =	wrdreg s31;
	s0 =	sadd.s32 s1, s0  }
0x1a7: {  	[tilespmem:s4], [sflag:$0x5] =	stream.strided.gather [hbm4b:s0+s9], $0x200, s2, s9, $0x38;
	[tilespmem:$0x1C200] =	vst v63  }
0x1a8: {  	s20 =	simm.s32 $0x1F90;
	s21 =	simm.s32 $0x0;
	_ =	swait.ge [sflag:s3], $0x200  }
0x1a9: {  	s17 =	simm.s32 $0x0;
	s1 =	simm.s32 $0x1C90;
	[sflag:s3] =	ssyncset.done $0x0  }
0x1aa: {  	s0 =	simm.s32 $0x490;
	[sflag:s3] =	ssyncadd.s32 $0xFFFFFE00;
	s3 =	simm.s32 $0x590  }
.LBB2_17:
0x1ab: {  	s22 =	sadd.s32 $0x1, s17;
	s2 =	sshll.u32 s17, $0xC  }
0x1ac: {  	p1 =	por $0x1, $0x1;
	_ =	swait.ge [sflag:s22], $0x6000;
	s2 =	sshra.s32 s2, $0x2  }
0x1ad: {  	[sflag:s22] =	ssyncset.done $0x0;
	s4 =	sadd.s32 $0x1B200, s2;
	s6 =	sadd.s32 $0x1B280, s2  }
0x1ae: {  	s10 =	sadd.s32 $0x1B300, s2;
	s11 =	sadd.s32 $0x1B380, s2;
	s13 =	sadd.s32 $0x1B400, s2;
	v1 =	vmov s4;
	v2 =	vmov s6  }
0x1af: {  	s31 =	sadd.s32 $0x1B480, s2;
	s14 =	sadd.s32 $0x1B500, s2;
	s23 =	sadd.s32 $0x1B580, s2;
	v3 =	vmov s10;
	v4 =	vmov s11;
	v5 =	vmov s13  }
0x1b0: {  	s2 =	smul.u32 $0x6, s17;
	[sflag:s22] =	ssyncadd.s32 $0xFFFFA000;
	s6 =	simm.s32 $0x0;
	v6 =	vmov s31;
	v7 =	vmov s14;
	v8 =	vmov s23  }
.LBB2_18:
0x1b1: {  	s4 =	sshll.u32 s6, $0x2  }
0x1b2: {  	s4 =	sshra.s32 s4, $0x2  }
0x1b3: {  	s10 =	sor.u32 s6, s21;
	s4 =	sadd.s32 s4, s26  }
0x1b4: {  	v10 =	vmov s10;
	v9 =	vmov s4  }
0x1b5: {  	v10 =	vshll.u32 v10, $0x4  }
0x1b6: {  	v13 =	vor.u32 v0, v10  }
0x1b7: {  	v10 =	vor.u32 $0x1, v13  }
0x1b8: {  	s31 =	simm.s32 $0x0;
	v11 =	vor.u32 $0x2, v13  }
0x1b9: {  	v14 =	vor.u32 $0x4, v13;
	v12 =	vld.idx.msk [tilespmem:v9+s31+$0x0 ss:$0x1], $0xffff  }
0x1ba: {  	v16 =	vor.u32 $0xD, v13;
	v15 =	vld.idx.msk [tilespmem:v9+s31+$0x80 ss:$0x1], $0xffff  }
0x1bb: {  	v18 =	vor.u32 $0xF, v13;
	v17 =	vld.idx.msk [tilespmem:v13+s16+$0x0], $0xffff  }
0x1bc: {  	v19 =	vadd.s32 $0x808, v13;
	v21 =	vld.idx.msk [tilespmem:v10+s16+$0x0], $0xffff  }
0x1bd: {  	v20 =	vor.u32 $0x5, v13;
	v26 =	vld.idx.msk [tilespmem:v11+s16+$0x0], $0xffff  }
0x1be: {  	v27 =	vadd.s32 $0x801, v13;
	v14 =	vld.idx.msk [tilespmem:v14+s16+$0x0], $0xffff  }
0x1bf: {  	v29 =	vor.u32 $0x9, v13;
	v28 =	vld.idx.msk [tilespmem:v16+s16+$0x0], $0xffff  }
0x1c0: {  	v10 =	vor.u32 $0xA, v13;
	v18 =	vld.idx.msk [tilespmem:v18+s16+$0x0], $0xffff  }
0x1c1: {  	v11 =	vor.u32 $0x7, v13;
	v33 =	vld.idx.msk [tilespmem:v19+s16+$0x0], $0xffff  }
0x1c2: {  	v16 =	vadd.s32 $0x80B, v13;
	v34 =	vld.idx.msk [tilespmem:v20+s16+$0x0], $0xffff  }
0x1c3: {  	v22 =	vadd.s32 $0x800, v13;
	v36 =	vor.u32 $0xC, v13;
	v41 =	vld.idx.msk [tilespmem:v27+s16+$0x0], $0xffff  }
0x1c4: {  	v38 =	vadd.s32 $0x803, v13;
	v31 =	vor.u32 $0x3, v13;
	v40 =	vor.u32 $0xB, v13;
	v45 =	vld.idx.msk [tilespmem:v29+s16+$0x0], $0xffff  }
0x1c5: {  	v37 =	vor.u32 $0x8, v13;
	v35 =	vor.u32 $0x6, v13;
	v19 =	vadd.s32 $0x80C, v13;
	v23 =	vld.idx.msk [tilespmem:v10+s16+$0x0], $0xffff  }
0x1c6: {  	v42 =	vadd.s32 $0x80A, v13;
	v43 =	vadd.s32 $0x806, v13;
	v30 =	vld.idx.msk [tilespmem:v11+s16+$0x0], $0xffff;
	v10 =	vmul.f32 v15, v12  }
0x1c7: {  	v46 =	vadd.s32 $0x807, v13;
	v20 =	vadd.s32 $0x804, v13;
	v29 =	vadd.s32 $0x805, v13;
	v24 =	vld.idx.msk [tilespmem:v16+s16+$0x0], $0xffff  }
0x1c8: {  	v16 =	vadd.s32 $0x802, v13;
	v11 =	vsub.f32 v15, v10;
	v15 =	vld.idx.msk [tilespmem:v22+s16+$0x0], $0xffff;
	v22 =	vsub.f32 $1.000000000e+00, v12  }
0x1c9: {  	v27 =	vadd.s32 $0x80E, v13;
	v47 =	vld.idx.msk [tilespmem:v31+s16+$0x0], $0xffff;
	v31 =	vadd.s32 $0x809, v13;
	v12 =	vsub.f32 v12, v10  }
0x1ca: {  	v39 =	vld.idx.msk [tilespmem:v19+s16+$0x0], $0xffff;
	v19 =	vor.u32 $0xE, v13;
	v44 =	vsub.f32 v22, v11;
	v63 =	vmul.f32 v41, v11  }
0x1cb: {  	v49 =	vld.idx.msk [tilespmem:v35+s16+$0x0], $0xffff;
	v22 =	vadd.s32 $0x80D, v13;
	v45 =	vmul.f32 v45, v12;
	v32 =	vmul.f32 v23, v12  }
0x1cc: {  	v35 =	vld.idx.msk [tilespmem:v43+s16+$0x0], $0xffff;
	v23 =	vadd.s32 $0x80F, v13;
	v14 =	vmul.f32 v14, v44;
	v13 =	vmul.f32 v21, v44  }
0x1cd: {  	v48 =	vld.idx.msk [tilespmem:v16+s16+$0x0], $0xffff;
	v17 =	vmul.f32 v44, v17;
	v21 =	vmul.f32 v26, v44  }
0x1ce: {  	v25 =	vimm.f32 $0.0e+00;
	v37 =	vld.idx.msk [tilespmem:v37+s16+$0x0], $0xffff;
	v34 =	vmul.f32 v34, v44;
	v26 =	vmul.f32 v30, v44  }
0x1cf: {  	v47 =	vmul.f32 v47, v44;
	v16 =	vadd.f32 v14, v25;
	v14 =	vld.idx.msk [tilespmem:v19+s16+$0x0], $0xffff;
	v13 =	vadd.f32 v13, v25  }
0x1d0: {  	v40 =	vld.idx.msk [tilespmem:v40+s16+$0x0], $0xffff;
	v44 =	vmul.f32 v49, v44;
	v30 =	vadd.f32 v21, v25;
	v19 =	vmul.f32 v28, v12  }
0x1d1: {  	v41 =	vld.idx.msk [tilespmem:v36+s16+$0x0], $0xffff;
	v26 =	vadd.f32 v26, v25;
	v28 =	vmul.f32 v18, v12;
	v45 =	vadd.f32 v45, v13  }
0x1d2: {  	v21 =	vld.idx.msk [tilespmem:v38+s16+$0x0], $0xffff;
	v17 =	vadd.f32 v17, v25;
	v43 =	vadd.f32 v44, v25;
	v36 =	vmul.f32 v48, v11  }
0x1d3: {  	v38 =	vld.idx.msk [tilespmem:v42+s16+$0x0], $0xffff;
	v13 =	vmul.f32 v15, v11;
	v15 =	vmul.f32 v39, v10;
	v18 =	vadd.f32 v63, v45  }
0x1d4: {  	p0 =	por p1, p1;
	s10 =	sadd.s32 $0x100, s21;
	s4 =	simm.s32 $0x400;
	v39 =	vld.idx.msk [tilespmem:v46+s16+$0x0], $0xffff;
	v42 =	vmul.f32 v14, v12;
	v14 =	vmul.f32 v33, v10;
	v33 =	vadd.f32 v47, v25  }
.LBB2_19:
0x1d5: {  	s11 =	sor.u32 s6, s10  }
0x1d6: {  	p1 =	sne.s32 s4, $0x1400;
	v32 =	vadd.f32 v32, v30;
	v30 =	vmul.f32 v24, v10;
	v20 =	vld.idx.msk [tilespmem:v20+s16+$0x0], $0xffff;
	v24 =	vmul.f32 v41, v12;
	s13 =	smov.u32 s4;
	s4 =	sadd.s32 $0x400, s4  }
0x1d7: {  	v37 =	vmul.f32 v12, v37;
	v35 =	vmul.f32 v35, v11;
	v41 =	vmov s11;
	v29 =	vld.idx.msk [tilespmem:v29+s16+$0x0], $0xffff  }
0x1d8: {  	v25 =	vadd.f32 v34, v25;
	v34 =	vadd.f32 v42, v43;
	v41 =	vshll.u32 v41, $0x4;
	v27 =	vld.idx.msk [tilespmem:v27+s16+$0x0], $0xffff  }
0x1d9: {  	s11 =	sshra.s32 s13, $0x2;
	v32 =	vadd.f32 v36, v32;
	v36 =	vmul.f32 v38, v10;
	v41 =	vor.u32 v0, v41;
	v31 =	vld.idx.msk [tilespmem:v31+s16+$0x0], $0xffff  }
0x1da: {  	v39 =	vmul.f32 v39, v11;
	v38 =	vld.idx.msk [tilespmem:v9+s11+$0x0 ss:$0x1], $0xffff;
	v42 =	vor.u32 $0x1, v41;
	v43 =	vor.u32 $0x2, v41  }
0x1db: {  	v45 =	vor.u32 $0x4, v41;
	v46 =	vor.u32 $0x5, v41;
	v12 =	vmul.f32 v40, v12;
	v44 =	vld.idx.msk [tilespmem:v9+s11+$0x80 ss:$0x1], $0xffff  }
0x1dc: {  	v40 =	vor.u32 $0xC, v41;
	v47 =	vor.u32 $0x7, v41;
	v48 =	vmul.f32 v20, v11;
	v23 =	vld.idx.msk [tilespmem:v23+s16+$0x0], $0xffff  }
0x1dd: {  	v49 =	vadd.s32 $0x80C, v41;
	v20 =	vor.u32 $0xD, v41;
	v50 =	vmul.f32 v29, v11;
	v22 =	vld.idx.msk [tilespmem:v22+s16+$0x0], $0xffff  }
0x1de: {  	v52 =	vadd.s32 $0x803, v41;
	v36 =	vadd.f32 v36, v32;
	v29 =	vor.u32 $0xF, v41;
	v51 =	vld.idx.msk [tilespmem:v41+s16+$0x0], $0xffff  }
0x1df: {  	v32 =	vadd.s32 $0x800, v41;
	v53 =	vadd.s32 $0x808, v41;
	v31 =	vmul.f32 v31, v10  }
0x1e0: {  	v54 =	vadd.s32 $0x801, v41;
	v55 =	vor.u32 $0xA, v41;
	v27 =	vmul.f32 v27, v10;
	v42 =	vld.idx.msk [tilespmem:v42+s16+$0x0], $0xffff  }
0x1e1: {  	v57 =	vadd.s32 $0x802, v41;
	v33 =	vadd.f32 v12, v33;
	v56 =	vmul.f32 v44, v38;
	v43 =	vld.idx.msk [tilespmem:v43+s16+$0x0], $0xffff  }
0x1e2: {  	v26 =	vadd.f32 v28, v26;
	v58 =	vor.u32 $0xB, v41;
	v59 =	vadd.s32 $0x80B, v41;
	v45 =	vld.idx.msk [tilespmem:v45+s16+$0x0], $0xffff  }
0x1e3: {  	v28 =	vsub.f32 v44, v56;
	v44 =	vor.u32 $0x8, v41;
	v61 =	vmul.f32 v22, v10;
	v60 =	vld.idx.msk [tilespmem:v20+s16+$0x0], $0xffff  }
0x1e4: {  	v12 =	vsub.f32 v38, v56;
	v22 =	vmul.f32 v23, v10;
	v10 =	vmovc v56;
	v20 =	vadd.s32 $0x804, v41;
	v62 =	vld.idx.msk [tilespmem:v29+s16+$0x0], $0xffff  }
0x1e5: {  	v21 =	vmul.f32 v21, v11;
	v56 =	vadd.s32 $0x80A, v41;
	v23 =	vor.u32 $0x3, v41;
	v11 =	vmovc v28;
	v53 =	vld.idx.msk [tilespmem:v53+s16+$0x0], $0xffff  }
0x1e6: {  	v16 =	vadd.f32 v24, v16;
	v19 =	vadd.f32 v19, v25;
	v28 =	vld.idx.msk [tilespmem:v55+s16+$0x0], $0xffff;
	v55 =	vadd.s32 $0x807, v41  }
0x1e7: {  	v25 =	vor.u32 $0x9, v41;
	v63 =	vor.u32 $0x6, v41;
	v29 =	vadd.f32 v35, v34;
	v47 =	vld.idx.msk [tilespmem:v47+s16+$0x0], $0xffff  }
0x1e8: {  	v26 =	vadd.f32 v39, v26;
	v21 =	vadd.f32 v21, v33;
	v35 =	vor.u32 $0xE, v41;
	v34 =	vld.idx.msk [tilespmem:v46+s16+$0x0], $0xffff  }
0x1e9: {  	v16 =	vadd.f32 v48, v16;
	v33 =	vadd.s32 $0x806, v41;
	v46 =	vadd.f32 v27, v29;
	v24 =	vld.idx.msk [tilespmem:v59+s16+$0x0], $0xffff  }
0x1ea: {  	v17 =	vadd.f32 v17, v37;
	v18 =	vadd.f32 v31, v18;
	v29 =	vadd.s32 $0x805, v41;
	v39 =	vld.idx.msk [tilespmem:v32+s16+$0x0], $0xffff  }
0x1eb: {  	v31 =	vsub.f32 $1.000000000e+00, v38;
	v26 =	vadd.f32 v22, v26;
	v27 =	vadd.s32 $0x80E, v41;
	v48 =	vld.idx.msk [tilespmem:v49+s16+$0x0], $0xffff  }
0x1ec: {  	v15 =	vadd.f32 v15, v16;
	v16 =	vadd.f32 v50, v19;
	v32 =	vmul.f32 v28, v12;
	v37 =	vld.idx.msk [tilespmem:v54+s16+$0x0], $0xffff  }
0x1ed: {  	v13 =	vadd.f32 v17, v13;
	v49 =	vsub.f32 v31, v11;
	v31 =	vadd.s32 $0x809, v41;
	v19 =	vld.idx.msk [tilespmem:v25+s16+$0x0], $0xffff  }
0x1ee: {  	v22 =	vadd.s32 $0x80D, v41;
	v25 =	vadd.f32 v61, v16;
	v17 =	vld.idx.msk [tilespmem:v23+s16+$0x0], $0xffff;
	v23 =	vadd.s32 $0x80F, v41  }
0x1ef: {  	v13 =	vadd.f32 v13, v14;
	v28 =	vmul.f32 v42, v49;
	v16 =	vmul.f32 v45, v49;
	v38 =	vld.idx.msk [tilespmem:v57+s16+$0x0], $0xffff  }
0x1f0: {  	v14 =	vmul.f32 v49, v51;
	v41 =	vmul.f32 v43, v49;
	v43 =	vadd.f32 v30, v21;
	v42 =	vld.idx.msk [tilespmem:v63+s16+$0x0], $0xffff  }
0x1f1: {  	v34 =	vmul.f32 v34, v49;
	v16 =	vadd.f32 v16, v15;
	v15 =	vmul.f32 v47, v49;
	v45 =	vld.idx.msk [tilespmem:v35+s16+$0x0], $0xffff  }
0x1f2: {  	v18 =	vadd.f32 v28, v18;
	v47 =	vmul.f32 v37, v11;
	v35 =	vld.idx.msk [tilespmem:v33+s16+$0x0], $0xffff  }
0x1f3: {  	v30 =	vadd.f32 v41, v36;
	v21 =	vmul.f32 v19, v12;
	v41 =	vld.idx.msk [tilespmem:v40+s16+$0x0], $0xffff  }
.Ltmp7:
0x1f4: {  	v26 =	vadd.f32 v15, v26;
	v19 =	vmul.f32 v60, v12;
	v33 =	vmul.f32 v17, v49;
	v37 =	vld.idx.msk [tilespmem:v44+s16+$0x0], $0xffff;
	(pc) =	sbr.rel @p1 .LBB2_19-.Ltmp7, $4  }
0x1f5: {  	v28 =	vmul.f32 v62, v12;
	v15 =	vadd.f32 v21, v18;
	v36 =	vmul.f32 v38, v11;
	v21 =	vld.idx.msk [tilespmem:v52+s16+$0x0], $0xffff  }
0x1f6: {  	v17 =	vadd.f32 v14, v13;
	v13 =	vmul.f32 v39, v11;
	v44 =	vmul.f32 v42, v49;
	v38 =	vld.idx.msk [tilespmem:v56+s16+$0x0], $0xffff  }
0x1f7: {  	v18 =	vadd.f32 v47, v15;
	v15 =	vmul.f32 v48, v10;
	v42 =	vmul.f32 v45, v12;
	v39 =	vld.idx.msk [tilespmem:v55+s16+$0x0], $0xffff  }
0x1f8: {  	s10 =	sadd.s32 $0x100, s10;
	v14 =	vmul.f32 v53, v10;
	v33 =	vadd.f32 v33, v43;
	v43 =	vadd.f32 v44, v46;
	v40 =	vld.idx.msk [tilespmem:v58+s16+$0x0], $0xffff  }
0x1f9: {  	_ =	sdelay $0x3  }
0x1fa: {  	v20 =	vld.idx.msk [tilespmem:v20+s16+$0x0], $0xffff  }
0x1fb: {  	v29 =	vld.idx.msk [tilespmem:v29+s16+$0x0], $0xffff;
	s4 =	sor.u32 $0x10, s6  }
0x1fc: {  	v24 =	vmul.f32 v24, v10;
	v31 =	vld.idx.msk [tilespmem:v31+s16+$0x0], $0xffff;
	s10 =	sor.u32 s4, s21  }
0x1fd: {  	v41 =	vmul.f32 v41, v12;
	v30 =	vadd.f32 v32, v30;
	v27 =	vld.idx.msk [tilespmem:v27+s16+$0x0], $0xffff;
	v44 =	vmov s10  }
0x1fe: {  	v62 =	vmul.f32 v12, v37;
	v35 =	vmul.f32 v35, v11;
	v22 =	vld.idx.msk [tilespmem:v22+s16+$0x0], $0xffff;
	v37 =	vshll.u32 v44, $0x4  }
0x1ff: {  	v25 =	vadd.f32 v34, v25;
	v23 =	vld.idx.msk [tilespmem:v23+s16+$0x0], $0xffff;
	v26 =	vadd.f32 v28, v26;
	v37 =	vor.u32 v0, v37  }
0x200: {  	v45 =	vmul.f32 v38, v10;
	v17 =	vadd.f32 v17, v62;
	v47 =	vor.u32 $0x1, v37  }
0x201: {  	s31 =	simm.s32 $0x0;
	v46 =	vmul.f32 v39, v11;
	v20 =	vmul.f32 v20, v11;
	v48 =	vor.u32 $0x2, v37  }
0x202: {  	v49 =	vld.idx.msk [tilespmem:v9+s31+$0x10 ss:$0x1], $0xffff;
	v29 =	vmul.f32 v29, v11;
	v31 =	vmul.f32 v31, v10;
	v50 =	vor.u32 $0x4, v37  }
0x203: {  	v28 =	vld.idx.msk [tilespmem:v9+s31+$0x90 ss:$0x1], $0xffff;
	v27 =	vmul.f32 v27, v10;
	v22 =	vmul.f32 v22, v10;
	v51 =	vor.u32 $0xD, v37  }
0x204: {  	v10 =	vmul.f32 v23, v10;
	v11 =	vmul.f32 v21, v11;
	v23 =	vor.u32 $0xF, v37;
	v21 =	vld.idx.msk [tilespmem:v37+s16+$0x0], $0xffff  }
0x205: {  	v63 =	vadd.f32 v42, v43;
	v19 =	vadd.f32 v19, v25;
	v25 =	vadd.s32 $0x808, v37;
	v39 =	vld.idx.msk [tilespmem:v47+s16+$0x0], $0xffff  }
0x206: {  	v30 =	vadd.f32 v36, v30;
	v13 =	vadd.f32 v17, v13;
	v53 =	vor.u32 $0x7, v37;
	v52 =	vld.idx.msk [tilespmem:v48+s16+$0x0], $0xffff  }
0x207: {  	v16 =	vadd.f32 v41, v16;
	v12 =	vmul.f32 v40, v12;
	v17 =	vadd.s32 $0x80B, v37;
	v54 =	vld.idx.msk [tilespmem:v50+s16+$0x0], $0xffff  }
0x208: {  	v26 =	vadd.f32 v46, v26;
	v13 =	vadd.f32 v13, v14;
	v14 =	vadd.s32 $0x80C, v37;
	v55 =	vld.idx.msk [tilespmem:v51+s16+$0x0], $0xffff  }
0x209: {  	v12 =	vadd.f32 v12, v33;
	v16 =	vadd.f32 v20, v16;
	v20 =	vor.u32 $0x5, v37;
	v56 =	vld.idx.msk [tilespmem:v23+s16+$0x0], $0xffff  }
0x20a: {  	v26 =	vadd.f32 v10, v26;
	v10 =	vadd.f32 v29, v19;
	v19 =	vadd.s32 $0x800, v37;
	v57 =	vld.idx.msk [tilespmem:v25+s16+$0x0], $0xffff  }
0x20b: {  	v34 =	vadd.f32 v35, v63;
	v11 =	vadd.f32 v11, v12;
	v12 =	vor.u32 $0xA, v37;
	v29 =	vld.idx.msk [tilespmem:v53+s16+$0x0], $0xffff  }
0x20c: {  	v18 =	vadd.f32 v31, v18;
	[tilespmem:v1+s6+$0x0 ss:$0x1] =	vst.idx.msk $0xffff, v13;
	v13 =	vor.u32 $0x9, v37;
	v23 =	vld.idx.msk [tilespmem:v17+s16+$0x0], $0xffff  }
0x20d: {  	v30 =	vadd.f32 v45, v30;
	v59 =	vadd.s32 $0x803, v37;
	v31 =	vor.u32 $0x3, v37;
	v46 =	vld.idx.msk [tilespmem:v14+s16+$0x0], $0xffff  }
0x20e: {  	v44 =	vor.u32 $0xB, v37;
	[tilespmem:v2+s6+$0x0 ss:$0x1] =	vst.idx.msk $0xffff, v18;
	v25 =	vadd.f32 v22, v10;
	v17 =	vadd.s32 $0x802, v37;
	v58 =	vld.idx.msk [tilespmem:v20+s16+$0x0], $0xffff  }
0x20f: {  	v60 =	vadd.s32 $0x80A, v37;
	v10 =	vmul.f32 v28, v49;
	[tilespmem:v3+s6+$0x0 ss:$0x1] =	vst.idx.msk $0xffff, v30;
	v30 =	vor.u32 $0x6, v37;
	v45 =	vld.idx.msk [tilespmem:v19+s16+$0x0], $0xffff  }
0x210: {  	v15 =	vadd.f32 v15, v16;
	v14 =	vor.u32 $0xE, v37;
	v16 =	vld.idx.msk [tilespmem:v12+s16+$0x0], $0xffff;
	v12 =	vadd.f32 v24, v11  }
0x211: {  	v61 =	vadd.s32 $0x806, v37;
	v11 =	vsub.f32 v28, v10;
	v28 =	vsub.f32 $1.000000000e+00, v49;
	v13 =	vld.idx.msk [tilespmem:v13+s16+$0x0], $0xffff  }
0x212: {  	v27 =	vadd.f32 v27, v34;
	[tilespmem:v4+s6+$0x0 ss:$0x1] =	vst.idx.msk $0xffff, v12;
	v12 =	vsub.f32 v49, v10;
	v49 =	vld.idx.msk [tilespmem:v31+s16+$0x0], $0xffff  }
0x213: {  	v18 =	vor.u32 $0xC, v37;
	v24 =	vadd.s32 $0x801, v37;
	v47 =	vsub.f32 v28, v11;
	v17 =	vld.idx.msk [tilespmem:v17+s16+$0x0], $0xffff  }
0x214: {  	v48 =	vadd.s32 $0x807, v37;
	v19 =	vor.u32 $0x8, v37;
	v20 =	vadd.s32 $0x804, v37;
	v62 =	vld.idx.msk [tilespmem:v30+s16+$0x0], $0xffff  }
0x215: {  	v28 =	vadd.s32 $0x805, v37;
	v31 =	vadd.s32 $0x809, v37;
	[tilespmem:v5+s6+$0x0 ss:$0x1] =	vst.idx.msk $0xffff, v15;
	v51 =	vld.idx.msk [tilespmem:v14+s16+$0x0], $0xffff;
	v50 =	vmul.f32 v47, v21  }
0x216: {  	[tilespmem:v6+s6+$0x0 ss:$0x1] =	vst.idx.msk $0xffff, v25;
	v25 =	vadd.s32 $0x80F, v37;
	v21 =	vmul.f32 v52, v47;
	v34 =	vmul.f32 v58, v47  }
0x217: {  	v14 =	vmul.f32 v29, v47;
	[tilespmem:v7+s6+$0x0 ss:$0x1] =	vst.idx.msk $0xffff, v27;
	v27 =	vadd.s32 $0x80E, v37;
	v32 =	vmul.f32 v16, v12  }
0x218: {  	v15 =	vld.idx.msk [tilespmem:v24+s16+$0x0], $0xffff;
	v16 =	vmul.f32 v54, v47;
	v24 =	vadd.s32 $0x80D, v37;
	v13 =	vmul.f32 v13, v12  }
0x219: {  	v22 =	vimm.f32 $0.0e+00;
	v37 =	vld.idx.msk [tilespmem:v19+s16+$0x0], $0xffff;
	v19 =	vmul.f32 v55, v12;
	[tilespmem:v8+s6+$0x0 ss:$0x1] =	vst.idx.msk $0xffff, v26;
	v26 =	vmul.f32 v39, v47  }
0x21a: {  	v35 =	vld.idx.msk [tilespmem:v61+s16+$0x0], $0xffff;
	v30 =	vadd.f32 v21, v22;
	v16 =	vadd.f32 v16, v22;
	v49 =	vmul.f32 v49, v47  }
0x21b: {  	v38 =	vld.idx.msk [tilespmem:v60+s16+$0x0], $0xffff;
	v36 =	vmul.f32 v17, v11;
	v17 =	vadd.f32 v50, v22;
	v29 =	vadd.f32 v26, v22  }
0x21c: {  	v41 =	vld.idx.msk [tilespmem:v18+s16+$0x0], $0xffff;
	v63 =	vmul.f32 v62, v47;
	v26 =	vadd.f32 v14, v22;
	v14 =	vmul.f32 v45, v11  }
0x21d: {  	v40 =	vld.idx.msk [tilespmem:v44+s16+$0x0], $0xffff;
	v42 =	vmul.f32 v51, v12;
	v15 =	vmul.f32 v15, v11;
	v13 =	vadd.f32 v13, v29  }
0x21e: {  	v21 =	vld.idx.msk [tilespmem:v59+s16+$0x0], $0xffff;
	v33 =	vadd.f32 v49, v22;
	v43 =	vadd.f32 v63, v22;
	v29 =	vmul.f32 v56, v12  }
0x21f: {  	s23 =	sadd.s32 $0x100, s21;
	s10 =	simm.s32 $0x400;
	v39 =	vld.idx.msk [tilespmem:v48+s16+$0x0], $0xffff;
	v18 =	vadd.f32 v15, v13;
	v15 =	vmul.f32 v46, v10;
	v13 =	vmul.f32 v57, v10  }
.LBB2_21:
0x220: {  	s11 =	sor.u32 s4, s23  }
0x221: {  	p1 =	sne.s32 s10, $0x1400;
	v32 =	vadd.f32 v32, v30;
	v30 =	vmul.f32 v23, v10;
	v20 =	vld.idx.msk [tilespmem:v20+s16+$0x0], $0xffff;
	v23 =	vmul.f32 v41, v12;
	s13 =	smov.u32 s10;
	s10 =	sadd.s32 $0x400, s10  }
0x222: {  	v37 =	vmul.f32 v12, v37;
	v35 =	vmul.f32 v35, v11;
	v41 =	vmov s11;
	v28 =	vld.idx.msk [tilespmem:v28+s16+$0x0], $0xffff  }
0x223: {  	v22 =	vadd.f32 v34, v22;
	v34 =	vadd.f32 v42, v43;
	v41 =	vshll.u32 v41, $0x4;
	v27 =	vld.idx.msk [tilespmem:v27+s16+$0x0], $0xffff  }
0x224: {  	s11 =	sshra.s32 s13, $0x2;
	v32 =	vadd.f32 v36, v32;
	v36 =	vmul.f32 v38, v10;
	v41 =	vor.u32 v0, v41;
	v31 =	vld.idx.msk [tilespmem:v31+s16+$0x0], $0xffff  }
0x225: {  	v39 =	vmul.f32 v39, v11;
	v38 =	vld.idx.msk [tilespmem:v9+s11+$0x10 ss:$0x1], $0xffff;
	v42 =	vor.u32 $0x1, v41;
	v43 =	vor.u32 $0x2, v41  }
0x226: {  	v45 =	vor.u32 $0x4, v41;
	v46 =	vor.u32 $0x5, v41;
	v12 =	vmul.f32 v40, v12;
	v44 =	vld.idx.msk [tilespmem:v9+s11+$0x90 ss:$0x1], $0xffff  }
0x227: {  	v40 =	vor.u32 $0xC, v41;
	v47 =	vor.u32 $0x7, v41;
	v48 =	vmul.f32 v20, v11;
	v25 =	vld.idx.msk [tilespmem:v25+s16+$0x0], $0xffff  }
0x228: {  	v49 =	vadd.s32 $0x80C, v41;
	v20 =	vor.u32 $0xD, v41;
	v50 =	vmul.f32 v28, v11;
	v24 =	vld.idx.msk [tilespmem:v24+s16+$0x0], $0xffff  }
0x229: {  	v52 =	vadd.s32 $0x803, v41;
	v36 =	vadd.f32 v36, v32;
	v28 =	vor.u32 $0xF, v41;
	v51 =	vld.idx.msk [tilespmem:v41+s16+$0x0], $0xffff  }
0x22a: {  	v32 =	vadd.s32 $0x800, v41;
	v53 =	vadd.s32 $0x808, v41;
	v31 =	vmul.f32 v31, v10  }
0x22b: {  	v54 =	vadd.s32 $0x801, v41;
	v55 =	vor.u32 $0xA, v41;
	v27 =	vmul.f32 v27, v10;
	v42 =	vld.idx.msk [tilespmem:v42+s16+$0x0], $0xffff  }
0x22c: {  	v57 =	vadd.s32 $0x802, v41;
	v33 =	vadd.f32 v12, v33;
	v56 =	vmul.f32 v44, v38;
	v43 =	vld.idx.msk [tilespmem:v43+s16+$0x0], $0xffff  }
0x22d: {  	v26 =	vadd.f32 v29, v26;
	v58 =	vor.u32 $0xB, v41;
	v59 =	vadd.s32 $0x80B, v41;
	v45 =	vld.idx.msk [tilespmem:v45+s16+$0x0], $0xffff  }
0x22e: {  	v29 =	vsub.f32 v44, v56;
	v44 =	vor.u32 $0x8, v41;
	v61 =	vmul.f32 v24, v10;
	v60 =	vld.idx.msk [tilespmem:v20+s16+$0x0], $0xffff  }
0x22f: {  	v12 =	vsub.f32 v38, v56;
	v24 =	vmul.f32 v25, v10;
	v10 =	vmovc v56;
	v20 =	vadd.s32 $0x804, v41;
	v62 =	vld.idx.msk [tilespmem:v28+s16+$0x0], $0xffff  }
0x230: {  	v21 =	vmul.f32 v21, v11;
	v56 =	vadd.s32 $0x80A, v41;
	v25 =	vor.u32 $0x3, v41;
	v11 =	vmovc v29;
	v53 =	vld.idx.msk [tilespmem:v53+s16+$0x0], $0xffff  }
0x231: {  	v16 =	vadd.f32 v23, v16;
	v19 =	vadd.f32 v19, v22;
	v29 =	vld.idx.msk [tilespmem:v55+s16+$0x0], $0xffff;
	v55 =	vadd.s32 $0x807, v41  }
0x232: {  	v22 =	vor.u32 $0x9, v41;
	v63 =	vor.u32 $0x6, v41;
	v28 =	vadd.f32 v35, v34;
	v47 =	vld.idx.msk [tilespmem:v47+s16+$0x0], $0xffff  }
0x233: {  	v26 =	vadd.f32 v39, v26;
	v21 =	vadd.f32 v21, v33;
	v35 =	vor.u32 $0xE, v41;
	v34 =	vld.idx.msk [tilespmem:v46+s16+$0x0], $0xffff  }
0x234: {  	v16 =	vadd.f32 v48, v16;
	v33 =	vadd.s32 $0x806, v41;
	v46 =	vadd.f32 v27, v28;
	v23 =	vld.idx.msk [tilespmem:v59+s16+$0x0], $0xffff  }
0x235: {  	v17 =	vadd.f32 v17, v37;
	v18 =	vadd.f32 v31, v18;
	v28 =	vadd.s32 $0x805, v41;
	v39 =	vld.idx.msk [tilespmem:v32+s16+$0x0], $0xffff  }
0x236: {  	v31 =	vsub.f32 $1.000000000e+00, v38;
	v26 =	vadd.f32 v24, v26;
	v27 =	vadd.s32 $0x80E, v41;
	v48 =	vld.idx.msk [tilespmem:v49+s16+$0x0], $0xffff  }
0x237: {  	v15 =	vadd.f32 v15, v16;
	v16 =	vadd.f32 v50, v19;
	v32 =	vmul.f32 v29, v12;
	v37 =	vld.idx.msk [tilespmem:v54+s16+$0x0], $0xffff  }
0x238: {  	v14 =	vadd.f32 v17, v14;
	v49 =	vsub.f32 v31, v11;
	v31 =	vadd.s32 $0x809, v41;
	v19 =	vld.idx.msk [tilespmem:v22+s16+$0x0], $0xffff  }
0x239: {  	v24 =	vadd.s32 $0x80D, v41;
	v22 =	vadd.f32 v61, v16;
	v17 =	vld.idx.msk [tilespmem:v25+s16+$0x0], $0xffff;
	v25 =	vadd.s32 $0x80F, v41  }
0x23a: {  	v13 =	vadd.f32 v14, v13;
	v29 =	vmul.f32 v42, v49;
	v16 =	vmul.f32 v45, v49;
	v38 =	vld.idx.msk [tilespmem:v57+s16+$0x0], $0xffff  }
0x23b: {  	v14 =	vmul.f32 v49, v51;
	v41 =	vmul.f32 v43, v49;
	v43 =	vadd.f32 v30, v21;
	v42 =	vld.idx.msk [tilespmem:v63+s16+$0x0], $0xffff  }
0x23c: {  	v34 =	vmul.f32 v34, v49;
	v16 =	vadd.f32 v16, v15;
	v15 =	vmul.f32 v47, v49;
	v45 =	vld.idx.msk [tilespmem:v35+s16+$0x0], $0xffff  }
0x23d: {  	v18 =	vadd.f32 v29, v18;
	v47 =	vmul.f32 v37, v11;
	v35 =	vld.idx.msk [tilespmem:v33+s16+$0x0], $0xffff  }
0x23e: {  	v30 =	vadd.f32 v41, v36;
	v21 =	vmul.f32 v19, v12;
	v41 =	vld.idx.msk [tilespmem:v40+s16+$0x0], $0xffff  }
.Ltmp8:
0x23f: {  	v26 =	vadd.f32 v15, v26;
	v19 =	vmul.f32 v60, v12;
	v33 =	vmul.f32 v17, v49;
	v37 =	vld.idx.msk [tilespmem:v44+s16+$0x0], $0xffff;
	(pc) =	sbr.rel @p1 .LBB2_21-.Ltmp8, $4  }
0x240: {  	v29 =	vmul.f32 v62, v12;
	v15 =	vadd.f32 v21, v18;
	v36 =	vmul.f32 v38, v11;
	v21 =	vld.idx.msk [tilespmem:v52+s16+$0x0], $0xffff  }
0x241: {  	v17 =	vadd.f32 v14, v13;
	v14 =	vmul.f32 v39, v11;
	v44 =	vmul.f32 v42, v49;
	v38 =	vld.idx.msk [tilespmem:v56+s16+$0x0], $0xffff  }
0x242: {  	v18 =	vadd.f32 v47, v15;
	v15 =	vmul.f32 v48, v10;
	v42 =	vmul.f32 v45, v12;
	v39 =	vld.idx.msk [tilespmem:v55+s16+$0x0], $0xffff  }
0x243: {  	s23 =	sadd.s32 $0x100, s23;
	v13 =	vmul.f32 v53, v10;
	v33 =	vadd.f32 v33, v43;
	v43 =	vadd.f32 v44, v46;
	v40 =	vld.idx.msk [tilespmem:v58+s16+$0x0], $0xffff  }
0x244: {  	_ =	sdelay $0x3  }
0x245: {  	v20 =	vld.idx.msk [tilespmem:v20+s16+$0x0], $0xffff  }
0x246: {  	v28 =	vld.idx.msk [tilespmem:v28+s16+$0x0], $0xffff;
	s10 =	sor.u32 $0x20, s6  }
0x247: {  	v31 =	vld.idx.msk [tilespmem:v31+s16+$0x0], $0xffff;
	s11 =	sor.u32 s10, s21  }
0x248: {  	v23 =	vmul.f32 v23, v10;
	v27 =	vld.idx.msk [tilespmem:v27+s16+$0x0], $0xffff;
	v44 =	vmov s11  }
0x249: {  	v62 =	vmul.f32 v12, v37;
	v35 =	vmul.f32 v35, v11;
	v24 =	vld.idx.msk [tilespmem:v24+s16+$0x0], $0xffff;
	v37 =	vshll.u32 v44, $0x4  }
0x24a: {  	v22 =	vadd.f32 v34, v22;
	v25 =	vld.idx.msk [tilespmem:v25+s16+$0x0], $0xffff;
	v26 =	vadd.f32 v29, v26;
	v37 =	vor.u32 v0, v37  }
0x24b: {  	v45 =	vmul.f32 v38, v10;
	v17 =	vadd.f32 v17, v62;
	v47 =	vor.u32 $0x1, v37  }
0x24c: {  	s31 =	simm.s32 $0x0;
	v46 =	vmul.f32 v39, v11;
	v20 =	vmul.f32 v20, v11;
	v48 =	vor.u32 $0x2, v37  }
0x24d: {  	v49 =	vld.idx.msk [tilespmem:v9+s31+$0x20 ss:$0x1], $0xffff;
	v28 =	vmul.f32 v28, v11;
	v31 =	vmul.f32 v31, v10;
	v50 =	vor.u32 $0x4, v37  }
0x24e: {  	v29 =	vld.idx.msk [tilespmem:v9+s31+$0xA0 ss:$0x1], $0xffff;
	v27 =	vmul.f32 v27, v10;
	v24 =	vmul.f32 v24, v10;
	v51 =	vor.u32 $0xD, v37  }
0x24f: {  	v10 =	vmul.f32 v25, v10;
	v11 =	vmul.f32 v21, v11;
	v25 =	vor.u32 $0xF, v37;
	v21 =	vld.idx.msk [tilespmem:v37+s16+$0x0], $0xffff  }
0x250: {  	v41 =	vmul.f32 v41, v12;
	v19 =	vadd.f32 v19, v22;
	v22 =	vadd.s32 $0x808, v37;
	v39 =	vld.idx.msk [tilespmem:v47+s16+$0x0], $0xffff  }
0x251: {  	v12 =	vmul.f32 v40, v12;
	v14 =	vadd.f32 v17, v14;
	v53 =	vor.u32 $0x7, v37;
	v52 =	vld.idx.msk [tilespmem:v48+s16+$0x0], $0xffff  }
0x252: {  	v30 =	vadd.f32 v32, v30;
	v16 =	vadd.f32 v41, v16;
	v61 =	vadd.s32 $0x80A, v37;
	v54 =	vld.idx.msk [tilespmem:v50+s16+$0x0], $0xffff  }
0x253: {  	v12 =	vadd.f32 v12, v33;
	v13 =	vadd.f32 v14, v13;
	v14 =	vadd.s32 $0x80C, v37;
	v55 =	vld.idx.msk [tilespmem:v51+s16+$0x0], $0xffff  }
0x254: {  	v63 =	vadd.f32 v42, v43;
	v16 =	vadd.f32 v20, v16;
	v20 =	vor.u32 $0x5, v37;
	v56 =	vld.idx.msk [tilespmem:v25+s16+$0x0], $0xffff  }
0x255: {  	v30 =	vadd.f32 v36, v30;
	v11 =	vadd.f32 v11, v12;
	v12 =	vor.u32 $0xA, v37;
	v57 =	vld.idx.msk [tilespmem:v22+s16+$0x0], $0xffff  }
0x256: {  	v34 =	vadd.f32 v35, v63;
	v26 =	vadd.f32 v46, v26;
	v17 =	vadd.s32 $0x80B, v37;
	v58 =	vld.idx.msk [tilespmem:v53+s16+$0x0], $0xffff  }
0x257: {  	v30 =	vadd.f32 v45, v30;
	v60 =	vadd.s32 $0x803, v37;
	[tilespmem:v1+s4+$0x0 ss:$0x1] =	vst.idx.msk $0xffff, v13;
	v13 =	vor.u32 $0x9, v37;
	v38 =	vld.idx.msk [tilespmem:v61+s16+$0x0], $0xffff  }
0x258: {  	v25 =	vadd.f32 v10, v26;
	v10 =	vadd.f32 v28, v19;
	v19 =	vadd.s32 $0x800, v37;
	v46 =	vld.idx.msk [tilespmem:v14+s16+$0x0], $0xffff  }
0x259: {  	v44 =	vor.u32 $0xB, v37;
	v18 =	vadd.f32 v31, v18;
	v31 =	vor.u32 $0x3, v37;
	v59 =	vld.idx.msk [tilespmem:v20+s16+$0x0], $0xffff  }
0x25a: {  	v15 =	vadd.f32 v15, v16;
	v26 =	vadd.s32 $0x801, v37;
	v14 =	vor.u32 $0xE, v37;
	v16 =	vld.idx.msk [tilespmem:v12+s16+$0x0], $0xffff  }
0x25b: {  	v24 =	vadd.f32 v24, v10;
	v10 =	vmul.f32 v29, v49;
	v12 =	vadd.f32 v23, v11;
	v23 =	vld.idx.msk [tilespmem:v17+s16+$0x0], $0xffff  }
0x25c: {  	v27 =	vadd.f32 v27, v34;
	[tilespmem:v2+s4+$0x0 ss:$0x1] =	vst.idx.msk $0xffff, v18;
	v18 =	vor.u32 $0xC, v37;
	v28 =	vsub.f32 $1.000000000e+00, v49;
	v13 =	vld.idx.msk [tilespmem:v13+s16+$0x0], $0xffff  }
0x25d: {  	[tilespmem:v3+s4+$0x0 ss:$0x1] =	vst.idx.msk $0xffff, v30;
	v48 =	vadd.s32 $0x807, v37;
	v17 =	vadd.s32 $0x802, v37;
	v11 =	vsub.f32 v29, v10;
	v45 =	vld.idx.msk [tilespmem:v19+s16+$0x0], $0xffff  }
0x25e: {  	v20 =	vadd.s32 $0x804, v37;
	v29 =	vor.u32 $0x6, v37;
	[tilespmem:v4+s4+$0x0 ss:$0x1] =	vst.idx.msk $0xffff, v12;
	v12 =	vsub.f32 v49, v10;
	v49 =	vld.idx.msk [tilespmem:v31+s16+$0x0], $0xffff  }
0x25f: {  	v19 =	vor.u32 $0x8, v37;
	v31 =	vadd.s32 $0x809, v37;
	[tilespmem:v5+s4+$0x0 ss:$0x1] =	vst.idx.msk $0xffff, v15;
	v15 =	vld.idx.msk [tilespmem:v26+s16+$0x0], $0xffff;
	v47 =	vsub.f32 v28, v11  }
0x260: {  	v26 =	vadd.s32 $0x806, v37;
	v28 =	vadd.s32 $0x805, v37;
	v51 =	vld.idx.msk [tilespmem:v14+s16+$0x0], $0xffff;
	v32 =	vmul.f32 v16, v12  }
0x261: {  	[tilespmem:v6+s4+$0x0 ss:$0x1] =	vst.idx.msk $0xffff, v24;
	v24 =	vadd.s32 $0x80D, v37;
	v16 =	vmul.f32 v54, v47;
	v30 =	vmul.f32 v39, v47  }
0x262: {  	v22 =	vimm.f32 $0.0e+00;
	[tilespmem:v7+s4+$0x0 ss:$0x1] =	vst.idx.msk $0xffff, v27;
	v17 =	vld.idx.msk [tilespmem:v17+s16+$0x0], $0xffff;
	v50 =	vmul.f32 v47, v21;
	v21 =	vmul.f32 v52, v47  }
0x263: {  	v27 =	vadd.s32 $0x80E, v37;
	v34 =	vmul.f32 v59, v47;
	v14 =	vmul.f32 v58, v47;
	v62 =	vld.idx.msk [tilespmem:v29+s16+$0x0], $0xffff  }
0x264: {  	v13 =	vmul.f32 v13, v12;
	[tilespmem:v8+s4+$0x0 ss:$0x1] =	vst.idx.msk $0xffff, v25;
	v25 =	vadd.s32 $0x80F, v37;
	v16 =	vadd.f32 v16, v22  }
0x265: {  	v29 =	vadd.f32 v30, v22;
	v30 =	vadd.f32 v21, v22;
	v37 =	vld.idx.msk [tilespmem:v19+s16+$0x0], $0xffff;
	v49 =	vmul.f32 v49, v47  }
0x266: {  	v19 =	vmul.f32 v55, v12;
	v35 =	vld.idx.msk [tilespmem:v26+s16+$0x0], $0xffff;
	v15 =	vmul.f32 v15, v11;
	v26 =	vadd.f32 v14, v22  }
0x267: {  	v41 =	vld.idx.msk [tilespmem:v18+s16+$0x0], $0xffff;
	v14 =	vmul.f32 v45, v11;
	v42 =	vmul.f32 v51, v12;
	v13 =	vadd.f32 v13, v29  }
0x268: {  	v40 =	vld.idx.msk [tilespmem:v44+s16+$0x0], $0xffff;
	v29 =	vmul.f32 v56, v12;
	v33 =	vadd.f32 v49, v22;
	v63 =	vmul.f32 v62, v47  }
0x269: {  	v39 =	vld.idx.msk [tilespmem:v48+s16+$0x0], $0xffff;
	v36 =	vmul.f32 v17, v11;
	v17 =	vadd.f32 v50, v22;
	v18 =	vadd.f32 v15, v13  }
0x26a: {  	s23 =	sadd.s32 $0x100, s21;
	s4 =	simm.s32 $0x400;
	v21 =	vld.idx.msk [tilespmem:v60+s16+$0x0], $0xffff;
	v15 =	vmul.f32 v46, v10;
	v13 =	vmul.f32 v57, v10;
	v43 =	vadd.f32 v63, v22  }
.LBB2_23:
0x26b: {  	s11 =	sor.u32 s10, s23  }
0x26c: {  	p1 =	sne.s32 s4, $0x1400;
	v32 =	vadd.f32 v32, v30;
	v30 =	vmul.f32 v23, v10;
	v20 =	vld.idx.msk [tilespmem:v20+s16+$0x0], $0xffff;
	v23 =	vmul.f32 v41, v12;
	s13 =	smov.u32 s4;
	s4 =	sadd.s32 $0x400, s4  }
0x26d: {  	v37 =	vmul.f32 v12, v37;
	v35 =	vmul.f32 v35, v11;
	v41 =	vmov s11;
	v28 =	vld.idx.msk [tilespmem:v28+s16+$0x0], $0xffff  }
0x26e: {  	v22 =	vadd.f32 v34, v22;
	v34 =	vadd.f32 v42, v43;
	v41 =	vshll.u32 v41, $0x4;
	v27 =	vld.idx.msk [tilespmem:v27+s16+$0x0], $0xffff  }
0x26f: {  	s11 =	sshra.s32 s13, $0x2;
	v32 =	vadd.f32 v36, v32;
	v36 =	vmul.f32 v38, v10;
	v41 =	vor.u32 v0, v41;
	v31 =	vld.idx.msk [tilespmem:v31+s16+$0x0], $0xffff  }
0x270: {  	v39 =	vmul.f32 v39, v11;
	v38 =	vld.idx.msk [tilespmem:v9+s11+$0x20 ss:$0x1], $0xffff;
	v42 =	vor.u32 $0x1, v41;
	v43 =	vor.u32 $0x2, v41  }
0x271: {  	v45 =	vor.u32 $0x4, v41;
	v46 =	vor.u32 $0x5, v41;
	v12 =	vmul.f32 v40, v12;
	v44 =	vld.idx.msk [tilespmem:v9+s11+$0xA0 ss:$0x1], $0xffff  }
0x272: {  	v40 =	vor.u32 $0xC, v41;
	v47 =	vor.u32 $0x7, v41;
	v48 =	vmul.f32 v20, v11;
	v25 =	vld.idx.msk [tilespmem:v25+s16+$0x0], $0xffff  }
0x273: {  	v49 =	vadd.s32 $0x80C, v41;
	v20 =	vor.u32 $0xD, v41;
	v50 =	vmul.f32 v28, v11;
	v24 =	vld.idx.msk [tilespmem:v24+s16+$0x0], $0xffff  }
0x274: {  	v52 =	vadd.s32 $0x803, v41;
	v36 =	vadd.f32 v36, v32;
	v28 =	vor.u32 $0xF, v41;
	v51 =	vld.idx.msk [tilespmem:v41+s16+$0x0], $0xffff  }
0x275: {  	v32 =	vadd.s32 $0x800, v41;
	v53 =	vadd.s32 $0x808, v41;
	v31 =	vmul.f32 v31, v10  }
0x276: {  	v54 =	vadd.s32 $0x801, v41;
	v55 =	vor.u32 $0xA, v41;
	v27 =	vmul.f32 v27, v10;
	v42 =	vld.idx.msk [tilespmem:v42+s16+$0x0], $0xffff  }
0x277: {  	v57 =	vadd.s32 $0x802, v41;
	v33 =	vadd.f32 v12, v33;
	v56 =	vmul.f32 v44, v38;
	v43 =	vld.idx.msk [tilespmem:v43+s16+$0x0], $0xffff  }
0x278: {  	v26 =	vadd.f32 v29, v26;
	v58 =	vor.u32 $0xB, v41;
	v59 =	vadd.s32 $0x80B, v41;
	v45 =	vld.idx.msk [tilespmem:v45+s16+$0x0], $0xffff  }
0x279: {  	v29 =	vsub.f32 v44, v56;
	v44 =	vor.u32 $0x8, v41;
	v61 =	vmul.f32 v24, v10;
	v60 =	vld.idx.msk [tilespmem:v20+s16+$0x0], $0xffff  }
0x27a: {  	v12 =	vsub.f32 v38, v56;
	v24 =	vmul.f32 v25, v10;
	v10 =	vmovc v56;
	v20 =	vadd.s32 $0x804, v41;
	v62 =	vld.idx.msk [tilespmem:v28+s16+$0x0], $0xffff  }
0x27b: {  	v21 =	vmul.f32 v21, v11;
	v56 =	vadd.s32 $0x80A, v41;
	v25 =	vor.u32 $0x3, v41;
	v11 =	vmovc v29;
	v53 =	vld.idx.msk [tilespmem:v53+s16+$0x0], $0xffff  }
0x27c: {  	v16 =	vadd.f32 v23, v16;
	v19 =	vadd.f32 v19, v22;
	v29 =	vld.idx.msk [tilespmem:v55+s16+$0x0], $0xffff;
	v55 =	vadd.s32 $0x807, v41  }
0x27d: {  	v22 =	vor.u32 $0x9, v41;
	v63 =	vor.u32 $0x6, v41;
	v28 =	vadd.f32 v35, v34;
	v47 =	vld.idx.msk [tilespmem:v47+s16+$0x0], $0xffff  }
0x27e: {  	v26 =	vadd.f32 v39, v26;
	v21 =	vadd.f32 v21, v33;
	v35 =	vor.u32 $0xE, v41;
	v34 =	vld.idx.msk [tilespmem:v46+s16+$0x0], $0xffff  }
0x27f: {  	v16 =	vadd.f32 v48, v16;
	v33 =	vadd.s32 $0x806, v41;
	v46 =	vadd.f32 v27, v28;
	v23 =	vld.idx.msk [tilespmem:v59+s16+$0x0], $0xffff  }
0x280: {  	v17 =	vadd.f32 v17, v37;
	v18 =	vadd.f32 v31, v18;
	v28 =	vadd.s32 $0x805, v41;
	v39 =	vld.idx.msk [tilespmem:v32+s16+$0x0], $0xffff  }
0x281: {  	v31 =	vsub.f32 $1.000000000e+00, v38;
	v26 =	vadd.f32 v24, v26;
	v27 =	vadd.s32 $0x80E, v41;
	v48 =	vld.idx.msk [tilespmem:v49+s16+$0x0], $0xffff  }
0x282: {  	v15 =	vadd.f32 v15, v16;
	v16 =	vadd.f32 v50, v19;
	v32 =	vmul.f32 v29, v12;
	v37 =	vld.idx.msk [tilespmem:v54+s16+$0x0], $0xffff  }
0x283: {  	v14 =	vadd.f32 v17, v14;
	v49 =	vsub.f32 v31, v11;
	v31 =	vadd.s32 $0x809, v41;
	v19 =	vld.idx.msk [tilespmem:v22+s16+$0x0], $0xffff  }
0x284: {  	v24 =	vadd.s32 $0x80D, v41;
	v22 =	vadd.f32 v61, v16;
	v17 =	vld.idx.msk [tilespmem:v25+s16+$0x0], $0xffff;
	v25 =	vadd.s32 $0x80F, v41  }
0x285: {  	v13 =	vadd.f32 v14, v13;
	v29 =	vmul.f32 v42, v49;
	v16 =	vmul.f32 v45, v49;
	v38 =	vld.idx.msk [tilespmem:v57+s16+$0x0], $0xffff  }
0x286: {  	v14 =	vmul.f32 v49, v51;
	v41 =	vmul.f32 v43, v49;
	v43 =	vadd.f32 v30, v21;
	v42 =	vld.idx.msk [tilespmem:v63+s16+$0x0], $0xffff  }
0x287: {  	v34 =	vmul.f32 v34, v49;
	v16 =	vadd.f32 v16, v15;
	v15 =	vmul.f32 v47, v49;
	v45 =	vld.idx.msk [tilespmem:v35+s16+$0x0], $0xffff  }
0x288: {  	v18 =	vadd.f32 v29, v18;
	v47 =	vmul.f32 v37, v11;
	v35 =	vld.idx.msk [tilespmem:v33+s16+$0x0], $0xffff  }
0x289: {  	v30 =	vadd.f32 v41, v36;
	v21 =	vmul.f32 v19, v12;
	v41 =	vld.idx.msk [tilespmem:v40+s16+$0x0], $0xffff  }
.Ltmp9:
0x28a: {  	v26 =	vadd.f32 v15, v26;
	v19 =	vmul.f32 v60, v12;
	v33 =	vmul.f32 v17, v49;
	v37 =	vld.idx.msk [tilespmem:v44+s16+$0x0], $0xffff;
	(pc) =	sbr.rel @p1 .LBB2_23-.Ltmp9, $4  }
0x28b: {  	v29 =	vmul.f32 v62, v12;
	v15 =	vadd.f32 v21, v18;
	v36 =	vmul.f32 v38, v11;
	v21 =	vld.idx.msk [tilespmem:v52+s16+$0x0], $0xffff  }
0x28c: {  	v17 =	vadd.f32 v14, v13;
	v14 =	vmul.f32 v39, v11;
	v44 =	vmul.f32 v42, v49;
	v38 =	vld.idx.msk [tilespmem:v56+s16+$0x0], $0xffff  }
0x28d: {  	v18 =	vadd.f32 v47, v15;
	v15 =	vmul.f32 v48, v10;
	v42 =	vmul.f32 v45, v12;
	v39 =	vld.idx.msk [tilespmem:v55+s16+$0x0], $0xffff  }
0x28e: {  	s23 =	sadd.s32 $0x100, s23;
	v13 =	vmul.f32 v53, v10;
	v33 =	vadd.f32 v33, v43;
	v43 =	vadd.f32 v44, v46;
	v40 =	vld.idx.msk [tilespmem:v58+s16+$0x0], $0xffff  }
0x28f: {  	_ =	sdelay $0x3  }
0x290: {  	v20 =	vld.idx.msk [tilespmem:v20+s16+$0x0], $0xffff  }
0x291: {  	v28 =	vld.idx.msk [tilespmem:v28+s16+$0x0], $0xffff;
	s4 =	sor.u32 $0x30, s6  }
0x292: {  	v23 =	vmul.f32 v23, v10;
	v41 =	vmul.f32 v41, v12;
	v30 =	vadd.f32 v32, v30;
	v31 =	vld.idx.msk [tilespmem:v31+s16+$0x0], $0xffff;
	s6 =	sor.u32 s4, s21  }
0x293: {  	v46 =	vmul.f32 v12, v37;
	v35 =	vmul.f32 v35, v11;
	v27 =	vld.idx.msk [tilespmem:v27+s16+$0x0], $0xffff;
	v48 =	vmov s6  }
0x294: {  	v22 =	vadd.f32 v34, v22;
	v24 =	vld.idx.msk [tilespmem:v24+s16+$0x0], $0xffff;
	v26 =	vadd.f32 v29, v26;
	v37 =	vshll.u32 v48, $0x4  }
0x295: {  	v25 =	vld.idx.msk [tilespmem:v25+s16+$0x0], $0xffff;
	v47 =	vadd.f32 v42, v43;
	v30 =	vadd.f32 v36, v30;
	v37 =	vor.u32 v0, v37  }
0x296: {  	v49 =	vmul.f32 v38, v10;
	v16 =	vadd.f32 v41, v16;
	v51 =	vor.u32 $0x1, v37  }
0x297: {  	s31 =	simm.s32 $0x0;
	v50 =	vmul.f32 v39, v11;
	v20 =	vmul.f32 v20, v11;
	v52 =	vor.u32 $0x2, v37  }
0x298: {  	v53 =	vld.idx.msk [tilespmem:v9+s31+$0x30 ss:$0x1], $0xffff;
	v28 =	vmul.f32 v28, v11;
	v31 =	vmul.f32 v31, v10;
	v58 =	vor.u32 $0x4, v37  }
0x299: {  	v29 =	vld.idx.msk [tilespmem:v9+s31+$0xB0 ss:$0x1], $0xffff;
	v27 =	vmul.f32 v27, v10;
	v24 =	vmul.f32 v24, v10;
	v59 =	vor.u32 $0xD, v37  }
0x29a: {  	v10 =	vmul.f32 v25, v10;
	v11 =	vmul.f32 v21, v11;
	v25 =	vor.u32 $0xF, v37;
	v21 =	vld.idx.msk [tilespmem:v37+s16+$0x0], $0xffff  }
0x29b: {  	v19 =	vadd.f32 v19, v22;
	v17 =	vadd.f32 v17, v46;
	v22 =	vadd.s32 $0x808, v37;
	v39 =	vld.idx.msk [tilespmem:v51+s16+$0x0], $0xffff  }
0x29c: {  	v34 =	vadd.f32 v35, v47;
	v12 =	vmul.f32 v40, v12;
	v61 =	vor.u32 $0x7, v37;
	v60 =	vld.idx.msk [tilespmem:v52+s16+$0x0], $0xffff  }
0x29d: {  	v30 =	vadd.f32 v49, v30;
	v14 =	vadd.f32 v17, v14;
	v45 =	vor.u32 $0x6, v37;
	v62 =	vld.idx.msk [tilespmem:v58+s16+$0x0], $0xffff  }
0x29e: {  	v48 =	vadd.s32 $0x806, v37;
	v12 =	vadd.f32 v12, v33;
	v27 =	vadd.f32 v27, v34;
	v34 =	vld.idx.msk [tilespmem:v59+s16+$0x0], $0xffff  }
0x29f: {  	v26 =	vadd.f32 v50, v26;
	v47 =	vadd.s32 $0x80A, v37;
	v18 =	vadd.f32 v31, v18;
	v31 =	vld.idx.msk [tilespmem:v25+s16+$0x0], $0xffff  }
0x2a0: {  	v13 =	vadd.f32 v14, v13;
	v14 =	vadd.s32 $0x80C, v37;
	v11 =	vadd.f32 v11, v12;
	v41 =	vld.idx.msk [tilespmem:v22+s16+$0x0], $0xffff  }
0x2a1: {  	v12 =	vor.u32 $0xA, v37;
	v25 =	vadd.f32 v10, v26;
	v10 =	vadd.f32 v28, v19;
	v28 =	vld.idx.msk [tilespmem:v61+s16+$0x0], $0xffff  }
0x2a2: {  	v17 =	vadd.s32 $0x80B, v37;
	v16 =	vadd.f32 v20, v16;
	v20 =	vor.u32 $0x5, v37;
	v58 =	vld.idx.msk [tilespmem:v45+s16+$0x0], $0xffff  }
0x2a3: {  	v54 =	vadd.s32 $0x803, v37;
	v55 =	vor.u32 $0x3, v37;
	v56 =	vadd.s32 $0x802, v37;
	v35 =	vld.idx.msk [tilespmem:v48+s16+$0x0], $0xffff  }
0x2a4: {  	v57 =	vor.u32 $0xB, v37;
	[tilespmem:v1+s10+$0x0 ss:$0x1] =	vst.idx.msk $0xffff, v13;
	v15 =	vadd.f32 v15, v16;
	v19 =	vadd.s32 $0x800, v37;
	v38 =	vld.idx.msk [tilespmem:v47+s16+$0x0], $0xffff  }
0x2a5: {  	v13 =	vor.u32 $0x9, v37;
	[tilespmem:v2+s10+$0x0 ss:$0x1] =	vst.idx.msk $0xffff, v18;
	v18 =	vor.u32 $0xC, v37;
	v14 =	vld.idx.msk [tilespmem:v14+s16+$0x0], $0xffff;
	v24 =	vadd.f32 v24, v10  }
0x2a6: {  	v10 =	vmul.f32 v29, v53;
	v16 =	vld.idx.msk [tilespmem:v12+s16+$0x0], $0xffff;
	v12 =	vadd.f32 v23, v11;
	v23 =	vadd.s32 $0x801, v37  }
0x2a7: {  	[tilespmem:v3+s10+$0x0 ss:$0x1] =	vst.idx.msk $0xffff, v30;
	v26 =	vsub.f32 $1.000000000e+00, v53;
	v51 =	vadd.s32 $0x807, v37;
	v30 =	vadd.s32 $0x809, v37;
	v63 =	vld.idx.msk [tilespmem:v20+s16+$0x0], $0xffff  }
0x2a8: {  	v20 =	vld.idx.msk [tilespmem:v17+s16+$0x0], $0xffff;
	v17 =	vadd.s32 $0x804, v37;
	v11 =	vsub.f32 v29, v10;
	v29 =	vadd.s32 $0x805, v37;
	[tilespmem:v4+s10+$0x0 ss:$0x1] =	vst.idx.msk $0xffff, v12  }
0x2a9: {  	v44 =	vld.idx.msk [tilespmem:v19+s16+$0x0], $0xffff;
	v19 =	vor.u32 $0x8, v37;
	v12 =	vsub.f32 v53, v10;
	[tilespmem:v5+s10+$0x0 ss:$0x1] =	vst.idx.msk $0xffff, v15;
	v15 =	vor.u32 $0xE, v37  }
0x2aa: {  	v50 =	vld.idx.msk [tilespmem:v13+s16+$0x0], $0xffff;
	v49 =	vsub.f32 v26, v11;
	v26 =	vadd.s32 $0x80E, v37;
	v14 =	vmul.f32 v14, v10  }
0x2ab: {  	[tilespmem:v6+s10+$0x0 ss:$0x1] =	vst.idx.msk $0xffff, v24;
	v31 =	vmul.f32 v31, v12;
	v46 =	vld.idx.msk [tilespmem:v23+s16+$0x0], $0xffff;
	v32 =	vmul.f32 v16, v12  }
0x2ac: {  	v22 =	vimm.f32 $0.0e+00;
	[tilespmem:v7+s10+$0x0 ss:$0x1] =	vst.idx.msk $0xffff, v27;
	v27 =	vld.idx.msk [tilespmem:v55+s16+$0x0], $0xffff;
	v13 =	vmul.f32 v62, v49;
	v21 =	vmul.f32 v49, v21  }
0x2ad: {  	v24 =	vadd.s32 $0x80F, v37;
	v16 =	vld.idx.msk [tilespmem:v56+s16+$0x0], $0xffff;
	v59 =	vmul.f32 v60, v49;
	v33 =	vmul.f32 v63, v49  }
0x2ae: {  	v23 =	vadd.s32 $0x80D, v37;
	v63 =	vmul.f32 v58, v49;
	[tilespmem:v8+s10+$0x0 ss:$0x1] =	vst.idx.msk $0xffff, v25;
	v25 =	vmul.f32 v39, v49  }
0x2af: {  	v61 =	vmul.f32 v50, v12;
	v13 =	vadd.f32 v13, v22;
	v21 =	vadd.f32 v21, v22;
	v60 =	vld.idx.msk [tilespmem:v15+s16+$0x0], $0xffff  }
0x2b0: {  	v37 =	vld.idx.msk [tilespmem:v19+s16+$0x0], $0xffff;
	v19 =	vmul.f32 v34, v12;
	v43 =	vadd.f32 v63, v22;
	v25 =	vadd.f32 v25, v22  }
0x2b1: {  	v39 =	vld.idx.msk [tilespmem:v18+s16+$0x0], $0xffff;
	v15 =	vmul.f32 v28, v49;
	v28 =	vadd.f32 v59, v22;
	v46 =	vmul.f32 v46, v11  }
0x2b2: {  	v40 =	vld.idx.msk [tilespmem:v51+s16+$0x0], $0xffff;
	v62 =	vmul.f32 v27, v49;
	v18 =	vadd.f32 v61, v25;
	v36 =	vmul.f32 v16, v11  }
0x2b3: {  	v27 =	vadd.f32 v15, v22;
	v25 =	vld.idx.msk [tilespmem:v54+s16+$0x0], $0xffff;
	v15 =	vmul.f32 v44, v11;
	v16 =	vmul.f32 v41, v10  }
0x2b4: {  	s6 =	simm.s32 $0x400;
	s10 =	sadd.s32 $0x100, s21;
	v41 =	vld.idx.msk [tilespmem:v57+s16+$0x0], $0xffff;
	v18 =	vadd.f32 v46, v18;
	v34 =	vadd.f32 v62, v22;
	v42 =	vmul.f32 v60, v12  }
.LBB2_25:
0x2b5: {  	s11 =	sor.u32 s4, s10  }
0x2b6: {  	p1 =	sne.s32 s6, $0x1400;
	v32 =	vadd.f32 v32, v28;
	v28 =	vmul.f32 v20, v10;
	v17 =	vld.idx.msk [tilespmem:v17+s16+$0x0], $0xffff;
	v20 =	vmul.f32 v39, v12;
	s13 =	smov.u32 s6;
	s6 =	sadd.s32 $0x400, s6  }
0x2b7: {  	v37 =	vmul.f32 v12, v37;
	v35 =	vmul.f32 v35, v11;
	v39 =	vmov s11;
	v29 =	vld.idx.msk [tilespmem:v29+s16+$0x0], $0xffff  }
0x2b8: {  	v22 =	vadd.f32 v33, v22;
	v33 =	vadd.f32 v42, v43;
	v39 =	vshll.u32 v39, $0x4;
	v26 =	vld.idx.msk [tilespmem:v26+s16+$0x0], $0xffff  }
0x2b9: {  	s11 =	sshra.s32 s13, $0x2;
	v32 =	vadd.f32 v36, v32;
	v36 =	vmul.f32 v38, v10;
	v39 =	vor.u32 v0, v39;
	v30 =	vld.idx.msk [tilespmem:v30+s16+$0x0], $0xffff  }
0x2ba: {  	v40 =	vmul.f32 v40, v11;
	v38 =	vld.idx.msk [tilespmem:v9+s11+$0x30 ss:$0x1], $0xffff;
	v42 =	vor.u32 $0x1, v39;
	v43 =	vor.u32 $0x2, v39  }
0x2bb: {  	v45 =	vor.u32 $0x4, v39;
	v46 =	vor.u32 $0x5, v39;
	v12 =	vmul.f32 v41, v12;
	v44 =	vld.idx.msk [tilespmem:v9+s11+$0xB0 ss:$0x1], $0xffff  }
0x2bc: {  	v41 =	vor.u32 $0xC, v39;
	v47 =	vor.u32 $0x7, v39;
	v48 =	vmul.f32 v17, v11;
	v24 =	vld.idx.msk [tilespmem:v24+s16+$0x0], $0xffff  }
0x2bd: {  	v49 =	vadd.s32 $0x80C, v39;
	v17 =	vor.u32 $0xD, v39;
	v50 =	vmul.f32 v29, v11;
	v23 =	vld.idx.msk [tilespmem:v23+s16+$0x0], $0xffff  }
0x2be: {  	v52 =	vadd.s32 $0x803, v39;
	v36 =	vadd.f32 v36, v32;
	v29 =	vor.u32 $0xF, v39;
	v51 =	vld.idx.msk [tilespmem:v39+s16+$0x0], $0xffff  }
0x2bf: {  	v32 =	vadd.s32 $0x800, v39;
	v53 =	vadd.s32 $0x808, v39;
	v30 =	vmul.f32 v30, v10  }
0x2c0: {  	v54 =	vadd.s32 $0x801, v39;
	v55 =	vor.u32 $0xA, v39;
	v26 =	vmul.f32 v26, v10;
	v42 =	vld.idx.msk [tilespmem:v42+s16+$0x0], $0xffff  }
0x2c1: {  	v57 =	vadd.s32 $0x802, v39;
	v34 =	vadd.f32 v12, v34;
	v56 =	vmul.f32 v44, v38;
	v43 =	vld.idx.msk [tilespmem:v43+s16+$0x0], $0xffff  }
0x2c2: {  	v27 =	vadd.f32 v31, v27;
	v58 =	vor.u32 $0xB, v39;
	v59 =	vadd.s32 $0x80B, v39;
	v45 =	vld.idx.msk [tilespmem:v45+s16+$0x0], $0xffff  }
0x2c3: {  	v31 =	vsub.f32 v44, v56;
	v44 =	vor.u32 $0x8, v39;
	v61 =	vmul.f32 v23, v10;
	v60 =	vld.idx.msk [tilespmem:v17+s16+$0x0], $0xffff  }
0x2c4: {  	v12 =	vsub.f32 v38, v56;
	v23 =	vmul.f32 v24, v10;
	v10 =	vmovc v56;
	v17 =	vadd.s32 $0x804, v39;
	v62 =	vld.idx.msk [tilespmem:v29+s16+$0x0], $0xffff  }
0x2c5: {  	v25 =	vmul.f32 v25, v11;
	v56 =	vadd.s32 $0x80A, v39;
	v24 =	vor.u32 $0x3, v39;
	v11 =	vmovc v31;
	v53 =	vld.idx.msk [tilespmem:v53+s16+$0x0], $0xffff  }
0x2c6: {  	v13 =	vadd.f32 v20, v13;
	v19 =	vadd.f32 v19, v22;
	v31 =	vld.idx.msk [tilespmem:v55+s16+$0x0], $0xffff;
	v55 =	vadd.s32 $0x807, v39  }
0x2c7: {  	v22 =	vor.u32 $0x9, v39;
	v63 =	vor.u32 $0x6, v39;
	v29 =	vadd.f32 v35, v33;
	v47 =	vld.idx.msk [tilespmem:v47+s16+$0x0], $0xffff  }
0x2c8: {  	v27 =	vadd.f32 v40, v27;
	v25 =	vadd.f32 v25, v34;
	v35 =	vor.u32 $0xE, v39;
	v33 =	vld.idx.msk [tilespmem:v46+s16+$0x0], $0xffff  }
0x2c9: {  	v13 =	vadd.f32 v48, v13;
	v34 =	vadd.s32 $0x806, v39;
	v46 =	vadd.f32 v26, v29;
	v20 =	vld.idx.msk [tilespmem:v59+s16+$0x0], $0xffff  }
0x2ca: {  	v21 =	vadd.f32 v21, v37;
	v18 =	vadd.f32 v30, v18;
	v29 =	vadd.s32 $0x805, v39;
	v40 =	vld.idx.msk [tilespmem:v32+s16+$0x0], $0xffff  }
0x2cb: {  	v30 =	vsub.f32 $1.000000000e+00, v38;
	v27 =	vadd.f32 v23, v27;
	v26 =	vadd.s32 $0x80E, v39;
	v48 =	vld.idx.msk [tilespmem:v49+s16+$0x0], $0xffff  }
0x2cc: {  	v13 =	vadd.f32 v14, v13;
	v14 =	vadd.f32 v50, v19;
	v32 =	vmul.f32 v31, v12;
	v37 =	vld.idx.msk [tilespmem:v54+s16+$0x0], $0xffff  }
0x2cd: {  	v15 =	vadd.f32 v21, v15;
	v49 =	vsub.f32 v30, v11;
	v30 =	vadd.s32 $0x809, v39;
	v19 =	vld.idx.msk [tilespmem:v22+s16+$0x0], $0xffff  }
0x2ce: {  	v23 =	vadd.s32 $0x80D, v39;
	v22 =	vadd.f32 v61, v14;
	v21 =	vld.idx.msk [tilespmem:v24+s16+$0x0], $0xffff;
	v24 =	vadd.s32 $0x80F, v39  }
0x2cf: {  	v15 =	vadd.f32 v15, v16;
	v14 =	vmul.f32 v42, v49;
	v38 =	vmul.f32 v45, v49;
	v31 =	vld.idx.msk [tilespmem:v57+s16+$0x0], $0xffff  }
0x2d0: {  	v16 =	vmul.f32 v49, v51;
	v39 =	vmul.f32 v43, v49;
	v43 =	vadd.f32 v28, v25;
	v42 =	vld.idx.msk [tilespmem:v63+s16+$0x0], $0xffff  }
0x2d1: {  	v33 =	vmul.f32 v33, v49;
	v25 =	vmul.f32 v47, v49;
	v13 =	vadd.f32 v38, v13;
	v45 =	vld.idx.msk [tilespmem:v35+s16+$0x0], $0xffff  }
0x2d2: {  	v14 =	vadd.f32 v14, v18;
	v18 =	vmul.f32 v37, v11;
	v35 =	vld.idx.msk [tilespmem:v34+s16+$0x0], $0xffff  }
0x2d3: {  	v28 =	vadd.f32 v39, v36;
	v34 =	vmul.f32 v19, v12;
	v39 =	vld.idx.msk [tilespmem:v41+s16+$0x0], $0xffff  }
.Ltmp10:
0x2d4: {  	v27 =	vadd.f32 v25, v27;
	v19 =	vmul.f32 v60, v12;
	v37 =	vld.idx.msk [tilespmem:v44+s16+$0x0], $0xffff;
	v44 =	vmul.f32 v21, v49;
	(pc) =	sbr.rel @p1 .LBB2_25-.Ltmp10, $4  }
0x2d5: {  	v14 =	vadd.f32 v34, v14;
	v36 =	vmul.f32 v31, v11;
	v31 =	vmul.f32 v62, v12;
	v25 =	vld.idx.msk [tilespmem:v52+s16+$0x0], $0xffff  }
0x2d6: {  	v21 =	vadd.f32 v16, v15;
	v15 =	vmul.f32 v40, v11;
	v47 =	vmul.f32 v42, v49;
	v38 =	vld.idx.msk [tilespmem:v56+s16+$0x0], $0xffff  }
0x2d7: {  	v18 =	vadd.f32 v18, v14;
	v14 =	vmul.f32 v48, v10;
	v42 =	vmul.f32 v45, v12;
	v40 =	vld.idx.msk [tilespmem:v55+s16+$0x0], $0xffff  }
0x2d8: {  	s10 =	sadd.s32 $0x100, s10;
	v16 =	vmul.f32 v53, v10;
	v34 =	vadd.f32 v44, v43;
	v43 =	vadd.f32 v47, v46;
	v41 =	vld.idx.msk [tilespmem:v58+s16+$0x0], $0xffff  }
0x2d9: {  	_ =	sdelay $0x3  }
0x2da: {  	v9 =	vld.idx.msk [tilespmem:v17+s16+$0x0], $0xffff  }
0x2db: {  	v50 =	vld.idx.msk [tilespmem:v29+s16+$0x0], $0xffff;
	v28 =	vadd.f32 v32, v28;
	v52 =	vmul.f32 v12, v37;
	v22 =	vadd.f32 v33, v22  }
0x2dc: {  	v51 =	vmul.f32 v39, v12;
	v30 =	vld.idx.msk [tilespmem:v30+s16+$0x0], $0xffff;
	v57 =	vadd.f32 v31, v27;
	v53 =	vadd.f32 v42, v43  }
0x2dd: {  	v35 =	vmul.f32 v35, v11;
	v28 =	vadd.f32 v36, v28;
	v21 =	vadd.f32 v21, v52  }
0x2de: {  	v26 =	vld.idx.msk [tilespmem:v26+s16+$0x0], $0xffff;
	v54 =	vmul.f32 v38, v10;
	v13 =	vadd.f32 v51, v13;
	v19 =	vadd.f32 v19, v22  }
0x2df: {  	v23 =	vld.idx.msk [tilespmem:v23+s16+$0x0], $0xffff;
	v55 =	vmul.f32 v40, v11;
	v62 =	vadd.f32 v35, v53;
	v56 =	vmul.f32 v41, v12  }
0x2e0: {  	v15 =	vadd.f32 v21, v15;
	v9 =	vmul.f32 v9, v11;
	v17 =	vmul.f32 v50, v11  }
0x2e1: {  	v24 =	vld.idx.msk [tilespmem:v24+s16+$0x0], $0xffff;
	v30 =	vmul.f32 v30, v10;
	v11 =	vmul.f32 v25, v11;
	v12 =	vadd.f32 v56, v34  }
0x2e2: {  	v20 =	vmul.f32 v20, v10;
	v28 =	vadd.f32 v54, v28;
	v15 =	vadd.f32 v15, v16  }
0x2e3: {  	v58 =	vmul.f32 v26, v10;
	v60 =	vadd.f32 v30, v18;
	v11 =	vadd.f32 v11, v12  }
0x2e4: {  	v59 =	vmul.f32 v23, v10;
	v9 =	vadd.f32 v9, v13;
	[tilespmem:v1+s4+$0x0 ss:$0x1] =	vst.idx.msk $0xffff, v15  }
0x2e5: {  	v61 =	vadd.f32 v17, v19;
	[tilespmem:v2+s4+$0x0 ss:$0x1] =	vst.idx.msk $0xffff, v60;
	v11 =	vadd.f32 v20, v11  }
0x2e6: {  	v10 =	vmul.f32 v24, v10;
	v9 =	vadd.f32 v14, v9;
	[tilespmem:v3+s4+$0x0 ss:$0x1] =	vst.idx.msk $0xffff, v28  }
.Ltmp11:
0x2e7: {  	v63 =	vadd.f32 v55, v57;
	v13 =	vadd.f32 v59, v61;
	[tilespmem:v4+s4+$0x0 ss:$0x1] =	vst.idx.msk $0xffff, v11;
	(pc) =	sbr.rel @p0 .LBB2_18-.Ltmp11, $4  }
0x2e8: {  	v11 =	vadd.f32 v58, v62;
	[tilespmem:v5+s4+$0x0 ss:$0x1] =	vst.idx.msk $0xffff, v9  }
0x2e9: {  	v9 =	vadd.f32 v10, v63;
	[tilespmem:v6+s4+$0x0 ss:$0x1] =	vst.idx.msk $0xffff, v13  }
0x2ea: {  	[tilespmem:v7+s4+$0x0 ss:$0x1] =	vst.idx.msk $0xffff, v11  }
0x2eb: {  	s6 =	simm.s32 $0x40;
	p1 =	por $0x0, $0x0;
	[tilespmem:v8+s4+$0x0 ss:$0x1] =	vst.idx.msk $0xffff, v9  }
0x2ec: {  	s4 =	simm.s32 $0x40  }
0x2ed: {  	s23 =	simm.s32 $0x90;
	s10 =	sshll.u32 s4, s17  }
0x2ee: {  	v1 =	vld [tilespmem:s23+$0xFFFFFFF0];
	s6 =	scvt.s32.f32 s10  }
0x2ef: {  	v3 =	vld [tilespmem:s23+$0xFFFFFF70]  }
0x2f0: {  	v6 =	vld [tilespmem:s23+$0x0];
	s11 =	smul.f32 $5.000000000e-01, s6  }
0x2f1: {  	v7 =	vld [tilespmem:s23+$0xFFFFFF80]  }
0x2f2: {  	s13 =	sadd.s32 $0xFFFFFFFF, s10;
	s24 =	sadd.f32 $-5.000000000e-01, s11;
	v4 =	vmov s11  }
0x2f3: {  	s6 =	scvt.s32.f32 s13;
	v1 =	vmul.f32 v1, v4  }
0x2f4: {  	v8 =	vmul.f32 v3, v4;
	v5 =	vmov s24  }
0x2f5: {  	v2 =	vmov s6;
	v6 =	vmul.f32 v6, v4;
	s24 =	simm.s32 $0xB0;
	v9 =	vadd.f32 v1, v5  }
0x2f6: {  	v3 =	vmov s10;
	v7 =	vmul.f32 v7, v4;
	v8 =	vadd.f32 v8, v5;
	v17 =	vld [tilespmem:s24+$0xFFFFFFF0]  }
0x2f7: {  	v1 =	vmov s13;
	v10 =	vadd.f32 v6, v5;
	v19 =	vld [tilespmem:s24+$0xFFFFFF80];
	v9 =	vmax.f32 v9, $0.0e+00  }
0x2f8: {  	s14 =	sshll.u32 s17, $0x1;
	s23 =	simm.s32 $0xFFFFFFFF;
	v11 =	vadd.f32 v7, v5;
	v7 =	vmax.f32 v8, $0.0e+00;
	v12 =	vmin.f32 v9, v2  }
0x2f9: {  	s4 =	sshll.u32 s23, s14;
	v9 =	vmax.f32 v10, $0.0e+00;
	v13 =	vmin.f32 v7, v2;
	v8 =	vtrunc.f32 v12  }
0x2fa: {  	s4 =	sxor.u32 $0xFFFFFFFF, s4;
	v7 =	vmin.f32 v9, v2;
	v9 =	vtrunc.f32 v13;
	v10 =	vcvt.f32.s32 v8  }
0x2fb: {  	s4 =	sshll.u32 s4, $0xC;
	v8 =	vmax.f32 v11, $0.0e+00;
	v11 =	vtrunc.f32 v7;
	v15 =	vcvt.f32.s32 v9  }
0x2fc: {  	v6 =	vmov s4;
	v17 =	vmul.f32 v17, v4;
	v19 =	vmul.f32 v19, v4  }
0x2fd: {  	v16 =	vcvt.f32.s32 v11;
	v8 =	vmin.f32 v8, v2;
	v14 =	vadd.s32 $0x1, v10  }
0x2fe: {  	v18 =	vmul.u32 v10, v3;
	v11 =	vtrunc.f32 v8;
	v20 =	vcvt.s32.f32 v15  }
0x2ff: {  	v22 =	vld [tilespmem:s24+$0xFFFFFF70];
	v10 =	vcvt.s32.f32 v10;
	v21 =	vadd.s32 $0x1, v16;
	v9 =	vcvt.s32.f32 v16  }
0x300: {  	v23 =	vld [tilespmem:s24+$0x0];
	vm1 =	vlt.s32 v21, v1;
	v20 =	vsub.f32 v13, v20;
	v13 =	vcvt.f32.s32 v11  }
0x301: {  	v11 =	vsub.f32 v12, v10;
	v10 =	vmul.u32 v16, v3;
	v21 =	vsel vm1, v21, v1  }
0x302: {  	v16 =	vmul.u32 v3, v21;
	v12 =	vcvt.s32.f32 v13;
	v13 =	vadd.s32 v13, v6  }
0x303: {  	v15 =	vadd.s32 v15, v6;
	vm0 =	vlt.s32 v14, v1;
	v61 =	vadd.s32 v10, v13  }
0x304: {  	v10 =	vmul.f32 v22, v4;
	v13 =	vadd.s32 v16, v13;
	v16 =	vadd.f32 v17, v5  }
0x305: {  	v14 =	vsel vm0, v14, v1;
	v17 =	vadd.f32 v19, v5;
	v19 =	vmul.f32 v23, v4  }
0x306: {  	v14 =	vmul.u32 v3, v14;
	v22 =	vadd.f32 v10, v5;
	v10 =	vmax.f32 v16, $0.0e+00  }
0x307: {  	v16 =	vadd.s32 v18, v15;
	v19 =	vadd.f32 v19, v5;
	v10 =	vmin.f32 v10, v2  }
0x308: {  	[tilespmem:s28+$0xFFFFFF90] =	vst v61;
	v17 =	vmax.f32 v17, $0.0e+00;
	v15 =	vadd.s32 v14, v15;
	v18 =	vtrunc.f32 v10  }
0x309: {  	[tilespmem:s28+$0x10] =	vst v13;
	v62 =	vmax.f32 v22, $0.0e+00;
	v13 =	vmax.f32 v19, $0.0e+00;
	v18 =	vcvt.f32.s32 v18  }
0x30a: {  	v17 =	vmin.f32 v17, v2;
	[tilespmem:s28+$0xFFFFFF80] =	vst v16;
	v16 =	vmin.f32 v62, v2;
	v13 =	vmin.f32 v13, v2  }
0x30b: {  	s30 =	simm.s32 $0x2;
	s31 =	smov.u32 s29;
	s23 =	smul.u32 $0x600, s17;
	[tilespmem:s28+$0x0] =	vst v15;
	v19 =	vtrunc.f32 v16;
	v63 =	vtrunc.f32 v13;
	v14 =	vadd.s32 $0x1, v18  }
0x30c: {  	s11 =	smov.u32 s29;
	s13 =	simm.s32 $0xD0;
	s24 =	smov.u32 s28;
	[tilespmem:s29+$0xFFFFFF80] =	vst v20;
	v15 =	vcvt.f32.s32 v19;
	v19 =	vcvt.f32.s32 v63;
	vm0 =	vlt.s32 v14, v1  }
.LBB2_28:
0x30d: {  	v20 =	vld [tilespmem:s13+$0xFFFFFFF0];
	s30 =	sadd.s32 $0x2, s30;
	v21 =	vmul.u32 v18, v3;
	v22 =	vtrunc.f32 v17;
	[tilespmem:s31+$0x0] =	vst v11;
	v11 =	vsub.f32 v8, v12;
	s24 =	sadd.s32 $0x20, s24;
	s11 =	sadd.s32 $0x20, s11;
	v8 =	vmovc v17  }
0x30e: {  	v18 =	vcvt.s32.f32 v18;
	v17 =	vld [tilespmem:s13+$0xFFFFFF80];
	p0 =	slt.u32 s30, $0x6;
	v12 =	vcvt.s32.f32 v15;
	v23 =	vadd.s32 $0x1, v19  }
0x30f: {  	v25 =	vsub.f32 v7, v9;
	v7 =	vmovc v13;
	v9 =	vcvt.s32.f32 v19;
	v24 =	vld [tilespmem:s13+$0xFFFFFF70];
	vm1 =	vlt.s32 v23, v1;
	[tilespmem:s31+$0xFFFFFF90] =	vst v11  }
0x310: {  	v13 =	vld [tilespmem:s13+$0x0];
	v26 =	vsub.f32 v16, v12;
	v16 =	vcvt.f32.s32 v22;
	v12 =	vsel vm1, v23, v1  }
0x311: {  	v11 =	vsub.f32 v10, v18;
	v10 =	vmul.u32 v19, v3;
	v18 =	vmul.u32 v3, v12;
	[tilespmem:s31+$0x10] =	vst v25;
	s31 =	smov.u32 s11  }
0x312: {  	v19 =	vmul.f32 v20, v4;
	v12 =	vcvt.s32.f32 v16;
	v16 =	vadd.s32 v16, v6  }
0x313: {  	v17 =	vmul.f32 v17, v4;
	v10 =	vadd.s32 v10, v16;
	v16 =	vadd.s32 v18, v16  }
0x314: {  	v14 =	vsel vm0, v14, v1;
	v18 =	vmul.f32 v24, v4;
	v19 =	vadd.f32 v19, v5;
	[tilespmem:s24+$0xFFFFFF90] =	vst v10  }
0x315: {  	v15 =	vadd.s32 v15, v6;
	v17 =	vadd.f32 v17, v5;
	v13 =	vmul.f32 v13, v4;
	[tilespmem:s24+$0x10] =	vst v16  }
0x316: {  	v16 =	vadd.f32 v18, v5;
	v10 =	vmax.f32 v19, $0.0e+00;
	v18 =	vadd.s32 v21, v15  }
0x317: {  	v10 =	vmin.f32 v10, v2;
	v17 =	vmax.f32 v17, $0.0e+00;
	v13 =	vadd.f32 v13, v5;
	[tilespmem:s24+$0xFFFFFF80] =	vst v18  }
.Ltmp12:
0x318: {  	v14 =	vmul.u32 v3, v14;
	v16 =	vmax.f32 v16, $0.0e+00;
	v18 =	vtrunc.f32 v10;
	(pc) =	sbr.rel @p0 .LBB2_28-.Ltmp12, $4  }
0x319: {  	v17 =	vmin.f32 v17, v2;
	v18 =	vcvt.f32.s32 v18;
	v13 =	vmax.f32 v13, $0.0e+00  }
0x31a: {  	v15 =	vadd.s32 v14, v15;
	v16 =	vmin.f32 v16, v2;
	v13 =	vmin.f32 v13, v2  }
0x31b: {  	v19 =	vtrunc.f32 v16;
	v14 =	vadd.s32 $0x1, v18;
	v20 =	vtrunc.f32 v13;
	[tilespmem:s24+$0x0] =	vst v15  }
0x31c: {  	s13 =	sadd.s32 $0x20, s13;
	v15 =	vcvt.f32.s32 v19;
	vm0 =	vlt.s32 v14, v1;
	v19 =	vcvt.f32.s32 v20;
	[tilespmem:s11+$0xFFFFFF80] =	vst v26  }
0x31d: {  	_ = 	snop  }
0x31e: {  	v20 =	vtrunc.f32 v17;
	v21 =	vadd.s32 $0x1, v19  }
0x31f: {  	v8 =	vsub.f32 v8, v12;
	v12 =	vcvt.f32.s32 v20;
	vm1 =	vlt.s32 v21, v1  }
0x320: {  	[tilespmem:s31+$0x0] =	vst v11;
	v7 =	vsub.f32 v7, v9;
	v11 =	vmul.u32 v19, v3;
	v9 =	vsel vm1, v21, v1  }
0x321: {  	v20 =	vmul.u32 v18, v3;
	[tilespmem:s31+$0xFFFFFF90] =	vst v8;
	v8 =	vmul.u32 v3, v9;
	v9 =	vadd.s32 v12, v6  }
0x322: {  	s13 =	sadd.s32 $0x20, s24;
	v59 =	vcvt.s32.f32 v15;
	[tilespmem:s31+$0x10] =	vst v7;
	v7 =	vadd.s32 v11, v9;
	v11 =	vsel vm0, v14, v1  }
0x323: {  	v6 =	vadd.s32 v15, v6;
	v8 =	vadd.s32 v8, v9;
	[tilespmem:s13+$0xFFFFFF90] =	vst v7;
	v7 =	vmul.u32 v3, v11  }
0x324: {  	v9 =	vcvt.s32.f32 v18;
	[tilespmem:s13+$0x10] =	vst v8;
	v8 =	vadd.s32 v20, v6  }
0x325: {  	v12 =	vcvt.s32.f32 v12;
	v11 =	vsub.f32 v16, v59;
	[tilespmem:s13+$0xFFFFFF80] =	vst v8;
	v6 =	vadd.s32 v7, v6  }
0x326: {  	s11 =	sadd.s32 $0x20, s11;
	v7 =	vcvt.s32.f32 v19;
	v8 =	vsub.f32 v10, v9;
	[tilespmem:s13+$0x0] =	vst v6  }
0x327: {  	s24 =	smul.u32 $0x18000, s17;
	v6 =	vsub.f32 v17, v12;
	[tilespmem:s11+$0xFFFFFF80] =	vst v11  }
0x328: {  	[tilespmem:s11+$0x0] =	vst v8;
	v7 =	vsub.f32 v13, v7  }
0x329: {  	s13 =	sshra.s32 s24, $0x2;
	[tilespmem:s11+$0xFFFFFF90] =	vst v6  }
0x32a: {  	s24 =	sadd.s32 $0x200, s23;
	s14 =	sadd.s32 $0x3200, s13;
	[tilespmem:s11+$0x10] =	vst v7  }
0x32b: {  	[tilespmem:s14], [sflag:s22] =	stream.indirect.gather [hbm4b:s5+s9], $0x10, s24, s9, $0xb8;
	[tilespmem:$0x1C200] =	vst v63  }
0x32c: {  	s14 =	sshll.u32 s23, $0x4  }
0x32d: {  	s11 =	sor.u32 $0x800, s14  }
0x32e: {  	s11 =	sand.u32 $0x3FFFFFF0, s11  }
0x32f: {  	s24 =	sadd.s32 $0x280, s23;
	s14 =	simm.s32 $0x110;
	s11 =	sadd.s32 $0x3200, s11  }
0x330: {  	[tilespmem:s11], [sflag:s22] =	stream.indirect.gather [hbm4b:s5+s9], $0x10, s24, s9, $0xb8;
	[tilespmem:$0x1C200] =	vst v63  }
0x331: {  	v6 =	vld [tilespmem:s14+$0xFFFFFFF0]  }
0x332: {  	v7 =	vld [tilespmem:s14+$0xFFFFFEF0]  }
0x333: {  	v8 =	vld [tilespmem:s14+$0x0]  }
0x334: {  	s24 =	simm.s32 $0x130;
	v9 =	vld [tilespmem:s14+$0xFFFFFF00]  }
0x335: {  	v16 =	vld [tilespmem:s24+$0xFFFFFFF0]  }
0x336: {  	v19 =	vld [tilespmem:s24+$0xFFFFFF00]  }
0x337: {  	v6 =	vmul.f32 v6, v4  }
0x338: {  	v7 =	vmul.f32 v7, v4;
	v8 =	vmul.f32 v8, v4  }
0x339: {  	v9 =	vmul.f32 v9, v4;
	v6 =	vadd.f32 v6, v5  }
0x33a: {  	v16 =	vmul.f32 v16, v4;
	v7 =	vadd.f32 v7, v5;
	v8 =	vadd.f32 v8, v5  }
0x33b: {  	v19 =	vmul.f32 v19, v4;
	v9 =	vadd.f32 v9, v5;
	v10 =	vmax.f32 v6, $0.0e+00  }
0x33c: {  	v7 =	vmax.f32 v7, $0.0e+00;
	v8 =	vmax.f32 v8, $0.0e+00;
	v10 =	vmin.f32 v10, v2  }
0x33d: {  	v12 =	vmin.f32 v7, v2;
	v7 =	vmin.f32 v8, v2;
	v11 =	vtrunc.f32 v10  }
0x33e: {  	s23 =	sadd.s32 $0x6, s17;
	v8 =	vmax.f32 v9, $0.0e+00;
	v9 =	vtrunc.f32 v12;
	v13 =	vtrunc.f32 v7  }
0x33f: {  	s11 =	sshll.u32 s10, s23;
	v8 =	vmin.f32 v8, v2;
	v11 =	vcvt.f32.s32 v11;
	v15 =	vcvt.f32.s32 v9  }
0x340: {  	s11 =	sadd.s32 s11, s4;
	v16 =	vadd.f32 v16, v5;
	v13 =	vcvt.f32.s32 v13;
	v18 =	vtrunc.f32 v8  }
0x341: {  	v6 =	vmov s11;
	v18 =	vcvt.f32.s32 v18;
	v14 =	vadd.s32 $0x1, v11  }
0x342: {  	v22 =	vld [tilespmem:s24+$0xFFFFFEF0];
	v17 =	vmul.u32 v11, v3;
	v20 =	vcvt.s32.f32 v15;
	v60 =	vadd.s32 $0x1, v13  }
0x343: {  	v23 =	vld [tilespmem:s24+$0x0];
	v11 =	vcvt.s32.f32 v11;
	v9 =	vcvt.s32.f32 v13;
	v15 =	vadd.s32 v15, v6  }
0x344: {  	vm0 =	vlt.s32 v14, v1;
	vm1 =	vlt.s32 v60, v1;
	v20 =	vsub.f32 v12, v20  }
0x345: {  	v12 =	vsel vm1, v60, v1;
	v11 =	vsub.f32 v10, v11;
	v10 =	vmul.u32 v13, v3  }
0x346: {  	v13 =	vmul.u32 v3, v12;
	v12 =	vcvt.s32.f32 v18;
	v18 =	vadd.s32 v18, v6  }
0x347: {  	v14 =	vsel vm0, v14, v1;
	v61 =	vadd.s32 v10, v18;
	v10 =	vmul.f32 v22, v4  }
0x348: {  	v13 =	vadd.s32 v13, v18;
	v18 =	vadd.f32 v19, v5;
	v19 =	vmul.f32 v23, v4  }
0x349: {  	v14 =	vmul.u32 v3, v14;
	v22 =	vadd.f32 v10, v5;
	v10 =	vmax.f32 v16, $0.0e+00  }
0x34a: {  	v16 =	vadd.s32 v17, v15;
	v10 =	vmin.f32 v10, v2;
	v19 =	vadd.f32 v19, v5  }
0x34b: {  	[tilespmem:s12+$0xFFFFFF80] =	vst v61;
	v15 =	vadd.s32 v14, v15;
	v17 =	vmax.f32 v18, $0.0e+00;
	v18 =	vtrunc.f32 v10  }
0x34c: {  	[tilespmem:s12+$0x0] =	vst v13;
	v62 =	vmax.f32 v22, $0.0e+00;
	v18 =	vcvt.f32.s32 v18;
	v13 =	vmax.f32 v19, $0.0e+00  }
0x34d: {  	s30 =	smov.u32 s12;
	[tilespmem:s12+$0xFFFFFF70] =	vst v16;
	v17 =	vmin.f32 v17, v2;
	v16 =	vmin.f32 v62, v2;
	v13 =	vmin.f32 v13, v2  }
0x34e: {  	s31 =	smov.u32 s25;
	s13 =	simm.s32 $0x2;
	s11 =	sor.u32 $0x1, s2;
	[tilespmem:s12+$0xFFFFFFF0] =	vst v15;
	v19 =	vtrunc.f32 v16;
	v14 =	vadd.s32 $0x1, v18;
	v63 =	vtrunc.f32 v13  }
0x34f: {  	s14 =	simm.s32 $0x150;
	s24 =	smov.u32 s25;
	s23 =	sshll.u32 s11, $0x8;
	[tilespmem:s25+$0xFFFFFF70] =	vst v20;
	v15 =	vcvt.f32.s32 v19;
	vm0 =	vlt.s32 v14, v1;
	v19 =	vcvt.f32.s32 v63  }
.LBB2_30:
0x350: {  	v20 =	vld [tilespmem:s14+$0xFFFFFFF0];
	s13 =	sadd.s32 $0x2, s13;
	v21 =	vmul.u32 v18, v3;
	v22 =	vtrunc.f32 v17;
	[tilespmem:s24+$0xFFFFFFF0] =	vst v11;
	v11 =	vsub.f32 v8, v12;
	s30 =	sadd.s32 $0x20, s30;
	s31 =	sadd.s32 $0x20, s31;
	v8 =	vmovc v17  }
0x351: {  	v18 =	vcvt.s32.f32 v18;
	v17 =	vld [tilespmem:s14+$0xFFFFFF00];
	p0 =	slt.u32 s13, $0x6;
	v12 =	vcvt.s32.f32 v15;
	v23 =	vadd.s32 $0x1, v19  }
0x352: {  	v25 =	vsub.f32 v7, v9;
	v7 =	vmovc v13;
	v9 =	vcvt.s32.f32 v19;
	v24 =	vld [tilespmem:s14+$0xFFFFFEF0];
	vm1 =	vlt.s32 v23, v1;
	[tilespmem:s24+$0xFFFFFF80] =	vst v11  }
0x353: {  	v13 =	vld [tilespmem:s14+$0x0];
	v26 =	vsub.f32 v16, v12;
	v16 =	vcvt.f32.s32 v22;
	v12 =	vsel vm1, v23, v1  }
0x354: {  	v11 =	vsub.f32 v10, v18;
	v10 =	vmul.u32 v19, v3;
	v18 =	vmul.u32 v3, v12;
	[tilespmem:s24+$0x0] =	vst v25;
	s24 =	smov.u32 s31  }
0x355: {  	v19 =	vmul.f32 v20, v4;
	v12 =	vcvt.s32.f32 v16;
	v16 =	vadd.s32 v16, v6  }
0x356: {  	v17 =	vmul.f32 v17, v4;
	v10 =	vadd.s32 v10, v16;
	v16 =	vadd.s32 v18, v16  }
0x357: {  	v14 =	vsel vm0, v14, v1;
	v18 =	vmul.f32 v24, v4;
	v19 =	vadd.f32 v19, v5;
	[tilespmem:s30+$0xFFFFFF80] =	vst v10  }
0x358: {  	v15 =	vadd.s32 v15, v6;
	v17 =	vadd.f32 v17, v5;
	v13 =	vmul.f32 v13, v4;
	[tilespmem:s30+$0x0] =	vst v16  }
0x359: {  	v16 =	vadd.f32 v18, v5;
	v10 =	vmax.f32 v19, $0.0e+00;
	v18 =	vadd.s32 v21, v15  }
0x35a: {  	v10 =	vmin.f32 v10, v2;
	v17 =	vmax.f32 v17, $0.0e+00;
	v13 =	vadd.f32 v13, v5;
	[tilespmem:s30+$0xFFFFFF70] =	vst v18  }
.Ltmp13:
0x35b: {  	v14 =	vmul.u32 v3, v14;
	v16 =	vmax.f32 v16, $0.0e+00;
	v18 =	vtrunc.f32 v10;
	(pc) =	sbr.rel @p0 .LBB2_30-.Ltmp13, $4  }
0x35c: {  	v17 =	vmin.f32 v17, v2;
	v18 =	vcvt.f32.s32 v18;
	v13 =	vmax.f32 v13, $0.0e+00  }
0x35d: {  	v15 =	vadd.s32 v14, v15;
	v16 =	vmin.f32 v16, v2;
	v13 =	vmin.f32 v13, v2  }
0x35e: {  	v19 =	vtrunc.f32 v16;
	v14 =	vadd.s32 $0x1, v18;
	v20 =	vtrunc.f32 v13;
	[tilespmem:s30+$0xFFFFFFF0] =	vst v15  }
0x35f: {  	s14 =	sadd.s32 $0x20, s14;
	v15 =	vcvt.f32.s32 v19;
	vm0 =	vlt.s32 v14, v1;
	v19 =	vcvt.f32.s32 v20;
	[tilespmem:s31+$0xFFFFFF70] =	vst v26  }
0x360: {  	_ = 	snop  }
0x361: {  	v20 =	vtrunc.f32 v17;
	v21 =	vadd.s32 $0x1, v19  }
0x362: {  	v8 =	vsub.f32 v8, v12;
	v12 =	vcvt.f32.s32 v20;
	vm1 =	vlt.s32 v21, v1  }
0x363: {  	[tilespmem:s24+$0xFFFFFFF0] =	vst v11;
	v7 =	vsub.f32 v7, v9;
	v11 =	vmul.u32 v19, v3;
	v9 =	vsel vm1, v21, v1  }
0x364: {  	v20 =	vmul.u32 v18, v3;
	[tilespmem:s24+$0xFFFFFF80] =	vst v8;
	v8 =	vmul.u32 v3, v9;
	v9 =	vadd.s32 v12, v6  }
0x365: {  	s13 =	sadd.s32 $0x20, s30;
	v59 =	vcvt.s32.f32 v15;
	[tilespmem:s24+$0x0] =	vst v7;
	v7 =	vadd.s32 v11, v9;
	v11 =	vsel vm0, v14, v1  }
0x366: {  	v6 =	vadd.s32 v15, v6;
	v8 =	vadd.s32 v8, v9;
	[tilespmem:s13+$0xFFFFFF80] =	vst v7;
	v7 =	vmul.u32 v3, v11  }
0x367: {  	v9 =	vcvt.s32.f32 v18;
	[tilespmem:s13+$0x0] =	vst v8;
	v8 =	vadd.s32 v20, v6  }
0x368: {  	v12 =	vcvt.s32.f32 v12;
	v11 =	vsub.f32 v16, v59;
	[tilespmem:s13+$0xFFFFFF70] =	vst v8;
	v6 =	vadd.s32 v7, v6  }
0x369: {  	s14 =	sadd.s32 $0x20, s31;
	v7 =	vcvt.s32.f32 v19;
	v8 =	vsub.f32 v10, v9;
	[tilespmem:s13+$0xFFFFFFF0] =	vst v6  }
0x36a: {  	v6 =	vsub.f32 v17, v12;
	[tilespmem:s14+$0xFFFFFF70] =	vst v11  }
0x36b: {  	s11 =	sshll.u32 s11, $0xC;
	[tilespmem:s14+$0xFFFFFFF0] =	vst v8;
	v7 =	vsub.f32 v13, v7  }
0x36c: {  	s11 =	sand.u32 $0x3FFFF000, s11;
	[tilespmem:s14+$0xFFFFFF80] =	vst v6  }
0x36d: {  	s31 =	sadd.s32 $0x200, s23;
	s11 =	sadd.s32 $0x3200, s11;
	[tilespmem:s14+$0x0] =	vst v7;
	s14 =	sshll.u32 s23, $0x4  }
0x36e: {  	[tilespmem:s11], [sflag:s22] =	stream.indirect.gather [hbm4b:s5+s9], $0x10, s31, s9, $0xb8;
	[tilespmem:$0x1C200] =	vst v63  }
0x36f: {  	s11 =	sor.u32 $0x800, s14  }
0x370: {  	s11 =	sand.u32 $0x3FFFFFF0, s11  }
0x371: {  	s24 =	simm.s32 $0x110;
	s23 =	sadd.s32 $0x280, s23;
	s11 =	sadd.s32 $0x3200, s11  }
0x372: {  	[tilespmem:s11], [sflag:s22] =	stream.indirect.gather [hbm4b:s5+s9], $0x10, s23, s9, $0xb8;
	[tilespmem:$0x1C200] =	vst v63  }
0x373: {  	v6 =	vld [tilespmem:s24+$0xFFFFFFF0]  }
0x374: {  	v7 =	vld [tilespmem:s24+$0xFFFFFF70]  }
0x375: {  	v8 =	vld [tilespmem:s24+$0x0]  }
0x376: {  	s31 =	simm.s32 $0x130;
	v9 =	vld [tilespmem:s24+$0xFFFFFF80]  }
0x377: {  	v16 =	vld [tilespmem:s31+$0xFFFFFFF0]  }
0x378: {  	v19 =	vld [tilespmem:s31+$0xFFFFFF80]  }
0x379: {  	v6 =	vmul.f32 v6, v4  }
0x37a: {  	v7 =	vmul.f32 v7, v4;
	v8 =	vmul.f32 v8, v4  }
0x37b: {  	v9 =	vmul.f32 v9, v4;
	v6 =	vadd.f32 v6, v5  }
0x37c: {  	v16 =	vmul.f32 v16, v4;
	v7 =	vadd.f32 v7, v5;
	v8 =	vadd.f32 v8, v5  }
0x37d: {  	v19 =	vmul.f32 v19, v4;
	v9 =	vadd.f32 v9, v5;
	v10 =	vmax.f32 v6, $0.0e+00  }
0x37e: {  	v7 =	vmax.f32 v7, $0.0e+00;
	v8 =	vmax.f32 v8, $0.0e+00;
	v10 =	vmin.f32 v10, v2  }
0x37f: {  	v12 =	vmin.f32 v7, v2;
	v7 =	vmin.f32 v8, v2;
	v11 =	vtrunc.f32 v10  }
0x380: {  	s30 =	sadd.s32 $0x7, s17;
	v8 =	vmax.f32 v9, $0.0e+00;
	v9 =	vtrunc.f32 v12;
	v13 =	vtrunc.f32 v7  }
0x381: {  	s10 =	sshll.u32 s10, s30;
	v8 =	vmin.f32 v8, v2;
	v11 =	vcvt.f32.s32 v11;
	v15 =	vcvt.f32.s32 v9  }
0x382: {  	s4 =	sadd.s32 s10, s4;
	v16 =	vadd.f32 v16, v5;
	v13 =	vcvt.f32.s32 v13;
	v18 =	vtrunc.f32 v8  }
0x383: {  	v6 =	vmov s4;
	v18 =	vcvt.f32.s32 v18;
	v14 =	vadd.s32 $0x1, v11  }
0x384: {  	v22 =	vld [tilespmem:s31+$0xFFFFFF70];
	v17 =	vmul.u32 v11, v3;
	v20 =	vcvt.s32.f32 v15;
	v60 =	vadd.s32 $0x1, v13  }
0x385: {  	v23 =	vld [tilespmem:s31+$0x0];
	v11 =	vcvt.s32.f32 v11;
	v9 =	vcvt.s32.f32 v13;
	v15 =	vadd.s32 v15, v6  }
0x386: {  	vm0 =	vlt.s32 v14, v1;
	vm1 =	vlt.s32 v60, v1;
	v20 =	vsub.f32 v12, v20  }
0x387: {  	v12 =	vsel vm1, v60, v1;
	v11 =	vsub.f32 v10, v11;
	v10 =	vmul.u32 v13, v3  }
0x388: {  	v13 =	vmul.u32 v3, v12;
	v12 =	vcvt.s32.f32 v18;
	v18 =	vadd.s32 v18, v6  }
0x389: {  	v14 =	vsel vm0, v14, v1;
	v61 =	vadd.s32 v10, v18;
	v10 =	vmul.f32 v22, v4  }
0x38a: {  	v13 =	vadd.s32 v13, v18;
	v18 =	vadd.f32 v19, v5;
	v19 =	vmul.f32 v23, v4  }
0x38b: {  	v14 =	vmul.u32 v3, v14;
	v22 =	vadd.f32 v10, v5;
	v10 =	vmax.f32 v16, $0.0e+00  }
0x38c: {  	v16 =	vadd.s32 v17, v15;
	v10 =	vmin.f32 v10, v2;
	v19 =	vadd.f32 v19, v5  }
0x38d: {  	[tilespmem:s0+$0xFFFFFF80] =	vst v61;
	v15 =	vadd.s32 v14, v15;
	v17 =	vmax.f32 v18, $0.0e+00;
	v18 =	vtrunc.f32 v10  }
0x38e: {  	[tilespmem:s0+$0x0] =	vst v13;
	v62 =	vmax.f32 v22, $0.0e+00;
	v18 =	vcvt.f32.s32 v18;
	v13 =	vmax.f32 v19, $0.0e+00  }
0x38f: {  	s10 =	sadd.s32 $0x2, s2;
	[tilespmem:s0+$0xFFFFFF70] =	vst v16;
	v17 =	vmin.f32 v17, v2;
	v16 =	vmin.f32 v62, v2;
	v13 =	vmin.f32 v13, v2  }
0x390: {  	s13 =	simm.s32 $0x2;
	s14 =	simm.s32 $0x150;
	s23 =	smov.u32 s1;
	[tilespmem:s0+$0xFFFFFFF0] =	vst v15;
	v19 =	vtrunc.f32 v16;
	v14 =	vadd.s32 $0x1, v18;
	v63 =	vtrunc.f32 v13  }
0x391: {  	s11 =	smov.u32 s1;
	s24 =	smov.u32 s0;
	s4 =	sshll.u32 s10, $0x8;
	[tilespmem:s1+$0xFFFFFF70] =	vst v20;
	v15 =	vcvt.f32.s32 v19;
	vm0 =	vlt.s32 v14, v1;
	v19 =	vcvt.f32.s32 v63  }
.LBB2_32:
0x392: {  	v20 =	vld [tilespmem:s14+$0xFFFFFFF0];
	s13 =	sadd.s32 $0x2, s13;
	v21 =	vmul.u32 v18, v3;
	v22 =	vtrunc.f32 v17;
	[tilespmem:s23+$0xFFFFFFF0] =	vst v11;
	v11 =	vsub.f32 v8, v12;
	s24 =	sadd.s32 $0x20, s24;
	s11 =	sadd.s32 $0x20, s11;
	v8 =	vmovc v17  }
0x393: {  	v18 =	vcvt.s32.f32 v18;
	v17 =	vld [tilespmem:s14+$0xFFFFFF80];
	p0 =	slt.u32 s13, $0x6;
	v12 =	vcvt.s32.f32 v15;
	v23 =	vadd.s32 $0x1, v19  }
0x394: {  	v25 =	vsub.f32 v7, v9;
	v7 =	vmovc v13;
	v9 =	vcvt.s32.f32 v19;
	v24 =	vld [tilespmem:s14+$0xFFFFFF70];
	vm1 =	vlt.s32 v23, v1;
	[tilespmem:s23+$0xFFFFFF80] =	vst v11  }
0x395: {  	v13 =	vld [tilespmem:s14+$0x0];
	v26 =	vsub.f32 v16, v12;
	v16 =	vcvt.f32.s32 v22;
	v12 =	vsel vm1, v23, v1  }
0x396: {  	v11 =	vsub.f32 v10, v18;
	v10 =	vmul.u32 v19, v3;
	v18 =	vmul.u32 v3, v12;
	[tilespmem:s23+$0x0] =	vst v25;
	s23 =	smov.u32 s11  }
0x397: {  	v19 =	vmul.f32 v20, v4;
	v12 =	vcvt.s32.f32 v16;
	v16 =	vadd.s32 v16, v6  }
0x398: {  	v17 =	vmul.f32 v17, v4;
	v10 =	vadd.s32 v10, v16;
	v16 =	vadd.s32 v18, v16  }
0x399: {  	v14 =	vsel vm0, v14, v1;
	v18 =	vmul.f32 v24, v4;
	v19 =	vadd.f32 v19, v5;
	[tilespmem:s24+$0xFFFFFF80] =	vst v10  }
0x39a: {  	v15 =	vadd.s32 v15, v6;
	v17 =	vadd.f32 v17, v5;
	v13 =	vmul.f32 v13, v4;
	[tilespmem:s24+$0x0] =	vst v16  }
0x39b: {  	v16 =	vadd.f32 v18, v5;
	v10 =	vmax.f32 v19, $0.0e+00;
	v18 =	vadd.s32 v21, v15  }
0x39c: {  	v10 =	vmin.f32 v10, v2;
	v17 =	vmax.f32 v17, $0.0e+00;
	v13 =	vadd.f32 v13, v5;
	[tilespmem:s24+$0xFFFFFF70] =	vst v18  }
.Ltmp14:
0x39d: {  	v14 =	vmul.u32 v3, v14;
	v16 =	vmax.f32 v16, $0.0e+00;
	v18 =	vtrunc.f32 v10;
	(pc) =	sbr.rel @p0 .LBB2_32-.Ltmp14, $4  }
0x39e: {  	v17 =	vmin.f32 v17, v2;
	v18 =	vcvt.f32.s32 v18;
	v13 =	vmax.f32 v13, $0.0e+00  }
0x39f: {  	v15 =	vadd.s32 v14, v15;
	v16 =	vmin.f32 v16, v2;
	v13 =	vmin.f32 v13, v2  }
0x3a0: {  	v19 =	vtrunc.f32 v16;
	v14 =	vadd.s32 $0x1, v18;
	v20 =	vtrunc.f32 v13;
	[tilespmem:s24+$0xFFFFFFF0] =	vst v15  }
0x3a1: {  	s14 =	sadd.s32 $0x20, s14;
	v15 =	vcvt.f32.s32 v19;
	vm0 =	vlt.s32 v14, v1;
	v19 =	vcvt.f32.s32 v20;
	[tilespmem:s11+$0xFFFFFF70] =	vst v26  }
0x3a2: {  	_ = 	snop  }
0x3a3: {  	v4 =	vtrunc.f32 v17;
	v5 =	vadd.s32 $0x1, v19  }
0x3a4: {  	v8 =	vsub.f32 v8, v12;
	v4 =	vcvt.f32.s32 v4;
	vm1 =	vlt.s32 v5, v1  }
0x3a5: {  	[tilespmem:s23+$0xFFFFFFF0] =	vst v11;
	v7 =	vsub.f32 v7, v9;
	v9 =	vmul.u32 v19, v3;
	v5 =	vsel vm1, v5, v1  }
0x3a6: {  	v11 =	vmul.u32 v18, v3;
	[tilespmem:s23+$0xFFFFFF80] =	vst v8;
	v8 =	vadd.s32 v4, v6;
	v5 =	vmul.u32 v3, v5  }
0x3a7: {  	s13 =	sadd.s32 $0x20, s24;
	v12 =	vcvt.s32.f32 v15;
	[tilespmem:s23+$0x0] =	vst v7;
	v7 =	vadd.s32 v9, v8;
	v9 =	vsel vm0, v14, v1  }
0x3a8: {  	v6 =	vadd.s32 v15, v6;
	[tilespmem:s13+$0xFFFFFF80] =	vst v7;
	v3 =	vmul.u32 v3, v9;
	v5 =	vadd.s32 v5, v8  }
0x3a9: {  	v7 =	vcvt.s32.f32 v18;
	[tilespmem:s13+$0x0] =	vst v5;
	v5 =	vadd.s32 v11, v6  }
0x3aa: {  	v4 =	vcvt.s32.f32 v4;
	v8 =	vsub.f32 v16, v12;
	v3 =	vadd.s32 v3, v6;
	[tilespmem:s13+$0xFFFFFF70] =	vst v5  }
0x3ab: {  	s11 =	sadd.s32 $0x20, s11;
	v6 =	vsub.f32 v10, v7;
	v5 =	vcvt.s32.f32 v19;
	[tilespmem:s13+$0xFFFFFFF0] =	vst v3  }
0x3ac: {  	v3 =	vsub.f32 v17, v4;
	[tilespmem:s11+$0xFFFFFF70] =	vst v8  }
0x3ad: {  	s10 =	sshll.u32 s10, $0xC;
	[tilespmem:s11+$0xFFFFFFF0] =	vst v6;
	v4 =	vsub.f32 v13, v5  }
0x3ae: {  	s10 =	sand.u32 $0x3FFFF000, s10;
	[tilespmem:s11+$0xFFFFFF80] =	vst v3  }
0x3af: {  	s14 =	sshll.u32 s4, $0x4;
	s10 =	sadd.s32 $0x3200, s10;
	s13 =	sadd.s32 $0x200, s4;
	[tilespmem:s11+$0x0] =	vst v4  }
0x3b0: {  	[tilespmem:s10], [sflag:s22] =	stream.indirect.gather [hbm4b:s5+s9], $0x10, s13, s9, $0xb8;
	[tilespmem:$0x1C200] =	vst v63  }
0x3b1: {  	s10 =	sor.u32 $0x800, s14  }
0x3b2: {  	s10 =	sand.u32 $0x3FFFFFF0, s10  }
0x3b3: {  	s24 =	simm.s32 $0x190;
	s23 =	sadd.s32 $0x280, s4;
	s10 =	sadd.s32 $0x3200, s10  }
0x3b4: {  	[tilespmem:s10], [sflag:s22] =	stream.indirect.gather [hbm4b:s5+s9], $0x10, s23, s9, $0xb8;
	[tilespmem:$0x1C200] =	vst v63  }
0x3b5: {  	v4 =	vld [tilespmem:s24+$0xFFFFFE70]  }
0x3b6: {  	v5 =	vld [tilespmem:s24+$0xFFFFFFF0]  }
0x3b7: {  	v6 =	vld [tilespmem:s24+$0xFFFFFE80]  }
0x3b8: {  	s6 =	smul.f32 $5.000000000e-01, s6;
	s31 =	simm.s32 $0x1B0;
	v7 =	vld [tilespmem:s24+$0x0]  }
0x3b9: {  	v14 =	vld [tilespmem:s31+$0xFFFFFE70]  }
0x3ba: {  	v3 =	vmov s6;
	v17 =	vld [tilespmem:s31+$0x0]  }
0x3bb: {  	v4 =	vmul.f32 v4, v3  }
0x3bc: {  	v5 =	vmul.f32 $9.900000000e+01, v5;
	v6 =	vmul.f32 v6, v3  }
0x3bd: {  	v7 =	vmul.f32 $9.900000000e+01, v7;
	v4 =	vadd.f32 v4, v3  }
0x3be: {  	v14 =	vmul.f32 v14, v3;
	v5 =	vadd.f32 $0.0e+00, v5;
	v6 =	vadd.f32 v6, v3  }
0x3bf: {  	v17 =	vmul.f32 $9.900000000e+01, v17;
	v7 =	vadd.f32 $0.0e+00, v7;
	v8 =	vmax.f32 v4, $0.0e+00  }
0x3c0: {  	v5 =	vmax.f32 v5, $0.0e+00;
	v6 =	vmax.f32 v6, $0.0e+00;
	v8 =	vmin.f32 v8, v2  }
0x3c1: {  	v10 =	vmin.f32 v5, $9.900000000e+01;
	v5 =	vmin.f32 v6, v2;
	v9 =	vtrunc.f32 v8  }
0x3c2: {  	s30 =	simm.s32 $0x4B00;
	v6 =	vmax.f32 v7, $0.0e+00;
	v7 =	vtrunc.f32 v10;
	v11 =	vtrunc.f32 v5  }
0x3c3: {  	s4 =	sshll.u32 s30, s17;
	v6 =	vmin.f32 v6, $9.900000000e+01;
	v9 =	vcvt.f32.s32 v9;
	v13 =	vcvt.f32.s32 v7  }
0x3c4: {  	s4 =	sadd.s32 $0xFA500, s4;
	v14 =	vadd.f32 v14, v3;
	v11 =	vcvt.f32.s32 v11;
	v16 =	vtrunc.f32 v6  }
0x3c5: {  	v4 =	vmov s4;
	v16 =	vcvt.f32.s32 v16;
	v12 =	vadd.s32 $0x1, v9  }
0x3c6: {  	v20 =	vld [tilespmem:s31+$0xFFFFFFF0];
	v15 =	vmul.u32 $0x64, v9;
	v18 =	vcvt.s32.f32 v13;
	v19 =	vadd.s32 $0x1, v11  }
0x3c7: {  	v21 =	vld [tilespmem:s31+$0xFFFFFE80];
	v9 =	vcvt.s32.f32 v9;
	v7 =	vcvt.s32.f32 v11;
	v13 =	vadd.s32 v13, v4  }
0x3c8: {  	vm0 =	vlt.s32 v12, v1;
	vm1 =	vlt.s32 v19, v1;
	v18 =	vsub.f32 v10, v18  }
0x3c9: {  	v10 =	vsel vm1, v19, v1;
	v9 =	vsub.f32 v8, v9;
	v8 =	vmul.u32 $0x64, v11  }
0x3ca: {  	v11 =	vmul.u32 $0x64, v10;
	v10 =	vcvt.s32.f32 v16;
	v16 =	vadd.s32 v16, v4  }
0x3cb: {  	v12 =	vsel vm0, v12, v1;
	v19 =	vadd.s32 v8, v16;
	v8 =	vmul.f32 $9.900000000e+01, v20  }
0x3cc: {  	v11 =	vadd.s32 v11, v16;
	v16 =	vadd.f32 $0.0e+00, v17;
	v17 =	vmul.f32 v21, v3  }
0x3cd: {  	v12 =	vmul.u32 $0x64, v12;
	v20 =	vadd.f32 $0.0e+00, v8;
	v8 =	vmax.f32 v14, $0.0e+00  }
0x3ce: {  	v14 =	vadd.s32 v15, v13;
	v8 =	vmin.f32 v8, v2;
	v17 =	vadd.f32 v17, v3  }
0x3cf: {  	[tilespmem:s3+$0xFFFFFF80] =	vst v19;
	v13 =	vadd.s32 v12, v13;
	v15 =	vmax.f32 v16, $0.0e+00;
	v16 =	vtrunc.f32 v8  }
0x3d0: {  	[tilespmem:s3+$0x0] =	vst v11;
	v19 =	vmax.f32 v20, $0.0e+00;
	v16 =	vcvt.f32.s32 v16;
	v11 =	vmax.f32 v17, $0.0e+00  }
0x3d1: {  	s11 =	smov.u32 s7;
	[tilespmem:s3+$0xFFFFFF70] =	vst v14;
	v15 =	vmin.f32 v15, $9.900000000e+01;
	v14 =	vmin.f32 v19, $9.900000000e+01;
	v11 =	vmin.f32 v11, v2  }
0x3d2: {  	s13 =	simm.s32 $0x2;
	s14 =	simm.s32 $0x1D0;
	s10 =	sadd.s32 $0x3, s2;
	[tilespmem:s3+$0xFFFFFFF0] =	vst v13;
	v17 =	vtrunc.f32 v14;
	v12 =	vadd.s32 $0x1, v16;
	v19 =	vtrunc.f32 v11  }
0x3d3: {  	s23 =	smov.u32 s7;
	s6 =	sshll.u32 s10, $0x8;
	s24 =	smov.u32 s3;
	[tilespmem:s7+$0xFFFFFF70] =	vst v18;
	v13 =	vcvt.f32.s32 v17;
	vm0 =	vlt.s32 v12, v1;
	v17 =	vcvt.f32.s32 v19  }
.LBB2_34:
0x3d4: {  	v18 =	vld [tilespmem:s14+$0xFFFFFE70];
	s13 =	sadd.s32 $0x2, s13;
	v19 =	vmul.u32 $0x64, v16;
	v20 =	vtrunc.f32 v15;
	[tilespmem:s23+$0xFFFFFFF0] =	vst v9;
	v9 =	vsub.f32 v6, v10;
	s24 =	sadd.s32 $0x20, s24;
	s11 =	sadd.s32 $0x20, s11;
	v6 =	vmovc v15  }
0x3d5: {  	v16 =	vcvt.s32.f32 v16;
	v15 =	vld [tilespmem:s14+$0x0];
	p0 =	slt.u32 s13, $0x6;
	v10 =	vcvt.s32.f32 v13;
	v21 =	vadd.s32 $0x1, v17  }
0x3d6: {  	v23 =	vsub.f32 v5, v7;
	v5 =	vmovc v11;
	v7 =	vcvt.s32.f32 v17;
	v22 =	vld [tilespmem:s14+$0xFFFFFFF0];
	vm1 =	vlt.s32 v21, v1;
	[tilespmem:s23+$0xFFFFFF80] =	vst v9  }
0x3d7: {  	v11 =	vld [tilespmem:s14+$0xFFFFFE80];
	v24 =	vsub.f32 v14, v10;
	v14 =	vcvt.f32.s32 v20;
	v10 =	vsel vm1, v21, v1  }
0x3d8: {  	v9 =	vsub.f32 v8, v16;
	v8 =	vmul.u32 $0x64, v17;
	v16 =	vmul.u32 $0x64, v10;
	[tilespmem:s23+$0x0] =	vst v23;
	s23 =	smov.u32 s11  }
0x3d9: {  	v17 =	vmul.f32 v18, v3;
	v10 =	vcvt.s32.f32 v14;
	v14 =	vadd.s32 v14, v4  }
0x3da: {  	v15 =	vmul.f32 $9.900000000e+01, v15;
	v8 =	vadd.s32 v8, v14;
	v14 =	vadd.s32 v16, v14  }
0x3db: {  	v12 =	vsel vm0, v12, v1;
	v16 =	vmul.f32 $9.900000000e+01, v22;
	v17 =	vadd.f32 v17, v3;
	[tilespmem:s24+$0xFFFFFF80] =	vst v8  }
0x3dc: {  	v13 =	vadd.s32 v13, v4;
	v15 =	vadd.f32 $0.0e+00, v15;
	v11 =	vmul.f32 v11, v3;
	[tilespmem:s24+$0x0] =	vst v14  }
0x3dd: {  	v14 =	vadd.f32 $0.0e+00, v16;
	v8 =	vmax.f32 v17, $0.0e+00;
	v16 =	vadd.s32 v19, v13  }
0x3de: {  	v8 =	vmin.f32 v8, v2;
	v15 =	vmax.f32 v15, $0.0e+00;
	v11 =	vadd.f32 v11, v3;
	[tilespmem:s24+$0xFFFFFF70] =	vst v16  }
.Ltmp15:
0x3df: {  	v12 =	vmul.u32 $0x64, v12;
	v14 =	vmax.f32 v14, $0.0e+00;
	v16 =	vtrunc.f32 v8;
	(pc) =	sbr.rel @p0 .LBB2_34-.Ltmp15, $4  }
0x3e0: {  	v15 =	vmin.f32 v15, $9.900000000e+01;
	v16 =	vcvt.f32.s32 v16;
	v11 =	vmax.f32 v11, $0.0e+00  }
0x3e1: {  	v13 =	vadd.s32 v12, v13;
	v14 =	vmin.f32 v14, $9.900000000e+01;
	v11 =	vmin.f32 v11, v2  }
0x3e2: {  	v17 =	vtrunc.f32 v14;
	v12 =	vadd.s32 $0x1, v16;
	v18 =	vtrunc.f32 v11;
	[tilespmem:s24+$0xFFFFFFF0] =	vst v13  }
0x3e3: {  	s14 =	sadd.s32 $0x20, s14;
	v13 =	vcvt.f32.s32 v17;
	vm0 =	vlt.s32 v12, v1;
	v17 =	vcvt.f32.s32 v18;
	[tilespmem:s11+$0xFFFFFF70] =	vst v24  }
0x3e4: {  	_ = 	snop  }
0x3e5: {  	v18 =	vtrunc.f32 v15;
	v19 =	vadd.s32 $0x1, v17  }
0x3e6: {  	v6 =	vsub.f32 v6, v10;
	v10 =	vcvt.f32.s32 v18;
	vm1 =	vlt.s32 v19, v1  }
0x3e7: {  	[tilespmem:s23+$0xFFFFFFF0] =	vst v9;
	v5 =	vsub.f32 v5, v7;
	v9 =	vmul.u32 $0x64, v17;
	v7 =	vsel vm1, v19, v1  }
0x3e8: {  	v18 =	vmul.u32 $0x64, v16;
	[tilespmem:s23+$0xFFFFFF80] =	vst v6;
	v6 =	vmul.u32 $0x64, v7;
	v7 =	vadd.s32 v10, v4  }
0x3e9: {  	s13 =	sadd.s32 $0x20, s24;
	[tilespmem:s23+$0x0] =	vst v5;
	v19 =	vcvt.s32.f32 v13;
	v5 =	vadd.s32 v9, v7;
	v9 =	vsel vm0, v12, v1  }
0x3ea: {  	v4 =	vadd.s32 v13, v4;
	v6 =	vadd.s32 v6, v7;
	[tilespmem:s13+$0xFFFFFF80] =	vst v5;
	v5 =	vmul.u32 $0x64, v9  }
0x3eb: {  	v7 =	vcvt.s32.f32 v16;
	[tilespmem:s13+$0x0] =	vst v6;
	v6 =	vadd.s32 v18, v4  }
0x3ec: {  	v10 =	vcvt.s32.f32 v10;
	v9 =	vsub.f32 v14, v19;
	[tilespmem:s13+$0xFFFFFF70] =	vst v6;
	v4 =	vadd.s32 v5, v4  }
0x3ed: {  	s11 =	sadd.s32 $0x20, s11;
	v5 =	vcvt.s32.f32 v17;
	v6 =	vsub.f32 v8, v7;
	[tilespmem:s13+$0xFFFFFFF0] =	vst v4  }
0x3ee: {  	v4 =	vsub.f32 v15, v10;
	[tilespmem:s11+$0xFFFFFF70] =	vst v9  }
0x3ef: {  	s10 =	sshll.u32 s10, $0xC;
	[tilespmem:s11+$0xFFFFFFF0] =	vst v6;
	v5 =	vsub.f32 v11, v5  }
0x3f0: {  	s10 =	sand.u32 $0x3FFFF000, s10;
	[tilespmem:s11+$0xFFFFFF80] =	vst v4  }
0x3f1: {  	s14 =	sshll.u32 s6, $0x4;
	s10 =	sadd.s32 $0x3200, s10;
	s13 =	sadd.s32 $0x200, s6;
	[tilespmem:s11+$0x0] =	vst v5  }
0x3f2: {  	[tilespmem:s10], [sflag:s22] =	stream.indirect.gather [hbm4b:s5+s9], $0x10, s13, s9, $0xb8;
	[tilespmem:$0x1C200] =	vst v63  }
0x3f3: {  	s10 =	sor.u32 $0x800, s14  }
0x3f4: {  	s10 =	sand.u32 $0x3FFFFFF0, s10  }
0x3f5: {  	s24 =	simm.s32 $0x190;
	s23 =	sadd.s32 $0x280, s6;
	s10 =	sadd.s32 $0x3200, s10  }
0x3f6: {  	[tilespmem:s10], [sflag:s22] =	stream.indirect.gather [hbm4b:s5+s9], $0x10, s23, s9, $0xb8;
	[tilespmem:$0x1C200] =	vst v63  }
0x3f7: {  	v4 =	vld [tilespmem:s24+$0xFFFFFEF0]  }
0x3f8: {  	v5 =	vld [tilespmem:s24+$0xFFFFFFF0]  }
0x3f9: {  	v6 =	vld [tilespmem:s24+$0xFFFFFF00]  }
0x3fa: {  	s31 =	simm.s32 $0x1B0;
	v7 =	vld [tilespmem:s24+$0x0]  }
0x3fb: {  	v14 =	vld [tilespmem:s31+$0xFFFFFEF0]  }
0x3fc: {  	v17 =	vld [tilespmem:s31+$0x0]  }
0x3fd: {  	v4 =	vmul.f32 v4, v3  }
0x3fe: {  	v5 =	vmul.f32 $9.900000000e+01, v5;
	v6 =	vmul.f32 v6, v3  }
0x3ff: {  	v7 =	vmul.f32 $9.900000000e+01, v7;
	v4 =	vadd.f32 v4, v3  }
0x400: {  	v14 =	vmul.f32 v14, v3;
	v5 =	vadd.f32 $0.0e+00, v5;
	v6 =	vadd.f32 v6, v3  }
0x401: {  	v17 =	vmul.f32 $9.900000000e+01, v17;
	v7 =	vadd.f32 $0.0e+00, v7;
	v8 =	vmax.f32 v4, $0.0e+00  }
0x402: {  	v5 =	vmax.f32 v5, $0.0e+00;
	v6 =	vmax.f32 v6, $0.0e+00;
	v8 =	vmin.f32 v8, v2  }
0x403: {  	v10 =	vmin.f32 v5, $9.900000000e+01;
	v5 =	vmin.f32 v6, v2;
	v9 =	vtrunc.f32 v8  }
0x404: {  	v6 =	vmax.f32 v7, $0.0e+00;
	v7 =	vtrunc.f32 v10;
	v11 =	vtrunc.f32 v5  }
0x405: {  	s30 =	sshll.u32 s15, s17;
	v6 =	vmin.f32 v6, $9.900000000e+01;
	v9 =	vcvt.f32.s32 v9;
	v13 =	vcvt.f32.s32 v7  }
0x406: {  	s6 =	sadd.s32 s30, s4;
	v14 =	vadd.f32 v14, v3;
	v11 =	vcvt.f32.s32 v11;
	v16 =	vtrunc.f32 v6  }
0x407: {  	v4 =	vmov s6;
	v16 =	vcvt.f32.s32 v16;
	v12 =	vadd.s32 $0x1, v9  }
0x408: {  	v20 =	vld [tilespmem:s31+$0xFFFFFFF0];
	v15 =	vmul.u32 $0x64, v9;
	v18 =	vcvt.s32.f32 v13;
	v19 =	vadd.s32 $0x1, v11  }
0x409: {  	v21 =	vld [tilespmem:s31+$0xFFFFFF00];
	v9 =	vcvt.s32.f32 v9;
	v7 =	vcvt.s32.f32 v11;
	v13 =	vadd.s32 v13, v4  }
0x40a: {  	vm0 =	vlt.s32 v12, v1;
	vm1 =	vlt.s32 v19, v1;
	v18 =	vsub.f32 v10, v18  }
0x40b: {  	v10 =	vsel vm1, v19, v1;
	v9 =	vsub.f32 v8, v9;
	v8 =	vmul.u32 $0x64, v11  }
0x40c: {  	v11 =	vmul.u32 $0x64, v10;
	v10 =	vcvt.s32.f32 v16;
	v16 =	vadd.s32 v16, v4  }
0x40d: {  	v12 =	vsel vm0, v12, v1;
	v19 =	vadd.s32 v8, v16;
	v8 =	vmul.f32 $9.900000000e+01, v20  }
0x40e: {  	v11 =	vadd.s32 v11, v16;
	v16 =	vadd.f32 $0.0e+00, v17;
	v17 =	vmul.f32 v21, v3  }
0x40f: {  	v12 =	vmul.u32 $0x64, v12;
	v20 =	vadd.f32 $0.0e+00, v8;
	v8 =	vmax.f32 v14, $0.0e+00  }
0x410: {  	v14 =	vadd.s32 v15, v13;
	v8 =	vmin.f32 v8, v2;
	v17 =	vadd.f32 v17, v3  }
0x411: {  	[tilespmem:s8+$0xFFFFFF80] =	vst v19;
	v13 =	vadd.s32 v12, v13;
	v15 =	vmax.f32 v16, $0.0e+00;
	v16 =	vtrunc.f32 v8  }
0x412: {  	[tilespmem:s8+$0x0] =	vst v11;
	v19 =	vmax.f32 v20, $0.0e+00;
	v16 =	vcvt.f32.s32 v16;
	v11 =	vmax.f32 v17, $0.0e+00  }
0x413: {  	s11 =	smov.u32 s18;
	[tilespmem:s8+$0xFFFFFF70] =	vst v14;
	v15 =	vmin.f32 v15, $9.900000000e+01;
	v14 =	vmin.f32 v19, $9.900000000e+01;
	v11 =	vmin.f32 v11, v2  }
0x414: {  	s13 =	simm.s32 $0x2;
	s14 =	simm.s32 $0x1D0;
	s10 =	sadd.s32 $0x4, s2;
	[tilespmem:s8+$0xFFFFFFF0] =	vst v13;
	v17 =	vtrunc.f32 v14;
	v12 =	vadd.s32 $0x1, v16;
	v19 =	vtrunc.f32 v11  }
0x415: {  	s23 =	smov.u32 s18;
	s24 =	smov.u32 s8;
	s6 =	sshll.u32 s10, $0x8;
	[tilespmem:s18+$0xFFFFFF70] =	vst v18;
	v13 =	vcvt.f32.s32 v17;
	vm0 =	vlt.s32 v12, v1;
	v17 =	vcvt.f32.s32 v19  }
.LBB2_36:
0x416: {  	v18 =	vld [tilespmem:s14+$0xFFFFFEF0];
	s13 =	sadd.s32 $0x2, s13;
	v19 =	vmul.u32 $0x64, v16;
	v20 =	vtrunc.f32 v15;
	[tilespmem:s23+$0xFFFFFFF0] =	vst v9;
	v9 =	vsub.f32 v6, v10;
	s24 =	sadd.s32 $0x20, s24;
	s11 =	sadd.s32 $0x20, s11;
	v6 =	vmovc v15  }
0x417: {  	v16 =	vcvt.s32.f32 v16;
	v15 =	vld [tilespmem:s14+$0x0];
	p0 =	slt.u32 s13, $0x6;
	v10 =	vcvt.s32.f32 v13;
	v21 =	vadd.s32 $0x1, v17  }
0x418: {  	v23 =	vsub.f32 v5, v7;
	v5 =	vmovc v11;
	v7 =	vcvt.s32.f32 v17;
	v22 =	vld [tilespmem:s14+$0xFFFFFFF0];
	vm1 =	vlt.s32 v21, v1;
	[tilespmem:s23+$0xFFFFFF80] =	vst v9  }
0x419: {  	v11 =	vld [tilespmem:s14+$0xFFFFFF00];
	v24 =	vsub.f32 v14, v10;
	v14 =	vcvt.f32.s32 v20;
	v10 =	vsel vm1, v21, v1  }
0x41a: {  	v9 =	vsub.f32 v8, v16;
	v8 =	vmul.u32 $0x64, v17;
	v16 =	vmul.u32 $0x64, v10;
	[tilespmem:s23+$0x0] =	vst v23;
	s23 =	smov.u32 s11  }
0x41b: {  	v17 =	vmul.f32 v18, v3;
	v10 =	vcvt.s32.f32 v14;
	v14 =	vadd.s32 v14, v4  }
0x41c: {  	v15 =	vmul.f32 $9.900000000e+01, v15;
	v8 =	vadd.s32 v8, v14;
	v14 =	vadd.s32 v16, v14  }
0x41d: {  	v12 =	vsel vm0, v12, v1;
	v16 =	vmul.f32 $9.900000000e+01, v22;
	v17 =	vadd.f32 v17, v3;
	[tilespmem:s24+$0xFFFFFF80] =	vst v8  }
0x41e: {  	v13 =	vadd.s32 v13, v4;
	v15 =	vadd.f32 $0.0e+00, v15;
	v11 =	vmul.f32 v11, v3;
	[tilespmem:s24+$0x0] =	vst v14  }
0x41f: {  	v14 =	vadd.f32 $0.0e+00, v16;
	v8 =	vmax.f32 v17, $0.0e+00;
	v16 =	vadd.s32 v19, v13  }
0x420: {  	v8 =	vmin.f32 v8, v2;
	v15 =	vmax.f32 v15, $0.0e+00;
	v11 =	vadd.f32 v11, v3;
	[tilespmem:s24+$0xFFFFFF70] =	vst v16  }
.Ltmp16:
0x421: {  	v12 =	vmul.u32 $0x64, v12;
	v14 =	vmax.f32 v14, $0.0e+00;
	v16 =	vtrunc.f32 v8;
	(pc) =	sbr.rel @p0 .LBB2_36-.Ltmp16, $4  }
0x422: {  	v15 =	vmin.f32 v15, $9.900000000e+01;
	v16 =	vcvt.f32.s32 v16;
	v11 =	vmax.f32 v11, $0.0e+00  }
0x423: {  	v13 =	vadd.s32 v12, v13;
	v14 =	vmin.f32 v14, $9.900000000e+01;
	v11 =	vmin.f32 v11, v2  }
0x424: {  	v17 =	vtrunc.f32 v14;
	v12 =	vadd.s32 $0x1, v16;
	v18 =	vtrunc.f32 v11;
	[tilespmem:s24+$0xFFFFFFF0] =	vst v13  }
0x425: {  	s14 =	sadd.s32 $0x20, s14;
	v13 =	vcvt.f32.s32 v17;
	vm0 =	vlt.s32 v12, v1;
	v17 =	vcvt.f32.s32 v18;
	[tilespmem:s11+$0xFFFFFF70] =	vst v24  }
0x426: {  	_ = 	snop  }
0x427: {  	v18 =	vtrunc.f32 v15;
	v19 =	vadd.s32 $0x1, v17  }
0x428: {  	v6 =	vsub.f32 v6, v10;
	v10 =	vcvt.f32.s32 v18;
	vm1 =	vlt.s32 v19, v1  }
0x429: {  	[tilespmem:s23+$0xFFFFFFF0] =	vst v9;
	v5 =	vsub.f32 v5, v7;
	v9 =	vmul.u32 $0x64, v17;
	v7 =	vsel vm1, v19, v1  }
0x42a: {  	v18 =	vmul.u32 $0x64, v16;
	[tilespmem:s23+$0xFFFFFF80] =	vst v6;
	v6 =	vmul.u32 $0x64, v7;
	v7 =	vadd.s32 v10, v4  }
0x42b: {  	s13 =	sadd.s32 $0x20, s24;
	[tilespmem:s23+$0x0] =	vst v5;
	v19 =	vcvt.s32.f32 v13;
	v5 =	vadd.s32 v9, v7;
	v9 =	vsel vm0, v12, v1  }
0x42c: {  	v4 =	vadd.s32 v13, v4;
	v6 =	vadd.s32 v6, v7;
	[tilespmem:s13+$0xFFFFFF80] =	vst v5;
	v5 =	vmul.u32 $0x64, v9  }
0x42d: {  	v7 =	vcvt.s32.f32 v16;
	[tilespmem:s13+$0x0] =	vst v6;
	v6 =	vadd.s32 v18, v4  }
0x42e: {  	v10 =	vcvt.s32.f32 v10;
	v9 =	vsub.f32 v14, v19;
	[tilespmem:s13+$0xFFFFFF70] =	vst v6;
	v4 =	vadd.s32 v5, v4  }
0x42f: {  	s11 =	sadd.s32 $0x20, s11;
	v5 =	vcvt.s32.f32 v17;
	v6 =	vsub.f32 v8, v7;
	[tilespmem:s13+$0xFFFFFFF0] =	vst v4  }
0x430: {  	v4 =	vsub.f32 v15, v10;
	[tilespmem:s11+$0xFFFFFF70] =	vst v9  }
0x431: {  	s10 =	sshll.u32 s10, $0xC;
	[tilespmem:s11+$0xFFFFFFF0] =	vst v6;
	v5 =	vsub.f32 v11, v5  }
0x432: {  	s10 =	sand.u32 $0x3FFFF000, s10;
	[tilespmem:s11+$0xFFFFFF80] =	vst v4  }
0x433: {  	s14 =	sshll.u32 s6, $0x4;
	s10 =	sadd.s32 $0x3200, s10;
	s13 =	sadd.s32 $0x200, s6;
	[tilespmem:s11+$0x0] =	vst v5  }
0x434: {  	[tilespmem:s10], [sflag:s22] =	stream.indirect.gather [hbm4b:s5+s9], $0x10, s13, s9, $0xb8;
	[tilespmem:$0x1C200] =	vst v63  }
0x435: {  	s10 =	sor.u32 $0x800, s14  }
0x436: {  	s10 =	sand.u32 $0x3FFFFFF0, s10  }
0x437: {  	s24 =	simm.s32 $0x190;
	s23 =	sadd.s32 $0x280, s6;
	s10 =	sadd.s32 $0x3200, s10  }
0x438: {  	[tilespmem:s10], [sflag:s22] =	stream.indirect.gather [hbm4b:s5+s9], $0x10, s23, s9, $0xb8;
	[tilespmem:$0x1C200] =	vst v63  }
0x439: {  	v4 =	vld [tilespmem:s24+$0xFFFFFF70]  }
0x43a: {  	v5 =	vld [tilespmem:s24+$0xFFFFFFF0]  }
0x43b: {  	v6 =	vld [tilespmem:s24+$0xFFFFFF80]  }
0x43c: {  	s31 =	simm.s32 $0x1B0;
	v7 =	vld [tilespmem:s24+$0x0]  }
0x43d: {  	v14 =	vld [tilespmem:s31+$0xFFFFFF70]  }
0x43e: {  	v17 =	vld [tilespmem:s31+$0x0]  }
0x43f: {  	v4 =	vmul.f32 v4, v3  }
0x440: {  	v5 =	vmul.f32 $9.900000000e+01, v5;
	v6 =	vmul.f32 v6, v3  }
0x441: {  	v7 =	vmul.f32 $9.900000000e+01, v7;
	v4 =	vadd.f32 v4, v3  }
0x442: {  	v14 =	vmul.f32 v14, v3;
	v5 =	vadd.f32 $0.0e+00, v5;
	v6 =	vadd.f32 v6, v3  }
0x443: {  	v17 =	vmul.f32 $9.900000000e+01, v17;
	v7 =	vadd.f32 $0.0e+00, v7;
	v8 =	vmax.f32 v4, $0.0e+00  }
0x444: {  	v5 =	vmax.f32 v5, $0.0e+00;
	v6 =	vmax.f32 v6, $0.0e+00;
	v8 =	vmin.f32 v8, v2  }
0x445: {  	v10 =	vmin.f32 v5, $9.900000000e+01;
	v5 =	vmin.f32 v6, v2;
	v9 =	vtrunc.f32 v8  }
0x446: {  	v6 =	vmax.f32 v7, $0.0e+00;
	v7 =	vtrunc.f32 v10;
	v11 =	vtrunc.f32 v5  }
0x447: {  	s30 =	sshll.u32 s16, s17;
	v6 =	vmin.f32 v6, $9.900000000e+01;
	v9 =	vcvt.f32.s32 v9;
	v13 =	vcvt.f32.s32 v7  }
0x448: {  	s4 =	sadd.s32 s30, s4;
	v14 =	vadd.f32 v14, v3;
	v11 =	vcvt.f32.s32 v11;
	v16 =	vtrunc.f32 v6  }
0x449: {  	v4 =	vmov s4;
	v16 =	vcvt.f32.s32 v16;
	v12 =	vadd.s32 $0x1, v9  }
0x44a: {  	v20 =	vld [tilespmem:s31+$0xFFFFFFF0];
	v15 =	vmul.u32 $0x64, v9;
	v18 =	vcvt.s32.f32 v13;
	v19 =	vadd.s32 $0x1, v11  }
0x44b: {  	v21 =	vld [tilespmem:s31+$0xFFFFFF80];
	v9 =	vcvt.s32.f32 v9;
	v7 =	vcvt.s32.f32 v11;
	v13 =	vadd.s32 v13, v4  }
0x44c: {  	vm0 =	vlt.s32 v12, v1;
	vm1 =	vlt.s32 v19, v1;
	v18 =	vsub.f32 v10, v18  }
0x44d: {  	v10 =	vsel vm1, v19, v1;
	v9 =	vsub.f32 v8, v9;
	v8 =	vmul.u32 $0x64, v11  }
0x44e: {  	v11 =	vmul.u32 $0x64, v10;
	v10 =	vcvt.s32.f32 v16;
	v16 =	vadd.s32 v16, v4  }
0x44f: {  	v12 =	vsel vm0, v12, v1;
	v19 =	vadd.s32 v8, v16;
	v8 =	vmul.f32 $9.900000000e+01, v20  }
0x450: {  	v11 =	vadd.s32 v11, v16;
	v16 =	vadd.f32 $0.0e+00, v17;
	v17 =	vmul.f32 v21, v3  }
0x451: {  	v12 =	vmul.u32 $0x64, v12;
	v20 =	vadd.f32 $0.0e+00, v8;
	v8 =	vmax.f32 v14, $0.0e+00  }
0x452: {  	v14 =	vadd.s32 v15, v13;
	v8 =	vmin.f32 v8, v2;
	v17 =	vadd.f32 v17, v3  }
0x453: {  	[tilespmem:s19+$0xFFFFFF80] =	vst v19;
	v13 =	vadd.s32 v12, v13;
	v15 =	vmax.f32 v16, $0.0e+00;
	v16 =	vtrunc.f32 v8  }
0x454: {  	[tilespmem:s19+$0x0] =	vst v11;
	v19 =	vmax.f32 v20, $0.0e+00;
	v16 =	vcvt.f32.s32 v16;
	v11 =	vmax.f32 v17, $0.0e+00  }
0x455: {  	s6 =	smov.u32 s20;
	[tilespmem:s19+$0xFFFFFF70] =	vst v14;
	v15 =	vmin.f32 v15, $9.900000000e+01;
	v14 =	vmin.f32 v19, $9.900000000e+01;
	v11 =	vmin.f32 v11, v2  }
0x456: {  	s11 =	smov.u32 s19;
	s13 =	simm.s32 $0x2;
	s4 =	sadd.s32 $0x5, s2;
	[tilespmem:s19+$0xFFFFFFF0] =	vst v13;
	v17 =	vtrunc.f32 v14;
	v12 =	vadd.s32 $0x1, v16;
	v19 =	vtrunc.f32 v11  }
0x457: {  	s14 =	simm.s32 $0x1D0;
	s10 =	smov.u32 s20;
	s2 =	sshll.u32 s4, $0x8;
	[tilespmem:s20+$0xFFFFFF70] =	vst v18;
	v13 =	vcvt.f32.s32 v17;
	vm0 =	vlt.s32 v12, v1;
	v17 =	vcvt.f32.s32 v19  }
.LBB2_38:
0x458: {  	v18 =	vld [tilespmem:s14+$0xFFFFFF70];
	s13 =	sadd.s32 $0x2, s13;
	v19 =	vmul.u32 $0x64, v16;
	v20 =	vtrunc.f32 v15;
	[tilespmem:s10+$0xFFFFFFF0] =	vst v9;
	v9 =	vsub.f32 v6, v10;
	s11 =	sadd.s32 $0x20, s11;
	s6 =	sadd.s32 $0x20, s6;
	v6 =	vmovc v15  }
0x459: {  	v16 =	vcvt.s32.f32 v16;
	v15 =	vld [tilespmem:s14+$0x0];
	p0 =	slt.u32 s13, $0x6;
	v10 =	vcvt.s32.f32 v13;
	v21 =	vadd.s32 $0x1, v17  }
0x45a: {  	v23 =	vsub.f32 v5, v7;
	v5 =	vmovc v11;
	v7 =	vcvt.s32.f32 v17;
	v22 =	vld [tilespmem:s14+$0xFFFFFFF0];
	vm1 =	vlt.s32 v21, v1;
	[tilespmem:s10+$0xFFFFFF80] =	vst v9  }
0x45b: {  	v11 =	vld [tilespmem:s14+$0xFFFFFF80];
	v24 =	vsub.f32 v14, v10;
	v14 =	vcvt.f32.s32 v20;
	v10 =	vsel vm1, v21, v1  }
0x45c: {  	v9 =	vsub.f32 v8, v16;
	v8 =	vmul.u32 $0x64, v17;
	v16 =	vmul.u32 $0x64, v10;
	[tilespmem:s10+$0x0] =	vst v23;
	s10 =	smov.u32 s6  }
0x45d: {  	v17 =	vmul.f32 v18, v3;
	v10 =	vcvt.s32.f32 v14;
	v14 =	vadd.s32 v14, v4  }
0x45e: {  	v15 =	vmul.f32 $9.900000000e+01, v15;
	v8 =	vadd.s32 v8, v14;
	v14 =	vadd.s32 v16, v14  }
0x45f: {  	v12 =	vsel vm0, v12, v1;
	v16 =	vmul.f32 $9.900000000e+01, v22;
	v17 =	vadd.f32 v17, v3;
	[tilespmem:s11+$0xFFFFFF80] =	vst v8  }
0x460: {  	v13 =	vadd.s32 v13, v4;
	v15 =	vadd.f32 $0.0e+00, v15;
	v11 =	vmul.f32 v11, v3;
	[tilespmem:s11+$0x0] =	vst v14  }
0x461: {  	v14 =	vadd.f32 $0.0e+00, v16;
	v8 =	vmax.f32 v17, $0.0e+00;
	v16 =	vadd.s32 v19, v13  }
0x462: {  	v8 =	vmin.f32 v8, v2;
	v15 =	vmax.f32 v15, $0.0e+00;
	v11 =	vadd.f32 v11, v3;
	[tilespmem:s11+$0xFFFFFF70] =	vst v16  }
.Ltmp17:
0x463: {  	v12 =	vmul.u32 $0x64, v12;
	v14 =	vmax.f32 v14, $0.0e+00;
	v16 =	vtrunc.f32 v8;
	(pc) =	sbr.rel @p0 .LBB2_38-.Ltmp17, $4  }
0x464: {  	v15 =	vmin.f32 v15, $9.900000000e+01;
	v16 =	vcvt.f32.s32 v16;
	v11 =	vmax.f32 v11, $0.0e+00  }
0x465: {  	v13 =	vadd.s32 v12, v13;
	v14 =	vmin.f32 v14, $9.900000000e+01;
	v11 =	vmin.f32 v11, v2  }
0x466: {  	v17 =	vtrunc.f32 v14;
	v12 =	vadd.s32 $0x1, v16;
	v18 =	vtrunc.f32 v11;
	[tilespmem:s11+$0xFFFFFFF0] =	vst v13  }
0x467: {  	s14 =	sadd.s32 $0x20, s14;
	v13 =	vcvt.f32.s32 v17;
	vm0 =	vlt.s32 v12, v1;
	v17 =	vcvt.f32.s32 v18;
	[tilespmem:s6+$0xFFFFFF70] =	vst v24  }
0x468: {  	_ = 	snop  }
0x469: {  	v2 =	vtrunc.f32 v15;
	v3 =	vadd.s32 $0x1, v17  }
0x46a: {  	v6 =	vsub.f32 v6, v10;
	v2 =	vcvt.f32.s32 v2;
	vm1 =	vlt.s32 v3, v1  }
0x46b: {  	[tilespmem:s10+$0xFFFFFFF0] =	vst v9;
	v5 =	vsub.f32 v5, v7;
	v55 =	vmul.u32 $0x64, v17;
	v3 =	vsel vm1, v3, v1  }
0x46c: {  	[tilespmem:s10+$0xFFFFFF80] =	vst v6;
	v57 =	vadd.s32 v2, v4;
	v1 =	vsel vm0, v12, v1;
	v3 =	vmul.u32 $0x64, v3  }
0x46d: {  	v56 =	vmul.u32 $0x64, v16;
	s11 =	sadd.s32 $0x20, s11;
	[tilespmem:s10+$0x0] =	vst v5;
	v59 =	vadd.s32 v55, v57;
	v1 =	vmul.u32 $0x64, v1  }
0x46e: {  	v58 =	vcvt.s32.f32 v13;
	v60 =	vadd.s32 v13, v4;
	[tilespmem:s11+$0xFFFFFF80] =	vst v59;
	v3 =	vadd.s32 v3, v57  }
0x46f: {  	v61 =	vcvt.s32.f32 v16;
	v1 =	vadd.s32 v1, v60;
	[tilespmem:s11+$0x0] =	vst v3  }
0x470: {  	v62 =	vsub.f32 v14, v58;
	v2 =	vcvt.s32.f32 v2;
	v3 =	vadd.s32 v56, v60;
	[tilespmem:s11+$0xFFFFFFF0] =	vst v1  }
0x471: {  	s6 =	sadd.s32 $0x20, s6;
	s4 =	sshll.u32 s4, $0xC;
	s24 =	sadd.s32 $0x200, s2;
	v63 =	vsub.f32 v8, v61;
	[tilespmem:s11+$0xFFFFFF70] =	vst v3;
	v3 =	vcvt.s32.f32 v17  }
0x472: {  	s30 =	sshll.u32 s2, $0x4;
	s31 =	sadd.s32 $0x280, s2;
	s26 =	sadd.s32 $0x600, s26;
	v1 =	vsub.f32 v15, v2;
	[tilespmem:s6+$0xFFFFFF70] =	vst v62  }
0x473: {  	s21 =	sadd.s32 $0x600, s21;
	s28 =	sadd.s32 $0x600, s28;
	s29 =	sadd.s32 $0x600, s29;
	[tilespmem:s6+$0xFFFFFFF0] =	vst v63;
	v2 =	vsub.f32 v11, v3  }
0x474: {  	s12 =	sadd.s32 $0x600, s12;
	s25 =	sadd.s32 $0x600, s25;
	s4 =	sand.u32 $0x3FFFF000, s4;
	[tilespmem:s6+$0xFFFFFF80] =	vst v1  }
0x475: {  	s0 =	sadd.s32 $0x600, s0;
	p0 =	sne.s32 s22, $0x4;
	s4 =	sadd.s32 $0x3200, s4;
	[tilespmem:s6+$0x0] =	vst v2  }
0x476: {  	[tilespmem:s4], [sflag:s22] =	stream.indirect.gather [hbm4b:s5+s9], $0x10, s24, s9, $0xb8;
	[tilespmem:$0x1C200] =	vst v63  }
.Ltmp18:
0x477: {  	s1 =	sadd.s32 $0x600, s1;
	s3 =	sadd.s32 $0x600, s3;
	(pc) =	sbr.rel @p0 .LBB2_17-.Ltmp18, $4  }
0x478: {  	s7 =	sadd.s32 $0x600, s7;
	s8 =	sadd.s32 $0x600, s8;
	s4 =	sor.u32 $0x800, s30  }
0x479: {  	s18 =	sadd.s32 $0x600, s18;
	s19 =	sadd.s32 $0x600, s19;
	s4 =	sand.u32 $0x3FFFFFF0, s4  }
0x47a: {  	s20 =	sadd.s32 $0x600, s20;
	s17 =	smov.u32 s22;
	s4 =	sadd.s32 $0x3200, s4  }
0x47b: {  	[tilespmem:s4], [sflag:s22] =	stream.indirect.gather [hbm4b:s5+s9], $0x10, s31, s9, $0xb8;
	[tilespmem:$0x1C200] =	vst v63  }
0x47c: {  	s0 =	rddreg [dreg:$0x9]  }
0x47d: {  	s14 =	rddreg [dreg:$0x3];
	s0 =	sshll.u32 s0, $0x7  }
0x47e: {  	s0 =	sadd.s32 s14, s0  }
0x47f: {  	s1 =	rddreg [dreg:$0x4];
	s2 =	simm.s32 $0x80000;
	s0 =	sshrl.u32 s0, $0x3  }
0x480: {  	s31 =	simm.s32 $0x1B200;
	s3 =	simm.s32 $0x5;
	s0 =	sadd.s32 s1, s0  }
0x481: {  	[hbm4b:s0+s9] =	stream.strided.scatter [tilespmem:s31], [sflag:$0x5], $0x1000, s2, s9, $0x38;
	[tilespmem:$0x1C200] =	vst v63  }
0x482: {  	_ =	swait.ge [sflag:s3], $0x1000  }
0x483: {  	s0 =	rddreg [dreg:$0x8]  }
0x484: {  	p0 =	sne.s32 s0, $0x80  }
.Ltmp19:
0x485: {  	_ = 	snop;
	(pc) =	sbr.rel @p0 .LBB2_16-.Ltmp19, $3  }
0x486: {  	_ =	sdelay $0x1  }
0x487: {  	[sflag:s3] =	ssyncset.done $0x0  }
0x488: {  	s4 =	simm.s32 $0x0;
	[sflag:s3] =	ssyncadd.s32 $0xFFFFF000  }
0x489: {  	s0 =	simm.s32 $0x1  }
0x48a: {  	_ =	swait.ge [sflag:s0], $0x6000  }
0x48b: {  	[sflag:s0] =	ssyncset.done $0x0  }
0x48c: {  	s29 =	simm.s32 $0x2;
	[sflag:s0] =	ssyncadd.s32 $0xFFFFA000  }
0x48d: {  	_ =	swait.ge [sflag:s29], $0x6000  }
0x48e: {  	[sflag:s29] =	ssyncset.done $0x0  }
0x48f: {  	s30 =	simm.s32 $0x3;
	[sflag:s29] =	ssyncadd.s32 $0xFFFFA000  }
0x490: {  	_ =	swait.ge [sflag:s30], $0x6000  }
0x491: {  	[sflag:s30] =	ssyncset.done $0x0  }
0x492: {  	s1 =	simm.s32 $0x4;
	[sflag:s30] =	ssyncadd.s32 $0xFFFFA000  }
0x493: {  	_ =	swait.ge [sflag:s1], $0x6000  }
0x494: {  	s4 =	rddreg [dreg:$0x7]  }
0x495: {  	s31 =	rddreg [dreg:$0x6];
	s4 =	sadd.s32 $0x1, s4  }
0x496: {  	p0 =	sne.s32 s4, s31  }
.Ltmp20:
0x497: {  	_ = 	snop;
	(pc) =	sbr.rel @p0 .LBB2_1-.Ltmp20, $3  }
0x498: {  	_ =	sdelay $0x1  }
0x499: {  	[sflag:s1] =	ssyncset.done $0x0  }
0x49a: {  	[sflag:s1] =	ssyncadd.s32 $0xFFFFA000  }
0x49b: {  	_ =	sfence.sel $0x180000  }
0x49c: {  	[bflag:$0x0] =	sbarrier.arrive $0xFFFF  }
0x49d: {  	_ =	strace $0x90000050  }
0x49e: {  	s0 =	stileid.u32;
	[bflag:$0x2] =	sbarrier.arrive $0xFFFF  }
0x49f: {  	p0 =	sne.s32 s0, $0x0;
	s0 =	rddreg [dreg:$0x2]  }
0x4a0: {  	s0 =	sadd.s32 @!p0 $0x100000, s0  }
0x4a1: {  	[sflag:s0] =	ssyncadd.tile.s32 @!p0 $0x1;
	_ =	shalt  }
.Lfunc_end2:
_tile_overlayer_lowered:
.L_overlay_start_2:
0x4a2: {  	(tag) =	ssettag $0x2  }
0x4a3: {  	s0 =	rddreg [dreg:$0x0];
	s2 =	stileid.u32  }
0x4a4: {  	s1 =	rddreg [dreg:$0x1];
	p0 =	sne.s32 s2, $0x0  }
0x4a5: {  	s3 =	rddreg [dreg:$0x2];
	[bflag:$0x3] =	sbarrier.arrive $0xFFFF;
	s2 =	simm.s32 @!p0 $0x1C05  }
0x4a6: {  	[timem:s3], [sflag:s2] =	dma.local @!p0 [hbm:s0], s1  }
0x4a7: {  	s0 =	simm.s32 @!p0 $0x5  }
0x4a8: {  	_ =	swait.ge @!p0 [sflag:s0], s1  }
0x4a9: {  	s1 =	ssub.s32 @!p0 $0x0, s1;
	[sflag:s0] =	ssyncset.done @!p0 $0x0  }
0x4aa: {  	[sflag:s0] =	ssyncadd.s32 @!p0 s1  }
0x4ab: {  	[bflag:$0x3] =	sbarrier.arrive $0xFFFF  }
0x4ac: {  	_ =	shalt  }

// kernel: sparse-core-data-format-call.1.cloned.1.call-start
scs
called_computation.1_lowered:
.L_overlay_start_0:
0x0: {  	s2 =	sld [smem:$0x3FD9]  }
0x1: {  	s3 =	sld [smem:$0x3FFE];
	_ =	sdelay $0x1  }
0x2: {  	s1 =	srdreg.scid  }
0x3: {  	s0 =	sand.u32 $0x1, s1  }
0x4: {  	s18 =	sshll.u32 s0, $0xA;
	s2 =	sadd.s32 s3, s2  }
0x5: {  	s2 =	sadd.s32 s2, s18  }
0x6: {  	[smem:$0x3FBE] =	sst s2  }
0x7: {  	_ = 	snop  }
0x8: {  	s2 =	sld [smem:$0x3FD0];
	(tm) =	ssettm $0x1  }
0x9: {  	s19 =	sld [smem:$0x3FFB];
	_ =	sdelay $0x3  }
0xa: {  	_ =	strace s19  }
0xb: {  	s3 =	sld [smem:$0x3FFC];
	_ =	sdelay $0x3  }
0xc: {  	_ =	strace s3  }
0xd: {  	s3 =	sld [smem:$0x3FFD];
	_ =	sdelay $0x3  }
0xe: {  	_ =	strace s3  }
0xf: {  	_ =	strace $0x8FFFFFFF  }
0x10: {  	s20 =	sld [smem:$0x3FDB];
	_ =	sdelay $0x1  }
0x11: {  	s4 =	simm.s32 $_scs_section_size  }
0x12: {  	s5 =	simm.s32 $_size__tile_overlayer_lowered;
	s6 =	simm.s32 $_tile_overlayer_lowered  }
0x13: {  	s23 =	simm.s32 $0x1BFF;
	s22 =	sshll.u32 s6, $0x1;
	s3 =	sadd.s32 s4, s20  }
0x14: {  	s7 =	simm.s32 $0x0;
	s21 =	sshll.u32 s5, $0x1;
	s5 =	sadd.s32 s22, s3  }
0x15: {  	[timem:s7], [sflag:s23] =	dma.local [hbm:s5], s21  }
0x16: {  	_ =	swait.ge [sflag:s23], s21  }
0x17: {  	s4 =	ssub.s32 $0x0, s21;
	[sflag:s23] =	ssyncset.done $0x0  }
0x18: {  	[sflag:s23] =	ssyncadd.s32 s4;
	_ =	sdelay $0x1  }
0x19: {  	s24 =	simm.s32 $0x1B8B  }
0x1a: {  	_ =	swait.ge [sflag:s24], $0x1  }
0x1b: {  	[sflag:s24] =	ssyncset.done $0x0  }
0x1c: {  	s26 =	simm.s32 $0x1B8E;
	s25 =	sld [smem:$0x3FFE];
	[sflag:s24] =	ssyncadd.s32 $0xFFFFFFFF  }
0x1d: {  	s27 =	simm.s32 $execute0_lowered;
	[smem:$0x3FD2] =	sst s26  }
0x1e: {  	s5 =	sshll.u32 s27, $0x1;
	_ =	strace $0x80000049;
	[dreg:$0x1] =	wrdreg $0xFFFFFFFF  }
0x1f: {  	s28 =	simm.s32 $_size_execute0_lowered;
	s3 =	sadd.s32 s3, s5;
	[dreg:$0x0] =	wrdreg $0x0  }
0x20: {  	s5 =	sshll.u32 s28, $0x1;
	[dreg:$0x2] =	wrdreg s3  }
0x21: {  	[dreg:$0x3] =	wrdreg s5  }
0x22: {  	[dreg:$0x4] =	wrdreg $0xC0  }
0x23: {  	_ =	task [dreg:s7], $0x5FFFF  }
0x24: {  	[dreg:$0x1] =	wrdreg $0xFFFFFFFF  }
0x25: {  	[dreg:$0x0] =	wrdreg $0x60  }
0x26: {  	[dreg:$0x2] =	wrdreg s25  }
0x27: {  	[dreg:$0x3] =	wrdreg s2  }
0x28: {  	[dreg:$0x4] =	wrdreg $0x9  }
0x29: {  	_ =	task.clear_ibuf [dreg:s7], $0x5FFFF;
	_ =	strace $0x90000049  }
0x2a: {  	s29 =	simm.s32 $0x9;
	_ =	strace $0x8000004B  }
0x2b: {  	_ =	swait.ge [sflag:s29], $0x1  }
0x2c: {  	[sflag:s29] =	ssyncadd.s32 $0xFFFFFFFF  }
0x2d: {  	_ =	strace $0x9000004B  }
0x2e: {  	_ =	sfence  }
0x2f: {  	s30 =	sld [smem:$0x0];
	_ =	sdelay $0x2  }
0x30: {  	s31 =	sshll.u32 s1, $0xD;
	s1 =	sshrl.u32 s1, $0x2  }
0x31: {  	s3 =	sand.u32 $0x4000, s31;
	s1 =	sadd.s32 s1, s30  }
0x32: {  	s0 =	sor.u32 s3, s0;
	s1 =	sshll.u32 s1, $0x11  }
0x33: {  	s0 =	sor.u32 s1, s0  }
0x34: {  	s0 =	sadd.s32 $0x8F2B, s0  }
0x35: {  	[sflag:s0] =	ssyncadd.remote.s32 $0x1  }
0x36: {  	_ =	sfence.sel $0xFFFF  }
0x37: {  	[dreg:$0x0] =	wrdreg $0xFFFFFFFF;
	(pc) =	sbr.abs _section_cstart, $3  }
0x38: {  	[dreg:$0x1] =	wrdreg $0xFFFFFFFF  }
0x39: {  	_ =	task.clear_ibuf [dreg:s7], $0x2FFFF;
	_ =	strace $0x9FFFFFFF  }
0x3a: {  	(tm) =	ssettm $0x7FFFFFFF  }
0x3b: {  	_ =	shalt  }
tec
execute0_lowered:
.L_overlay_start_1:
0x0: {  	(tag) =	ssettag $0x1  }
0x1: {  	s1 =	srdreg.scid  }
0x2: {  	s0 =	stileid.u32;
	s7 =	rddreg [dreg:$0x0]  }
0x3: {  	s9 =	simm.s32 $0x2;
	s17 =	simm.s32 $0x0;
	s2 =	sshll.u32 s1, $0x7  }
0x4: {  	s10 =	simm.s32 $0x1000;
	s1 =	sand.u32 $0x1, s0;
	s2 =	sand.u32 $0x80, s2  }
0x5: {  	s11 =	simm.s32 $0x0;
	s3 =	ssub.s32 $0x2, s1;
	s4 =	ssub.s32 $0x200, s2  }
0x6: {  	s18 =	simm.s32 $0x0;
	s5 =	sshrl.u32 s3, $0x1;
	s6 =	sshrl.u32 s4, $0x7  }
0x7: {  	s3 =	sand.u32 $0x1, s3;
	s8 =	sshrl.u32 s4, $0x8;
	s6 =	sand.u32 $0x1, s6  }
0x8: {  	s20 =	simm.s32 $0x0;
	s5 =	sadd.s32 s3, s5;
	s6 =	sadd.s32 s8, s6  }
0x9: {  	s19 =	simm.s32 $0x0;
	s13 =	simm.s32 $0x0;
	s6 =	smul.u32 s6, s5  }
.Ltmp0:
0xa: {  	s16 =	simm.s32 $0x0;
	s4 =	rddreg [dreg:$0x1];
	(pc) =	sbr.rel .LBB1_1-.Ltmp0, $4  }
0xb: {  	s7 =	sadd.s32 $0x3000, s7;
	s15 =	smov.u32 s1;
	s3 =	rddreg [dreg:$0x2]  }
0xc: {  	_ =	strace $0x8000004A;
	s5 =	simm.s32 $0x1;
	s6 =	smul.u32 $0xC, s6  }
0xd: {  	s12 =	smov.u32 s2;
	s8 =	sshrl.u32 s0, $0x1;
	[sflag:s5] =	ssyncpa.u1 $0x0  }
0xe: {  	s14 =	smov.u32 s8;
	[sflag:s9] =	ssyncpa.u1 $0x0;
	s9 =	sor.u32 $0x1, s6  }
.LBB1_4:
0xf: {  	_ =	sdelay $0x3  }
0x10: {  	[tilespmem:v0+s23+$0xFFFFFFA0 ss:$0x1] =	vst.idx.msk $0xffff, v6  }
0x11: {  	v56 =	vld.idx.msk [tilespmem:v1+s22+$0x30 ss:$0x1], $0xffff;
	[tilespmem:v0+s23+$0xFFFFFFB0 ss:$0x1] =	vst.idx.msk $0xffff, v4  }
0x12: {  	v57 =	vld.idx.msk [tilespmem:v1+s22+$0xFFFFFFC0 ss:$0x1], $0xffff;
	[tilespmem:v0+s23+$0xFFFFFFC0 ss:$0x1] =	vst.idx.msk $0xffff, v2  }
0x13: {  	v58 =	vld.idx.msk [tilespmem:v1+s22+$0xFFFFFFD0 ss:$0x1], $0xffff;
	[tilespmem:v0+s23+$0xFFFFFFD0 ss:$0x1] =	vst.idx.msk $0xffff, v3  }
0x14: {  	v59 =	vld.idx.msk [tilespmem:v1+s22+$0xFFFFFFE0 ss:$0x1], $0xffff;
	[tilespmem:v0+s23+$0xFFFFFFE0 ss:$0x1] =	vst.idx.msk $0xffff, v5  }
0x15: {  	v60 =	vld.idx.msk [tilespmem:v1+s22+$0xFFFFFFF0 ss:$0x1], $0xffff;
	[tilespmem:v0+s23+$0xFFFFFFF0 ss:$0x1] =	vst.idx.msk $0xffff, v7  }
0x16: {  	v61 =	vld.idx.msk [tilespmem:v1+s22+$0x0 ss:$0x1], $0xffff;
	[tilespmem:v0+s22+$0x0 ss:$0x1] =	vst.idx.msk $0xffff, v56  }
0x17: {  	v62 =	vld.idx.msk [tilespmem:v1+s22+$0x10 ss:$0x1], $0xffff;
	[tilespmem:v0+s22+$0xFFFFFF90 ss:$0x1] =	vst.idx.msk $0xffff, v57  }
0x18: {  	v63 =	vld.idx.msk [tilespmem:v1+s22+$0x20 ss:$0x1], $0xffff;
	s29 =	sand.u32 $0x78, s17;
	s20 =	sshll.u32 s20, $0x7;
	[tilespmem:v0+s22+$0xFFFFFFA0 ss:$0x1] =	vst.idx.msk $0xffff, v58  }
0x19: {  	s24 =	sshll.u32 s17, $0x3;
	s19 =	smul.u32 $0xC0000, s19;
	s20 =	sand.u32 $0x380, s20;
	[tilespmem:v0+s22+$0xFFFFFFB0 ss:$0x1] =	vst.idx.msk $0xffff, v59  }
0x1a: {  	s18 =	sshll.u32 s18, $0x9;
	s30 =	sand.u32 $0xC00, s24;
	s20 =	sor.u32 s29, s20;
	[tilespmem:v0+s22+$0xFFFFFFC0 ss:$0x1] =	vst.idx.msk $0xffff, v60  }
0x1b: {  	s31 =	sand.u32 $0x7, s17;
	s19 =	sadd.s32 s4, s19;
	s20 =	sor.u32 s30, s20;
	[tilespmem:v0+s22+$0xFFFFFFD0 ss:$0x1] =	vst.idx.msk $0xffff, v61  }
0x1c: {  	s17 =	sshll.u32 s31, $0x12;
	s18 =	sadd.s32 s18, s19;
	s20 =	sshrl.u32 s20, $0x3;
	[tilespmem:v0+s22+$0xFFFFFFE0 ss:$0x1] =	vst.idx.msk $0xffff, v62  }
0x1d: {  	s17 =	sor.u32 $0x80, s17;
	[tilespmem:v0+s22+$0xFFFFFFF0 ss:$0x1] =	vst.idx.msk $0xffff, v63;
	s18 =	sadd.s32 s20, s18  }
0x1e: {  	[hbm4b:s18+s17] =	stream.strided.scatter [tilespmem:s21], [sflag:$0x2], $0x4000, s10, s17, $0x38;
	[tilespmem:$0x10000] =	vst v63  }
.LBB1_5:
0x1f: {  	s21 =	sadd.s32 $0x100, s12  }
0x20: {  	s17 =	sadd.s32 $0x80, s13;
	s22 =	smov.u32 s13;
	p1 =	sgt.s32 s21, $0x1FF  }
0x21: {  	s22 =	smov.u32 @p1 s17  }
0x22: {  	s23 =	smov.u32 s14;
	s17 =	sadd.s32 $0x8, s14;
	p2 =	sgt.s32 s22, $0x5FF  }
0x23: {  	s23 =	smov.u32 @p2 s17  }
0x24: {  	s24 =	smov.u32 s15;
	s17 =	sadd.s32 $0x2, s15;
	p3 =	sgt.s32 s23, $0x7  }
0x25: {  	p0 =	slt.u32 s16, $0x2;
	s24 =	smov.u32 @p3 s17  }
0x26: {  	s18 =	smov.u32 s13;
	s21 =	smov.u32 @p1 s2;
	p1 =	sgt.s32 s24, $0x1  }
0x27: {  	s25 =	simm.s32 @!p0 $0x2;
	s24 =	smov.u32 @p1 s1;
	p1 =	sne.s32 s16, s9  }
.Ltmp1:
0x28: {  	s20 =	smov.u32 s14;
	_ =	swait.ge @!p0 [sflag:s25], $0x4000;
	(pc) =	sbr.rel @!p1 .LBB1_6-.Ltmp1, $4  }
0x29: {  	s19 =	smov.u32 s15;
	[sflag:s25] =	ssyncset.done @!p0 $0x0;
	s22 =	simm.s32 @p2 $0x0  }
0x2a: {  	s11 =	sadd.s32 $0x4000, s11;
	[sflag:s25] =	ssyncadd.s32 @!p0 $0xFFFFC000;
	s13 =	smov.u32 s22  }
0x2b: {  	s23 =	smov.u32 @p3 s8;
	s17 =	smov.u32 s12;
	s12 =	smov.u32 s21  }
0x2c: {  	s14 =	smov.u32 s23;
	s16 =	sadd.s32 $0x1, s16;
	s15 =	smov.u32 s24  }
.LBB1_1:
0x2d: {  	p0 =	sge.u32 s16, s6  }
0x2e: {  	s21 =	sshll.u32 @!p0 s13, $0x9;
	s22 =	sshll.u32 @!p0 s12, $0x3  }
0x2f: {  	s23 =	sshll.u32 @!p0 s13, $0x7;
	s21 =	sand.u32 @!p0 $0xFFFFF000, s21;
	s22 =	sand.u32 @!p0 $0xFFFFFC00, s22  }
0x30: {  	s21 =	sadd.s32 @!p0 s21, s22;
	s22 =	sand.u32 @!p0 $0x200, s23  }
0x31: {  	s21 =	sor.u32 @!p0 s22, s21  }
0x32: {  	s21 =	sshrl.u32 @!p0 s21, $0x9  }
0x33: {  	s22 =	smulhi.u32 @!p0 $0x2AAAAB, s21  }
0x34: {  	s31 =	sadd.s32 $0xFFFFFFFF, s16;
	s24 =	sxor.u32 @!p0 $0xFFFFFFFF, s16;
	s26 =	smul.u32 @!p0 $0xC0000, s15  }
0x35: {  	s25 =	sand.u32 @!p0 $0x78, s12;
	s23 =	sand.u32 @!p0 $0x180, s23;
	s22 =	smul.u32 @!p0 $0x600, s22  }
0x36: {  	s24 =	sshll.u32 @!p0 s24, $0xE;
	s23 =	sor.u32 @!p0 s25, s23;
	s25 =	smul.u32 @!p0 $0x18000, s14  }
0x37: {  	s21 =	ssub.s32 @!p0 s21, s22;
	s22 =	sand.u32 @!p0 $0x4000, s24;
	s24 =	sadd.s32 @!p0 s7, s26  }
0x38: {  	s23 =	sshrl.u32 @!p0 s23, $0x3;
	s24 =	sadd.s32 @!p0 s25, s24;
	s25 =	sand.u32 @!p0 $0x7, s12  }
0x39: {  	s21 =	sshll.u32 @!p0 s21, $0x6;
	s23 =	sadd.s32 @!p0 s23, s24;
	s24 =	sshll.u32 @!p0 s25, $0x12  }
0x3a: {  	s21 =	sadd.s32 @!p0 s21, s23;
	s23 =	sor.u32 @!p0 $0x400, s24;
	s24 =	simm.s32 @!p0 $0x1000  }
0x3b: {  	[tilespmem:s22], [sflag:$0x1] =	stream.strided.gather @!p0 [hbm4b:s21+s23], $0x4000, s24, s23, $0x38;
	[tilespmem:$0x10000] =	vst v63  }
0x3c: {  	p0 =	sge.u32 s31, s6  }
.Ltmp2:
0x3d: {  	_ = 	snop;
	(pc) =	sbr.rel @p0 .LBB1_5-.Ltmp2, $1  }
0x3e: {  	_ =	sdelay $0x3  }
0x3f: {  	s21 =	sand.u32 $0x4000, s11  }
0x40: {  	s22 =	sor.u32 $0x40, s21  }
0x41: {  	v1 =	vmov s22;
	_ =	sdelay $0x1  }
0x42: {  	_ =	swait.ge [sflag:s5], $0x4000  }
0x43: {  	[sflag:s5] =	ssyncset.done $0x0  }
0x44: {  	s23 =	simm.s32 $0x0;
	[sflag:s5] =	ssyncadd.s32 $0xFFFFC000  }
0x45: {  	s21 =	sor.u32 $0x8070, s21;
	v7 =	vld.idx.msk [tilespmem:v1+s23+$0x30 ss:$0x1], $0xffff  }
0x46: {  	v0 =	vmov s21;
	v8 =	vld.idx.msk [tilespmem:v1+s23+$0xFFFFFFC0 ss:$0x1], $0xffff  }
0x47: {  	v6 =	vld.idx.msk [tilespmem:v1+s23+$0xFFFFFFD0 ss:$0x1], $0xffff  }
0x48: {  	v4 =	vld.idx.msk [tilespmem:v1+s23+$0xFFFFFFE0 ss:$0x1], $0xffff  }
0x49: {  	v2 =	vld.idx.msk [tilespmem:v1+s23+$0xFFFFFFF0 ss:$0x1], $0xffff  }
0x4a: {  	s31 =	sshll.u32 s16, $0xE;
	v3 =	vld.idx.msk [tilespmem:v1+s23+$0x0 ss:$0x1], $0xffff  }
0x4b: {  	s21 =	sand.u32 $0x4000, s31;
	v5 =	vld.idx.msk [tilespmem:v1+s23+$0x10 ss:$0x1], $0xffff;
	[tilespmem:v0+s23+$0x0 ss:$0x1] =	vst.idx.msk $0xffff, v7  }
0x4c: {  	s24 =	simm.s32 $0x400;
	s22 =	simm.s32 $0x80;
	s21 =	sor.u32 $0x8000, s21;
	[tilespmem:v0+s23+$0xFFFFFF90 ss:$0x1] =	vst.idx.msk $0xffff, v8;
	v7 =	vld.idx.msk [tilespmem:v1+s23+$0x20 ss:$0x1], $0xffff  }
.LBB1_3:
0x4d: {  	p0 =	sne.s32 s24, $0xFE00;
	v8 =	vld.idx.msk [tilespmem:v1+s22+$0x30 ss:$0x1], $0xffff;
	[tilespmem:v0+s23+$0xFFFFFFA0 ss:$0x1] =	vst.idx.msk $0xffff, v6  }
0x4e: {  	v9 =	vld.idx.msk [tilespmem:v1+s22+$0xFFFFFFC0 ss:$0x1], $0xffff;
	[tilespmem:v0+s23+$0xFFFFFFB0 ss:$0x1] =	vst.idx.msk $0xffff, v4  }
0x4f: {  	v6 =	vld.idx.msk [tilespmem:v1+s22+$0xFFFFFFD0 ss:$0x1], $0xffff;
	[tilespmem:v0+s23+$0xFFFFFFC0 ss:$0x1] =	vst.idx.msk $0xffff, v2  }
.Ltmp3:
0x50: {  	v4 =	vld.idx.msk [tilespmem:v1+s22+$0xFFFFFFE0 ss:$0x1], $0xffff;
	[tilespmem:v0+s23+$0xFFFFFFD0 ss:$0x1] =	vst.idx.msk $0xffff, v3;
	(pc) =	sbr.rel @p0 .LBB1_3-.Ltmp3, $4  }
0x51: {  	v2 =	vld.idx.msk [tilespmem:v1+s22+$0xFFFFFFF0 ss:$0x1], $0xffff;
	[tilespmem:v0+s23+$0xFFFFFFE0 ss:$0x1] =	vst.idx.msk $0xffff, v5  }
0x52: {  	v3 =	vld.idx.msk [tilespmem:v1+s22+$0x0 ss:$0x1], $0xffff;
	[tilespmem:v0+s23+$0xFFFFFFF0 ss:$0x1] =	vst.idx.msk $0xffff, v7;
	s23 =	smov.u32 s22  }
0x53: {  	v5 =	vld.idx.msk [tilespmem:v1+s23+$0x10 ss:$0x1], $0xffff;
	[tilespmem:v0+s23+$0x0 ss:$0x1] =	vst.idx.msk $0xffff, v8  }
0x54: {  	s22 =	sshra.s32 s24, $0x2;
	s24 =	sadd.s32 $0x200, s24;
	[tilespmem:v0+s23+$0xFFFFFF90 ss:$0x1] =	vst.idx.msk $0xffff, v9;
	v7 =	vld.idx.msk [tilespmem:v1+s23+$0x20 ss:$0x1], $0xffff  }
.Ltmp4:
0x55: {  	_ = 	snop;
	(pc) =	sbr.rel .LBB1_4-.Ltmp4, $1  }
0x56: {  	_ =	sdelay $0x3  }
.LBB1_6:
0x57: {  	_ =	sfence.sel $0x180000  }
0x58: {  	s1 =	simm.s32 $0x1;
	[bflag:$0x0] =	sbarrier.arrive $0xFFFF  }
0x59: {  	s31 =	simm.s32 $0x2;
	[sflag:s1] =	ssyncpa.u1 $0x1  }
0x5a: {  	[sflag:s31] =	ssyncpa.u1 $0x1  }
0x5b: {  	p0 =	sne.s32 s0, $0x0;
	_ =	strace $0x9000004A  }
0x5c: {  	s0 =	sadd.s32 @!p0 $0x100000, s3;
	[bflag:$0x2] =	sbarrier.arrive $0xFFFF  }
0x5d: {  	[sflag:s0] =	ssyncadd.tile.s32 @!p0 $0x1;
	_ =	shalt  }
.Lfunc_end1:
_tile_overlayer_lowered:
.L_overlay_start_2:
0x5e: {  	(tag) =	ssettag $0x2  }
0x5f: {  	s0 =	rddreg [dreg:$0x0];
	s2 =	stileid.u32  }
0x60: {  	s1 =	rddreg [dreg:$0x1];
	p0 =	sne.s32 s2, $0x0  }
0x61: {  	s3 =	rddreg [dreg:$0x2];
	[bflag:$0x3] =	sbarrier.arrive $0xFFFF;
	s2 =	simm.s32 @!p0 $0x1C01  }
0x62: {  	[timem:s3], [sflag:s2] =	dma.local @!p0 [hbm:s0], s1  }
0x63: {  	s0 =	simm.s32 @!p0 $0x1  }
0x64: {  	_ =	swait.ge @!p0 [sflag:s0], s1  }
0x65: {  	s1 =	ssub.s32 @!p0 $0x0, s1;
	[sflag:s0] =	ssyncset.done @!p0 $0x0  }
0x66: {  	[sflag:s0] =	ssyncadd.s32 @!p0 s1  }
0x67: {  	[bflag:$0x3] =	sbarrier.arrive $0xFFFF  }
0x68: {  	_ =	shalt  }

// kernel: sparse-core-data-format-call.2.cloned.1.call-start
scs
called_computation.2_lowered:
.L_overlay_start_0:
0x0: {  	s2 =	sld [smem:$0x3FD9]  }
0x1: {  	s3 =	sld [smem:$0x3FFE];
	_ =	sdelay $0x1  }
0x2: {  	s1 =	srdreg.scid  }
0x3: {  	s0 =	sand.u32 $0x1, s1  }
0x4: {  	s18 =	sshll.u32 s0, $0xA;
	s2 =	sadd.s32 s3, s2  }
0x5: {  	s2 =	sadd.s32 s2, s18  }
0x6: {  	[smem:$0x3FBE] =	sst s2  }
0x7: {  	_ = 	snop  }
0x8: {  	s2 =	sld [smem:$0x3FD0];
	(tm) =	ssettm $0x1  }
0x9: {  	s19 =	sld [smem:$0x3FFB];
	_ =	sdelay $0x3  }
0xa: {  	_ =	strace s19  }
0xb: {  	s3 =	sld [smem:$0x3FFC];
	_ =	sdelay $0x3  }
0xc: {  	_ =	strace s3  }
0xd: {  	s3 =	sld [smem:$0x3FFD];
	_ =	sdelay $0x3  }
0xe: {  	_ =	strace s3  }
0xf: {  	_ =	strace $0x8FFFFFFF  }
0x10: {  	s20 =	sld [smem:$0x3FDB];
	_ =	sdelay $0x1  }
0x11: {  	s4 =	simm.s32 $_scs_section_size  }
0x12: {  	s5 =	simm.s32 $_size__tile_overlayer_lowered;
	s6 =	simm.s32 $_tile_overlayer_lowered  }
0x13: {  	s23 =	simm.s32 $0x1BFF;
	s22 =	sshll.u32 s6, $0x1;
	s3 =	sadd.s32 s4, s20  }
0x14: {  	s7 =	simm.s32 $0x0;
	s21 =	sshll.u32 s5, $0x1;
	s5 =	sadd.s32 s22, s3  }
0x15: {  	[timem:s7], [sflag:s23] =	dma.local [hbm:s5], s21  }
0x16: {  	_ =	swait.ge [sflag:s23], s21  }
0x17: {  	s4 =	ssub.s32 $0x0, s21;
	[sflag:s23] =	ssyncset.done $0x0  }
0x18: {  	[sflag:s23] =	ssyncadd.s32 s4;
	_ =	sdelay $0x1  }
0x19: {  	s24 =	simm.s32 $0x1B8B  }
0x1a: {  	_ =	swait.ge [sflag:s24], $0x1  }
0x1b: {  	[sflag:s24] =	ssyncset.done $0x0  }
0x1c: {  	s26 =	simm.s32 $0x1B8E;
	s25 =	sld [smem:$0x3FFE];
	[sflag:s24] =	ssyncadd.s32 $0xFFFFFFFF  }
0x1d: {  	s27 =	simm.s32 $execute0_lowered;
	[smem:$0x3FD2] =	sst s26  }
0x1e: {  	s5 =	sshll.u32 s27, $0x1;
	_ =	strace $0x80000046;
	[dreg:$0x1] =	wrdreg $0xFFFFFFFF  }
0x1f: {  	s28 =	simm.s32 $_size_execute0_lowered;
	s3 =	sadd.s32 s3, s5;
	[dreg:$0x0] =	wrdreg $0x0  }
0x20: {  	s5 =	sshll.u32 s28, $0x1;
	[dreg:$0x2] =	wrdreg s3  }
0x21: {  	[dreg:$0x3] =	wrdreg s5  }
0x22: {  	[dreg:$0x4] =	wrdreg $0xC0  }
0x23: {  	_ =	task [dreg:s7], $0x5FFFF  }
0x24: {  	[dreg:$0x1] =	wrdreg $0xFFFFFFFF  }
0x25: {  	[dreg:$0x0] =	wrdreg $0x60  }
0x26: {  	[dreg:$0x2] =	wrdreg s2  }
0x27: {  	[dreg:$0x3] =	wrdreg s25  }
0x28: {  	[dreg:$0x4] =	wrdreg $0x9  }
0x29: {  	_ =	task.clear_ibuf [dreg:s7], $0x5FFFF;
	_ =	strace $0x90000046  }
0x2a: {  	s29 =	simm.s32 $0x9;
	_ =	strace $0x80000048  }
0x2b: {  	_ =	swait.ge [sflag:s29], $0x1  }
0x2c: {  	[sflag:s29] =	ssyncadd.s32 $0xFFFFFFFF  }
0x2d: {  	_ =	strace $0x90000048  }
0x2e: {  	_ =	sfence  }
0x2f: {  	s30 =	sld [smem:$0x0];
	_ =	sdelay $0x2  }
0x30: {  	s31 =	sshll.u32 s1, $0xD;
	s1 =	sshrl.u32 s1, $0x2  }
0x31: {  	s3 =	sand.u32 $0x4000, s31;
	s1 =	sadd.s32 s1, s30  }
0x32: {  	s0 =	sor.u32 s3, s0;
	s1 =	sshll.u32 s1, $0x11  }
0x33: {  	s0 =	sor.u32 s1, s0  }
0x34: {  	s0 =	sadd.s32 $0x8F2B, s0  }
0x35: {  	[sflag:s0] =	ssyncadd.remote.s32 $0x1  }
0x36: {  	_ =	sfence.sel $0xFFFF  }
0x37: {  	[dreg:$0x0] =	wrdreg $0xFFFFFFFF;
	(pc) =	sbr.abs _section_cstart, $3  }
0x38: {  	[dreg:$0x1] =	wrdreg $0xFFFFFFFF  }
0x39: {  	_ =	task.clear_ibuf [dreg:s7], $0x2FFFF;
	_ =	strace $0x9FFFFFFF  }
0x3a: {  	(tm) =	ssettm $0x7FFFFFFF  }
0x3b: {  	_ =	shalt  }
tec
execute0_lowered:
.L_overlay_start_1:
0x0: {  	(tag) =	ssettag $0x1  }
0x1: {  	s0 =	srdreg.scid;
	s6 =	rddreg [dreg:$0x0]  }
0x2: {  	s1 =	rddreg [dreg:$0x1];
	s0 =	sshll.u32 s0, $0x5  }
0x3: {  	_ =	strace $0x80000047;
	s30 =	simm.s32 $0x1;
	s5 =	sand.u32 $0x20, s0  }
0x4: {  	s7 =	stileid.u32;
	s31 =	simm.s32 $0x2;
	s0 =	ssub.s32 $0x200, s5  }
0x5: {  	s14 =	simm.s32 $0x0;
	s15 =	simm.s32 $0x0;
	s2 =	sshrl.u32 s0, $0x5  }
0x6: {  	s11 =	stileid.u32;
	s0 =	sshrl.u32 s0, $0x6;
	s2 =	sand.u32 $0x1, s2  }
.Ltmp0:
0x7: {  	s1 =	sadd.s32 $0x3000, s1;
	s0 =	sadd.s32 s0, s2;
	(pc) =	sbr.rel .LBB1_1-.Ltmp0, $4  }
0x8: {  	s16 =	simm.s32 $0x0;
	[dreg:$0x4] =	wrdreg s1;
	s8 =	smul.u32 $0x3, s0  }
0x9: {  	s12 =	simm.s32 $0x0;
	s13 =	simm.s32 $0x0;
	[dreg:$0x3] =	wrdreg s5  }
0xa: {  	[sflag:s30] =	ssyncpa.u1 $0x0;
	s9 =	sadd.s32 $0x1, s8;
	[dreg:$0x5] =	wrdreg s8  }
0xb: {  	[sflag:s31] =	ssyncpa.u1 $0x0;
	s10 =	smov.u32 s5;
	[dreg:$0x6] =	wrdreg s9  }
.LBB1_4:
0xc: {  	_ =	sdelay $0x3  }
0xd: {  	[tilespmem:v0+s26+$0x0 ss:$0x1] =	vst.idx.msk $0xffff, v7  }
0xe: {  	s19 =	sor.u32 s1, s0;
	v30 =	vld.idx.msk [tilespmem:v1+s20+$0x0 ss:$0x1], $0xffff;
	[tilespmem:v0+s25+$0x0 ss:$0x1] =	vst.idx.msk $0xffff, v6  }
0xf: {  	[tilespmem:v0+s24+$0x0 ss:$0x1] =	vst.idx.msk $0xffff, v4;
	v31 =	vld.idx.msk [tilespmem:v1+s18+$0x0 ss:$0x1], $0xffff;
	s24 =	sor.u32 $0x410, s19  }
0x10: {  	[tilespmem:v0+s22+$0x0 ss:$0x1] =	vst.idx.msk $0xffff, v3;
	s30 =	sor.u32 $0x420, s19;
	v32 =	vld.idx.msk [tilespmem:v1+s24+$0x0 ss:$0x1], $0xffff  }
0x11: {  	[tilespmem:v0+s23+$0x0 ss:$0x1] =	vst.idx.msk $0xffff, v2;
	s31 =	sor.u32 $0x430, s19;
	v44 =	vld.idx.msk [tilespmem:v1+s30+$0x0 ss:$0x1], $0xffff  }
0x12: {  	[tilespmem:v0+s21+$0x0 ss:$0x1] =	vst.idx.msk $0xffff, v5;
	s6 =	sor.u32 $0x440, s19;
	v45 =	vld.idx.msk [tilespmem:v1+s31+$0x0 ss:$0x1], $0xffff  }
0x13: {  	s7 =	sor.u32 $0x450, s19;
	v46 =	vld.idx.msk [tilespmem:v1+s6+$0x0 ss:$0x1], $0xffff;
	[tilespmem:v0+s20+$0x0 ss:$0x1] =	vst.idx.msk $0xffff, v30  }
0x14: {  	s8 =	sor.u32 $0x460, s19;
	v47 =	vld.idx.msk [tilespmem:v1+s7+$0x0 ss:$0x1], $0xffff;
	[tilespmem:v0+s18+$0x0 ss:$0x1] =	vst.idx.msk $0xffff, v31  }
0x15: {  	s9 =	sor.u32 $0x470, s19;
	v48 =	vld.idx.msk [tilespmem:v1+s8+$0x0 ss:$0x1], $0xffff;
	[tilespmem:v0+s24+$0x0 ss:$0x1] =	vst.idx.msk $0xffff, v32  }
0x16: {  	s10 =	sor.u32 $0x810, s19;
	v49 =	vld.idx.msk [tilespmem:v1+s9+$0x0 ss:$0x1], $0xffff;
	[tilespmem:v0+s30+$0x0 ss:$0x1] =	vst.idx.msk $0xffff, v44  }
0x17: {  	s11 =	sor.u32 $0x820, s19;
	v50 =	vld.idx.msk [tilespmem:v1+s10+$0x0 ss:$0x1], $0xffff;
	[tilespmem:v0+s31+$0x0 ss:$0x1] =	vst.idx.msk $0xffff, v45  }
0x18: {  	s12 =	sor.u32 $0x830, s19;
	v51 =	vld.idx.msk [tilespmem:v1+s11+$0x0 ss:$0x1], $0xffff;
	[tilespmem:v0+s6+$0x0 ss:$0x1] =	vst.idx.msk $0xffff, v46  }
0x19: {  	s13 =	sor.u32 $0x840, s19;
	v52 =	vld.idx.msk [tilespmem:v1+s12+$0x0 ss:$0x1], $0xffff;
	[tilespmem:v0+s7+$0x0 ss:$0x1] =	vst.idx.msk $0xffff, v47  }
0x1a: {  	s14 =	sor.u32 $0x850, s19;
	v53 =	vld.idx.msk [tilespmem:v1+s13+$0x0 ss:$0x1], $0xffff;
	[tilespmem:v0+s8+$0x0 ss:$0x1] =	vst.idx.msk $0xffff, v48  }
0x1b: {  	s15 =	sor.u32 $0x860, s19;
	v54 =	vld.idx.msk [tilespmem:v1+s14+$0x0 ss:$0x1], $0xffff;
	[tilespmem:v0+s9+$0x0 ss:$0x1] =	vst.idx.msk $0xffff, v49  }
0x1c: {  	s17 =	sand.u32 $0x180, s17;
	s1 =	sand.u32 $0x3200, s19;
	s16 =	sor.u32 $0x870, s19;
	v55 =	vld.idx.msk [tilespmem:v1+s15+$0x0 ss:$0x1], $0xffff;
	[tilespmem:v0+s10+$0x0 ss:$0x1] =	vst.idx.msk $0xffff, v50  }
0x1d: {  	s0 =	sor.u32 s17, s1;
	v56 =	vld.idx.msk [tilespmem:v1+s16+$0x0 ss:$0x1], $0xffff;
	[tilespmem:v0+s11+$0x0 ss:$0x1] =	vst.idx.msk $0xffff, v51  }
0x1e: {  	s17 =	sor.u32 $0xC10, s19;
	v37 =	vld.idx.msk [tilespmem:v1+s0+$0x0 ss:$0x1], $0xffff;
	[tilespmem:v0+s12+$0x0 ss:$0x1] =	vst.idx.msk $0xffff, v52  }
0x1f: {  	s2 =	sor.u32 $0xC00, s0;
	v57 =	vld.idx.msk [tilespmem:v1+s17+$0x0 ss:$0x1], $0xffff;
	[tilespmem:v0+s13+$0x0 ss:$0x1] =	vst.idx.msk $0xffff, v53  }
0x20: {  	s3 =	sor.u32 $0x10, s0;
	v33 =	vld.idx.msk [tilespmem:v1+s2+$0x0 ss:$0x1], $0xffff;
	[tilespmem:v0+s14+$0x0 ss:$0x1] =	vst.idx.msk $0xffff, v54  }
0x21: {  	s4 =	sor.u32 $0x20, s0;
	v34 =	vld.idx.msk [tilespmem:v1+s3+$0x0 ss:$0x1], $0xffff;
	[tilespmem:v0+s15+$0x0 ss:$0x1] =	vst.idx.msk $0xffff, v55  }
0x22: {  	s5 =	sor.u32 $0x30, s0;
	v35 =	vld.idx.msk [tilespmem:v1+s4+$0x0 ss:$0x1], $0xffff;
	[tilespmem:v0+s16+$0x0 ss:$0x1] =	vst.idx.msk $0xffff, v56  }
0x23: {  	s25 =	sor.u32 $0x40, s0;
	v36 =	vld.idx.msk [tilespmem:v1+s5+$0x0 ss:$0x1], $0xffff;
	[tilespmem:v0+s0+$0x0 ss:$0x1] =	vst.idx.msk $0xffff, v37  }
0x24: {  	s26 =	sor.u32 $0x50, s0;
	v38 =	vld.idx.msk [tilespmem:v1+s25+$0x0 ss:$0x1], $0xffff;
	[tilespmem:v0+s17+$0x0 ss:$0x1] =	vst.idx.msk $0xffff, v57  }
0x25: {  	s27 =	sor.u32 $0x60, s0;
	v39 =	vld.idx.msk [tilespmem:v1+s26+$0x0 ss:$0x1], $0xffff;
	[tilespmem:v0+s2+$0x0 ss:$0x1] =	vst.idx.msk $0xffff, v33  }
0x26: {  	s28 =	sor.u32 $0x70, s0;
	v40 =	vld.idx.msk [tilespmem:v1+s27+$0x0 ss:$0x1], $0xffff;
	[tilespmem:v0+s3+$0x0 ss:$0x1] =	vst.idx.msk $0xffff, v34  }
0x27: {  	s29 =	sor.u32 $0x400, s0;
	v41 =	vld.idx.msk [tilespmem:v1+s28+$0x0 ss:$0x1], $0xffff;
	[tilespmem:v0+s4+$0x0 ss:$0x1] =	vst.idx.msk $0xffff, v35  }
0x28: {  	v42 =	vld.idx.msk [tilespmem:v1+s29+$0x0 ss:$0x1], $0xffff;
	s18 =	sor.u32 $0xC20, s19;
	[tilespmem:v0+s5+$0x0 ss:$0x1] =	vst.idx.msk $0xffff, v36  }
0x29: {  	v58 =	vld.idx.msk [tilespmem:v1+s18+$0x0 ss:$0x1], $0xffff;
	s0 =	sor.u32 $0x800, s0;
	[tilespmem:v0+s25+$0x0 ss:$0x1] =	vst.idx.msk $0xffff, v38  }
0x2a: {  	s20 =	sor.u32 $0xC30, s19;
	v43 =	vld.idx.msk [tilespmem:v1+s0+$0x0 ss:$0x1], $0xffff;
	[tilespmem:v0+s26+$0x0 ss:$0x1] =	vst.idx.msk $0xffff, v39  }
0x2b: {  	s21 =	sor.u32 $0xC40, s19;
	v59 =	vld.idx.msk [tilespmem:v1+s20+$0x0 ss:$0x1], $0xffff;
	[tilespmem:v0+s27+$0x0 ss:$0x1] =	vst.idx.msk $0xffff, v40  }
0x2c: {  	v60 =	vld.idx.msk [tilespmem:v1+s21+$0x0 ss:$0x1], $0xffff;
	[tilespmem:v0+s28+$0x0 ss:$0x1] =	vst.idx.msk $0xffff, v41  }
0x2d: {  	s22 =	sor.u32 $0xC50, s19;
	[tilespmem:v0+s29+$0x0 ss:$0x1] =	vst.idx.msk $0xffff, v42  }
0x2e: {  	s23 =	sor.u32 $0xC60, s19;
	v61 =	vld.idx.msk [tilespmem:v1+s22+$0x0 ss:$0x1], $0xffff;
	[tilespmem:v0+s18+$0x0 ss:$0x1] =	vst.idx.msk $0xffff, v58  }
0x2f: {  	v62 =	vld.idx.msk [tilespmem:v1+s23+$0x0 ss:$0x1], $0xffff;
	s24 =	sor.u32 $0xC70, s19;
	[tilespmem:v0+s0+$0x0 ss:$0x1] =	vst.idx.msk $0xffff, v43  }
0x30: {  	v63 =	vld.idx.msk [tilespmem:v1+s24+$0x0 ss:$0x1], $0xffff;
	s6 =	rddreg [dreg:$0xb];
	[tilespmem:v0+s20+$0x0 ss:$0x1] =	vst.idx.msk $0xffff, v59  }
0x31: {  	[tilespmem:v0+s21+$0x0 ss:$0x1] =	vst.idx.msk $0xffff, v60  }
0x32: {  	s5 =	rddreg [dreg:$0xc]  }
0x33: {  	s27 =	rddreg [dreg:$0xd];
	[tilespmem:v0+s22+$0x0 ss:$0x1] =	vst.idx.msk $0xffff, v61  }
0x34: {  	s25 =	sshll.u32 s6, $0x9;
	s29 =	rddreg [dreg:$0x4];
	[tilespmem:v0+s23+$0x0 ss:$0x1] =	vst.idx.msk $0xffff, v62  }
0x35: {  	s26 =	sshll.u32 s6, $0x7;
	s3 =	sand.u32 $0x3F000, s25;
	[tilespmem:v0+s24+$0x0 ss:$0x1] =	vst.idx.msk $0xffff, v63  }
0x36: {  	s6 =	sshll.u32 s27, $0xF;
	s4 =	sand.u32 $0x380, s26;
	s2 =	rddreg [dreg:$0xe]  }
0x37: {  	s28 =	sor.u32 s4, s3;
	s3 =	sadd.s32 s29, s6;
	s6 =	rddreg [dreg:$0x0]  }
0x38: {  	s8 =	rddreg [dreg:$0x5]  }
0x39: {  	s9 =	rddreg [dreg:$0x6]  }
0x3a: {  	s10 =	rddreg [dreg:$0x7]  }
0x3b: {  	s5 =	smul.u32 $0x18000, s5;
	s11 =	rddreg [dreg:$0x8]  }
0x3c: {  	s31 =	simm.s32 $0x0;
	s12 =	rddreg [dreg:$0x9]  }
0x3d: {  	s13 =	rddreg [dreg:$0xa];
	s30 =	sadd.s32 s5, s3;
	s0 =	sshrl.u32 s28, $0x3  }
0x3e: {  	s7 =	stileid.u32;
	s5 =	rddreg [dreg:$0x3];
	s0 =	sadd.s32 s0, s30  }
0x3f: {  	[hbm4b:s0+s31] =	stream.linear.scatter [tilespmem:s2], [sflag:$0x2], $0x4000, $0x38;
	[tilespmem:$0x10000] =	vst v63  }
.LBB1_5:
0x40: {  	s0 =	sadd.s32 $0x40, s10  }
0x41: {  	s1 =	sadd.s32 $0x10, s11;
	s2 =	smov.u32 s11;
	p1 =	sgt.s32 s0, $0x1FF  }
0x42: {  	s2 =	smov.u32 @p1 s1  }
0x43: {  	s1 =	simm.s32 $0x1;
	p2 =	sgt.s32 s2, $0xF  }
0x44: {  	s1 =	simm.s32 @!p2 $0x0  }
0x45: {  	s1 =	sadd.s32 s1, s12  }
0x46: {  	s0 =	smov.u32 @p1 s5;
	p1 =	sgt.s32 s1, $0x2  }
0x47: {  	p0 =	slt.u32 s13, $0x2;
	s1 =	simm.s32 @p1 $0x0;
	p1 =	sne.s32 s13, s9  }
.Ltmp1:
0x48: {  	s3 =	simm.s32 @!p0 $0x2;
	(pc) =	sbr.rel @!p1 .LBB1_6-.Ltmp1, $4  }
0x49: {  	s14 =	smov.u32 s10;
	_ =	swait.ge @!p0 [sflag:s3], $0x4000  }
0x4a: {  	s15 =	smov.u32 s11;
	s16 =	smov.u32 s12;
	[sflag:s3] =	ssyncset.done @!p0 $0x0  }
0x4b: {  	s10 =	smov.u32 s0;
	s2 =	smov.u32 @p2 s7;
	[sflag:s3] =	ssyncadd.s32 @!p0 $0xFFFFC000  }
0x4c: {  	s11 =	smov.u32 s2;
	s13 =	sadd.s32 $0x1, s13;
	s12 =	smov.u32 s1  }
.LBB1_1:
0x4d: {  	p0 =	sge.u32 s13, s8;
	s31 =	sadd.s32 $0xFFFFFFFF, s13  }
0x4e: {  	s0 =	sxor.u32 @!p0 $0xFFFFFFFF, s13;
	s1 =	sshll.u32 @!p0 s10, $0x9;
	s2 =	sshll.u32 @!p0 s10, $0x7  }
0x4f: {  	s3 =	sshll.u32 @!p0 s12, $0x13;
	s1 =	sand.u32 @!p0 $0x3F000, s1;
	s2 =	sand.u32 @!p0 $0x380, s2  }
0x50: {  	s4 =	sshll.u32 @!p0 s11, $0xF;
	s1 =	sor.u32 @!p0 s2, s1;
	s2 =	sadd.s32 @!p0 s6, s3  }
0x51: {  	s0 =	sshll.u32 @!p0 s0, $0xE;
	s1 =	sshrl.u32 @!p0 s1, $0x3;
	s2 =	sadd.s32 @!p0 s4, s2  }
0x52: {  	s0 =	sand.u32 @!p0 $0x4000, s0;
	s1 =	sadd.s32 @!p0 s1, s2;
	s2 =	simm.s32 @!p0 $0x0  }
0x53: {  	[tilespmem:s0], [sflag:$0x1] =	stream.linear.gather @!p0 [hbm4b:s1+s2], $0x4000, $0x38;
	[tilespmem:$0x10000] =	vst v63  }
0x54: {  	p0 =	sge.u32 s31, s8  }
.Ltmp2:
0x55: {  	_ = 	snop;
	(pc) =	sbr.rel @p0 .LBB1_5-.Ltmp2, $1  }
0x56: {  	_ =	sdelay $0x3  }
0x57: {  	[dreg:$0xd] =	wrdreg s16  }
0x58: {  	[dreg:$0xc] =	wrdreg s15  }
0x59: {  	[dreg:$0xb] =	wrdreg s14  }
0x5a: {  	[dreg:$0x9] =	wrdreg s12  }
0x5b: {  	[dreg:$0x8] =	wrdreg s11;
	s0 =	sshll.u32 s13, $0xE  }
0x5c: {  	[dreg:$0x7] =	wrdreg s10;
	s0 =	sand.u32 $0x4000, s0  }
0x5d: {  	[dreg:$0xa] =	wrdreg s13;
	s4 =	simm.s32 $0x1;
	v1 =	vmov s0  }
0x5e: {  	s1 =	simm.s32 $0x0;
	_ =	swait.ge [sflag:s4], $0x4000  }
0x5f: {  	s2 =	sand.u32 $0x3000, s1;
	s3 =	sand.u32 $0x380, s1;
	s1 =	sand.u32 $0x180, s1  }
0x60: {  	[sflag:s4] =	ssyncset.done $0x0;
	s17 =	sor.u32 s3, s2;
	s9 =	sor.u32 $0x8000, s0  }
0x61: {  	[sflag:s4] =	ssyncadd.s32 $0xFFFFC000;
	s2 =	sand.u32 $0x3200, s17;
	s3 =	sor.u32 $0x410, s17  }
0x62: {  	s10 =	sor.u32 s1, s2;
	v2 =	vld.idx.msk [tilespmem:v1+s3+$0x0 ss:$0x1], $0xffff;
	[dreg:$0xe] =	wrdreg s9  }
0x63: {  	v0 =	vmov s9;
	s1 =	sor.u32 $0xC00, s10;
	v3 =	vld.idx.msk [tilespmem:v1+s10+$0x0 ss:$0x1], $0xffff  }
0x64: {  	s2 =	sor.u32 $0x10, s10;
	v4 =	vld.idx.msk [tilespmem:v1+s1+$0x0 ss:$0x1], $0xffff  }
0x65: {  	s11 =	sor.u32 $0x20, s10;
	v5 =	vld.idx.msk [tilespmem:v1+s2+$0x0 ss:$0x1], $0xffff  }
0x66: {  	s5 =	sor.u32 $0x30, s10;
	v6 =	vld.idx.msk [tilespmem:v1+s11+$0x0 ss:$0x1], $0xffff  }
0x67: {  	s7 =	sor.u32 $0x40, s10;
	v7 =	vld.idx.msk [tilespmem:v1+s5+$0x0 ss:$0x1], $0xffff  }
0x68: {  	s28 =	sor.u32 $0x840, s17;
	v8 =	vld.idx.msk [tilespmem:v1+s7+$0x0 ss:$0x1], $0xffff;
	[tilespmem:v0+s3+$0x0 ss:$0x1] =	vst.idx.msk $0xffff, v2  }
0x69: {  	s8 =	sor.u32 $0x50, s10;
	v9 =	vld.idx.msk [tilespmem:v1+s28+$0x0 ss:$0x1], $0xffff;
	[tilespmem:v0+s10+$0x0 ss:$0x1] =	vst.idx.msk $0xffff, v3  }
0x6a: {  	s12 =	sor.u32 $0x60, s10;
	v2 =	vld.idx.msk [tilespmem:v1+s8+$0x0 ss:$0x1], $0xffff;
	[tilespmem:v0+s1+$0x0 ss:$0x1] =	vst.idx.msk $0xffff, v4  }
0x6b: {  	s18 =	sor.u32 $0x70, s10;
	v3 =	vld.idx.msk [tilespmem:v1+s12+$0x0 ss:$0x1], $0xffff;
	[tilespmem:v0+s2+$0x0 ss:$0x1] =	vst.idx.msk $0xffff, v5  }
0x6c: {  	s13 =	sor.u32 $0x400, s10;
	v4 =	vld.idx.msk [tilespmem:v1+s18+$0x0 ss:$0x1], $0xffff;
	[tilespmem:v0+s11+$0x0 ss:$0x1] =	vst.idx.msk $0xffff, v6  }
0x6d: {  	s0 =	sor.u32 $0x800, s10;
	v5 =	vld.idx.msk [tilespmem:v1+s13+$0x0 ss:$0x1], $0xffff;
	[tilespmem:v0+s5+$0x0 ss:$0x1] =	vst.idx.msk $0xffff, v7  }
0x6e: {  	s14 =	sor.u32 $0x420, s17;
	v6 =	vld.idx.msk [tilespmem:v1+s0+$0x0 ss:$0x1], $0xffff;
	[tilespmem:v0+s7+$0x0 ss:$0x1] =	vst.idx.msk $0xffff, v8  }
0x6f: {  	s21 =	sor.u32 $0x470, s17;
	v7 =	vld.idx.msk [tilespmem:v1+s14+$0x0 ss:$0x1], $0xffff;
	[tilespmem:v0+s28+$0x0 ss:$0x1] =	vst.idx.msk $0xffff, v9  }
0x70: {  	s15 =	sor.u32 $0x430, s17;
	v8 =	vld.idx.msk [tilespmem:v1+s21+$0x0 ss:$0x1], $0xffff;
	[tilespmem:v0+s8+$0x0 ss:$0x1] =	vst.idx.msk $0xffff, v2  }
0x71: {  	s16 =	sor.u32 $0x440, s17;
	v2 =	vld.idx.msk [tilespmem:v1+s15+$0x0 ss:$0x1], $0xffff;
	[tilespmem:v0+s12+$0x0 ss:$0x1] =	vst.idx.msk $0xffff, v3  }
0x72: {  	s19 =	sor.u32 $0x450, s17;
	v3 =	vld.idx.msk [tilespmem:v1+s16+$0x0 ss:$0x1], $0xffff;
	[tilespmem:v0+s18+$0x0 ss:$0x1] =	vst.idx.msk $0xffff, v4  }
0x73: {  	s20 =	sor.u32 $0x460, s17;
	v4 =	vld.idx.msk [tilespmem:v1+s19+$0x0 ss:$0x1], $0xffff;
	[tilespmem:v0+s13+$0x0 ss:$0x1] =	vst.idx.msk $0xffff, v5  }
0x74: {  	s22 =	sor.u32 $0x810, s17;
	v5 =	vld.idx.msk [tilespmem:v1+s20+$0x0 ss:$0x1], $0xffff;
	[tilespmem:v0+s0+$0x0 ss:$0x1] =	vst.idx.msk $0xffff, v6  }
0x75: {  	s30 =	sor.u32 $0x860, s17;
	[tilespmem:v0+s14+$0x0 ss:$0x1] =	vst.idx.msk $0xffff, v7;
	v6 =	vld.idx.msk [tilespmem:v1+s22+$0x0 ss:$0x1], $0xffff  }
0x76: {  	s23 =	sor.u32 $0x820, s17;
	[tilespmem:v0+s21+$0x0 ss:$0x1] =	vst.idx.msk $0xffff, v8;
	v8 =	vld.idx.msk [tilespmem:v1+s30+$0x0 ss:$0x1], $0xffff  }
0x77: {  	s27 =	sor.u32 $0x830, s17;
	[tilespmem:v0+s15+$0x0 ss:$0x1] =	vst.idx.msk $0xffff, v2;
	v2 =	vld.idx.msk [tilespmem:v1+s23+$0x0 ss:$0x1], $0xffff  }
0x78: {  	s26 =	sor.u32 $0x870, s17;
	[tilespmem:v0+s16+$0x0 ss:$0x1] =	vst.idx.msk $0xffff, v3;
	v3 =	vld.idx.msk [tilespmem:v1+s27+$0x0 ss:$0x1], $0xffff  }
0x79: {  	s29 =	sor.u32 $0x850, s17;
	v7 =	vld.idx.msk [tilespmem:v1+s26+$0x0 ss:$0x1], $0xffff;
	[tilespmem:v0+s19+$0x0 ss:$0x1] =	vst.idx.msk $0xffff, v4  }
0x7a: {  	s25 =	sor.u32 $0xC10, s17;
	[tilespmem:v0+s20+$0x0 ss:$0x1] =	vst.idx.msk $0xffff, v5;
	v5 =	vld.idx.msk [tilespmem:v1+s29+$0x0 ss:$0x1], $0xffff  }
0x7b: {  	s24 =	sor.u32 $0xC20, s17;
	[tilespmem:v0+s22+$0x0 ss:$0x1] =	vst.idx.msk $0xffff, v6;
	v6 =	vld.idx.msk [tilespmem:v1+s25+$0x0 ss:$0x1], $0xffff  }
0x7c: {  	s22 =	sor.u32 $0xC30, s17;
	v4 =	vld.idx.msk [tilespmem:v1+s24+$0x0 ss:$0x1], $0xffff;
	[tilespmem:v0+s23+$0x0 ss:$0x1] =	vst.idx.msk $0xffff, v2  }
0x7d: {  	s31 =	simm.s32 $0x200;
	s21 =	sor.u32 $0xC50, s17;
	s23 =	sor.u32 $0xC40, s17;
	[tilespmem:v0+s27+$0x0 ss:$0x1] =	vst.idx.msk $0xffff, v3;
	v3 =	vld.idx.msk [tilespmem:v1+s22+$0x0 ss:$0x1], $0xffff  }
0x7e: {  	s18 =	sor.u32 $0xC70, s17;
	s20 =	sor.u32 $0xC60, s17;
	[tilespmem:v0+s30+$0x0 ss:$0x1] =	vst.idx.msk $0xffff, v8;
	s17 =	simm.s32 $0x80;
	v2 =	vld.idx.msk [tilespmem:v1+s23+$0x0 ss:$0x1], $0xffff  }
0x7f: {  	s0 =	sand.u32 $0x3000, s31;
	s19 =	simm.s32 $0x400;
	[tilespmem:v0+s29+$0x0 ss:$0x1] =	vst.idx.msk $0xffff, v5;
	s1 =	sand.u32 $0x380, s17;
	v5 =	vld.idx.msk [tilespmem:v1+s21+$0x0 ss:$0x1], $0xffff  }
.LBB1_3:
0x80: {  	p0 =	sne.s32 s19, $0x3E00;
	s30 =	sor.u32 s1, s0;
	[tilespmem:v0+s26+$0x0 ss:$0x1] =	vst.idx.msk $0xffff, v7;
	v7 =	vld.idx.msk [tilespmem:v1+s20+$0x0 ss:$0x1], $0xffff  }
0x81: {  	s0 =	sand.u32 $0x180, s17;
	s1 =	sand.u32 $0x3200, s30;
	s2 =	sor.u32 $0x410, s30;
	[tilespmem:v0+s25+$0x0 ss:$0x1] =	vst.idx.msk $0xffff, v6;
	v6 =	vld.idx.msk [tilespmem:v1+s18+$0x0 ss:$0x1], $0xffff  }
0x82: {  	s28 =	sor.u32 $0x420, s30;
	s27 =	sor.u32 $0x430, s30;
	s0 =	sor.u32 s0, s1;
	v8 =	vld.idx.msk [tilespmem:v1+s2+$0x0 ss:$0x1], $0xffff;
	[tilespmem:v0+s24+$0x0 ss:$0x1] =	vst.idx.msk $0xffff, v4  }
0x83: {  	v4 =	vld.idx.msk [tilespmem:v1+s0+$0x0 ss:$0x1], $0xffff;
	s16 =	sor.u32 $0x10, s0;
	s6 =	sor.u32 $0x20, s0;
	s24 =	sor.u32 $0xC00, s0;
	[tilespmem:v0+s22+$0x0 ss:$0x1] =	vst.idx.msk $0xffff, v3  }
0x84: {  	s14 =	sor.u32 $0x30, s0;
	s15 =	sor.u32 $0x40, s0;
	s13 =	sor.u32 $0x50, s0;
	v3 =	vld.idx.msk [tilespmem:v1+s24+$0x0 ss:$0x1], $0xffff;
	[tilespmem:v0+s23+$0x0 ss:$0x1] =	vst.idx.msk $0xffff, v2  }
0x85: {  	s11 =	sor.u32 $0x60, s0;
	s9 =	sor.u32 $0x70, s0;
	s10 =	sor.u32 $0x400, s0;
	v2 =	vld.idx.msk [tilespmem:v1+s16+$0x0 ss:$0x1], $0xffff;
	[tilespmem:v0+s21+$0x0 ss:$0x1] =	vst.idx.msk $0xffff, v5  }
0x86: {  	s7 =	sor.u32 $0x440, s30;
	s3 =	sor.u32 $0x450, s30;
	s12 =	sor.u32 $0x800, s0;
	v5 =	vld.idx.msk [tilespmem:v1+s6+$0x0 ss:$0x1], $0xffff;
	[tilespmem:v0+s20+$0x0 ss:$0x1] =	vst.idx.msk $0xffff, v7  }
0x87: {  	s4 =	sor.u32 $0x470, s30;
	s8 =	sor.u32 $0x810, s30;
	s1 =	sor.u32 $0x460, s30;
	v7 =	vld.idx.msk [tilespmem:v1+s14+$0x0 ss:$0x1], $0xffff;
	[tilespmem:v0+s18+$0x0 ss:$0x1] =	vst.idx.msk $0xffff, v6  }
0x88: {  	s5 =	sor.u32 $0x820, s30;
	s31 =	sor.u32 $0x840, s30;
	v6 =	vld.idx.msk [tilespmem:v1+s15+$0x0 ss:$0x1], $0xffff;
	[tilespmem:v0+s2+$0x0 ss:$0x1] =	vst.idx.msk $0xffff, v8;
	s2 =	sor.u32 $0x830, s30  }
0x89: {  	s29 =	sor.u32 $0x860, s30;
	s26 =	sor.u32 $0x870, s30;
	[tilespmem:v0+s0+$0x0 ss:$0x1] =	vst.idx.msk $0xffff, v4;
	v4 =	vld.idx.msk [tilespmem:v1+s13+$0x0 ss:$0x1], $0xffff;
	s0 =	sor.u32 $0x850, s30  }
0x8a: {  	s25 =	sor.u32 $0xC10, s30;
	s22 =	sor.u32 $0xC30, s30;
	v8 =	vld.idx.msk [tilespmem:v1+s11+$0x0 ss:$0x1], $0xffff;
	[tilespmem:v0+s24+$0x0 ss:$0x1] =	vst.idx.msk $0xffff, v3;
	s24 =	sor.u32 $0xC20, s30  }
0x8b: {  	s23 =	sor.u32 $0xC40, s30;
	s21 =	sor.u32 $0xC50, s30;
	s20 =	sor.u32 $0xC60, s30;
	[tilespmem:v0+s16+$0x0 ss:$0x1] =	vst.idx.msk $0xffff, v2;
	v2 =	vld.idx.msk [tilespmem:v1+s9+$0x0 ss:$0x1], $0xffff  }
0x8c: {  	s18 =	sor.u32 $0xC70, s30;
	[tilespmem:v0+s6+$0x0 ss:$0x1] =	vst.idx.msk $0xffff, v5;
	v3 =	vld.idx.msk [tilespmem:v1+s10+$0x0 ss:$0x1], $0xffff  }
0x8d: {  	[tilespmem:v0+s14+$0x0 ss:$0x1] =	vst.idx.msk $0xffff, v7;
	v5 =	vld.idx.msk [tilespmem:v1+s12+$0x0 ss:$0x1], $0xffff  }
0x8e: {  	[tilespmem:v0+s15+$0x0 ss:$0x1] =	vst.idx.msk $0xffff, v6;
	v6 =	vld.idx.msk [tilespmem:v1+s28+$0x0 ss:$0x1], $0xffff  }
0x8f: {  	[tilespmem:v0+s13+$0x0 ss:$0x1] =	vst.idx.msk $0xffff, v4;
	v4 =	vld.idx.msk [tilespmem:v1+s27+$0x0 ss:$0x1], $0xffff  }
0x90: {  	[tilespmem:v0+s11+$0x0 ss:$0x1] =	vst.idx.msk $0xffff, v8;
	v7 =	vld.idx.msk [tilespmem:v1+s7+$0x0 ss:$0x1], $0xffff  }
0x91: {  	[tilespmem:v0+s9+$0x0 ss:$0x1] =	vst.idx.msk $0xffff, v2;
	v2 =	vld.idx.msk [tilespmem:v1+s3+$0x0 ss:$0x1], $0xffff  }
0x92: {  	[tilespmem:v0+s10+$0x0 ss:$0x1] =	vst.idx.msk $0xffff, v3;
	v3 =	vld.idx.msk [tilespmem:v1+s1+$0x0 ss:$0x1], $0xffff  }
0x93: {  	v8 =	vld.idx.msk [tilespmem:v1+s4+$0x0 ss:$0x1], $0xffff;
	[tilespmem:v0+s12+$0x0 ss:$0x1] =	vst.idx.msk $0xffff, v5  }
0x94: {  	[tilespmem:v0+s28+$0x0 ss:$0x1] =	vst.idx.msk $0xffff, v6;
	v5 =	vld.idx.msk [tilespmem:v1+s8+$0x0 ss:$0x1], $0xffff  }
0x95: {  	[tilespmem:v0+s27+$0x0 ss:$0x1] =	vst.idx.msk $0xffff, v4;
	v4 =	vld.idx.msk [tilespmem:v1+s5+$0x0 ss:$0x1], $0xffff  }
0x96: {  	[tilespmem:v0+s7+$0x0 ss:$0x1] =	vst.idx.msk $0xffff, v7;
	v9 =	vld.idx.msk [tilespmem:v1+s2+$0x0 ss:$0x1], $0xffff  }
0x97: {  	[tilespmem:v0+s3+$0x0 ss:$0x1] =	vst.idx.msk $0xffff, v2;
	v2 =	vld.idx.msk [tilespmem:v1+s31+$0x0 ss:$0x1], $0xffff  }
0x98: {  	[tilespmem:v0+s1+$0x0 ss:$0x1] =	vst.idx.msk $0xffff, v3;
	v10 =	vld.idx.msk [tilespmem:v1+s0+$0x0 ss:$0x1], $0xffff  }
0x99: {  	[tilespmem:v0+s4+$0x0 ss:$0x1] =	vst.idx.msk $0xffff, v8;
	v8 =	vld.idx.msk [tilespmem:v1+s29+$0x0 ss:$0x1], $0xffff  }
0x9a: {  	[tilespmem:v0+s8+$0x0 ss:$0x1] =	vst.idx.msk $0xffff, v5;
	v7 =	vld.idx.msk [tilespmem:v1+s26+$0x0 ss:$0x1], $0xffff  }
.Ltmp3:
0x9b: {  	[tilespmem:v0+s5+$0x0 ss:$0x1] =	vst.idx.msk $0xffff, v4;
	v6 =	vld.idx.msk [tilespmem:v1+s25+$0x0 ss:$0x1], $0xffff;
	(pc) =	sbr.rel @p0 .LBB1_3-.Ltmp3, $4  }
0x9c: {  	[tilespmem:v0+s2+$0x0 ss:$0x1] =	vst.idx.msk $0xffff, v9;
	v4 =	vld.idx.msk [tilespmem:v1+s24+$0x0 ss:$0x1], $0xffff  }
0x9d: {  	[tilespmem:v0+s31+$0x0 ss:$0x1] =	vst.idx.msk $0xffff, v2;
	v3 =	vld.idx.msk [tilespmem:v1+s22+$0x0 ss:$0x1], $0xffff  }
0x9e: {  	s17 =	sadd.s32 $0x80, s17;
	[tilespmem:v0+s0+$0x0 ss:$0x1] =	vst.idx.msk $0xffff, v10;
	v2 =	vld.idx.msk [tilespmem:v1+s23+$0x0 ss:$0x1], $0xffff  }
0x9f: {  	s1 =	sand.u32 $0x380, s17;
	s0 =	sand.u32 $0x3000, s19;
	s19 =	sadd.s32 $0x200, s19;
	[tilespmem:v0+s29+$0x0 ss:$0x1] =	vst.idx.msk $0xffff, v8;
	v5 =	vld.idx.msk [tilespmem:v1+s21+$0x0 ss:$0x1], $0xffff  }
.Ltmp4:
0xa0: {  	_ = 	snop;
	(pc) =	sbr.rel .LBB1_4-.Ltmp4, $1  }
0xa1: {  	_ =	sdelay $0x3  }
.LBB1_6:
0xa2: {  	_ =	sfence.sel $0x180000  }
0xa3: {  	s0 =	simm.s32 $0x1;
	[bflag:$0x0] =	sbarrier.arrive $0xFFFF  }
0xa4: {  	s31 =	simm.s32 $0x2;
	[sflag:s0] =	ssyncpa.u1 $0x1  }
0xa5: {  	[sflag:s31] =	ssyncpa.u1 $0x1  }
0xa6: {  	_ =	strace $0x90000047  }
0xa7: {  	[bflag:$0x2] =	sbarrier.arrive $0xFFFF  }
0xa8: {  	p0 =	sne.s32 s7, $0x0;
	s0 =	rddreg [dreg:$0x2]  }
0xa9: {  	s0 =	sadd.s32 @!p0 $0x100000, s0  }
0xaa: {  	[sflag:s0] =	ssyncadd.tile.s32 @!p0 $0x1;
	_ =	shalt  }
.Lfunc_end1:
_tile_overlayer_lowered:
.L_overlay_start_2:
0xab: {  	(tag) =	ssettag $0x2  }
0xac: {  	s0 =	rddreg [dreg:$0x0];
	s2 =	stileid.u32  }
0xad: {  	s1 =	rddreg [dreg:$0x1];
	p0 =	sne.s32 s2, $0x0  }
0xae: {  	s3 =	rddreg [dreg:$0x2];
	[bflag:$0x3] =	sbarrier.arrive $0xFFFF;
	s2 =	simm.s32 @!p0 $0x1C01  }
0xaf: {  	[timem:s3], [sflag:s2] =	dma.local @!p0 [hbm:s0], s1  }
0xb0: {  	s0 =	simm.s32 @!p0 $0x1  }
0xb1: {  	_ =	swait.ge @!p0 [sflag:s0], s1  }
0xb2: {  	s1 =	ssub.s32 @!p0 $0x0, s1;
	[sflag:s0] =	ssyncset.done @!p0 $0x0  }
0xb3: {  	[sflag:s0] =	ssyncadd.s32 @!p0 s1  }
0xb4: {  	[bflag:$0x3] =	sbarrier.arrive $0xFFFF  }
0xb5: {  	_ =	shalt  }

// kernel: sparse-core-data-format-call.cloned.1.call-start
scs
called_computation_lowered:
.L_overlay_start_0:
0x0: {  	s1 =	sld [smem:$0x3FD9]  }
0x1: {  	s2 =	sld [smem:$0x3FFE];
	_ =	sdelay $0x1  }
0x2: {  	s3 =	srdreg.scid  }
0x3: {  	s0 =	sand.u32 $0x1, s3  }
0x4: {  	s17 =	sshll.u32 s0, $0xA;
	s1 =	sadd.s32 s2, s1  }
0x5: {  	s1 =	sadd.s32 s1, s17  }
0x6: {  	[smem:$0x3FBE] =	sst s1  }
0x7: {  	_ = 	snop  }
0x8: {  	(tm) =	ssettm $0x1  }
0x9: {  	s18 =	sld [smem:$0x3FFB];
	_ =	sdelay $0x3  }
0xa: {  	_ =	strace s18  }
0xb: {  	s1 =	sld [smem:$0x3FFC];
	_ =	sdelay $0x3  }
0xc: {  	_ =	strace s1  }
0xd: {  	s1 =	sld [smem:$0x3FFD];
	_ =	sdelay $0x3  }
0xe: {  	_ =	strace s1  }
0xf: {  	_ =	strace $0x8FFFFFFF  }
0x10: {  	s19 =	sld [smem:$0x3FDB];
	_ =	sdelay $0x1  }
0x11: {  	s20 =	simm.s32 $_scs_section_size  }
0x12: {  	s4 =	simm.s32 $_size__tile_overlayer_lowered;
	s5 =	simm.s32 $_tile_overlayer_lowered  }
0x13: {  	s23 =	simm.s32 $0x1BFF;
	s22 =	sshll.u32 s5, $0x1;
	s1 =	sadd.s32 s20, s19  }
0x14: {  	s6 =	simm.s32 $0x0;
	s21 =	sshll.u32 s4, $0x1;
	s4 =	sadd.s32 s22, s1  }
0x15: {  	[timem:s6], [sflag:s23] =	dma.local [hbm:s4], s21  }
0x16: {  	_ =	swait.ge [sflag:s23], s21  }
0x17: {  	s2 =	ssub.s32 $0x0, s21;
	[sflag:s23] =	ssyncset.done $0x0  }
0x18: {  	[sflag:s23] =	ssyncadd.s32 s2;
	_ =	sdelay $0x1  }
0x19: {  	s24 =	simm.s32 $0x1B8B  }
0x1a: {  	_ =	swait.ge [sflag:s24], $0x1  }
0x1b: {  	[sflag:s24] =	ssyncset.done $0x0  }
0x1c: {  	s26 =	simm.s32 $0x1B8E;
	s25 =	sld [smem:$0x3FFE];
	[sflag:s24] =	ssyncadd.s32 $0xFFFFFFFF  }
0x1d: {  	s27 =	simm.s32 $execute0_lowered;
	[smem:$0x3FD2] =	sst s26  }
0x1e: {  	s4 =	sshll.u32 s27, $0x1;
	_ =	strace $0x8000004C;
	[dreg:$0x1] =	wrdreg $0xFFFFFFFF  }
0x1f: {  	s28 =	simm.s32 $_size_execute0_lowered;
	s1 =	sadd.s32 s1, s4;
	[dreg:$0x0] =	wrdreg $0x0  }
0x20: {  	s4 =	sshll.u32 s28, $0x1;
	[dreg:$0x2] =	wrdreg s1  }
0x21: {  	[dreg:$0x3] =	wrdreg s4  }
0x22: {  	[dreg:$0x4] =	wrdreg $0xC0  }
0x23: {  	_ =	task [dreg:s6], $0x5FFFF  }
0x24: {  	[dreg:$0x1] =	wrdreg $0xFFFFFFFF  }
0x25: {  	[dreg:$0x0] =	wrdreg $0x60  }
0x26: {  	[dreg:$0x2] =	wrdreg s25  }
0x27: {  	[dreg:$0x3] =	wrdreg $0x9  }
0x28: {  	_ =	task.clear_ibuf [dreg:s6], $0x4FFFF;
	_ =	strace $0x9000004C  }
0x29: {  	s29 =	simm.s32 $0x9;
	_ =	strace $0x8000004E  }
0x2a: {  	_ =	swait.ge [sflag:s29], $0x1  }
0x2b: {  	[sflag:s29] =	ssyncadd.s32 $0xFFFFFFFF  }
0x2c: {  	_ =	strace $0x9000004E  }
0x2d: {  	_ =	sfence  }
0x2e: {  	s30 =	sld [smem:$0x0];
	_ =	sdelay $0x2  }
0x2f: {  	s31 =	sshll.u32 s3, $0xD;
	s3 =	sshrl.u32 s3, $0x2  }
0x30: {  	s2 =	sand.u32 $0x4000, s31;
	s1 =	sadd.s32 s3, s30  }
0x31: {  	s0 =	sor.u32 s2, s0;
	s1 =	sshll.u32 s1, $0x11  }
0x32: {  	s0 =	sor.u32 s1, s0  }
0x33: {  	s0 =	sadd.s32 $0x8F2B, s0  }
0x34: {  	[sflag:s0] =	ssyncadd.remote.s32 $0x1  }
0x35: {  	_ =	sfence.sel $0xFFFF  }
0x36: {  	[dreg:$0x0] =	wrdreg $0xFFFFFFFF;
	(pc) =	sbr.abs _section_cstart, $3  }
0x37: {  	[dreg:$0x1] =	wrdreg $0xFFFFFFFF  }
0x38: {  	_ =	task.clear_ibuf [dreg:s6], $0x2FFFF;
	_ =	strace $0x9FFFFFFF  }
0x39: {  	(tm) =	ssettm $0x7FFFFFFF  }
tec
execute0_lowered:
.L_overlay_start_1:
0x0: {  	(tag) =	ssettag $0x1  }
0x1: {  	s0 =	srdreg.scid  }
0x2: {  	s6 =	rddreg [dreg:$0x0];
	s7 =	simm.s32 $0x1;
	s1 =	sshll.u32 s0, $0x4  }
0x3: {  	s8 =	simm.s32 $0x2;
	s0 =	stileid.u32;
	s1 =	sand.u32 $0x10, s1  }
0x4: {  	s13 =	simm.s32 $0x0;
	s12 =	simm.s32 $0x0;
	s1 =	sor.u32 s0, s1  }
0x5: {  	s10 =	simm.s32 $0x0;
	s3 =	sadd.s32 $0x183000, s6;
	s2 =	sshll.u32 s1, $0x8  }
0x6: {  	s11 =	simm.s32 $0x0;
	s6 =	sadd.s32 $0x40DA00, s6;
	s5 =	ssub.s32 $0x145500, s2  }
.Ltmp0:
0x7: {  	s1 =	rddreg [dreg:$0x1];
	s4 =	sand.u32 $0x1F00, s5;
	(pc) =	sbr.rel .LBB1_1-.Ltmp0, $4  }
0x8: {  	_ =	strace $0x8000004D;
	s9 =	smov.u32 s2;
	p0 =	sne.s32 s4, $0x0  }
0x9: {  	s5 =	sshrl.u32 s5, $0xD;
	s4 =	simm.s32 $0x1;
	s7 =	simm.s32 @!p0 $0x0  }
0xa: {  	[sflag:s4] =	ssyncpa.u1 $0x0;
	p0 =	por $0x0, $0x0;
	s5 =	sadd.s32 s7, s5  }
0xb: {  	[sflag:s8] =	ssyncpa.u1 $0x0;
	s8 =	simm.s32 $0x80;
	s7 =	sadd.s32 $0x1, s5  }
.LBB1_4:
0xc: {  	_ =	sdelay $0x3  }
0xd: {  	s21 =	sor.u32 s24, s23;
	v47 =	vld.idx.msk [tilespmem:v0+s16+$0x470 ss:$0x1], $0xffff  }
0xe: {  	v57 =	vld.idx.msk [tilespmem:v0+s21+$0x410 ss:$0x1], $0xffff  }
0xf: {  	v58 =	vld.idx.msk [tilespmem:v0+s21+$0x420 ss:$0x1], $0xffff  }
0x10: {  	[tilespmem:s18+$0x660 ss:$0x11] =	vst.msk $0xffff, v8;
	v59 =	vld.idx.msk [tilespmem:v0+s21+$0x430 ss:$0x1], $0xffff  }
0x11: {  	[tilespmem:s18+$0x770 ss:$0x11] =	vst.msk $0xffff, v7;
	v60 =	vld.idx.msk [tilespmem:v0+s21+$0x440 ss:$0x1], $0xffff  }
0x12: {  	[tilespmem:s18+$0x990 ss:$0x11] =	vst.msk $0xffff, v1;
	s22 =	sand.u32 $0xB00, s21;
	v61 =	vld.idx.msk [tilespmem:v0+s21+$0x450 ss:$0x1], $0xffff  }
0x13: {  	s20 =	sand.u32 $0x80, s20;
	[tilespmem:s18+$0xAA0 ss:$0x11] =	vst.msk $0xffff, v2;
	v62 =	vld.idx.msk [tilespmem:v0+s21+$0x460 ss:$0x1], $0xffff;
	s15 =	sadd.s32 s22, s15  }
0x14: {  	[tilespmem:s18+$0xBB0 ss:$0x11] =	vst.msk $0xffff, v3;
	v63 =	vld.idx.msk [tilespmem:v0+s21+$0x470 ss:$0x1], $0xffff;
	s15 =	sadd.s32 s20, s15  }
0x15: {  	[tilespmem:s18+$0xCC0 ss:$0x11] =	vst.msk $0xffff, v4;
	v48 =	vld [tilespmem:s15+$0x400]  }
0x16: {  	[tilespmem:s18+$0xDD0 ss:$0x11] =	vst.msk $0xffff, v5;
	v49 =	vld [tilespmem:s15+$0x0]  }
0x17: {  	s25 =	sshra.s32 s19, $0x2;
	[tilespmem:s18+$0xEE0 ss:$0x11] =	vst.msk $0xffff, v6;
	v50 =	vld [tilespmem:s15+$0x10]  }
0x18: {  	s16 =	sadd.s32 s25, s17;
	v51 =	vld [tilespmem:s15+$0x20];
	[tilespmem:s18+$0xFF0 ss:$0x11] =	vst.msk $0xffff, v47  }
0x19: {  	v52 =	vld [tilespmem:s15+$0x30];
	[tilespmem:s16+$0x990 ss:$0x11] =	vst.msk $0xffff, v57  }
0x1a: {  	v53 =	vld [tilespmem:s15+$0x40];
	[tilespmem:s16+$0xAA0 ss:$0x11] =	vst.msk $0xffff, v58  }
0x1b: {  	v54 =	vld [tilespmem:s15+$0x50];
	[tilespmem:s16+$0xBB0 ss:$0x11] =	vst.msk $0xffff, v59  }
0x1c: {  	s13 =	sshll.u32 s13, $0x7;
	s26 =	sshll.u32 s12, $0x3;
	v55 =	vld [tilespmem:s15+$0x60];
	[tilespmem:s16+$0xCC0 ss:$0x11] =	vst.msk $0xffff, v60  }
0x1d: {  	s27 =	sand.u32 $0xFFFFFC00, s13;
	v56 =	vld [tilespmem:s15+$0x70];
	s15 =	sand.u32 $0xFFFFFC00, s26;
	[tilespmem:s16+$0xDD0 ss:$0x11] =	vst.msk $0xffff, v61  }
0x1e: {  	s13 =	sand.u32 $0x380, s13;
	s15 =	sadd.s32 s15, s27;
	[tilespmem:s16+$0xEE0 ss:$0x11] =	vst.msk $0xffff, v62  }
0x1f: {  	s13 =	sor.u32 s13, s15;
	[tilespmem:s16+$0xFF0 ss:$0x11] =	vst.msk $0xffff, v63  }
0x20: {  	s13 =	sshrl.u32 s13, $0x7;
	[tilespmem:s16+$0x880 ss:$0x11] =	vst.msk $0xffff, v48  }
0x21: {  	s28 =	smulhi.u32 $0x192E93B, s13;
	[tilespmem:s16+$0x0 ss:$0x11] =	vst.msk $0xffff, v49  }
0x22: {  	[tilespmem:s16+$0x110 ss:$0x11] =	vst.msk $0xffff, v50  }
0x23: {  	[tilespmem:s16+$0x220 ss:$0x11] =	vst.msk $0xffff, v51;
	s15 =	sshrl.u32 s28, $0xD  }
0x24: {  	[tilespmem:s16+$0x330 ss:$0x11] =	vst.msk $0xffff, v52;
	s15 =	smul.u32 $0x145500, s15  }
0x25: {  	s29 =	sshrl.u32 s12, $0x3;
	[tilespmem:s16+$0x440 ss:$0x11] =	vst.msk $0xffff, v53  }
0x26: {  	s31 =	sand.u32 $0x7, s12;
	s30 =	sand.u32 $0xF, s29;
	[tilespmem:s16+$0x550 ss:$0x11] =	vst.msk $0xffff, v54;
	s13 =	ssub.s32 s13, s15  }
0x27: {  	s12 =	sshll.u32 s31, $0x12;
	[tilespmem:s16+$0x660 ss:$0x11] =	vst.msk $0xffff, v55;
	s15 =	sadd.s32 s6, s30;
	s13 =	sshll.u32 s13, $0x4  }
0x28: {  	s12 =	sor.u32 $0x10, s12;
	[tilespmem:s16+$0x770 ss:$0x11] =	vst.msk $0xffff, v56;
	s13 =	sadd.s32 s13, s15  }
0x29: {  	[hbm4b:s13+s12] =	stream.strided.scatter [tilespmem:s14], [sflag:$0x2], $0x1000, s8, s12, $0x8;
	[tilespmem:$0x4200] =	vst v63  }
.LBB1_5:
0x2a: {  	s14 =	sadd.s32 $0x2000, s9  }
0x2b: {  	s12 =	sadd.s32 $0x10, s10;
	s16 =	smov.u32 s10;
	p2 =	sgt.s32 s14, $0x1454FF  }
0x2c: {  	s16 =	smov.u32 @p2 s12  }
0x2d: {  	s14 =	smov.u32 @p2 s2;
	p2 =	sgt.s32 s16, $0xF  }
0x2e: {  	s16 =	simm.s32 @p2 $0x0;
	p2 =	sne.s32 s11, s7  }
.Ltmp1:
0x2f: {  	p1 =	slt.u32 s11, $0x2;
	(pc) =	sbr.rel @!p2 .LBB1_6-.Ltmp1, $4  }
0x30: {  	s15 =	simm.s32 @!p1 $0x2  }
0x31: {  	s13 =	smov.u32 s9;
	p0 =	por !p0, !p0;
	_ =	swait.ge @!p1 [sflag:s15], $0x1000  }
0x32: {  	s12 =	smov.u32 s10;
	[sflag:s15] =	ssyncset.done @!p1 $0x0;
	s9 =	smov.u32 s14  }
0x33: {  	s11 =	sadd.s32 $0x1, s11;
	[sflag:s15] =	ssyncadd.s32 @!p1 $0xFFFFF000;
	s10 =	smov.u32 s16  }
.LBB1_1:
0x34: {  	p1 =	sge.u32 s11, s5  }
0x35: {  	s14 =	sshrl.u32 @!p1 s10, $0x3  }
0x36: {  	s15 =	sshll.u32 @!p1 s9, $0x3;
	s14 =	smul.u32 @!p1 $0xA2A800, s14  }
0x37: {  	s16 =	sshll.u32 @!p1 s10, $0x7;
	s15 =	sand.u32 @!p1 $0xFFFFFC00, s15  }
0x38: {  	s14 =	sadd.s32 @!p1 s14, s15;
	s15 =	sand.u32 @!p1 $0x380, s16  }
0x39: {  	s16 =	sand.u32 @!p1 $0x7F, s9;
	s14 =	sor.u32 @!p1 s15, s14  }
0x3a: {  	s15 =	sor.u32 @!p1 s16, s14  }
0x3b: {  	s16 =	smulhi.u32 @!p1 $0xC9749D31, s15;
	_ =	sdelay $0x1  }
0x3c: {  	s14 =	smulhi.u32 @!p1 $0xC9749D31, s14;
	s16 =	sshrl.u32 @!p1 s16, $0x14  }
0x3d: {  	s16 =	smul.u32 @!p1 $0x145500, s16  }
0x3e: {  	s31 =	sadd.s32 $0xFFFFFFFF, s11;
	s17 =	sxor.u32 @!p1 $0xFFFFFFFF, s11;
	s14 =	sshrl.u32 @!p1 s14, $0x14  }
0x3f: {  	s17 =	sshll.u32 @!p1 s17, $0xC;
	s14 =	sand.u32 @!p1 $0xF, s14;
	s15 =	ssub.s32 @!p1 s15, s16  }
0x40: {  	s14 =	smul.u32 @!p1 $0x28AA0, s14;
	s16 =	sshrl.u32 @!p1 s15, $0x3;
	s15 =	sand.u32 @!p1 $0x7, s15  }
0x41: {  	s17 =	sand.u32 @!p1 $0x1000, s17;
	s16 =	sadd.s32 @!p1 s3, s16;
	s15 =	sshll.u32 @!p1 s15, $0x12  }
0x42: {  	s14 =	sadd.s32 @!p1 s14, s16;
	s15 =	sor.u32 @!p1 $0x800, s15;
	s16 =	simm.s32 @!p1 $0xA2A800  }
0x43: {  	[tilespmem:s17], [sflag:$0x1] =	stream.strided.gather @!p1 [hbm4b:s14+s15], $0x1000, s16, s15, $0x38;
	[tilespmem:$0x4200] =	vst v63  }
0x44: {  	p1 =	sge.u32 s31, s5  }
.Ltmp2:
0x45: {  	_ = 	snop;
	(pc) =	sbr.rel @p1 .LBB1_5-.Ltmp2, $1  }
0x46: {  	_ =	sdelay $0x3  }
0x47: {  	s17 =	simm.s32 $0x0  }
0x48: {  	s16 =	sand.u32 $0x800, s17;
	s18 =	sand.u32 $0x380, s17  }
0x49: {  	s14 =	sand.u32 $0x1, s11;
	s16 =	sor.u32 s18, s16  }
0x4a: {  	_ =	swait.ge [sflag:s4], $0x1000;
	s15 =	sshll.u32 s14, $0xC;
	s18 =	sand.u32 $0xB00, s16  }
0x4b: {  	[sflag:s4] =	ssyncset.done $0x0;
	s17 =	sand.u32 $0x80, s17;
	s18 =	sadd.s32 s18, s15  }
0x4c: {  	[sflag:s4] =	ssyncadd.s32 $0xFFFFF000;
	s20 =	sadd.s32 s17, s18  }
0x4d: {  	v4 =	vld [tilespmem:s20+$0x400]  }
0x4e: {  	s19 =	simm.s32 $0x1;
	v5 =	vld [tilespmem:s20+$0x0]  }
0x4f: {  	s19 =	simm.s32 @!p0 $0x0;
	v6 =	vld [tilespmem:s20+$0x10]  }
0x50: {  	v0 =	vmov s15;
	s31 =	smul.u32 $0x4400, s19;
	v7 =	vld [tilespmem:s20+$0x20]  }
0x51: {  	v9 =	vld [tilespmem:s20+$0x30]  }
0x52: {  	s17 =	sshrl.u32 s31, $0x2;
	v10 =	vld [tilespmem:s20+$0x40]  }
0x53: {  	s17 =	sor.u32 $0x2000, s17;
	v11 =	vld [tilespmem:s20+$0x50]  }
0x54: {  	v8 =	vld [tilespmem:s20+$0x60];
	s18 =	sadd.s32 $0x0, s17  }
0x55: {  	v1 =	vld.idx.msk [tilespmem:v0+s16+$0x410 ss:$0x1], $0xffff;
	[tilespmem:s18+$0x880 ss:$0x11] =	vst.msk $0xffff, v4  }
0x56: {  	v2 =	vld.idx.msk [tilespmem:v0+s16+$0x420 ss:$0x1], $0xffff;
	[tilespmem:s18+$0x0 ss:$0x11] =	vst.msk $0xffff, v5  }
0x57: {  	v3 =	vld.idx.msk [tilespmem:v0+s16+$0x430 ss:$0x1], $0xffff;
	[tilespmem:s18+$0x110 ss:$0x11] =	vst.msk $0xffff, v6  }
0x58: {  	s14 =	smul.u32 $0x4400, s14;
	[tilespmem:s18+$0x220 ss:$0x11] =	vst.msk $0xffff, v7;
	v7 =	vld [tilespmem:s20+$0x70]  }
0x59: {  	s21 =	simm.s32 $0x100;
	s22 =	simm.s32 $0x8;
	[tilespmem:s18+$0x330 ss:$0x11] =	vst.msk $0xffff, v9;
	v4 =	vld.idx.msk [tilespmem:v0+s16+$0x440 ss:$0x1], $0xffff  }
0x5a: {  	s23 =	sand.u32 $0x800, s21;
	s14 =	sshrl.u32 s14, $0x2;
	[tilespmem:s18+$0x440 ss:$0x11] =	vst.msk $0xffff, v10;
	v5 =	vld.idx.msk [tilespmem:v0+s16+$0x450 ss:$0x1], $0xffff;
	s20 =	simm.s32 $0x80  }
0x5b: {  	s19 =	simm.s32 $0x4;
	s14 =	sor.u32 $0x2000, s14;
	[tilespmem:s18+$0x550 ss:$0x11] =	vst.msk $0xffff, v11;
	v6 =	vld.idx.msk [tilespmem:v0+s16+$0x460 ss:$0x1], $0xffff;
	s24 =	sand.u32 $0x380, s20  }
.LBB1_3:
0x5c: {  	p1 =	sne.s32 s22, $0x3C;
	[tilespmem:s18+$0x660 ss:$0x11] =	vst.msk $0xffff, v8;
	v8 =	vld.idx.msk [tilespmem:v0+s16+$0x470 ss:$0x1], $0xffff;
	s16 =	sor.u32 s24, s23  }
0x5d: {  	s23 =	sand.u32 $0xB00, s16;
	v9 =	vld.idx.msk [tilespmem:v0+s16+$0x410 ss:$0x1], $0xffff;
	[tilespmem:s18+$0x770 ss:$0x11] =	vst.msk $0xffff, v7  }
0x5e: {  	s24 =	sand.u32 $0x80, s20;
	s23 =	sadd.s32 s23, s15;
	v7 =	vld.idx.msk [tilespmem:v0+s16+$0x420 ss:$0x1], $0xffff;
	[tilespmem:s18+$0x990 ss:$0x11] =	vst.msk $0xffff, v1  }
0x5f: {  	s23 =	sadd.s32 s24, s23;
	v10 =	vld.idx.msk [tilespmem:v0+s16+$0x430 ss:$0x1], $0xffff;
	[tilespmem:s18+$0xAA0 ss:$0x11] =	vst.msk $0xffff, v2  }
0x60: {  	v11 =	vld [tilespmem:s23+$0x400];
	[tilespmem:s18+$0xBB0 ss:$0x11] =	vst.msk $0xffff, v3  }
0x61: {  	v12 =	vld [tilespmem:s23+$0x0];
	[tilespmem:s18+$0xCC0 ss:$0x11] =	vst.msk $0xffff, v4  }
0x62: {  	v4 =	vld [tilespmem:s23+$0x10];
	[tilespmem:s18+$0xDD0 ss:$0x11] =	vst.msk $0xffff, v5  }
0x63: {  	s24 =	sshra.s32 s19, $0x2;
	s19 =	smov.u32 s22;
	v1 =	vmov v9;
	v5 =	vld [tilespmem:s23+$0x20];
	[tilespmem:s18+$0xEE0 ss:$0x11] =	vst.msk $0xffff, v6  }
0x64: {  	v2 =	vmov v7;
	v6 =	vld [tilespmem:s23+$0x30];
	[tilespmem:s18+$0xFF0 ss:$0x11] =	vst.msk $0xffff, v8;
	s18 =	sadd.s32 s24, s17  }
0x65: {  	v3 =	vmov v10;
	v9 =	vld [tilespmem:s23+$0x40];
	[tilespmem:s18+$0x880 ss:$0x11] =	vst.msk $0xffff, v11  }
0x66: {  	[tilespmem:s18+$0x0 ss:$0x11] =	vst.msk $0xffff, v12;
	v10 =	vld [tilespmem:s23+$0x50]  }
.Ltmp3:
0x67: {  	[tilespmem:s18+$0x110 ss:$0x11] =	vst.msk $0xffff, v4;
	v8 =	vld [tilespmem:s23+$0x60];
	(pc) =	sbr.rel @p1 .LBB1_3-.Ltmp3, $4  }
0x68: {  	[tilespmem:s18+$0x220 ss:$0x11] =	vst.msk $0xffff, v5;
	v7 =	vld [tilespmem:s23+$0x70]  }
0x69: {  	[tilespmem:s18+$0x330 ss:$0x11] =	vst.msk $0xffff, v6;
	v4 =	vld.idx.msk [tilespmem:v0+s16+$0x440 ss:$0x1], $0xffff  }
0x6a: {  	s20 =	sadd.s32 $0x80, s20;
	s21 =	sadd.s32 $0x100, s21;
	[tilespmem:s18+$0x440 ss:$0x11] =	vst.msk $0xffff, v9;
	v5 =	vld.idx.msk [tilespmem:v0+s16+$0x450 ss:$0x1], $0xffff  }
0x6b: {  	s22 =	sadd.s32 $0x4, s22;
	s24 =	sand.u32 $0x380, s20;
	s23 =	sand.u32 $0x800, s21;
	[tilespmem:s18+$0x550 ss:$0x11] =	vst.msk $0xffff, v10;
	v6 =	vld.idx.msk [tilespmem:v0+s16+$0x460 ss:$0x1], $0xffff  }
.Ltmp4:
0x6c: {  	_ = 	snop;
	(pc) =	sbr.rel .LBB1_4-.Ltmp4, $1  }
0x6d: {  	_ =	sdelay $0x3  }
.LBB1_6:
0x6e: {  	_ =	sfence.sel $0x180000  }
0x6f: {  	s2 =	simm.s32 $0x1;
	[bflag:$0x0] =	sbarrier.arrive $0xFFFF  }
0x70: {  	s31 =	simm.s32 $0x2;
	[sflag:s2] =	ssyncpa.u1 $0x1  }
0x71: {  	[sflag:s31] =	ssyncpa.u1 $0x1  }
0x72: {  	p0 =	sne.s32 s0, $0x0;
	_ =	strace $0x9000004D  }
0x73: {  	s0 =	sadd.s32 @!p0 $0x100000, s1;
	[bflag:$0x2] =	sbarrier.arrive $0xFFFF  }
0x74: {  	[sflag:s0] =	ssyncadd.tile.s32 @!p0 $0x1;
	_ =	shalt  }
.Lfunc_end1:
_tile_overlayer_lowered:
.L_overlay_start_2:
0x75: {  	(tag) =	ssettag $0x2  }
0x76: {  	s0 =	rddreg [dreg:$0x0];
	s2 =	stileid.u32  }
0x77: {  	s1 =	rddreg [dreg:$0x1];
	p0 =	sne.s32 s2, $0x0  }
0x78: {  	s3 =	rddreg [dreg:$0x2];
	[bflag:$0x3] =	sbarrier.arrive $0xFFFF;
	s2 =	simm.s32 @!p0 $0x1C01  }
0x79: {  	[timem:s3], [sflag:s2] =	dma.local @!p0 [hbm:s0], s1  }
0x7a: {  	s0 =	simm.s32 @!p0 $0x1  }
0x7b: {  	_ =	swait.ge @!p0 [sflag:s0], s1  }
0x7c: {  	s1 =	ssub.s32 @!p0 $0x0, s1;
	[sflag:s0] =	ssyncset.done @!p0 $0x0  }
0x7d: {  	[sflag:s0] =	ssyncadd.s32 @!p0 s1  }
0x7e: {  	[bflag:$0x3] =	sbarrier.arrive $0xFFFF  }
0x7f: {  	_ =	shalt  }

</sc_bundles>
